<compile_context>
chip_gen: v7x
topology: tpu7x:2x2x1
jax: 0.10.2.dev20260603
libtpu: 0.0.44.dev20260713+nightly
codegen_flags: <defaults>
</compile_context>

<pallas_src>
import functools

import jax
import jax.numpy as jnp
from jax import lax
from jax.experimental import pallas as pl
from jax.experimental.pallas import tpu as pltpu
from jax.experimental.pallas import tpu_sc as plsc

N = 50000
IN_DIM = 1433
NC, NS, L = 2, 16, 16
NT = NC * NS
RB = 512
N_PAD = 50176
E = N + 800000
E_PAD = 851968
EQ = E_PAD // 4
EH = E_PAD // 2
CH = 2048
CHM = 4096
_CP = pltpu.CompilerParams(needs_layout_passes=False)
_MESH = plsc.VectorSubcoreMesh(core_axis_name="c", subcore_axis_name="s",
                               num_cores=NC, num_subcores=NS)



def _tc1_body(x_ref, w1_ref, s1_ref, d1_ref, ht_ref, ast_ref, adt_ref):
    h = jnp.dot(x_ref[...], w1_ref[...], preferred_element_type=jnp.float32)
    asrc = jnp.dot(h, s1_ref[...], preferred_element_type=jnp.float32)
    adst = jnp.dot(h, d1_ref[...], preferred_element_type=jnp.float32)
    ht_ref[...] = jnp.transpose(h)
    ast_ref[...] = jnp.transpose(asrc)
    adt_ref[...] = jnp.transpose(adst)


_tc1 = pl.pallas_call(
    _tc1_body,
    grid=(N_PAD // RB,),
    in_specs=[
        pl.BlockSpec((RB, IN_DIM), lambda i: (i, 0)),
        pl.BlockSpec((IN_DIM, 64), lambda i: (0, 0)),
        pl.BlockSpec((64, 8), lambda i: (0, 0)),
        pl.BlockSpec((64, 8), lambda i: (0, 0)),
    ],
    out_specs=[
        pl.BlockSpec((64, RB), lambda i: (0, i)),
        pl.BlockSpec((8, RB), lambda i: (0, i)),
        pl.BlockSpec((8, RB), lambda i: (0, i)),
    ],
    out_shape=[
        jax.ShapeDtypeStruct((64, N_PAD), jnp.float32),
        jax.ShapeDtypeStruct((8, N_PAD), jnp.float32),
        jax.ShapeDtypeStruct((8, N_PAD), jnp.float32),
    ],
)


def _tc2_body(acc_ref, sp_ref, b1_ref, rep_ref, w2_ref, s2_ref, d2_ref,
              h2t_ref, a2t_ref):
    a = acc_ref[...]
    num = jnp.transpose(a[0] + a[1])
    sp = sp_ref[...]
    sden = jnp.transpose(sp[0] + sp[1] + sp[2] + sp[3])
    srep = jnp.dot(sden, rep_ref[...], preferred_element_type=jnp.float32)
    out1 = num / (srep + 1e-16) + b1_ref[...]
    hh = jnp.where(out1 > 0, out1, jnp.exp(out1) - 1.0)
    h2 = jnp.dot(hh, w2_ref[...], preferred_element_type=jnp.float32)
    asrc2 = jnp.dot(h2, s2_ref[...], preferred_element_type=jnp.float32)
    adst2 = jnp.dot(h2, d2_ref[...], preferred_element_type=jnp.float32)
    h2t_ref[...] = jnp.transpose(h2)
    a2t_ref[...] = jnp.transpose(jnp.concatenate([asrc2, adst2], axis=1))


_tc2 = pl.pallas_call(
    _tc2_body,
    grid=(N_PAD // RB,),
    in_specs=[
        pl.BlockSpec((2, 64, RB), lambda i: (0, 0, i)),
        pl.BlockSpec((4, 8, RB), lambda i: (0, 0, i)),
        pl.BlockSpec((1, 64), lambda i: (0, 0)),
        pl.BlockSpec((8, 64), lambda i: (0, 0)),
        pl.BlockSpec((64, 7), lambda i: (0, 0)),
        pl.BlockSpec((7, 1), lambda i: (0, 0)),
        pl.BlockSpec((7, 1), lambda i: (0, 0)),
    ],
    out_specs=[
        pl.BlockSpec((7, RB), lambda i: (0, i)),
        pl.BlockSpec((2, RB), lambda i: (0, i)),
    ],
    out_shape=[
        jax.ShapeDtypeStruct((7, N_PAD), jnp.float32),
        jax.ShapeDtypeStruct((2, N_PAD), jnp.float32),
    ],
)


def _tc3_body(acc_ref, b2_ref, out_ref):
    a = acc_ref[...]
    t = a[0] + a[1] + a[2] + a[3]
    o = jnp.transpose(t[:7] / (t[7:8] + 1e-16)) + b2_ref[...]
    m = jnp.max(o, axis=1, keepdims=True)
    z = o - m
    lse = jnp.log(jnp.sum(jnp.exp(z), axis=1, keepdims=True))
    out_ref[...] = z - lse


_tc3 = pl.pallas_call(
    _tc3_body,
    grid=(N_PAD // RB,),
    in_specs=[
        pl.BlockSpec((4, 8, RB), lambda i: (0, 0, i)),
        pl.BlockSpec((1, 7), lambda i: (0, 0)),
    ],
    out_specs=[pl.BlockSpec((RB, 7), lambda i: (i, 0))],
    out_shape=[jax.ShapeDtypeStruct((N, 7), jnp.float32)],
)



def _zero_1d(ref, nwords):
    z16 = jnp.zeros((L,), jnp.float32)

    def zb(r, _):
        ref[pl.ds(r * L, L)] = z16
        return 0

    lax.fori_loop(0, nwords // L, zb, 0)


@functools.partial(
    pl.kernel,
    out_type=jax.ShapeDtypeStruct((8, E_PAD), jnp.float32),
    mesh=_MESH,
    compiler_params=_CP,
    scratch_types=[
        pltpu.VMEM((N_PAD,), jnp.float32),
        pltpu.VMEM((N_PAD,), jnp.float32),
        pltpu.VMEM((CH,), jnp.int32),
        pltpu.VMEM((CH,), jnp.int32),
        pltpu.VMEM((CH,), jnp.float32),
    ],
)
def _scw1(src_hbm, dst_hbm, ast_hbm, adt_hbm, wt_hbm,
          av, dv, src_v, dst_v, wv):
    wid = lax.axis_index("s") * NC + lax.axis_index("c")
    task_h = wid // 4
    task_q = wid - task_h * 4
    pltpu.sync_copy(ast_hbm.at[task_h], av)
    pltpu.sync_copy(adt_hbm.at[task_h], dv)
    ebase = task_q * EQ

    def chunk(k, _):
        e0 = ebase + k * CH
        pltpu.sync_copy(src_hbm.at[pl.ds(e0, CH)], src_v)
        pltpu.sync_copy(dst_hbm.at[pl.ds(e0, CH)], dst_v)

        def grp(g, _):
            s16 = src_v[pl.ds(g * L, L)]
            d16 = dst_v[pl.ds(g * L, L)]
            xv = plsc.load_gather(av, [s16]) + plsc.load_gather(dv, [d16])
            wv[pl.ds(g * L, L)] = jnp.exp(jnp.maximum(xv, 0.2 * xv))
            return 0

        lax.fori_loop(0, CH // L, grp, 0)
        pltpu.sync_copy(wv, wt_hbm.at[task_h, pl.ds(e0, CH)])
        return 0

    lax.fori_loop(0, EQ // CH, chunk, 0)


@functools.partial(
    pl.kernel,
    out_type=jax.ShapeDtypeStruct((4, 8, N_PAD), jnp.float32),
    mesh=_MESH,
    compiler_params=_CP,
    scratch_types=[
        pltpu.VMEM((N_PAD,), jnp.float32),
        pltpu.VMEM((CH,), jnp.int32),
        pltpu.VMEM((CH,), jnp.float32),
    ],
)
def _scs1(dst_hbm, wt_hbm, out_hbm, accv, dst_v, wv):
    wid = lax.axis_index("s") * NC + lax.axis_index("c")
    task_h = wid // 4
    task_q = wid - task_h * 4
    _zero_1d(accv, N_PAD)
    ebase = task_q * EQ

    def chunk(k, _):
        e0 = ebase + k * CH
        pltpu.sync_copy(dst_hbm.at[pl.ds(e0, CH)], dst_v)
        pltpu.sync_copy(wt_hbm.at[task_h, pl.ds(e0, CH)], wv)

        def grp(g, _):
            d16 = dst_v[pl.ds(g * L, L)]
            w = wv[pl.ds(g * L, L)]
            plsc.addupdate_scatter(accv, [d16], w)
            return 0

        lax.fori_loop(0, CH // L, grp, 0)
        return 0

    lax.fori_loop(0, EQ // CH, chunk, 0)
    pltpu.sync_copy(accv, out_hbm.at[task_q, task_h])


@functools.partial(
    pl.kernel,
    out_type=jax.ShapeDtypeStruct((2, 64, N_PAD), jnp.float32),
    mesh=_MESH,
    compiler_params=_CP,
    scratch_types=[
        pltpu.VMEM((N_PAD,), jnp.float32),
        pltpu.VMEM((N_PAD,), jnp.float32),
        pltpu.VMEM((2, CHM), jnp.int32),
        pltpu.VMEM((2, CHM), jnp.int32),
        pltpu.VMEM((2, CHM), jnp.float32),
        pltpu.SemaphoreType.DMA,
        pltpu.SemaphoreType.DMA,
    ],
)
def _scm1(src_hbm, dst_hbm, ht_hbm, wt_hbm, out_hbm,
          tabv, accv, src_v, dst_v, wv, sem0, sem1):
    wid = lax.axis_index("s") * NC + lax.axis_index("c")
    sems = (sem0, sem1)
    nch = EH // CHM

    for t in range(4):
        tid = wid * 4 + t
        ch = tid // 2
        half = tid - ch * 2
        head = ch // 8
        _zero_1d(accv, N_PAD)
        pltpu.sync_copy(ht_hbm.at[ch], tabv)
        ebase = half * EH

        def issue(e0, b):
            pltpu.async_copy(src_hbm.at[pl.ds(e0, CHM)], src_v.at[b], sems[b])
            pltpu.async_copy(dst_hbm.at[pl.ds(e0, CHM)], dst_v.at[b], sems[b])
            pltpu.async_copy(wt_hbm.at[head, pl.ds(e0, CHM)], wv.at[b],
                             sems[b])

        def drain(b):
            pltpu.make_async_copy(src_hbm.at[pl.ds(0, CHM)], src_v.at[b],
                                  sems[b]).wait()
            pltpu.make_async_copy(dst_hbm.at[pl.ds(0, CHM)], dst_v.at[b],
                                  sems[b]).wait()
            pltpu.make_async_copy(wt_hbm.at[head, pl.ds(0, CHM)], wv.at[b],
                                  sems[b]).wait()

        def compute(b):
            def grp(g, _):
                s16 = src_v[b, pl.ds(g * L, L)]
                d16 = dst_v[b, pl.ds(g * L, L)]
                w = wv[b, pl.ds(g * L, L)]
                v = plsc.load_gather(tabv, [s16])
                plsc.addupdate_scatter(accv, [d16], v * w)
                return 0

            lax.fori_loop(0, CHM // L, grp, 0)

        issue(ebase, 0)

        def pair(kk, _):
            issue(ebase + (2 * kk + 1) * CHM, 1)
            drain(0)
            compute(0)
            nxt = jnp.where(2 * kk + 2 < nch, (2 * kk + 2) * CHM, 0)
            issue(ebase + nxt, 0)
            drain(1)
            compute(1)
            return 0

        lax.fori_loop(0, nch // 2, pair, 0)
        drain(0)
        pltpu.sync_copy(accv, out_hbm.at[half, ch])


@functools.partial(
    pl.kernel,
    out_type=jax.ShapeDtypeStruct((4, 8, N_PAD), jnp.float32),
    mesh=_MESH,
    compiler_params=_CP,
    scratch_types=[
        pltpu.VMEM((N_PAD,), jnp.float32),
        pltpu.VMEM((N_PAD,), jnp.float32),
        pltpu.VMEM((CH,), jnp.int32),
        pltpu.VMEM((CH,), jnp.int32),
        pltpu.VMEM((CH,), jnp.float32),
    ],
)
def _scm2(src_hbm, dst_hbm, h2t_hbm, w2_hbm, out_hbm,
          tabv, accv, src_v, dst_v, wv):
    wid = lax.axis_index("s") * NC + lax.axis_index("c")
    task_c = wid // 4
    task_q = wid - task_c * 4
    _zero_1d(accv, N_PAD)

    @pl.when(task_c < 7)
    def _():
        pltpu.sync_copy(h2t_hbm.at[task_c], tabv)

    ebase = task_q * EQ

    def chunk(k, _):
        e0 = ebase + k * CH
        pltpu.sync_copy(src_hbm.at[pl.ds(e0, CH)], src_v)
        pltpu.sync_copy(dst_hbm.at[pl.ds(e0, CH)], dst_v)
        pltpu.sync_copy(w2_hbm.at[pl.ds(e0, CH)], wv)

        @pl.when(task_c < 7)
        def _():
            def grp(g, _):
                s16 = src_v[pl.ds(g * L, L)]
                d16 = dst_v[pl.ds(g * L, L)]
                w = wv[pl.ds(g * L, L)]
                v = plsc.load_gather(tabv, [s16])
                plsc.addupdate_scatter(accv, [d16], v * w)
                return 0

            lax.fori_loop(0, CH // L, grp, 0)

        @pl.when(task_c == 7)
        def _():
            def grp(g, _):
                d16 = dst_v[pl.ds(g * L, L)]
                w = wv[pl.ds(g * L, L)]
                plsc.addupdate_scatter(accv, [d16], w)
                return 0

            lax.fori_loop(0, CH // L, grp, 0)

        return 0

    lax.fori_loop(0, EQ // CH, chunk, 0)
    pltpu.sync_copy(accv, out_hbm.at[task_q, task_c])


@functools.partial(
    pl.kernel,
    out_type=jax.ShapeDtypeStruct((E_PAD,), jnp.float32),
    mesh=_MESH,
    compiler_params=_CP,
    scratch_types=[
        pltpu.VMEM((N_PAD,), jnp.float32),
        pltpu.VMEM((N_PAD,), jnp.float32),
        pltpu.VMEM((CH,), jnp.int32),
        pltpu.VMEM((CH,), jnp.int32),
        pltpu.VMEM((CH,), jnp.float32),
    ],
)
def _scw2(src_hbm, dst_hbm, a2t_hbm, w2_hbm, av, dv, src_v, dst_v, wv):
    wid = lax.axis_index("s") * NC + lax.axis_index("c")
    pltpu.sync_copy(a2t_hbm.at[0], av)
    pltpu.sync_copy(a2t_hbm.at[1], dv)
    ebase = wid * (E_PAD // NT)

    def chunk(k, _):
        e0 = ebase + k * CH
        pltpu.sync_copy(src_hbm.at[pl.ds(e0, CH)], src_v)
        pltpu.sync_copy(dst_hbm.at[pl.ds(e0, CH)], dst_v)

        def grp(g, _):
            s16 = src_v[pl.ds(g * L, L)]
            d16 = dst_v[pl.ds(g * L, L)]
            xv = plsc.load_gather(av, [s16]) + plsc.load_gather(dv, [d16])
            wv[pl.ds(g * L, L)] = jnp.exp(jnp.maximum(xv, 0.2 * xv))
            return 0

        lax.fori_loop(0, CH // L, grp, 0)
        pltpu.sync_copy(wv, w2_hbm.at[pl.ds(e0, CH)])
        return 0

    lax.fori_loop(0, E_PAD // NT // CH, chunk, 0)



def kernel(x, edge_index, W1, att_src1, att_dst1, b1,
           W2, att_src2, att_dst2, b2):
    ei = edge_index.astype(jnp.int32)
    loops = jnp.arange(N, dtype=jnp.int32)
    npad = E_PAD - E
    src = jnp.concatenate([ei[0], loops, jnp.zeros((npad,), jnp.int32)])
    dst = jnp.concatenate([ei[1], loops, jnp.full((npad,), N, jnp.int32)])

    eye8 = jnp.eye(8, dtype=jnp.float32)
    S1 = (att_src1[:, :, None] * eye8[:, None, :]).reshape(64, 8)
    D1 = (att_dst1[:, :, None] * eye8[:, None, :]).reshape(64, 8)
    REP = jnp.kron(eye8, jnp.ones((1, 8), jnp.float32))

    hT, asrcT, adstT = _tc1(x, W1, S1, D1)
    wT = _scw1(src, dst, asrcT, adstT)
    acc1 = _scm1(src, dst, hT, wT)
    sp1 = _scs1(dst, wT)
    h2T, a2T = _tc2(acc1, sp1, b1.reshape(1, 64), REP,
                    W2, att_src2.reshape(7, 1), att_dst2.reshape(7, 1))
    w2 = _scw2(src, dst, a2T)
    acc2 = _scm2(src, dst, h2T, w2)
    return _tc3(acc2, b2.reshape(1, 7))[0]

# --- scband reference (transcript-rebuilt; emitter-appended) ---
"""Pipeline reference for scband-net-36017595744901 (READ-ONLY COPY).

The authoritative reference and input builder live on the scoring server;
editing this copy changes nothing except your own understanding.
"""

import jax, jax.numpy as jnp
import numpy as np

N_NODES = 50000
IN_DIM = 1433
H1, C1 = 8, 8
H2, C2 = 1, 7


def _add_self_loops(edge_index, num_nodes):
    loops = jnp.arange(num_nodes, dtype=edge_index.dtype)
    loop_ei = jnp.stack([loops, loops], axis=0)
    return jnp.concatenate([edge_index, loop_ei], axis=1)


def _gat_layer(x, edge_index, W, att_src, att_dst, bias, heads, out_ch, concat):
    # Faithful eval-mode PyG GATConv: lin -> per-head attention logits ->
    # leaky_relu -> softmax over incoming edges per dst node -> weighted segment_sum.
    N = x.shape[0]
    h = (x @ W).reshape(N, heads, out_ch)
    src = edge_index[0]
    dst = edge_index[1]
    a_src = (h * att_src).sum(-1)  # [N, H]
    a_dst = (h * att_dst).sum(-1)  # [N, H]
    e = jax.nn.leaky_relu(a_src[src] + a_dst[dst], negative_slope=0.2)  # [E, H]
    m = jax.ops.segment_max(e, dst, num_segments=N)
    ex = jnp.exp(e - m[dst])
    s = jax.ops.segment_sum(ex, dst, num_segments=N)
    alpha = ex / (s[dst] + 1e-16)
    msg = h[src] * alpha[..., None]  # [E, H, C]
    out = jax.ops.segment_sum(msg, dst, num_segments=N)  # [N, H, C]
    if concat:
        out = out.reshape(N, heads * out_ch)
    else:
        out = out.mean(axis=1)
    return out + bias


def setup_inputs(seed: int = 0) -> dict:
    key = jax.random.key(seed)
    ks = jax.random.split(key, 10)
    x = jax.random.normal(ks[0], (N_NODES, IN_DIM), dtype=jnp.float32)
    edge_index = jax.random.randint(ks[1], (2, 800000), 0, N_NODES, dtype=jnp.int64)
    W1 = jax.random.normal(ks[2], (IN_DIM, H1 * C1), dtype=jnp.float32) * 0.05
    att_src1 = jax.random.normal(ks[3], (H1, C1), dtype=jnp.float32) * 0.1
    att_dst1 = jax.random.normal(ks[4], (H1, C1), dtype=jnp.float32) * 0.1
    b1 = jnp.zeros((H1 * C1,), dtype=jnp.float32)
    W2 = jax.random.normal(ks[5], (H1 * C1, H2 * C2), dtype=jnp.float32) * 0.1
    att_src2 = jax.random.normal(ks[6], (H2, C2), dtype=jnp.float32) * 0.1
    att_dst2 = jax.random.normal(ks[7], (H2, C2), dtype=jnp.float32) * 0.1
    b2 = jnp.zeros((C2,), dtype=jnp.float32)
    return {"x": x, "edge_index": edge_index, "W1": W1, "att_src1": att_src1,
            "att_dst1": att_dst1, "b1": b1, "W2": W2, "att_src2": att_src2,
            "att_dst2": att_dst2, "b2": b2}


def reference(x, edge_index, W1, att_src1, att_dst1, b1, W2, att_src2, att_dst2, b2):
    # eval mode: F.dropout is identity
    ei = _add_self_loops(edge_index, x.shape[0])
    h = _gat_layer(x, ei, W1, att_src1, att_dst1, b1, H1, C1, True)
    h = jax.nn.elu(h)
    out = _gat_layer(h, ei, W2, att_src2, att_dst2, b2, H2, C2, False)
    return jax.nn.log_softmax(out, axis=1)

if __name__ == "__main__":
    import jax
    _d = setup_inputs()
    print(jax.jit(kernel)(*tuple(_d.values())))

</pallas_src>

<mosaic_0001>
#map = affine_map<(d0, d1) -> (0)>
#map1 = affine_map<(d0, d1) -> (0, 0)>
#map2 = affine_map<(d0, d1) -> (0, 0, 0)>
module attributes {stable_mosaic.version = 14 : i64} {
  func.func @_scs1(%arg0: i32, %arg1: i32, %arg2: memref<851968xi32, #tpu.memory_space<hbm>>, %arg3: memref<8x851968xf32, #tpu.memory_space<hbm>>, %arg4: memref<4x8x50176xf32, #tpu.memory_space<hbm>>, %arg5: memref<50176xf32, #tpu.memory_space<vmem>>, %arg6: memref<2048xi32, #tpu.memory_space<vmem>>, %arg7: memref<2048xf32, #tpu.memory_space<vmem>>) attributes {dimension_semantics = [#tpu.dimension_semantics<core_parallel>, #tpu.dimension_semantics<subcore_parallel>], iteration_bounds = array<i64: 2, 16>, scalar_prefetch = 0 : i64, scratch_operands = 3 : i64, tpu.core_type = #tpu.core_type<sc_vector_subcore>, window_params = [{transform_indices = #map}, {transform_indices = #map1}, {transform_indices = #map2}]} {
    %mul3A = arith.constant 2 : i32
    %mul3A_0 = arith.muli %arg1, %mul3A : i32
    %add3A = arith.addi %mul3A_0, %arg0 : i32
    %jit3A = arith.constant 4 : i32
    %div3A = arith.divsi %add3A, %jit3A : i32
    %sign3A = arith.constant 0 : i32
    %sign3A_1 = arith.cmpi sgt, %add3A, %sign3A : i32
    %sign3A_2 = arith.extui %sign3A_1 : i1 to i32
    %sign3A_3 = arith.constant 0 : i32
    %sign3A_4 = arith.cmpi slt, %add3A, %sign3A_3 : i32
    %sign3A_5 = arith.extui %sign3A_4 : i1 to i32
    %sign3A_6 = arith.subi %sign3A_2, %sign3A_5 : i32
    %sign3A_7 = arith.constant 0 : i32
    %sign3A_8 = arith.cmpi sgt, %jit3A, %sign3A_7 : i32
    %sign3A_9 = arith.extui %sign3A_8 : i1 to i32
    %sign3A_10 = arith.constant 0 : i32
    %sign3A_11 = arith.cmpi slt, %jit3A, %sign3A_10 : i32
    %sign3A_12 = arith.extui %sign3A_11 : i1 to i32
    %sign3A_13 = arith.subi %sign3A_9, %sign3A_12 : i32
    %ne3A = arith.cmpi ne, %sign3A_6, %sign3A_13 : i32
    %rem3A = arith.remsi %add3A, %jit3A : i32
    %ne3A_14 = arith.constant 0 : i32
    %ne3A_15 = arith.cmpi ne, %rem3A, %ne3A_14 : i32
    %and3A = arith.andi %ne3A, %ne3A_15 : i1
    %sub3A = arith.constant 1 : i32
    %sub3A_16 = arith.subi %div3A, %sub3A : i32
    %select_n3A = arith.select %and3A, %sub3A_16, %div3A : i32
    %mul3A_17 = arith.constant 4 : i32
    %mul3A_18 = arith.muli %select_n3A, %mul3A_17 : i32
    %sub3A_19 = arith.subi %add3A, %mul3A_18 : i32
    %broadcast_in_dim3A = arith.constant 0.000000e+00 : f32
    %broadcast_in_dim3A_20 = vector.broadcast %broadcast_in_dim3A : f32 to vector<16xf32>
    %scan3A = arith.constant 0 : i32
    %scan3A_21 = arith.constant 0 : i32
    %scan3A_22 = arith.constant 3136 : i32
    %scan3A_23 = arith.addi %scan3A_21, %scan3A_22 : i32
    %scan3A_24 = arith.constant 1 : i32
    %scan3A_25 = scf.for %scan3A_36 = %scan3A_21 to %scan3A_23 step %scan3A_24 iter_args(%scan3A_37 = %scan3A) -> (i32)  : i32 {
      %mul3A_38 = arith.constant 16 : i32
      %mul3A_39 = arith.muli %scan3A_36, %mul3A_38 : i32
      %swap3A = arith.index_cast %mul3A_39 : i32 to index
      %swap3A_40 = tpu.vector_load %arg5[%swap3A] {strides = array<i32>} : memref<50176xf32, #tpu.memory_space<vmem>>, vector<16xf32>,
      tpu.vector_store %arg5[%swap3A], %broadcast_in_dim3A_20 {strides = array<i32>} : memref<50176xf32, #tpu.memory_space<vmem>>, vector<16xf32>,
      %scan3A_41 = arith.constant 0 : i32
      scf.yield %scan3A_41 : i32
    }
    %scan3A_26 = arith.constant 3136 : i32
    %mul3A_27 = arith.constant 212992 : i32
    %mul3A_28 = arith.muli %sub3A_19, %mul3A_27 : i32
    %scan3A_29 = arith.constant 0 : i32
    %scan3A_30 = arith.constant 0 : i32
    %scan3A_31 = arith.constant 104 : i32
    %scan3A_32 = arith.addi %scan3A_30, %scan3A_31 : i32
    %scan3A_33 = arith.constant 1 : i32
    %scan3A_34 = scf.for %scan3A_36 = %scan3A_30 to %scan3A_32 step %scan3A_33 iter_args(%scan3A_37 = %scan3A_29) -> (i32)  : i32 {
      %mul3A_38 = arith.constant 2048 : i32
      %mul3A_39 = arith.muli %scan3A_36, %mul3A_38 : i32
      %add3A_40 = arith.addi %mul3A_28, %mul3A_39 : i32
      "tpu.region"() ({
        %run_scoped3A = tpu.sem_alloc : memref<!tpu.dma_semaphore, #tpu.memory_space<semaphore_mem>>
        %dma_start3A = tpu.memref_slice %arg2[%add3A_40] : memref<851968xi32, #tpu.memory_space<hbm>> -> memref<2048xi32, #tpu.memory_space<hbm>>
        %dma_start3A_49 = tpu.memref_slice %arg2[%add3A_40] : memref<851968xi32, #tpu.memory_space<hbm>> -> memref<2048xi32, #tpu.memory_space<hbm>>
        tpu.enqueue_dma source(%dma_start3A_49 : memref<2048xi32, #tpu.memory_space<hbm>>) target(%arg6 : memref<2048xi32, #tpu.memory_space<vmem>>) target_semaphore(%run_scoped3A : memref<!tpu.dma_semaphore, #tpu.memory_space<semaphore_mem>>)
        %dma_wait3A = tpu.memref_slice %arg2[%add3A_40] : memref<851968xi32, #tpu.memory_space<hbm>> -> memref<2048xi32, #tpu.memory_space<hbm>>
        %dma_wait3A_50 = tpu.memref_slice %arg2[%add3A_40] : memref<851968xi32, #tpu.memory_space<hbm>> -> memref<2048xi32, #tpu.memory_space<hbm>>
        tpu.wait_dma2 semaphore(%run_scoped3A : memref<!tpu.dma_semaphore, #tpu.memory_space<semaphore_mem>>) src(%dma_wait3A_50 : memref<2048xi32, #tpu.memory_space<hbm>>) dst(%arg6 : memref<2048xi32, #tpu.memory_space<vmem>>)
        tpu.yield
      }) : () -> ()
      "tpu.region"() ({
        %run_scoped3A = tpu.sem_alloc : memref<!tpu.dma_semaphore, #tpu.memory_space<semaphore_mem>>
        %dma_start3A = tpu.memref_slice %arg3[%select_n3A, %add3A_40] : memref<8x851968xf32, #tpu.memory_space<hbm>> -> memref<1x2048xf32, #tpu.memory_space<hbm>>
        %dma_start3A_49 = tpu.memref_squeeze %dma_start3A : memref<1x2048xf32, #tpu.memory_space<hbm>> -> memref<2048xf32, #tpu.memory_space<hbm>>
        %dma_start3A_50 = tpu.memref_slice %arg3[%select_n3A, %add3A_40] : memref<8x851968xf32, #tpu.memory_space<hbm>> -> memref<1x2048xf32, #tpu.memory_space<hbm>>
        %dma_start3A_51 = tpu.memref_squeeze %dma_start3A_50 : memref<1x2048xf32, #tpu.memory_space<hbm>> -> memref<2048xf32, #tpu.memory_space<hbm>>
        tpu.enqueue_dma source(%dma_start3A_51 : memref<2048xf32, #tpu.memory_space<hbm>>) target(%arg7 : memref<2048xf32, #tpu.memory_space<vmem>>) target_semaphore(%run_scoped3A : memref<!tpu.dma_semaphore, #tpu.memory_space<semaphore_mem>>)
        %dma_wait3A = tpu.memref_slice %arg3[%select_n3A, %add3A_40] : memref<8x851968xf32, #tpu.memory_space<hbm>> -> memref<1x2048xf32, #tpu.memory_space<hbm>>
        %dma_wait3A_52 = tpu.memref_squeeze %dma_wait3A : memref<1x2048xf32, #tpu.memory_space<hbm>> -> memref<2048xf32, #tpu.memory_space<hbm>>
        %dma_wait3A_53 = tpu.memref_slice %arg3[%select_n3A, %add3A_40] : memref<8x851968xf32, #tpu.memory_space<hbm>> -> memref<1x2048xf32, #tpu.memory_space<hbm>>
        %dma_wait3A_54 = tpu.memref_squeeze %dma_wait3A_53 : memref<1x2048xf32, #tpu.memory_space<hbm>> -> memref<2048xf32, #tpu.memory_space<hbm>>
        tpu.wait_dma2 semaphore(%run_scoped3A : memref<!tpu.dma_semaphore, #tpu.memory_space<semaphore_mem>>) src(%dma_wait3A_54 : memref<2048xf32, #tpu.memory_space<hbm>>) dst(%arg7 : memref<2048xf32, #tpu.memory_space<vmem>>)
        tpu.yield
      }) : () -> ()
      %scan3A_41 = arith.constant 0 : i32
      %scan3A_42 = arith.constant 0 : i32
      %scan3A_43 = arith.constant 128 : i32
      %scan3A_44 = arith.addi %scan3A_42, %scan3A_43 : i32
      %scan3A_45 = arith.constant 1 : i32
      %scan3A_46 = scf.for %scan3A_49 = %scan3A_42 to %scan3A_44 step %scan3A_45 iter_args(%scan3A_50 = %scan3A_41) -> (i32)  : i32 {
        %mul3A_51 = arith.constant 16 : i32
        %mul3A_52 = arith.muli %scan3A_49, %mul3A_51 : i32
        %get3A = arith.index_cast %mul3A_52 : i32 to index
        %get3A_53 = tpu.vector_load %arg6[%get3A] {strides = array<i32>} : memref<2048xi32, #tpu.memory_space<vmem>>, vector<16xi32>,
        %mul3A_54 = arith.constant 16 : i32
        %mul3A_55 = arith.muli %scan3A_49, %mul3A_54 : i32
        %get3A_56 = arith.index_cast %mul3A_55 : i32 to index
        %get3A_57 = tpu.vector_load %arg7[%get3A_56] {strides = array<i32>} : memref<2048xf32, #tpu.memory_space<vmem>>, vector<16xf32>,
        tpu.vector_store_idx %arg5[%get3A_53], %get3A_57 {add = true} : memref<50176xf32, #tpu.memory_space<vmem>>[vector<16xi32>], vector<16xf32>,
        %scan3A_58 = arith.constant 0 : i32
        scf.yield %scan3A_58 : i32
      }
      %scan3A_47 = arith.constant 128 : i32
      %scan3A_48 = arith.constant 0 : i32
      scf.yield %scan3A_48 : i32
    }
    %scan3A_35 = arith.constant 104 : i32
    "tpu.region"() ({
      %run_scoped3A = tpu.sem_alloc : memref<!tpu.dma_semaphore, #tpu.memory_space<semaphore_mem>>
      %dma_start3A = arith.constant 0 : i32
      %dma_start3A_36 = tpu.memref_slice %arg4[%sub3A_19, %select_n3A, %dma_start3A] : memref<4x8x50176xf32, #tpu.memory_space<hbm>> -> memref<1x1x50176xf32, #tpu.memory_space<hbm>>
      %dma_start3A_37 = tpu.memref_squeeze %dma_start3A_36 : memref<1x1x50176xf32, #tpu.memory_space<hbm>> -> memref<50176xf32, #tpu.memory_space<hbm>>
      %dma_start3A_38 = arith.constant 0 : i32
      %dma_start3A_39 = tpu.memref_slice %arg4[%sub3A_19, %select_n3A, %dma_start3A_38] : memref<4x8x50176xf32, #tpu.memory_space<hbm>> -> memref<1x1x50176xf32, #tpu.memory_space<hbm>>
      %dma_start3A_40 = tpu.memref_squeeze %dma_start3A_39 : memref<1x1x50176xf32, #tpu.memory_space<hbm>> -> memref<50176xf32, #tpu.memory_space<hbm>>
      tpu.enqueue_dma source(%arg5 : memref<50176xf32, #tpu.memory_space<vmem>>) target(%dma_start3A_40 : memref<50176xf32, #tpu.memory_space<hbm>>) target_semaphore(%run_scoped3A : memref<!tpu.dma_semaphore, #tpu.memory_space<semaphore_mem>>)
      %dma_wait3A = arith.constant 0 : i32
      %dma_wait3A_41 = tpu.memref_slice %arg4[%sub3A_19, %select_n3A, %dma_wait3A] : memref<4x8x50176xf32, #tpu.memory_space<hbm>> -> memref<1x1x50176xf32, #tpu.memory_space<hbm>>
      %dma_wait3A_42 = tpu.memref_squeeze %dma_wait3A_41 : memref<1x1x50176xf32, #tpu.memory_space<hbm>> -> memref<50176xf32, #tpu.memory_space<hbm>>
      %dma_wait3A_43 = arith.constant 0 : i32
      %dma_wait3A_44 = tpu.memref_slice %arg4[%sub3A_19, %select_n3A, %dma_wait3A_43] : memref<4x8x50176xf32, #tpu.memory_space<hbm>> -> memref<1x1x50176xf32, #tpu.memory_space<hbm>>
      %dma_wait3A_45 = tpu.memref_squeeze %dma_wait3A_44 : memref<1x1x50176xf32, #tpu.memory_space<hbm>> -> memref<50176xf32, #tpu.memory_space<hbm>>
      tpu.wait_dma2 semaphore(%run_scoped3A : memref<!tpu.dma_semaphore, #tpu.memory_space<semaphore_mem>>) src(%arg5 : memref<50176xf32, #tpu.memory_space<vmem>>) dst(%dma_wait3A_45 : memref<50176xf32, #tpu.memory_space<hbm>>)
      tpu.yield
    }) : () -> ()
    return
  }
}

#map = affine_map<(d0, d1) -> (0)>
#map1 = affine_map<(d0, d1) -> (0, 0)>
module attributes {stable_mosaic.version = 14 : i64} {
  func.func @_scw2(%arg0: i32, %arg1: i32, %arg2: memref<851968xi32, #tpu.memory_space<hbm>>, %arg3: memref<851968xi32, #tpu.memory_space<hbm>>, %arg4: memref<2x50176xf32, #tpu.memory_space<hbm>>, %arg5: memref<851968xf32, #tpu.memory_space<hbm>>, %arg6: memref<50176xf32, #tpu.memory_space<vmem>>, %arg7: memref<50176xf32, #tpu.memory_space<vmem>>, %arg8: memref<2048xi32, #tpu.memory_space<vmem>>, %arg9: memref<2048xi32, #tpu.memory_space<vmem>>, %arg10: memref<2048xf32, #tpu.memory_space<vmem>>) attributes {dimension_semantics = [#tpu.dimension_semantics<core_parallel>, #tpu.dimension_semantics<subcore_parallel>], iteration_bounds = array<i64: 2, 16>, scalar_prefetch = 0 : i64, scratch_operands = 5 : i64, tpu.core_type = #tpu.core_type<sc_vector_subcore>, window_params = [{transform_indices = #map}, {transform_indices = #map}, {transform_indices = #map1}, {transform_indices = #map}]} {
    %mul3A = arith.constant 2 : i32
    %mul3A_0 = arith.muli %arg1, %mul3A : i32
    %add3A = arith.addi %mul3A_0, %arg0 : i32
    %run_scoped3A = arith.constant 0 : i32
    "tpu.region"() ({
      %run_scoped3A_10 = tpu.sem_alloc : memref<!tpu.dma_semaphore, #tpu.memory_space<semaphore_mem>>
      %dma_start3A = arith.constant 0 : i32
      %dma_start3A_11 = tpu.memref_slice %arg4[%run_scoped3A, %dma_start3A] : memref<2x50176xf32, #tpu.memory_space<hbm>> -> memref<1x50176xf32, #tpu.memory_space<hbm>>
      %dma_start3A_12 = tpu.memref_squeeze %dma_start3A_11 : memref<1x50176xf32, #tpu.memory_space<hbm>> -> memref<50176xf32, #tpu.memory_space<hbm>>
      %dma_start3A_13 = arith.constant 0 : i32
      %dma_start3A_14 = tpu.memref_slice %arg4[%run_scoped3A, %dma_start3A_13] : memref<2x50176xf32, #tpu.memory_space<hbm>> -> memref<1x50176xf32, #tpu.memory_space<hbm>>
      %dma_start3A_15 = tpu.memref_squeeze %dma_start3A_14 : memref<1x50176xf32, #tpu.memory_space<hbm>> -> memref<50176xf32, #tpu.memory_space<hbm>>
      tpu.enqueue_dma source(%dma_start3A_15 : memref<50176xf32, #tpu.memory_space<hbm>>) target(%arg6 : memref<50176xf32, #tpu.memory_space<vmem>>) target_semaphore(%run_scoped3A_10 : memref<!tpu.dma_semaphore, #tpu.memory_space<semaphore_mem>>)
      %dma_wait3A = arith.constant 0 : i32
      %dma_wait3A_16 = tpu.memref_slice %arg4[%run_scoped3A, %dma_wait3A] : memref<2x50176xf32, #tpu.memory_space<hbm>> -> memref<1x50176xf32, #tpu.memory_space<hbm>>
      %dma_wait3A_17 = tpu.memref_squeeze %dma_wait3A_16 : memref<1x50176xf32, #tpu.memory_space<hbm>> -> memref<50176xf32, #tpu.memory_space<hbm>>
      %dma_wait3A_18 = arith.constant 0 : i32
      %dma_wait3A_19 = tpu.memref_slice %arg4[%run_scoped3A, %dma_wait3A_18] : memref<2x50176xf32, #tpu.memory_space<hbm>> -> memref<1x50176xf32, #tpu.memory_space<hbm>>
      %dma_wait3A_20 = tpu.memref_squeeze %dma_wait3A_19 : memref<1x50176xf32, #tpu.memory_space<hbm>> -> memref<50176xf32, #tpu.memory_space<hbm>>
      tpu.wait_dma2 semaphore(%run_scoped3A_10 : memref<!tpu.dma_semaphore, #tpu.memory_space<semaphore_mem>>) src(%dma_wait3A_20 : memref<50176xf32, #tpu.memory_space<hbm>>) dst(%arg6 : memref<50176xf32, #tpu.memory_space<vmem>>)
      tpu.yield
    }) : () -> ()
    %run_scoped3A_1 = arith.constant 1 : i32
    "tpu.region"() ({
      %run_scoped3A_10 = tpu.sem_alloc : memref<!tpu.dma_semaphore, #tpu.memory_space<semaphore_mem>>
      %dma_start3A = arith.constant 0 : i32
      %dma_start3A_11 = tpu.memref_slice %arg4[%run_scoped3A_1, %dma_start3A] : memref<2x50176xf32, #tpu.memory_space<hbm>> -> memref<1x50176xf32, #tpu.memory_space<hbm>>
      %dma_start3A_12 = tpu.memref_squeeze %dma_start3A_11 : memref<1x50176xf32, #tpu.memory_space<hbm>> -> memref<50176xf32, #tpu.memory_space<hbm>>
      %dma_start3A_13 = arith.constant 0 : i32
      %dma_start3A_14 = tpu.memref_slice %arg4[%run_scoped3A_1, %dma_start3A_13] : memref<2x50176xf32, #tpu.memory_space<hbm>> -> memref<1x50176xf32, #tpu.memory_space<hbm>>
      %dma_start3A_15 = tpu.memref_squeeze %dma_start3A_14 : memref<1x50176xf32, #tpu.memory_space<hbm>> -> memref<50176xf32, #tpu.memory_space<hbm>>
      tpu.enqueue_dma source(%dma_start3A_15 : memref<50176xf32, #tpu.memory_space<hbm>>) target(%arg7 : memref<50176xf32, #tpu.memory_space<vmem>>) target_semaphore(%run_scoped3A_10 : memref<!tpu.dma_semaphore, #tpu.memory_space<semaphore_mem>>)
      %dma_wait3A = arith.constant 0 : i32
      %dma_wait3A_16 = tpu.memref_slice %arg4[%run_scoped3A_1, %dma_wait3A] : memref<2x50176xf32, #tpu.memory_space<hbm>> -> memref<1x50176xf32, #tpu.memory_space<hbm>>
      %dma_wait3A_17 = tpu.memref_squeeze %dma_wait3A_16 : memref<1x50176xf32, #tpu.memory_space<hbm>> -> memref<50176xf32, #tpu.memory_space<hbm>>
      %dma_wait3A_18 = arith.constant 0 : i32
      %dma_wait3A_19 = tpu.memref_slice %arg4[%run_scoped3A_1, %dma_wait3A_18] : memref<2x50176xf32, #tpu.memory_space<hbm>> -> memref<1x50176xf32, #tpu.memory_space<hbm>>
      %dma_wait3A_20 = tpu.memref_squeeze %dma_wait3A_19 : memref<1x50176xf32, #tpu.memory_space<hbm>> -> memref<50176xf32, #tpu.memory_space<hbm>>
      tpu.wait_dma2 semaphore(%run_scoped3A_10 : memref<!tpu.dma_semaphore, #tpu.memory_space<semaphore_mem>>) src(%dma_wait3A_20 : memref<50176xf32, #tpu.memory_space<hbm>>) dst(%arg7 : memref<50176xf32, #tpu.memory_space<vmem>>)
      tpu.yield
    }) : () -> ()
    %mul3A_2 = arith.constant 26624 : i32
    %mul3A_3 = arith.muli %add3A, %mul3A_2 : i32
    %scan3A = arith.constant 0 : i32
    %scan3A_4 = arith.constant 0 : i32
    %scan3A_5 = arith.constant 13 : i32
    %scan3A_6 = arith.addi %scan3A_4, %scan3A_5 : i32
    %scan3A_7 = arith.constant 1 : i32
    %scan3A_8 = scf.for %scan3A_10 = %scan3A_4 to %scan3A_6 step %scan3A_7 iter_args(%scan3A_11 = %scan3A) -> (i32)  : i32 {
      %mul3A_12 = arith.constant 2048 : i32
      %mul3A_13 = arith.muli %scan3A_10, %mul3A_12 : i32
      %add3A_14 = arith.addi %mul3A_3, %mul3A_13 : i32
      "tpu.region"() ({
        %run_scoped3A_23 = tpu.sem_alloc : memref<!tpu.dma_semaphore, #tpu.memory_space<semaphore_mem>>
        %dma_start3A = tpu.memref_slice %arg2[%add3A_14] : memref<851968xi32, #tpu.memory_space<hbm>> -> memref<2048xi32, #tpu.memory_space<hbm>>
        %dma_start3A_24 = tpu.memref_slice %arg2[%add3A_14] : memref<851968xi32, #tpu.memory_space<hbm>> -> memref<2048xi32, #tpu.memory_space<hbm>>
        tpu.enqueue_dma source(%dma_start3A_24 : memref<2048xi32, #tpu.memory_space<hbm>>) target(%arg8 : memref<2048xi32, #tpu.memory_space<vmem>>) target_semaphore(%run_scoped3A_23 : memref<!tpu.dma_semaphore, #tpu.memory_space<semaphore_mem>>)
        %dma_wait3A = tpu.memref_slice %arg2[%add3A_14] : memref<851968xi32, #tpu.memory_space<hbm>> -> memref<2048xi32, #tpu.memory_space<hbm>>
        %dma_wait3A_25 = tpu.memref_slice %arg2[%add3A_14] : memref<851968xi32, #tpu.memory_space<hbm>> -> memref<2048xi32, #tpu.memory_space<hbm>>
        tpu.wait_dma2 semaphore(%run_scoped3A_23 : memref<!tpu.dma_semaphore, #tpu.memory_space<semaphore_mem>>) src(%dma_wait3A_25 : memref<2048xi32, #tpu.memory_space<hbm>>) dst(%arg8 : memref<2048xi32, #tpu.memory_space<vmem>>)
        tpu.yield
      }) : () -> ()
      "tpu.region"() ({
        %run_scoped3A_23 = tpu.sem_alloc : memref<!tpu.dma_semaphore, #tpu.memory_space<semaphore_mem>>
        %dma_start3A = tpu.memref_slice %arg3[%add3A_14] : memref<851968xi32, #tpu.memory_space<hbm>> -> memref<2048xi32, #tpu.memory_space<hbm>>
        %dma_start3A_24 = tpu.memref_slice %arg3[%add3A_14] : memref<851968xi32, #tpu.memory_space<hbm>> -> memref<2048xi32, #tpu.memory_space<hbm>>
        tpu.enqueue_dma source(%dma_start3A_24 : memref<2048xi32, #tpu.memory_space<hbm>>) target(%arg9 : memref<2048xi32, #tpu.memory_space<vmem>>) target_semaphore(%run_scoped3A_23 : memref<!tpu.dma_semaphore, #tpu.memory_space<semaphore_mem>>)
        %dma_wait3A = tpu.memref_slice %arg3[%add3A_14] : memref<851968xi32, #tpu.memory_space<hbm>> -> memref<2048xi32, #tpu.memory_space<hbm>>
        %dma_wait3A_25 = tpu.memref_slice %arg3[%add3A_14] : memref<851968xi32, #tpu.memory_space<hbm>> -> memref<2048xi32, #tpu.memory_space<hbm>>
        tpu.wait_dma2 semaphore(%run_scoped3A_23 : memref<!tpu.dma_semaphore, #tpu.memory_space<semaphore_mem>>) src(%dma_wait3A_25 : memref<2048xi32, #tpu.memory_space<hbm>>) dst(%arg9 : memref<2048xi32, #tpu.memory_space<vmem>>)
        tpu.yield
      }) : () -> ()
      %scan3A_15 = arith.constant 0 : i32
      %scan3A_16 = arith.constant 0 : i32
      %scan3A_17 = arith.constant 128 : i32
      %scan3A_18 = arith.addi %scan3A_16, %scan3A_17 : i32
      %scan3A_19 = arith.constant 1 : i32
      %scan3A_20 = scf.for %scan3A_23 = %scan3A_16 to %scan3A_18 step %scan3A_19 iter_args(%scan3A_24 = %scan3A_15) -> (i32)  : i32 {
        %mul3A_25 = arith.constant 16 : i32
        %mul3A_26 = arith.muli %scan3A_23, %mul3A_25 : i32
        %get3A = arith.index_cast %mul3A_26 : i32 to index
        %get3A_27 = tpu.vector_load %arg8[%get3A] {strides = array<i32>} : memref<2048xi32, #tpu.memory_space<vmem>>, vector<16xi32>,
        %mul3A_28 = arith.constant 16 : i32
        %mul3A_29 = arith.muli %scan3A_23, %mul3A_28 : i32
        %get3A_30 = arith.index_cast %mul3A_29 : i32 to index
        %get3A_31 = tpu.vector_load %arg9[%get3A_30] {strides = array<i32>} : memref<2048xi32, #tpu.memory_space<vmem>>, vector<16xi32>,
        %gather3A = tpu.vector_load_idx %arg6[%get3A_27] : memref<50176xf32, #tpu.memory_space<vmem>>[vector<16xi32>], vector<16xf32>,
        %gather3A_32 = tpu.vector_load_idx %arg7[%get3A_31] : memref<50176xf32, #tpu.memory_space<vmem>>[vector<16xi32>], vector<16xf32>,
        %add3A_33 = arith.addf %gather3A, %gather3A_32 : vector<16xf32>
        %mul3A_34 = arith.constant 2.000000e-01 : f32
        %mul3A_35 = vector.broadcast %mul3A_34 : f32 to vector<16xf32>
        %mul3A_36 = arith.mulf %mul3A_35, %add3A_33 : vector<16xf32>
        %max3A = arith.maximumf %add3A_33, %mul3A_36 : vector<16xf32>
        %exp3A = math.exp %max3A : vector<16xf32>
        %mul3A_37 = arith.constant 16 : i32
        %mul3A_38 = arith.muli %scan3A_23, %mul3A_37 : i32
        %swap3A = arith.index_cast %mul3A_38 : i32 to index
        %swap3A_39 = tpu.vector_load %arg10[%swap3A] {strides = array<i32>} : memref<2048xf32, #tpu.memory_space<vmem>>, vector<16xf32>,
        tpu.vector_store %arg10[%swap3A], %exp3A {strides = array<i32>} : memref<2048xf32, #tpu.memory_space<vmem>>, vector<16xf32>,
        %scan3A_40 = arith.constant 0 : i32
        scf.yield %scan3A_40 : i32
      }
      %scan3A_21 = arith.constant 128 : i32
      "tpu.region"() ({
        %run_scoped3A_23 = tpu.sem_alloc : memref<!tpu.dma_semaphore, #tpu.memory_space<semaphore_mem>>
        %dma_start3A = tpu.memref_slice %arg5[%add3A_14] : memref<851968xf32, #tpu.memory_space<hbm>> -> memref<2048xf32, #tpu.memory_space<hbm>>
        %dma_start3A_24 = tpu.memref_slice %arg5[%add3A_14] : memref<851968xf32, #tpu.memory_space<hbm>> -> memref<2048xf32, #tpu.memory_space<hbm>>
        tpu.enqueue_dma source(%arg10 : memref<2048xf32, #tpu.memory_space<vmem>>) target(%dma_start3A_24 : memref<2048xf32, #tpu.memory_space<hbm>>) target_semaphore(%run_scoped3A_23 : memref<!tpu.dma_semaphore, #tpu.memory_space<semaphore_mem>>)
        %dma_wait3A = tpu.memref_slice %arg5[%add3A_14] : memref<851968xf32, #tpu.memory_space<hbm>> -> memref<2048xf32, #tpu.memory_space<hbm>>
        %dma_wait3A_25 = tpu.memref_slice %arg5[%add3A_14] : memref<851968xf32, #tpu.memory_space<hbm>> -> memref<2048xf32, #tpu.memory_space<hbm>>
        tpu.wait_dma2 semaphore(%run_scoped3A_23 : memref<!tpu.dma_semaphore, #tpu.memory_space<semaphore_mem>>) src(%arg10 : memref<2048xf32, #tpu.memory_space<vmem>>) dst(%dma_wait3A_25 : memref<2048xf32, #tpu.memory_space<hbm>>)
        tpu.yield
      }) : () -> ()
      %scan3A_22 = arith.constant 0 : i32
      scf.yield %scan3A_22 : i32
    }
    %scan3A_9 = arith.constant 13 : i32
    return
  }
}

#map = affine_map<(d0, d1) -> (0)>
#map1 = affine_map<(d0, d1) -> (0, 0)>
#map2 = affine_map<(d0, d1) -> (0, 0, 0)>
module attributes {stable_mosaic.version = 14 : i64} {
  func.func @_scm1(%arg0: i32, %arg1: i32, %arg2: memref<851968xi32, #tpu.memory_space<hbm>>, %arg3: memref<851968xi32, #tpu.memory_space<hbm>>, %arg4: memref<64x50176xf32, #tpu.memory_space<hbm>>, %arg5: memref<8x851968xf32, #tpu.memory_space<hbm>>, %arg6: memref<2x64x50176xf32, #tpu.memory_space<hbm>>, %arg7: memref<50176xf32, #tpu.memory_space<vmem>>, %arg8: memref<50176xf32, #tpu.memory_space<vmem>>, %arg9: memref<2x4096xi32, #tpu.memory_space<vmem>>, %arg10: memref<2x4096xi32, #tpu.memory_space<vmem>>, %arg11: memref<2x4096xf32, #tpu.memory_space<vmem>>, %arg12: memref<!tpu.dma_semaphore, #tpu.memory_space<semaphore_mem>>, %arg13: memref<!tpu.dma_semaphore, #tpu.memory_space<semaphore_mem>>) attributes {dimension_semantics = [#tpu.dimension_semantics<core_parallel>, #tpu.dimension_semantics<subcore_parallel>], iteration_bounds = array<i64: 2, 16>, scalar_prefetch = 0 : i64, scratch_operands = 7 : i64, tpu.core_type = #tpu.core_type<sc_vector_subcore>, window_params = [{transform_indices = #map}, {transform_indices = #map}, {transform_indices = #map1}, {transform_indices = #map1}, {transform_indices = #map2}]} {
    %mul3A = arith.constant 2 : i32
    %mul3A_0 = arith.muli %arg1, %mul3A : i32
    %add3A = arith.addi %mul3A_0, %arg0 : i32
    %mul3A_1 = arith.constant 4 : i32
    %mul3A_2 = arith.muli %add3A, %mul3A_1 : i32
    %add3A_3 = arith.constant 0 : i32
    %add3A_4 = arith.addi %mul3A_2, %add3A_3 : i32
    %jit3A = arith.constant 2 : i32
    %div3A = arith.divsi %add3A_4, %jit3A : i32
    %sign3A = arith.constant 0 : i32
    %sign3A_5 = arith.cmpi sgt, %add3A_4, %sign3A : i32
    %sign3A_6 = arith.extui %sign3A_5 : i1 to i32
    %sign3A_7 = arith.constant 0 : i32
    %sign3A_8 = arith.cmpi slt, %add3A_4, %sign3A_7 : i32
    %sign3A_9 = arith.extui %sign3A_8 : i1 to i32
    %sign3A_10 = arith.subi %sign3A_6, %sign3A_9 : i32
    %sign3A_11 = arith.constant 0 : i32
    %sign3A_12 = arith.cmpi sgt, %jit3A, %sign3A_11 : i32
    %sign3A_13 = arith.extui %sign3A_12 : i1 to i32
    %sign3A_14 = arith.constant 0 : i32
    %sign3A_15 = arith.cmpi slt, %jit3A, %sign3A_14 : i32
    %sign3A_16 = arith.extui %sign3A_15 : i1 to i32
    %sign3A_17 = arith.subi %sign3A_13, %sign3A_16 : i32
    %ne3A = arith.cmpi ne, %sign3A_10, %sign3A_17 : i32
    %rem3A = arith.remsi %add3A_4, %jit3A : i32
    %ne3A_18 = arith.constant 0 : i32
    %ne3A_19 = arith.cmpi ne, %rem3A, %ne3A_18 : i32
    %and3A = arith.andi %ne3A, %ne3A_19 : i1
    %sub3A = arith.constant 1 : i32
    %sub3A_20 = arith.subi %div3A, %sub3A : i32
    %select_n3A = arith.select %and3A, %sub3A_20, %div3A : i32
    %mul3A_21 = arith.constant 2 : i32
    %mul3A_22 = arith.muli %select_n3A, %mul3A_21 : i32
    %sub3A_23 = arith.subi %add3A_4, %mul3A_22 : i32
    %jit3A_24 = arith.constant 8 : i32
    %div3A_25 = arith.divsi %select_n3A, %jit3A_24 : i32
    %sign3A_26 = arith.constant 0 : i32
    %sign3A_27 = arith.cmpi sgt, %select_n3A, %sign3A_26 : i32
    %sign3A_28 = arith.extui %sign3A_27 : i1 to i32
    %sign3A_29 = arith.constant 0 : i32
    %sign3A_30 = arith.cmpi slt, %select_n3A, %sign3A_29 : i32
    %sign3A_31 = arith.extui %sign3A_30 : i1 to i32
    %sign3A_32 = arith.subi %sign3A_28, %sign3A_31 : i32
    %sign3A_33 = arith.constant 0 : i32
    %sign3A_34 = arith.cmpi sgt, %jit3A_24, %sign3A_33 : i32
    %sign3A_35 = arith.extui %sign3A_34 : i1 to i32
    %sign3A_36 = arith.constant 0 : i32
    %sign3A_37 = arith.cmpi slt, %jit3A_24, %sign3A_36 : i32
    %sign3A_38 = arith.extui %sign3A_37 : i1 to i32
    %sign3A_39 = arith.subi %sign3A_35, %sign3A_38 : i32
    %ne3A_40 = arith.cmpi ne, %sign3A_32, %sign3A_39 : i32
    %rem3A_41 = arith.remsi %select_n3A, %jit3A_24 : i32
    %ne3A_42 = arith.constant 0 : i32
    %ne3A_43 = arith.cmpi ne, %rem3A_41, %ne3A_42 : i32
    %and3A_44 = arith.andi %ne3A_40, %ne3A_43 : i1
    %sub3A_45 = arith.constant 1 : i32
    %sub3A_46 = arith.subi %div3A_25, %sub3A_45 : i32
    %select_n3A_47 = arith.select %and3A_44, %sub3A_46, %div3A_25 : i32
    %broadcast_in_dim3A = arith.constant 0.000000e+00 : f32
    %broadcast_in_dim3A_48 = vector.broadcast %broadcast_in_dim3A : f32 to vector<16xf32>
    %scan3A = arith.constant 0 : i32
    %scan3A_49 = arith.constant 0 : i32
    %scan3A_50 = arith.constant 3136 : i32
    %scan3A_51 = arith.addi %scan3A_49, %scan3A_50 : i32
    %scan3A_52 = arith.constant 1 : i32
    %scan3A_53 = scf.for %scan3A_537 = %scan3A_49 to %scan3A_51 step %scan3A_52 iter_args(%scan3A_538 = %scan3A) -> (i32)  : i32 {
      %mul3A_539 = arith.constant 16 : i32
      %mul3A_540 = arith.muli %scan3A_537, %mul3A_539 : i32
      %swap3A = arith.index_cast %mul3A_540 : i32 to index
      %swap3A_541 = tpu.vector_load %arg8[%swap3A] {strides = array<i32>} : memref<50176xf32, #tpu.memory_space<vmem>>, vector<16xf32>,
      tpu.vector_store %arg8[%swap3A], %broadcast_in_dim3A_48 {strides = array<i32>} : memref<50176xf32, #tpu.memory_space<vmem>>, vector<16xf32>,
      %scan3A_542 = arith.constant 0 : i32
      scf.yield %scan3A_542 : i32
    }
    %scan3A_54 = arith.constant 3136 : i32
    "tpu.region"() ({
      %run_scoped3A = tpu.sem_alloc : memref<!tpu.dma_semaphore, #tpu.memory_space<semaphore_mem>>
      %dma_start3A_537 = arith.constant 0 : i32
      %dma_start3A_538 = tpu.memref_slice %arg4[%select_n3A, %dma_start3A_537] : memref<64x50176xf32, #tpu.memory_space<hbm>> -> memref<1x50176xf32, #tpu.memory_space<hbm>>
      %dma_start3A_539 = tpu.memref_squeeze %dma_start3A_538 : memref<1x50176xf32, #tpu.memory_space<hbm>> -> memref<50176xf32, #tpu.memory_space<hbm>>
      %dma_start3A_540 = arith.constant 0 : i32
      %dma_start3A_541 = tpu.memref_slice %arg4[%select_n3A, %dma_start3A_540] : memref<64x50176xf32, #tpu.memory_space<hbm>> -> memref<1x50176xf32, #tpu.memory_space<hbm>>
      %dma_start3A_542 = tpu.memref_squeeze %dma_start3A_541 : memref<1x50176xf32, #tpu.memory_space<hbm>> -> memref<50176xf32, #tpu.memory_space<hbm>>
      tpu.enqueue_dma source(%dma_start3A_542 : memref<50176xf32, #tpu.memory_space<hbm>>) target(%arg7 : memref<50176xf32, #tpu.memory_space<vmem>>) target_semaphore(%run_scoped3A : memref<!tpu.dma_semaphore, #tpu.memory_space<semaphore_mem>>)
      %dma_wait3A_543 = arith.constant 0 : i32
      %dma_wait3A_544 = tpu.memref_slice %arg4[%select_n3A, %dma_wait3A_543] : memref<64x50176xf32, #tpu.memory_space<hbm>> -> memref<1x50176xf32, #tpu.memory_space<hbm>>
      %dma_wait3A_545 = tpu.memref_squeeze %dma_wait3A_544 : memref<1x50176xf32, #tpu.memory_space<hbm>> -> memref<50176xf32, #tpu.memory_space<hbm>>
      %dma_wait3A_546 = arith.constant 0 : i32
      %dma_wait3A_547 = tpu.memref_slice %arg4[%select_n3A, %dma_wait3A_546] : memref<64x50176xf32, #tpu.memory_space<hbm>> -> memref<1x50176xf32, #tpu.memory_space<hbm>>
      %dma_wait3A_548 = tpu.memref_squeeze %dma_wait3A_547 : memref<1x50176xf32, #tpu.memory_space<hbm>> -> memref<50176xf32, #tpu.memory_space<hbm>>
      tpu.wait_dma2 semaphore(%run_scoped3A : memref<!tpu.dma_semaphore, #tpu.memory_space<semaphore_mem>>) src(%dma_wait3A_548 : memref<50176xf32, #tpu.memory_space<hbm>>) dst(%arg7 : memref<50176xf32, #tpu.memory_space<vmem>>)
      tpu.yield
    }) : () -> ()
    %mul3A_55 = arith.constant 425984 : i32
    %mul3A_56 = arith.muli %sub3A_23, %mul3A_55 : i32
    %dma_start3A = arith.constant 0 : i32
    %dma_start3A_57 = arith.constant 0 : i32
    %dma_start3A_58 = tpu.memref_slice %arg9[%dma_start3A, %dma_start3A_57] : memref<2x4096xi32, #tpu.memory_space<vmem>> -> memref<1x4096xi32, #tpu.memory_space<vmem>>
    %dma_start3A_59 = tpu.memref_squeeze %dma_start3A_58 : memref<1x4096xi32, #tpu.memory_space<vmem>> -> memref<4096xi32, #tpu.memory_space<vmem>>
    %dma_start3A_60 = tpu.memref_slice %arg2[%mul3A_56] : memref<851968xi32, #tpu.memory_space<hbm>> -> memref<4096xi32, #tpu.memory_space<hbm>>
    %dma_start3A_61 = arith.constant 0 : i32
    %dma_start3A_62 = tpu.memref_slice %arg9[%dma_start3A, %dma_start3A_61] : memref<2x4096xi32, #tpu.memory_space<vmem>> -> memref<1x4096xi32, #tpu.memory_space<vmem>>
    %dma_start3A_63 = tpu.memref_squeeze %dma_start3A_62 : memref<1x4096xi32, #tpu.memory_space<vmem>> -> memref<4096xi32, #tpu.memory_space<vmem>>
    %dma_start3A_64 = tpu.memref_slice %arg2[%mul3A_56] : memref<851968xi32, #tpu.memory_space<hbm>> -> memref<4096xi32, #tpu.memory_space<hbm>>
    tpu.enqueue_dma source(%dma_start3A_64 : memref<4096xi32, #tpu.memory_space<hbm>>) target(%dma_start3A_63 : memref<4096xi32, #tpu.memory_space<vmem>>) target_semaphore(%arg12 : memref<!tpu.dma_semaphore, #tpu.memory_space<semaphore_mem>>)
    %dma_start3A_65 = arith.constant 0 : i32
    %dma_start3A_66 = arith.constant 0 : i32
    %dma_start3A_67 = tpu.memref_slice %arg10[%dma_start3A_65, %dma_start3A_66] : memref<2x4096xi32, #tpu.memory_space<vmem>> -> memref<1x4096xi32, #tpu.memory_space<vmem>>
    %dma_start3A_68 = tpu.memref_squeeze %dma_start3A_67 : memref<1x4096xi32, #tpu.memory_space<vmem>> -> memref<4096xi32, #tpu.memory_space<vmem>>
    %dma_start3A_69 = tpu.memref_slice %arg3[%mul3A_56] : memref<851968xi32, #tpu.memory_space<hbm>> -> memref<4096xi32, #tpu.memory_space<hbm>>
    %dma_start3A_70 = arith.constant 0 : i32
    %dma_start3A_71 = tpu.memref_slice %arg10[%dma_start3A_65, %dma_start3A_70] : memref<2x4096xi32, #tpu.memory_space<vmem>> -> memref<1x4096xi32, #tpu.memory_space<vmem>>
    %dma_start3A_72 = tpu.memref_squeeze %dma_start3A_71 : memref<1x4096xi32, #tpu.memory_space<vmem>> -> memref<4096xi32, #tpu.memory_space<vmem>>
    %dma_start3A_73 = tpu.memref_slice %arg3[%mul3A_56] : memref<851968xi32, #tpu.memory_space<hbm>> -> memref<4096xi32, #tpu.memory_space<hbm>>
    tpu.enqueue_dma source(%dma_start3A_73 : memref<4096xi32, #tpu.memory_space<hbm>>) target(%dma_start3A_72 : memref<4096xi32, #tpu.memory_space<vmem>>) target_semaphore(%arg12 : memref<!tpu.dma_semaphore, #tpu.memory_space<semaphore_mem>>)
    %dma_start3A_74 = arith.constant 0 : i32
    %dma_start3A_75 = arith.constant 0 : i32
    %dma_start3A_76 = tpu.memref_slice %arg11[%dma_start3A_74, %dma_start3A_75] : memref<2x4096xf32, #tpu.memory_space<vmem>> -> memref<1x4096xf32, #tpu.memory_space<vmem>>
    %dma_start3A_77 = tpu.memref_squeeze %dma_start3A_76 : memref<1x4096xf32, #tpu.memory_space<vmem>> -> memref<4096xf32, #tpu.memory_space<vmem>>
    %dma_start3A_78 = tpu.memref_slice %arg5[%select_n3A_47, %mul3A_56] : memref<8x851968xf32, #tpu.memory_space<hbm>> -> memref<1x4096xf32, #tpu.memory_space<hbm>>
    %dma_start3A_79 = tpu.memref_squeeze %dma_start3A_78 : memref<1x4096xf32, #tpu.memory_space<hbm>> -> memref<4096xf32, #tpu.memory_space<hbm>>
    %dma_start3A_80 = arith.constant 0 : i32
    %dma_start3A_81 = tpu.memref_slice %arg11[%dma_start3A_74, %dma_start3A_80] : memref<2x4096xf32, #tpu.memory_space<vmem>> -> memref<1x4096xf32, #tpu.memory_space<vmem>>
    %dma_start3A_82 = tpu.memref_squeeze %dma_start3A_81 : memref<1x4096xf32, #tpu.memory_space<vmem>> -> memref<4096xf32, #tpu.memory_space<vmem>>
    %dma_start3A_83 = tpu.memref_slice %arg5[%select_n3A_47, %mul3A_56] : memref<8x851968xf32, #tpu.memory_space<hbm>> -> memref<1x4096xf32, #tpu.memory_space<hbm>>
    %dma_start3A_84 = tpu.memref_squeeze %dma_start3A_83 : memref<1x4096xf32, #tpu.memory_space<hbm>> -> memref<4096xf32, #tpu.memory_space<hbm>>
    tpu.enqueue_dma source(%dma_start3A_84 : memref<4096xf32, #tpu.memory_space<hbm>>) target(%dma_start3A_82 : memref<4096xf32, #tpu.memory_space<vmem>>) target_semaphore(%arg12 : memref<!tpu.dma_semaphore, #tpu.memory_space<semaphore_mem>>)
    %scan3A_85 = arith.constant 0 : i32
    %scan3A_86 = arith.constant 0 : i32
    %scan3A_87 = arith.constant 52 : i32
    %scan3A_88 = arith.addi %scan3A_86, %scan3A_87 : i32
    %scan3A_89 = arith.constant 1 : i32
    %scan3A_90 = scf.for %scan3A_537 = %scan3A_86 to %scan3A_88 step %scan3A_89 iter_args(%scan3A_538 = %scan3A_85) -> (i32)  : i32 {
      %mul3A_539 = arith.constant 2 : i32
      %mul3A_540 = arith.muli %mul3A_539, %scan3A_537 : i32
      %add3A_541 = arith.constant 1 : i32
      %add3A_542 = arith.addi %mul3A_540, %add3A_541 : i32
      %mul3A_543 = arith.constant 4096 : i32
      %mul3A_544 = arith.muli %add3A_542, %mul3A_543 : i32
      %add3A_545 = arith.addi %mul3A_56, %mul3A_544 : i32
      %dma_start3A_546 = arith.constant 1 : i32
      %dma_start3A_547 = arith.constant 0 : i32
      %dma_start3A_548 = tpu.memref_slice %arg9[%dma_start3A_546, %dma_start3A_547] : memref<2x4096xi32, #tpu.memory_space<vmem>> -> memref<1x4096xi32, #tpu.memory_space<vmem>>
      %dma_start3A_549 = tpu.memref_squeeze %dma_start3A_548 : memref<1x4096xi32, #tpu.memory_space<vmem>> -> memref<4096xi32, #tpu.memory_space<vmem>>
      %dma_start3A_550 = tpu.memref_slice %arg2[%add3A_545] : memref<851968xi32, #tpu.memory_space<hbm>> -> memref<4096xi32, #tpu.memory_space<hbm>>
      %dma_start3A_551 = arith.constant 0 : i32
      %dma_start3A_552 = tpu.memref_slice %arg9[%dma_start3A_546, %dma_start3A_551] : memref<2x4096xi32, #tpu.memory_space<vmem>> -> memref<1x4096xi32, #tpu.memory_space<vmem>>
      %dma_start3A_553 = tpu.memref_squeeze %dma_start3A_552 : memref<1x4096xi32, #tpu.memory_space<vmem>> -> memref<4096xi32, #tpu.memory_space<vmem>>
      %dma_start3A_554 = tpu.memref_slice %arg2[%add3A_545] : memref<851968xi32, #tpu.memory_space<hbm>> -> memref<4096xi32, #tpu.memory_space<hbm>>
      tpu.enqueue_dma source(%dma_start3A_554 : memref<4096xi32, #tpu.memory_space<hbm>>) target(%dma_start3A_553 : memref<4096xi32, #tpu.memory_space<vmem>>) target_semaphore(%arg13 : memref<!tpu.dma_semaphore, #tpu.memory_space<semaphore_mem>>)
      %dma_start3A_555 = arith.constant 1 : i32
      %dma_start3A_556 = arith.constant 0 : i32
      %dma_start3A_557 = tpu.memref_slice %arg10[%dma_start3A_555, %dma_start3A_556] : memref<2x4096xi32, #tpu.memory_space<vmem>> -> memref<1x4096xi32, #tpu.memory_space<vmem>>
      %dma_start3A_558 = tpu.memref_squeeze %dma_start3A_557 : memref<1x4096xi32, #tpu.memory_space<vmem>> -> memref<4096xi32, #tpu.memory_space<vmem>>
      %dma_start3A_559 = tpu.memref_slice %arg3[%add3A_545] : memref<851968xi32, #tpu.memory_space<hbm>> -> memref<4096xi32, #tpu.memory_space<hbm>>
      %dma_start3A_560 = arith.constant 0 : i32
      %dma_start3A_561 = tpu.memref_slice %arg10[%dma_start3A_555, %dma_start3A_560] : memref<2x4096xi32, #tpu.memory_space<vmem>> -> memref<1x4096xi32, #tpu.memory_space<vmem>>
      %dma_start3A_562 = tpu.memref_squeeze %dma_start3A_561 : memref<1x4096xi32, #tpu.memory_space<vmem>> -> memref<4096xi32, #tpu.memory_space<vmem>>
      %dma_start3A_563 = tpu.memref_slice %arg3[%add3A_545] : memref<851968xi32, #tpu.memory_space<hbm>> -> memref<4096xi32, #tpu.memory_space<hbm>>
      tpu.enqueue_dma source(%dma_start3A_563 : memref<4096xi32, #tpu.memory_space<hbm>>) target(%dma_start3A_562 : memref<4096xi32, #tpu.memory_space<vmem>>) target_semaphore(%arg13 : memref<!tpu.dma_semaphore, #tpu.memory_space<semaphore_mem>>)
      %dma_start3A_564 = arith.constant 1 : i32
      %dma_start3A_565 = arith.constant 0 : i32
      %dma_start3A_566 = tpu.memref_slice %arg11[%dma_start3A_564, %dma_start3A_565] : memref<2x4096xf32, #tpu.memory_space<vmem>> -> memref<1x4096xf32, #tpu.memory_space<vmem>>
      %dma_start3A_567 = tpu.memref_squeeze %dma_start3A_566 : memref<1x4096xf32, #tpu.memory_space<vmem>> -> memref<4096xf32, #tpu.memory_space<vmem>>
      %dma_start3A_568 = tpu.memref_slice %arg5[%select_n3A_47, %add3A_545] : memref<8x851968xf32, #tpu.memory_space<hbm>> -> memref<1x4096xf32, #tpu.memory_space<hbm>>
      %dma_start3A_569 = tpu.memref_squeeze %dma_start3A_568 : memref<1x4096xf32, #tpu.memory_space<hbm>> -> memref<4096xf32, #tpu.memory_space<hbm>>
      %dma_start3A_570 = arith.constant 0 : i32
      %dma_start3A_571 = tpu.memref_slice %arg11[%dma_start3A_564, %dma_start3A_570] : memref<2x4096xf32, #tpu.memory_space<vmem>> -> memref<1x4096xf32, #tpu.memory_space<vmem>>
      %dma_start3A_572 = tpu.memref_squeeze %dma_start3A_571 : memref<1x4096xf32, #tpu.memory_space<vmem>> -> memref<4096xf32, #tpu.memory_space<vmem>>
      %dma_start3A_573 = tpu.memref_slice %arg5[%select_n3A_47, %add3A_545] : memref<8x851968xf32, #tpu.memory_space<hbm>> -> memref<1x4096xf32, #tpu.memory_space<hbm>>
      %dma_start3A_574 = tpu.memref_squeeze %dma_start3A_573 : memref<1x4096xf32, #tpu.memory_space<hbm>> -> memref<4096xf32, #tpu.memory_space<hbm>>
      tpu.enqueue_dma source(%dma_start3A_574 : memref<4096xf32, #tpu.memory_space<hbm>>) target(%dma_start3A_572 : memref<4096xf32, #tpu.memory_space<vmem>>) target_semaphore(%arg13 : memref<!tpu.dma_semaphore, #tpu.memory_space<semaphore_mem>>)
      %dma_wait3A_575 = arith.constant 0 : i32
      %dma_wait3A_576 = arith.constant 0 : i32
      %dma_wait3A_577 = tpu.memref_slice %arg9[%dma_wait3A_575, %dma_wait3A_576] : memref<2x4096xi32, #tpu.memory_space<vmem>> -> memref<1x4096xi32, #tpu.memory_space<vmem>>
      %dma_wait3A_578 = tpu.memref_squeeze %dma_wait3A_577 : memref<1x4096xi32, #tpu.memory_space<vmem>> -> memref<4096xi32, #tpu.memory_space<vmem>>
      %dma_wait3A_579 = arith.constant 0 : i32
      %dma_wait3A_580 = tpu.memref_slice %arg2[%dma_wait3A_579] : memref<851968xi32, #tpu.memory_space<hbm>> -> memref<4096xi32, #tpu.memory_space<hbm>>
      %dma_wait3A_581 = arith.constant 0 : i32
      %dma_wait3A_582 = tpu.memref_slice %arg9[%dma_wait3A_575, %dma_wait3A_581] : memref<2x4096xi32, #tpu.memory_space<vmem>> -> memref<1x4096xi32, #tpu.memory_space<vmem>>
      %dma_wait3A_583 = tpu.memref_squeeze %dma_wait3A_582 : memref<1x4096xi32, #tpu.memory_space<vmem>> -> memref<4096xi32, #tpu.memory_space<vmem>>
      %dma_wait3A_584 = arith.constant 0 : i32
      %dma_wait3A_585 = tpu.memref_slice %arg2[%dma_wait3A_584] : memref<851968xi32, #tpu.memory_space<hbm>> -> memref<4096xi32, #tpu.memory_space<hbm>>
      tpu.wait_dma2 semaphore(%arg12 : memref<!tpu.dma_semaphore, #tpu.memory_space<semaphore_mem>>) src(%dma_wait3A_585 : memref<4096xi32, #tpu.memory_space<hbm>>) dst(%dma_wait3A_583 : memref<4096xi32, #tpu.memory_space<vmem>>)
      %dma_wait3A_586 = arith.constant 0 : i32
      %dma_wait3A_587 = arith.constant 0 : i32
      %dma_wait3A_588 = tpu.memref_slice %arg10[%dma_wait3A_586, %dma_wait3A_587] : memref<2x4096xi32, #tpu.memory_space<vmem>> -> memref<1x4096xi32, #tpu.memory_space<vmem>>
      %dma_wait3A_589 = tpu.memref_squeeze %dma_wait3A_588 : memref<1x4096xi32, #tpu.memory_space<vmem>> -> memref<4096xi32, #tpu.memory_space<vmem>>
      %dma_wait3A_590 = arith.constant 0 : i32
      %dma_wait3A_591 = tpu.memref_slice %arg3[%dma_wait3A_590] : memref<851968xi32, #tpu.memory_space<hbm>> -> memref<4096xi32, #tpu.memory_space<hbm>>
      %dma_wait3A_592 = arith.constant 0 : i32
      %dma_wait3A_593 = tpu.memref_slice %arg10[%dma_wait3A_586, %dma_wait3A_592] : memref<2x4096xi32, #tpu.memory_space<vmem>> -> memref<1x4096xi32, #tpu.memory_space<vmem>>
      %dma_wait3A_594 = tpu.memref_squeeze %dma_wait3A_593 : memref<1x4096xi32, #tpu.memory_space<vmem>> -> memref<4096xi32, #tpu.memory_space<vmem>>
      %dma_wait3A_595 = arith.constant 0 : i32
      %dma_wait3A_596 = tpu.memref_slice %arg3[%dma_wait3A_595] : memref<851968xi32, #tpu.memory_space<hbm>> -> memref<4096xi32, #tpu.memory_space<hbm>>
      tpu.wait_dma2 semaphore(%arg12 : memref<!tpu.dma_semaphore, #tpu.memory_space<semaphore_mem>>) src(%dma_wait3A_596 : memref<4096xi32, #tpu.memory_space<hbm>>) dst(%dma_wait3A_594 : memref<4096xi32, #tpu.memory_space<vmem>>)
      %dma_wait3A_597 = arith.constant 0 : i32
      %dma_wait3A_598 = arith.constant 0 : i32
      %dma_wait3A_599 = tpu.memref_slice %arg11[%dma_wait3A_597, %dma_wait3A_598] : memref<2x4096xf32, #tpu.memory_space<vmem>> -> memref<1x4096xf32, #tpu.memory_space<vmem>>
      %dma_wait3A_600 = tpu.memref_squeeze %dma_wait3A_599 : memref<1x4096xf32, #tpu.memory_space<vmem>> -> memref<4096xf32, #tpu.memory_space<vmem>>
      %dma_wait3A_601 = arith.constant 0 : i32
      %dma_wait3A_602 = tpu.memref_slice %arg5[%select_n3A_47, %dma_wait3A_601] : memref<8x851968xf32, #tpu.memory_space<hbm>> -> memref<1x4096xf32, #tpu.memory_space<hbm>>
      %dma_wait3A_603 = tpu.memref_squeeze %dma_wait3A_602 : memref<1x4096xf32, #tpu.memory_space<hbm>> -> memref<4096xf32, #tpu.memory_space<hbm>>
      %dma_wait3A_604 = arith.constant 0 : i32
      %dma_wait3A_605 = tpu.memref_slice %arg11[%dma_wait3A_597, %dma_wait3A_604] : memref<2x4096xf32, #tpu.memory_space<vmem>> -> memref<1x4096xf32, #tpu.memory_space<vmem>>
      %dma_wait3A_606 = tpu.memref_squeeze %dma_wait3A_605 : memref<1x4096xf32, #tpu.memory_space<vmem>> -> memref<4096xf32, #tpu.memory_space<vmem>>
      %dma_wait3A_607 = arith.constant 0 : i32
      %dma_wait3A_608 = tpu.memref_slice %arg5[%select_n3A_47, %dma_wait3A_607] : memref<8x851968xf32, #tpu.memory_space<hbm>> -> memref<1x4096xf32, #tpu.memory_space<hbm>>
      %dma_wait3A_609 = tpu.memref_squeeze %dma_wait3A_608 : memref<1x4096xf32, #tpu.memory_space<hbm>> -> memref<4096xf32, #tpu.memory_space<hbm>>
      tpu.wait_dma2 semaphore(%arg12 : memref<!tpu.dma_semaphore, #tpu.memory_space<semaphore_mem>>) src(%dma_wait3A_609 : memref<4096xf32, #tpu.memory_space<hbm>>) dst(%dma_wait3A_606 : memref<4096xf32, #tpu.memory_space<vmem>>)
      %scan3A_610 = arith.constant 0 : i32
      %scan3A_611 = arith.constant 0 : i32
      %scan3A_612 = arith.constant 256 : i32
      %scan3A_613 = arith.addi %scan3A_611, %scan3A_612 : i32
      %scan3A_614 = arith.constant 1 : i32
      %scan3A_615 = scf.for %scan3A_703 = %scan3A_611 to %scan3A_613 step %scan3A_614 iter_args(%scan3A_704 = %scan3A_610) -> (i32)  : i32 {
        %mul3A_705 = arith.constant 16 : i32
        %mul3A_706 = arith.muli %scan3A_703, %mul3A_705 : i32
        %get3A = arith.constant 0 : i32
        %get3A_707 = arith.index_cast %get3A : i32 to index
        %get3A_708 = arith.index_cast %mul3A_706 : i32 to index
        %get3A_709 = tpu.vector_load %arg9[%get3A_707, %get3A_708] {strides = array<i32>} : memref<2x4096xi32, #tpu.memory_space<vmem>>, vector<16xi32>,
        %mul3A_710 = arith.constant 16 : i32
        %mul3A_711 = arith.muli %scan3A_703, %mul3A_710 : i32
        %get3A_712 = arith.constant 0 : i32
        %get3A_713 = arith.index_cast %get3A_712 : i32 to index
        %get3A_714 = arith.index_cast %mul3A_711 : i32 to index
        %get3A_715 = tpu.vector_load %arg10[%get3A_713, %get3A_714] {strides = array<i32>} : memref<2x4096xi32, #tpu.memory_space<vmem>>, vector<16xi32>,
        %mul3A_716 = arith.constant 16 : i32
        %mul3A_717 = arith.muli %scan3A_703, %mul3A_716 : i32
        %get3A_718 = arith.constant 0 : i32
        %get3A_719 = arith.index_cast %get3A_718 : i32 to index
        %get3A_720 = arith.index_cast %mul3A_717 : i32 to index
        %get3A_721 = tpu.vector_load %arg11[%get3A_719, %get3A_720] {strides = array<i32>} : memref<2x4096xf32, #tpu.memory_space<vmem>>, vector<16xf32>,
        %gather3A = tpu.vector_load_idx %arg7[%get3A_709] : memref<50176xf32, #tpu.memory_space<vmem>>[vector<16xi32>], vector<16xf32>,
        %mul3A_722 = arith.mulf %gather3A, %get3A_721 : vector<16xf32>
        tpu.vector_store_idx %arg8[%get3A_715], %mul3A_722 {add = true} : memref<50176xf32, #tpu.memory_space<vmem>>[vector<16xi32>], vector<16xf32>,
        %scan3A_723 = arith.constant 0 : i32
        scf.yield %scan3A_723 : i32
      }
      %scan3A_616 = arith.constant 256 : i32
      %mul3A_617 = arith.constant 2 : i32
      %mul3A_618 = arith.muli %mul3A_617, %scan3A_537 : i32
      %add3A_619 = arith.constant 2 : i32
      %add3A_620 = arith.addi %mul3A_618, %add3A_619 : i32
      %lt3A = arith.constant 104 : i32
      %lt3A_621 = arith.cmpi slt, %add3A_620, %lt3A : i32
      %mul3A_622 = arith.constant 2 : i32
      %mul3A_623 = arith.muli %mul3A_622, %scan3A_537 : i32
      %add3A_624 = arith.constant 2 : i32
      %add3A_625 = arith.addi %mul3A_623, %add3A_624 : i32
      %mul3A_626 = arith.constant 4096 : i32
      %mul3A_627 = arith.muli %add3A_625, %mul3A_626 : i32
      %jit3A_628 = arith.constant 0 : i32
      %select_n3A_629 = arith.select %lt3A_621, %mul3A_627, %jit3A_628 : i32
      %add3A_630 = arith.addi %mul3A_56, %select_n3A_629 : i32
      %dma_start3A_631 = arith.constant 0 : i32
      %dma_start3A_632 = arith.constant 0 : i32
      %dma_start3A_633 = tpu.memref_slice %arg9[%dma_start3A_631, %dma_start3A_632] : memref<2x4096xi32, #tpu.memory_space<vmem>> -> memref<1x4096xi32, #tpu.memory_space<vmem>>
      %dma_start3A_634 = tpu.memref_squeeze %dma_start3A_633 : memref<1x4096xi32, #tpu.memory_space<vmem>> -> memref<4096xi32, #tpu.memory_space<vmem>>
      %dma_start3A_635 = tpu.memref_slice %arg2[%add3A_630] : memref<851968xi32, #tpu.memory_space<hbm>> -> memref<4096xi32, #tpu.memory_space<hbm>>
      %dma_start3A_636 = arith.constant 0 : i32
      %dma_start3A_637 = tpu.memref_slice %arg9[%dma_start3A_631, %dma_start3A_636] : memref<2x4096xi32, #tpu.memory_space<vmem>> -> memref<1x4096xi32, #tpu.memory_space<vmem>>
      %dma_start3A_638 = tpu.memref_squeeze %dma_start3A_637 : memref<1x4096xi32, #tpu.memory_space<vmem>> -> memref<4096xi32, #tpu.memory_space<vmem>>
      %dma_start3A_639 = tpu.memref_slice %arg2[%add3A_630] : memref<851968xi32, #tpu.memory_space<hbm>> -> memref<4096xi32, #tpu.memory_space<hbm>>
      tpu.enqueue_dma source(%dma_start3A_639 : memref<4096xi32, #tpu.memory_space<hbm>>) target(%dma_start3A_638 : memref<4096xi32, #tpu.memory_space<vmem>>) target_semaphore(%arg12 : memref<!tpu.dma_semaphore, #tpu.memory_space<semaphore_mem>>)
      %dma_start3A_640 = arith.constant 0 : i32
      %dma_start3A_641 = arith.constant 0 : i32
      %dma_start3A_642 = tpu.memref_slice %arg10[%dma_start3A_640, %dma_start3A_641] : memref<2x4096xi32, #tpu.memory_space<vmem>> -> memref<1x4096xi32, #tpu.memory_space<vmem>>
      %dma_start3A_643 = tpu.memref_squeeze %dma_start3A_642 : memref<1x4096xi32, #tpu.memory_space<vmem>> -> memref<4096xi32, #tpu.memory_space<vmem>>
      %dma_start3A_644 = tpu.memref_slice %arg3[%add3A_630] : memref<851968xi32, #tpu.memory_space<hbm>> -> memref<4096xi32, #tpu.memory_space<hbm>>
      %dma_start3A_645 = arith.constant 0 : i32
      %dma_start3A_646 = tpu.memref_slice %arg10[%dma_start3A_640, %dma_start3A_645] : memref<2x4096xi32, #tpu.memory_space<vmem>> -> memref<1x4096xi32, #tpu.memory_space<vmem>>
      %dma_start3A_647 = tpu.memref_squeeze %dma_start3A_646 : memref<1x4096xi32, #tpu.memory_space<vmem>> -> memref<4096xi32, #tpu.memory_space<vmem>>
      %dma_start3A_648 = tpu.memref_slice %arg3[%add3A_630] : memref<851968xi32, #tpu.memory_space<hbm>> -> memref<4096xi32, #tpu.memory_space<hbm>>
      tpu.enqueue_dma source(%dma_start3A_648 : memref<4096xi32, #tpu.memory_space<hbm>>) target(%dma_start3A_647 : memref<4096xi32, #tpu.memory_space<vmem>>) target_semaphore(%arg12 : memref<!tpu.dma_semaphore, #tpu.memory_space<semaphore_mem>>)
      %dma_start3A_649 = arith.constant 0 : i32
      %dma_start3A_650 = arith.constant 0 : i32
      %dma_start3A_651 = tpu.memref_slice %arg11[%dma_start3A_649, %dma_start3A_650] : memref<2x4096xf32, #tpu.memory_space<vmem>> -> memref<1x4096xf32, #tpu.memory_space<vmem>>
      %dma_start3A_652 = tpu.memref_squeeze %dma_start3A_651 : memref<1x4096xf32, #tpu.memory_space<vmem>> -> memref<4096xf32, #tpu.memory_space<vmem>>
      %dma_start3A_653 = tpu.memref_slice %arg5[%select_n3A_47, %add3A_630] : memref<8x851968xf32, #tpu.memory_space<hbm>> -> memref<1x4096xf32, #tpu.memory_space<hbm>>
      %dma_start3A_654 = tpu.memref_squeeze %dma_start3A_653 : memref<1x4096xf32, #tpu.memory_space<hbm>> -> memref<4096xf32, #tpu.memory_space<hbm>>
      %dma_start3A_655 = arith.constant 0 : i32
      %dma_start3A_656 = tpu.memref_slice %arg11[%dma_start3A_649, %dma_start3A_655] : memref<2x4096xf32, #tpu.memory_space<vmem>> -> memref<1x4096xf32, #tpu.memory_space<vmem>>
      %dma_start3A_657 = tpu.memref_squeeze %dma_start3A_656 : memref<1x4096xf32, #tpu.memory_space<vmem>> -> memref<4096xf32, #tpu.memory_space<vmem>>
      %dma_start3A_658 = tpu.memref_slice %arg5[%select_n3A_47, %add3A_630] : memref<8x851968xf32, #tpu.memory_space<hbm>> -> memref<1x4096xf32, #tpu.memory_space<hbm>>
      %dma_start3A_659 = tpu.memref_squeeze %dma_start3A_658 : memref<1x4096xf32, #tpu.memory_space<hbm>> -> memref<4096xf32, #tpu.memory_space<hbm>>
      tpu.enqueue_dma source(%dma_start3A_659 : memref<4096xf32, #tpu.memory_space<hbm>>) target(%dma_start3A_657 : memref<4096xf32, #tpu.memory_space<vmem>>) target_semaphore(%arg12 : memref<!tpu.dma_semaphore, #tpu.memory_space<semaphore_mem>>)
      %dma_wait3A_660 = arith.constant 1 : i32
      %dma_wait3A_661 = arith.constant 0 : i32
      %dma_wait3A_662 = tpu.memref_slice %arg9[%dma_wait3A_660, %dma_wait3A_661] : memref<2x4096xi32, #tpu.memory_space<vmem>> -> memref<1x4096xi32, #tpu.memory_space<vmem>>
      %dma_wait3A_663 = tpu.memref_squeeze %dma_wait3A_662 : memref<1x4096xi32, #tpu.memory_space<vmem>> -> memref<4096xi32, #tpu.memory_space<vmem>>
      %dma_wait3A_664 = arith.constant 0 : i32
      %dma_wait3A_665 = tpu.memref_slice %arg2[%dma_wait3A_664] : memref<851968xi32, #tpu.memory_space<hbm>> -> memref<4096xi32, #tpu.memory_space<hbm>>
      %dma_wait3A_666 = arith.constant 0 : i32
      %dma_wait3A_667 = tpu.memref_slice %arg9[%dma_wait3A_660, %dma_wait3A_666] : memref<2x4096xi32, #tpu.memory_space<vmem>> -> memref<1x4096xi32, #tpu.memory_space<vmem>>
      %dma_wait3A_668 = tpu.memref_squeeze %dma_wait3A_667 : memref<1x4096xi32, #tpu.memory_space<vmem>> -> memref<4096xi32, #tpu.memory_space<vmem>>
      %dma_wait3A_669 = arith.constant 0 : i32
      %dma_wait3A_670 = tpu.memref_slice %arg2[%dma_wait3A_669] : memref<851968xi32, #tpu.memory_space<hbm>> -> memref<4096xi32, #tpu.memory_space<hbm>>
      tpu.wait_dma2 semaphore(%arg13 : memref<!tpu.dma_semaphore, #tpu.memory_space<semaphore_mem>>) src(%dma_wait3A_670 : memref<4096xi32, #tpu.memory_space<hbm>>) dst(%dma_wait3A_668 : memref<4096xi32, #tpu.memory_space<vmem>>)
      %dma_wait3A_671 = arith.constant 1 : i32
      %dma_wait3A_672 = arith.constant 0 : i32
      %dma_wait3A_673 = tpu.memref_slice %arg10[%dma_wait3A_671, %dma_wait3A_672] : memref<2x4096xi32, #tpu.memory_space<vmem>> -> memref<1x4096xi32, #tpu.memory_space<vmem>>
      %dma_wait3A_674 = tpu.memref_squeeze %dma_wait3A_673 : memref<1x4096xi32, #tpu.memory_space<vmem>> -> memref<4096xi32, #tpu.memory_space<vmem>>
      %dma_wait3A_675 = arith.constant 0 : i32
      %dma_wait3A_676 = tpu.memref_slice %arg3[%dma_wait3A_675] : memref<851968xi32, #tpu.memory_space<hbm>> -> memref<4096xi32, #tpu.memory_space<hbm>>
      %dma_wait3A_677 = arith.constant 0 : i32
      %dma_wait3A_678 = tpu.memref_slice %arg10[%dma_wait3A_671, %dma_wait3A_677] : memref<2x4096xi32, #tpu.memory_space<vmem>> -> memref<1x4096xi32, #tpu.memory_space<vmem>>
      %dma_wait3A_679 = tpu.memref_squeeze %dma_wait3A_678 : memref<1x4096xi32, #tpu.memory_space<vmem>> -> memref<4096xi32, #tpu.memory_space<vmem>>
      %dma_wait3A_680 = arith.constant 0 : i32
      %dma_wait3A_681 = tpu.memref_slice %arg3[%dma_wait3A_680] : memref<851968xi32, #tpu.memory_space<hbm>> -> memref<4096xi32, #tpu.memory_space<hbm>>
      tpu.wait_dma2 semaphore(%arg13 : memref<!tpu.dma_semaphore, #tpu.memory_space<semaphore_mem>>) src(%dma_wait3A_681 : memref<4096xi32, #tpu.memory_space<hbm>>) dst(%dma_wait3A_679 : memref<4096xi32, #tpu.memory_space<vmem>>)
      %dma_wait3A_682 = arith.constant 1 : i32
      %dma_wait3A_683 = arith.constant 0 : i32
      %dma_wait3A_684 = tpu.memref_slice %arg11[%dma_wait3A_682, %dma_wait3A_683] : memref<2x4096xf32, #tpu.memory_space<vmem>> -> memref<1x4096xf32, #tpu.memory_space<vmem>>
      %dma_wait3A_685 = tpu.memref_squeeze %dma_wait3A_684 : memref<1x4096xf32, #tpu.memory_space<vmem>> -> memref<4096xf32, #tpu.memory_space<vmem>>
      %dma_wait3A_686 = arith.constant 0 : i32
      %dma_wait3A_687 = tpu.memref_slice %arg5[%select_n3A_47, %dma_wait3A_686] : memref<8x851968xf32, #tpu.memory_space<hbm>> -> memref<1x4096xf32, #tpu.memory_space<hbm>>
      %dma_wait3A_688 = tpu.memref_squeeze %dma_wait3A_687 : memref<1x4096xf32, #tpu.memory_space<hbm>> -> memref<4096xf32, #tpu.memory_space<hbm>>
      %dma_wait3A_689 = arith.constant 0 : i32
      %dma_wait3A_690 = tpu.memref_slice %arg11[%dma_wait3A_682, %dma_wait3A_689] : memref<2x4096xf32, #tpu.memory_space<vmem>> -> memref<1x4096xf32, #tpu.memory_space<vmem>>
      %dma_wait3A_691 = tpu.memref_squeeze %dma_wait3A_690 : memref<1x4096xf32, #tpu.memory_space<vmem>> -> memref<4096xf32, #tpu.memory_space<vmem>>
      %dma_wait3A_692 = arith.constant 0 : i32
      %dma_wait3A_693 = tpu.memref_slice %arg5[%select_n3A_47, %dma_wait3A_692] : memref<8x851968xf32, #tpu.memory_space<hbm>> -> memref<1x4096xf32, #tpu.memory_space<hbm>>
      %dma_wait3A_694 = tpu.memref_squeeze %dma_wait3A_693 : memref<1x4096xf32, #tpu.memory_space<hbm>> -> memref<4096xf32, #tpu.memory_space<hbm>>
      tpu.wait_dma2 semaphore(%arg13 : memref<!tpu.dma_semaphore, #tpu.memory_space<semaphore_mem>>) src(%dma_wait3A_694 : memref<4096xf32, #tpu.memory_space<hbm>>) dst(%dma_wait3A_691 : memref<4096xf32, #tpu.memory_space<vmem>>)
      %scan3A_695 = arith.constant 0 : i32
      %scan3A_696 = arith.constant 0 : i32
      %scan3A_697 = arith.constant 256 : i32
      %scan3A_698 = arith.addi %scan3A_696, %scan3A_697 : i32
      %scan3A_699 = arith.constant 1 : i32
      %scan3A_700 = scf.for %scan3A_703 = %scan3A_696 to %scan3A_698 step %scan3A_699 iter_args(%scan3A_704 = %scan3A_695) -> (i32)  : i32 {
        %mul3A_705 = arith.constant 16 : i32
        %mul3A_706 = arith.muli %scan3A_703, %mul3A_705 : i32
        %get3A = arith.constant 1 : i32
        %get3A_707 = arith.index_cast %get3A : i32 to index
        %get3A_708 = arith.index_cast %mul3A_706 : i32 to index
        %get3A_709 = tpu.vector_load %arg9[%get3A_707, %get3A_708] {strides = array<i32>} : memref<2x4096xi32, #tpu.memory_space<vmem>>, vector<16xi32>,
        %mul3A_710 = arith.constant 16 : i32
        %mul3A_711 = arith.muli %scan3A_703, %mul3A_710 : i32
        %get3A_712 = arith.constant 1 : i32
        %get3A_713 = arith.index_cast %get3A_712 : i32 to index
        %get3A_714 = arith.index_cast %mul3A_711 : i32 to index
        %get3A_715 = tpu.vector_load %arg10[%get3A_713, %get3A_714] {strides = array<i32>} : memref<2x4096xi32, #tpu.memory_space<vmem>>, vector<16xi32>,
        %mul3A_716 = arith.constant 16 : i32
        %mul3A_717 = arith.muli %scan3A_703, %mul3A_716 : i32
        %get3A_718 = arith.constant 1 : i32
        %get3A_719 = arith.index_cast %get3A_718 : i32 to index
        %get3A_720 = arith.index_cast %mul3A_717 : i32 to index
        %get3A_721 = tpu.vector_load %arg11[%get3A_719, %get3A_720] {strides = array<i32>} : memref<2x4096xf32, #tpu.memory_space<vmem>>, vector<16xf32>,
        %gather3A = tpu.vector_load_idx %arg7[%get3A_709] : memref<50176xf32, #tpu.memory_space<vmem>>[vector<16xi32>], vector<16xf32>,
        %mul3A_722 = arith.mulf %gather3A, %get3A_721 : vector<16xf32>
        tpu.vector_store_idx %arg8[%get3A_715], %mul3A_722 {add = true} : memref<50176xf32, #tpu.memory_space<vmem>>[vector<16xi32>], vector<16xf32>,
        %scan3A_723 = arith.constant 0 : i32
        scf.yield %scan3A_723 : i32
      }
      %scan3A_701 = arith.constant 256 : i32
      %scan3A_702 = arith.constant 0 : i32
      scf.yield %scan3A_702 : i32
    }
    %scan3A_91 = arith.constant 52 : i32
    %dma_wait3A = arith.constant 0 : i32
    %dma_wait3A_92 = arith.constant 0 : i32
    %dma_wait3A_93 = tpu.memref_slice %arg9[%dma_wait3A, %dma_wait3A_92] : memref<2x4096xi32, #tpu.memory_space<vmem>> -> memref<1x4096xi32, #tpu.memory_space<vmem>>
    %dma_wait3A_94 = tpu.memref_squeeze %dma_wait3A_93 : memref<1x4096xi32, #tpu.memory_space<vmem>> -> memref<4096xi32, #tpu.memory_space<vmem>>
    %dma_wait3A_95 = arith.constant 0 : i32
    %dma_wait3A_96 = tpu.memref_slice %arg2[%dma_wait3A_95] : memref<851968xi32, #tpu.memory_space<hbm>> -> memref<4096xi32, #tpu.memory_space<hbm>>
    %dma_wait3A_97 = arith.constant 0 : i32
    %dma_wait3A_98 = tpu.memref_slice %arg9[%dma_wait3A, %dma_wait3A_97] : memref<2x4096xi32, #tpu.memory_space<vmem>> -> memref<1x4096xi32, #tpu.memory_space<vmem>>
    %dma_wait3A_99 = tpu.memref_squeeze %dma_wait3A_98 : memref<1x4096xi32, #tpu.memory_space<vmem>> -> memref<4096xi32, #tpu.memory_space<vmem>>
    %dma_wait3A_100 = arith.constant 0 : i32
    %dma_wait3A_101 = tpu.memref_slice %arg2[%dma_wait3A_100] : memref<851968xi32, #tpu.memory_space<hbm>> -> memref<4096xi32, #tpu.memory_space<hbm>>
    tpu.wait_dma2 semaphore(%arg12 : memref<!tpu.dma_semaphore, #tpu.memory_space<semaphore_mem>>) src(%dma_wait3A_101 : memref<4096xi32, #tpu.memory_space<hbm>>) dst(%dma_wait3A_99 : memref<4096xi32, #tpu.memory_space<vmem>>)
    %dma_wait3A_102 = arith.constant 0 : i32
    %dma_wait3A_103 = arith.constant 0 : i32
    %dma_wait3A_104 = tpu.memref_slice %arg10[%dma_wait3A_102, %dma_wait3A_103] : memref<2x4096xi32, #tpu.memory_space<vmem>> -> memref<1x4096xi32, #tpu.memory_space<vmem>>
    %dma_wait3A_105 = tpu.memref_squeeze %dma_wait3A_104 : memref<1x4096xi32, #tpu.memory_space<vmem>> -> memref<4096xi32, #tpu.memory_space<vmem>>
    %dma_wait3A_106 = arith.constant 0 : i32
    %dma_wait3A_107 = tpu.memref_slice %arg3[%dma_wait3A_106] : memref<851968xi32, #tpu.memory_space<hbm>> -> memref<4096xi32, #tpu.memory_space<hbm>>
    %dma_wait3A_108 = arith.constant 0 : i32
    %dma_wait3A_109 = tpu.memref_slice %arg10[%dma_wait3A_102, %dma_wait3A_108] : memref<2x4096xi32, #tpu.memory_space<vmem>> -> memref<1x4096xi32, #tpu.memory_space<vmem>>
    %dma_wait3A_110 = tpu.memref_squeeze %dma_wait3A_109 : memref<1x4096xi32, #tpu.memory_space<vmem>> -> memref<4096xi32, #tpu.memory_space<vmem>>
    %dma_wait3A_111 = arith.constant 0 : i32
    %dma_wait3A_112 = tpu.memref_slice %arg3[%dma_wait3A_111] : memref<851968xi32, #tpu.memory_space<hbm>> -> memref<4096xi32, #tpu.memory_space<hbm>>
    tpu.wait_dma2 semaphore(%arg12 : memref<!tpu.dma_semaphore, #tpu.memory_space<semaphore_mem>>) src(%dma_wait3A_112 : memref<4096xi32, #tpu.memory_space<hbm>>) dst(%dma_wait3A_110 : memref<4096xi32, #tpu.memory_space<vmem>>)
    %dma_wait3A_113 = arith.constant 0 : i32
    %dma_wait3A_114 = arith.constant 0 : i32
    %dma_wait3A_115 = tpu.memref_slice %arg11[%dma_wait3A_113, %dma_wait3A_114] : memref<2x4096xf32, #tpu.memory_space<vmem>> -> memref<1x4096xf32, #tpu.memory_space<vmem>>
    %dma_wait3A_116 = tpu.memref_squeeze %dma_wait3A_115 : memref<1x4096xf32, #tpu.memory_space<vmem>> -> memref<4096xf32, #tpu.memory_space<vmem>>
    %dma_wait3A_117 = arith.constant 0 : i32
    %dma_wait3A_118 = tpu.memref_slice %arg5[%select_n3A_47, %dma_wait3A_117] : memref<8x851968xf32, #tpu.memory_space<hbm>> -> memref<1x4096xf32, #tpu.memory_space<hbm>>
    %dma_wait3A_119 = tpu.memref_squeeze %dma_wait3A_118 : memref<1x4096xf32, #tpu.memory_space<hbm>> -> memref<4096xf32, #tpu.memory_space<hbm>>
    %dma_wait3A_120 = arith.constant 0 : i32
    %dma_wait3A_121 = tpu.memref_slice %arg11[%dma_wait3A_113, %dma_wait3A_120] : memref<2x4096xf32, #tpu.memory_space<vmem>> -> memref<1x4096xf32, #tpu.memory_space<vmem>>
    %dma_wait3A_122 = tpu.memref_squeeze %dma_wait3A_121 : memref<1x4096xf32, #tpu.memory_space<vmem>> -> memref<4096xf32, #tpu.memory_space<vmem>>
    %dma_wait3A_123 = arith.constant 0 : i32
    %dma_wait3A_124 = tpu.memref_slice %arg5[%select_n3A_47, %dma_wait3A_123] : memref<8x851968xf32, #tpu.memory_space<hbm>> -> memref<1x4096xf32, #tpu.memory_space<hbm>>
    %dma_wait3A_125 = tpu.memref_squeeze %dma_wait3A_124 : memref<1x4096xf32, #tpu.memory_space<hbm>> -> memref<4096xf32, #tpu.memory_space<hbm>>
    tpu.wait_dma2 semaphore(%arg12 : memref<!tpu.dma_semaphore, #tpu.memory_space<semaphore_mem>>) src(%dma_wait3A_125 : memref<4096xf32, #tpu.memory_space<hbm>>) dst(%dma_wait3A_122 : memref<4096xf32, #tpu.memory_space<vmem>>)
    "tpu.region"() ({
      %run_scoped3A = tpu.sem_alloc : memref<!tpu.dma_semaphore, #tpu.memory_space<semaphore_mem>>
      %dma_start3A_537 = arith.constant 0 : i32
      %dma_start3A_538 = tpu.memref_slice %arg6[%sub3A_23, %select_n3A, %dma_start3A_537] : memref<2x64x50176xf32, #tpu.memory_space<hbm>> -> memref<1x1x50176xf32, #tpu.memory_space<hbm>>
      %dma_start3A_539 = tpu.memref_squeeze %dma_start3A_538 : memref<1x1x50176xf32, #tpu.memory_space<hbm>> -> memref<50176xf32, #tpu.memory_space<hbm>>
      %dma_start3A_540 = arith.constant 0 : i32
      %dma_start3A_541 = tpu.memref_slice %arg6[%sub3A_23, %select_n3A, %dma_start3A_540] : memref<2x64x50176xf32, #tpu.memory_space<hbm>> -> memref<1x1x50176xf32, #tpu.memory_space<hbm>>
      %dma_start3A_542 = tpu.memref_squeeze %dma_start3A_541 : memref<1x1x50176xf32, #tpu.memory_space<hbm>> -> memref<50176xf32, #tpu.memory_space<hbm>>
      tpu.enqueue_dma source(%arg8 : memref<50176xf32, #tpu.memory_space<vmem>>) target(%dma_start3A_542 : memref<50176xf32, #tpu.memory_space<hbm>>) target_semaphore(%run_scoped3A : memref<!tpu.dma_semaphore, #tpu.memory_space<semaphore_mem>>)
      %dma_wait3A_543 = arith.constant 0 : i32
      %dma_wait3A_544 = tpu.memref_slice %arg6[%sub3A_23, %select_n3A, %dma_wait3A_543] : memref<2x64x50176xf32, #tpu.memory_space<hbm>> -> memref<1x1x50176xf32, #tpu.memory_space<hbm>>
      %dma_wait3A_545 = tpu.memref_squeeze %dma_wait3A_544 : memref<1x1x50176xf32, #tpu.memory_space<hbm>> -> memref<50176xf32, #tpu.memory_space<hbm>>
      %dma_wait3A_546 = arith.constant 0 : i32
      %dma_wait3A_547 = tpu.memref_slice %arg6[%sub3A_23, %select_n3A, %dma_wait3A_546] : memref<2x64x50176xf32, #tpu.memory_space<hbm>> -> memref<1x1x50176xf32, #tpu.memory_space<hbm>>
      %dma_wait3A_548 = tpu.memref_squeeze %dma_wait3A_547 : memref<1x1x50176xf32, #tpu.memory_space<hbm>> -> memref<50176xf32, #tpu.memory_space<hbm>>
      tpu.wait_dma2 semaphore(%run_scoped3A : memref<!tpu.dma_semaphore, #tpu.memory_space<semaphore_mem>>) src(%arg8 : memref<50176xf32, #tpu.memory_space<vmem>>) dst(%dma_wait3A_548 : memref<50176xf32, #tpu.memory_space<hbm>>)
      tpu.yield
    }) : () -> ()
    %mul3A_126 = arith.constant 4 : i32
    %mul3A_127 = arith.muli %add3A, %mul3A_126 : i32
    %add3A_128 = arith.constant 1 : i32
    %add3A_129 = arith.addi %mul3A_127, %add3A_128 : i32
    %jit3A_130 = arith.constant 2 : i32
    %div3A_131 = arith.divsi %add3A_129, %jit3A_130 : i32
    %sign3A_132 = arith.constant 0 : i32
    %sign3A_133 = arith.cmpi sgt, %add3A_129, %sign3A_132 : i32
    %sign3A_134 = arith.extui %sign3A_133 : i1 to i32
    %sign3A_135 = arith.constant 0 : i32
    %sign3A_136 = arith.cmpi slt, %add3A_129, %sign3A_135 : i32
    %sign3A_137 = arith.extui %sign3A_136 : i1 to i32
    %sign3A_138 = arith.subi %sign3A_134, %sign3A_137 : i32
    %sign3A_139 = arith.constant 0 : i32
    %sign3A_140 = arith.cmpi sgt, %jit3A_130, %sign3A_139 : i32
    %sign3A_141 = arith.extui %sign3A_140 : i1 to i32
    %sign3A_142 = arith.constant 0 : i32
    %sign3A_143 = arith.cmpi slt, %jit3A_130, %sign3A_142 : i32
    %sign3A_144 = arith.extui %sign3A_143 : i1 to i32
    %sign3A_145 = arith.subi %sign3A_141, %sign3A_144 : i32
    %ne3A_146 = arith.cmpi ne, %sign3A_138, %sign3A_145 : i32
    %rem3A_147 = arith.remsi %add3A_129, %jit3A_130 : i32
    %ne3A_148 = arith.constant 0 : i32
    %ne3A_149 = arith.cmpi ne, %rem3A_147, %ne3A_148 : i32
    %and3A_150 = arith.andi %ne3A_146, %ne3A_149 : i1
    %sub3A_151 = arith.constant 1 : i32
    %sub3A_152 = arith.subi %div3A_131, %sub3A_151 : i32
    %select_n3A_153 = arith.select %and3A_150, %sub3A_152, %div3A_131 : i32
    %mul3A_154 = arith.constant 2 : i32
    %mul3A_155 = arith.muli %select_n3A_153, %mul3A_154 : i32
    %sub3A_156 = arith.subi %add3A_129, %mul3A_155 : i32
    %jit3A_157 = arith.constant 8 : i32
    %div3A_158 = arith.divsi %select_n3A_153, %jit3A_157 : i32
    %sign3A_159 = arith.constant 0 : i32
    %sign3A_160 = arith.cmpi sgt, %select_n3A_153, %sign3A_159 : i32
    %sign3A_161 = arith.extui %sign3A_160 : i1 to i32
    %sign3A_162 = arith.constant 0 : i32
    %sign3A_163 = arith.cmpi slt, %select_n3A_153, %sign3A_162 : i32
    %sign3A_164 = arith.extui %sign3A_163 : i1 to i32
    %sign3A_165 = arith.subi %sign3A_161, %sign3A_164 : i32
    %sign3A_166 = arith.constant 0 : i32
    %sign3A_167 = arith.cmpi sgt, %jit3A_157, %sign3A_166 : i32
    %sign3A_168 = arith.extui %sign3A_167 : i1 to i32
    %sign3A_169 = arith.constant 0 : i32
    %sign3A_170 = arith.cmpi slt, %jit3A_157, %sign3A_169 : i32
    %sign3A_171 = arith.extui %sign3A_170 : i1 to i32
    %sign3A_172 = arith.subi %sign3A_168, %sign3A_171 : i32
    %ne3A_173 = arith.cmpi ne, %sign3A_165, %sign3A_172 : i32
    %rem3A_174 = arith.remsi %select_n3A_153, %jit3A_157 : i32
    %ne3A_175 = arith.constant 0 : i32
    %ne3A_176 = arith.cmpi ne, %rem3A_174, %ne3A_175 : i32
    %and3A_177 = arith.andi %ne3A_173, %ne3A_176 : i1
    %sub3A_178 = arith.constant 1 : i32
    %sub3A_179 = arith.subi %div3A_158, %sub3A_178 : i32
    %select_n3A_180 = arith.select %and3A_177, %sub3A_179, %div3A_158 : i32
    %broadcast_in_dim3A_181 = arith.constant 0.000000e+00 : f32
    %broadcast_in_dim3A_182 = vector.broadcast %broadcast_in_dim3A_181 : f32 to vector<16xf32>
    %scan3A_183 = arith.constant 0 : i32
    %scan3A_184 = arith.constant 0 : i32
    %scan3A_185 = arith.constant 3136 : i32
    %scan3A_186 = arith.addi %scan3A_184, %scan3A_185 : i32
    %scan3A_187 = arith.constant 1 : i32
    %scan3A_188 = scf.for %scan3A_537 = %scan3A_184 to %scan3A_186 step %scan3A_187 iter_args(%scan3A_538 = %scan3A_183) -> (i32)  : i32 {
      %mul3A_539 = arith.constant 16 : i32
      %mul3A_540 = arith.muli %scan3A_537, %mul3A_539 : i32
      %swap3A = arith.index_cast %mul3A_540 : i32 to index
      %swap3A_541 = tpu.vector_load %arg8[%swap3A] {strides = array<i32>} : memref<50176xf32, #tpu.memory_space<vmem>>, vector<16xf32>,
      tpu.vector_store %arg8[%swap3A], %broadcast_in_dim3A_182 {strides = array<i32>} : memref<50176xf32, #tpu.memory_space<vmem>>, vector<16xf32>,
      %scan3A_542 = arith.constant 0 : i32
      scf.yield %scan3A_542 : i32
    }
    %scan3A_189 = arith.constant 3136 : i32
    "tpu.region"() ({
      %run_scoped3A = tpu.sem_alloc : memref<!tpu.dma_semaphore, #tpu.memory_space<semaphore_mem>>
      %dma_start3A_537 = arith.constant 0 : i32
      %dma_start3A_538 = tpu.memref_slice %arg4[%select_n3A_153, %dma_start3A_537] : memref<64x50176xf32, #tpu.memory_space<hbm>> -> memref<1x50176xf32, #tpu.memory_space<hbm>>
      %dma_start3A_539 = tpu.memref_squeeze %dma_start3A_538 : memref<1x50176xf32, #tpu.memory_space<hbm>> -> memref<50176xf32, #tpu.memory_space<hbm>>
      %dma_start3A_540 = arith.constant 0 : i32
      %dma_start3A_541 = tpu.memref_slice %arg4[%select_n3A_153, %dma_start3A_540] : memref<64x50176xf32, #tpu.memory_space<hbm>> -> memref<1x50176xf32, #tpu.memory_space<hbm>>
      %dma_start3A_542 = tpu.memref_squeeze %dma_start3A_541 : memref<1x50176xf32, #tpu.memory_space<hbm>> -> memref<50176xf32, #tpu.memory_space<hbm>>
      tpu.enqueue_dma source(%dma_start3A_542 : memref<50176xf32, #tpu.memory_space<hbm>>) target(%arg7 : memref<50176xf32, #tpu.memory_space<vmem>>) target_semaphore(%run_scoped3A : memref<!tpu.dma_semaphore, #tpu.memory_space<semaphore_mem>>)
      %dma_wait3A_543 = arith.constant 0 : i32
      %dma_wait3A_544 = tpu.memref_slice %arg4[%select_n3A_153, %dma_wait3A_543] : memref<64x50176xf32, #tpu.memory_space<hbm>> -> memref<1x50176xf32, #tpu.memory_space<hbm>>
      %dma_wait3A_545 = tpu.memref_squeeze %dma_wait3A_544 : memref<1x50176xf32, #tpu.memory_space<hbm>> -> memref<50176xf32, #tpu.memory_space<hbm>>
      %dma_wait3A_546 = arith.constant 0 : i32
      %dma_wait3A_547 = tpu.memref_slice %arg4[%select_n3A_153, %dma_wait3A_546] : memref<64x50176xf32, #tpu.memory_space<hbm>> -> memref<1x50176xf32, #tpu.memory_space<hbm>>
      %dma_wait3A_548 = tpu.memref_squeeze %dma_wait3A_547 : memref<1x50176xf32, #tpu.memory_space<hbm>> -> memref<50176xf32, #tpu.memory_space<hbm>>
      tpu.wait_dma2 semaphore(%run_scoped3A : memref<!tpu.dma_semaphore, #tpu.memory_space<semaphore_mem>>) src(%dma_wait3A_548 : memref<50176xf32, #tpu.memory_space<hbm>>) dst(%arg7 : memref<50176xf32, #tpu.memory_space<vmem>>)
      tpu.yield
    }) : () -> ()
    %mul3A_190 = arith.constant 425984 : i32
    %mul3A_191 = arith.muli %sub3A_156, %mul3A_190 : i32
    %dma_start3A_192 = arith.constant 0 : i32
    %dma_start3A_193 = arith.constant 0 : i32
    %dma_start3A_194 = tpu.memref_slice %arg9[%dma_start3A_192, %dma_start3A_193] : memref<2x4096xi32, #tpu.memory_space<vmem>> -> memref<1x4096xi32, #tpu.memory_space<vmem>>
    %dma_start3A_195 = tpu.memref_squeeze %dma_start3A_194 : memref<1x4096xi32, #tpu.memory_space<vmem>> -> memref<4096xi32, #tpu.memory_space<vmem>>
    %dma_start3A_196 = tpu.memref_slice %arg2[%mul3A_191] : memref<851968xi32, #tpu.memory_space<hbm>> -> memref<4096xi32, #tpu.memory_space<hbm>>
    %dma_start3A_197 = arith.constant 0 : i32
    %dma_start3A_198 = tpu.memref_slice %arg9[%dma_start3A_192, %dma_start3A_197] : memref<2x4096xi32, #tpu.memory_space<vmem>> -> memref<1x4096xi32, #tpu.memory_space<vmem>>
    %dma_start3A_199 = tpu.memref_squeeze %dma_start3A_198 : memref<1x4096xi32, #tpu.memory_space<vmem>> -> memref<4096xi32, #tpu.memory_space<vmem>>
    %dma_start3A_200 = tpu.memref_slice %arg2[%mul3A_191] : memref<851968xi32, #tpu.memory_space<hbm>> -> memref<4096xi32, #tpu.memory_space<hbm>>
    tpu.enqueue_dma source(%dma_start3A_200 : memref<4096xi32, #tpu.memory_space<hbm>>) target(%dma_start3A_199 : memref<4096xi32, #tpu.memory_space<vmem>>) target_semaphore(%arg12 : memref<!tpu.dma_semaphore, #tpu.memory_space<semaphore_mem>>)
    %dma_start3A_201 = arith.constant 0 : i32
    %dma_start3A_202 = arith.constant 0 : i32
    %dma_start3A_203 = tpu.memref_slice %arg10[%dma_start3A_201, %dma_start3A_202] : memref<2x4096xi32, #tpu.memory_space<vmem>> -> memref<1x4096xi32, #tpu.memory_space<vmem>>
    %dma_start3A_204 = tpu.memref_squeeze %dma_start3A_203 : memref<1x4096xi32, #tpu.memory_space<vmem>> -> memref<4096xi32, #tpu.memory_space<vmem>>
    %dma_start3A_205 = tpu.memref_slice %arg3[%mul3A_191] : memref<851968xi32, #tpu.memory_space<hbm>> -> memref<4096xi32, #tpu.memory_space<hbm>>
    %dma_start3A_206 = arith.constant 0 : i32
    %dma_start3A_207 = tpu.memref_slice %arg10[%dma_start3A_201, %dma_start3A_206] : memref<2x4096xi32, #tpu.memory_space<vmem>> -> memref<1x4096xi32, #tpu.memory_space<vmem>>
    %dma_start3A_208 = tpu.memref_squeeze %dma_start3A_207 : memref<1x4096xi32, #tpu.memory_space<vmem>> -> memref<4096xi32, #tpu.memory_space<vmem>>
    %dma_start3A_209 = tpu.memref_slice %arg3[%mul3A_191] : memref<851968xi32, #tpu.memory_space<hbm>> -> memref<4096xi32, #tpu.memory_space<hbm>>
    tpu.enqueue_dma source(%dma_start3A_209 : memref<4096xi32, #tpu.memory_space<hbm>>) target(%dma_start3A_208 : memref<4096xi32, #tpu.memory_space<vmem>>) target_semaphore(%arg12 : memref<!tpu.dma_semaphore, #tpu.memory_space<semaphore_mem>>)
    %dma_start3A_210 = arith.constant 0 : i32
    %dma_start3A_211 = arith.constant 0 : i32
    %dma_start3A_212 = tpu.memref_slice %arg11[%dma_start3A_210, %dma_start3A_211] : memref<2x4096xf32, #tpu.memory_space<vmem>> -> memref<1x4096xf32, #tpu.memory_space<vmem>>
    %dma_start3A_213 = tpu.memref_squeeze %dma_start3A_212 : memref<1x4096xf32, #tpu.memory_space<vmem>> -> memref<4096xf32, #tpu.memory_space<vmem>>
    %dma_start3A_214 = tpu.memref_slice %arg5[%select_n3A_180, %mul3A_191] : memref<8x851968xf32, #tpu.memory_space<hbm>> -> memref<1x4096xf32, #tpu.memory_space<hbm>>
    %dma_start3A_215 = tpu.memref_squeeze %dma_start3A_214 : memref<1x4096xf32, #tpu.memory_space<hbm>> -> memref<4096xf32, #tpu.memory_space<hbm>>
    %dma_start3A_216 = arith.constant 0 : i32
    %dma_start3A_217 = tpu.memref_slice %arg11[%dma_start3A_210, %dma_start3A_216] : memref<2x4096xf32, #tpu.memory_space<vmem>> -> memref<1x4096xf32, #tpu.memory_space<vmem>>
    %dma_start3A_218 = tpu.memref_squeeze %dma_start3A_217 : memref<1x4096xf32, #tpu.memory_space<vmem>> -> memref<4096xf32, #tpu.memory_space<vmem>>
    %dma_start3A_219 = tpu.memref_slice %arg5[%select_n3A_180, %mul3A_191] : memref<8x851968xf32, #tpu.memory_space<hbm>> -> memref<1x4096xf32, #tpu.memory_space<hbm>>
    %dma_start3A_220 = tpu.memref_squeeze %dma_start3A_219 : memref<1x4096xf32, #tpu.memory_space<hbm>> -> memref<4096xf32, #tpu.memory_space<hbm>>
    tpu.enqueue_dma source(%dma_start3A_220 : memref<4096xf32, #tpu.memory_space<hbm>>) target(%dma_start3A_218 : memref<4096xf32, #tpu.memory_space<vmem>>) target_semaphore(%arg12 : memref<!tpu.dma_semaphore, #tpu.memory_space<semaphore_mem>>)
    %scan3A_221 = arith.constant 0 : i32
    %scan3A_222 = arith.constant 0 : i32
    %scan3A_223 = arith.constant 52 : i32
    %scan3A_224 = arith.addi %scan3A_222, %scan3A_223 : i32
    %scan3A_225 = arith.constant 1 : i32
    %scan3A_226 = scf.for %scan3A_537 = %scan3A_222 to %scan3A_224 step %scan3A_225 iter_args(%scan3A_538 = %scan3A_221) -> (i32)  : i32 {
      %mul3A_539 = arith.constant 2 : i32
      %mul3A_540 = arith.muli %mul3A_539, %scan3A_537 : i32
      %add3A_541 = arith.constant 1 : i32
      %add3A_542 = arith.addi %mul3A_540, %add3A_541 : i32
      %mul3A_543 = arith.constant 4096 : i32
      %mul3A_544 = arith.muli %add3A_542, %mul3A_543 : i32
      %add3A_545 = arith.addi %mul3A_191, %mul3A_544 : i32
      %dma_start3A_546 = arith.constant 1 : i32
      %dma_start3A_547 = arith.constant 0 : i32
      %dma_start3A_548 = tpu.memref_slice %arg9[%dma_start3A_546, %dma_start3A_547] : memref<2x4096xi32, #tpu.memory_space<vmem>> -> memref<1x4096xi32, #tpu.memory_space<vmem>>
      %dma_start3A_549 = tpu.memref_squeeze %dma_start3A_548 : memref<1x4096xi32, #tpu.memory_space<vmem>> -> memref<4096xi32, #tpu.memory_space<vmem>>
      %dma_start3A_550 = tpu.memref_slice %arg2[%add3A_545] : memref<851968xi32, #tpu.memory_space<hbm>> -> memref<4096xi32, #tpu.memory_space<hbm>>
      %dma_start3A_551 = arith.constant 0 : i32
      %dma_start3A_552 = tpu.memref_slice %arg9[%dma_start3A_546, %dma_start3A_551] : memref<2x4096xi32, #tpu.memory_space<vmem>> -> memref<1x4096xi32, #tpu.memory_space<vmem>>
      %dma_start3A_553 = tpu.memref_squeeze %dma_start3A_552 : memref<1x4096xi32, #tpu.memory_space<vmem>> -> memref<4096xi32, #tpu.memory_space<vmem>>
      %dma_start3A_554 = tpu.memref_slice %arg2[%add3A_545] : memref<851968xi32, #tpu.memory_space<hbm>> -> memref<4096xi32, #tpu.memory_space<hbm>>
      tpu.enqueue_dma source(%dma_start3A_554 : memref<4096xi32, #tpu.memory_space<hbm>>) target(%dma_start3A_553 : memref<4096xi32, #tpu.memory_space<vmem>>) target_semaphore(%arg13 : memref<!tpu.dma_semaphore, #tpu.memory_space<semaphore_mem>>)
      %dma_start3A_555 = arith.constant 1 : i32
      %dma_start3A_556 = arith.constant 0 : i32
      %dma_start3A_557 = tpu.memref_slice %arg10[%dma_start3A_555, %dma_start3A_556] : memref<2x4096xi32, #tpu.memory_space<vmem>> -> memref<1x4096xi32, #tpu.memory_space<vmem>>
      %dma_start3A_558 = tpu.memref_squeeze %dma_start3A_557 : memref<1x4096xi32, #tpu.memory_space<vmem>> -> memref<4096xi32, #tpu.memory_space<vmem>>
      %dma_start3A_559 = tpu.memref_slice %arg3[%add3A_545] : memref<851968xi32, #tpu.memory_space<hbm>> -> memref<4096xi32, #tpu.memory_space<hbm>>
      %dma_start3A_560 = arith.constant 0 : i32
      %dma_start3A_561 = tpu.memref_slice %arg10[%dma_start3A_555, %dma_start3A_560] : memref<2x4096xi32, #tpu.memory_space<vmem>> -> memref<1x4096xi32, #tpu.memory_space<vmem>>
      %dma_start3A_562 = tpu.memref_squeeze %dma_start3A_561 : memref<1x4096xi32, #tpu.memory_space<vmem>> -> memref<4096xi32, #tpu.memory_space<vmem>>
      %dma_start3A_563 = tpu.memref_slice %arg3[%add3A_545] : memref<851968xi32, #tpu.memory_space<hbm>> -> memref<4096xi32, #tpu.memory_space<hbm>>
      tpu.enqueue_dma source(%dma_start3A_563 : memref<4096xi32, #tpu.memory_space<hbm>>) target(%dma_start3A_562 : memref<4096xi32, #tpu.memory_space<vmem>>) target_semaphore(%arg13 : memref<!tpu.dma_semaphore, #tpu.memory_space<semaphore_mem>>)
      %dma_start3A_564 = arith.constant 1 : i32
      %dma_start3A_565 = arith.constant 0 : i32
      %dma_start3A_566 = tpu.memref_slice %arg11[%dma_start3A_564, %dma_start3A_565] : memref<2x4096xf32, #tpu.memory_space<vmem>> -> memref<1x4096xf32, #tpu.memory_space<vmem>>
      %dma_start3A_567 = tpu.memref_squeeze %dma_start3A_566 : memref<1x4096xf32, #tpu.memory_space<vmem>> -> memref<4096xf32, #tpu.memory_space<vmem>>
      %dma_start3A_568 = tpu.memref_slice %arg5[%select_n3A_180, %add3A_545] : memref<8x851968xf32, #tpu.memory_space<hbm>> -> memref<1x4096xf32, #tpu.memory_space<hbm>>
      %dma_start3A_569 = tpu.memref_squeeze %dma_start3A_568 : memref<1x4096xf32, #tpu.memory_space<hbm>> -> memref<4096xf32, #tpu.memory_space<hbm>>
      %dma_start3A_570 = arith.constant 0 : i32
      %dma_start3A_571 = tpu.memref_slice %arg11[%dma_start3A_564, %dma_start3A_570] : memref<2x4096xf32, #tpu.memory_space<vmem>> -> memref<1x4096xf32, #tpu.memory_space<vmem>>
      %dma_start3A_572 = tpu.memref_squeeze %dma_start3A_571 : memref<1x4096xf32, #tpu.memory_space<vmem>> -> memref<4096xf32, #tpu.memory_space<vmem>>
      %dma_start3A_573 = tpu.memref_slice %arg5[%select_n3A_180, %add3A_545] : memref<8x851968xf32, #tpu.memory_space<hbm>> -> memref<1x4096xf32, #tpu.memory_space<hbm>>
      %dma_start3A_574 = tpu.memref_squeeze %dma_start3A_573 : memref<1x4096xf32, #tpu.memory_space<hbm>> -> memref<4096xf32, #tpu.memory_space<hbm>>
      tpu.enqueue_dma source(%dma_start3A_574 : memref<4096xf32, #tpu.memory_space<hbm>>) target(%dma_start3A_572 : memref<4096xf32, #tpu.memory_space<vmem>>) target_semaphore(%arg13 : memref<!tpu.dma_semaphore, #tpu.memory_space<semaphore_mem>>)
      %dma_wait3A_575 = arith.constant 0 : i32
      %dma_wait3A_576 = arith.constant 0 : i32
      %dma_wait3A_577 = tpu.memref_slice %arg9[%dma_wait3A_575, %dma_wait3A_576] : memref<2x4096xi32, #tpu.memory_space<vmem>> -> memref<1x4096xi32, #tpu.memory_space<vmem>>
      %dma_wait3A_578 = tpu.memref_squeeze %dma_wait3A_577 : memref<1x4096xi32, #tpu.memory_space<vmem>> -> memref<4096xi32, #tpu.memory_space<vmem>>
      %dma_wait3A_579 = arith.constant 0 : i32
      %dma_wait3A_580 = tpu.memref_slice %arg2[%dma_wait3A_579] : memref<851968xi32, #tpu.memory_space<hbm>> -> memref<4096xi32, #tpu.memory_space<hbm>>
      %dma_wait3A_581 = arith.constant 0 : i32
      %dma_wait3A_582 = tpu.memref_slice %arg9[%dma_wait3A_575, %dma_wait3A_581] : memref<2x4096xi32, #tpu.memory_space<vmem>> -> memref<1x4096xi32, #tpu.memory_space<vmem>>
      %dma_wait3A_583 = tpu.memref_squeeze %dma_wait3A_582 : memref<1x4096xi32, #tpu.memory_space<vmem>> -> memref<4096xi32, #tpu.memory_space<vmem>>
      %dma_wait3A_584 = arith.constant 0 : i32
      %dma_wait3A_585 = tpu.memref_slice %arg2[%dma_wait3A_584] : memref<851968xi32, #tpu.memory_space<hbm>> -> memref<4096xi32, #tpu.memory_space<hbm>>
      tpu.wait_dma2 semaphore(%arg12 : memref<!tpu.dma_semaphore, #tpu.memory_space<semaphore_mem>>) src(%dma_wait3A_585 : memref<4096xi32, #tpu.memory_space<hbm>>) dst(%dma_wait3A_583 : memref<4096xi32, #tpu.memory_space<vmem>>)
      %dma_wait3A_586 = arith.constant 0 : i32
      %dma_wait3A_587 = arith.constant 0 : i32
      %dma_wait3A_588 = tpu.memref_slice %arg10[%dma_wait3A_586, %dma_wait3A_587] : memref<2x4096xi32, #tpu.memory_space<vmem>> -> memref<1x4096xi32, #tpu.memory_space<vmem>>
      %dma_wait3A_589 = tpu.memref_squeeze %dma_wait3A_588 : memref<1x4096xi32, #tpu.memory_space<vmem>> -> memref<4096xi32, #tpu.memory_space<vmem>>
      %dma_wait3A_590 = arith.constant 0 : i32
      %dma_wait3A_591 = tpu.memref_slice %arg3[%dma_wait3A_590] : memref<851968xi32, #tpu.memory_space<hbm>> -> memref<4096xi32, #tpu.memory_space<hbm>>
      %dma_wait3A_592 = arith.constant 0 : i32
      %dma_wait3A_593 = tpu.memref_slice %arg10[%dma_wait3A_586, %dma_wait3A_592] : memref<2x4096xi32, #tpu.memory_space<vmem>> -> memref<1x4096xi32, #tpu.memory_space<vmem>>
      %dma_wait3A_594 = tpu.memref_squeeze %dma_wait3A_593 : memref<1x4096xi32, #tpu.memory_space<vmem>> -> memref<4096xi32, #tpu.memory_space<vmem>>
      %dma_wait3A_595 = arith.constant 0 : i32
      %dma_wait3A_596 = tpu.memref_slice %arg3[%dma_wait3A_595] : memref<851968xi32, #tpu.memory_space<hbm>> -> memref<4096xi32, #tpu.memory_space<hbm>>
      tpu.wait_dma2 semaphore(%arg12 : memref<!tpu.dma_semaphore, #tpu.memory_space<semaphore_mem>>) src(%dma_wait3A_596 : memref<4096xi32, #tpu.memory_space<hbm>>) dst(%dma_wait3A_594 : memref<4096xi32, #tpu.memory_space<vmem>>)
      %dma_wait3A_597 = arith.constant 0 : i32
      %dma_wait3A_598 = arith.constant 0 : i32
      %dma_wait3A_599 = tpu.memref_slice %arg11[%dma_wait3A_597, %dma_wait3A_598] : memref<2x4096xf32, #tpu.memory_space<vmem>> -> memref<1x4096xf32, #tpu.memory_space<vmem>>
      %dma_wait3A_600 = tpu.memref_squeeze %dma_wait3A_599 : memref<1x4096xf32, #tpu.memory_space<vmem>> -> memref<4096xf32, #tpu.memory_space<vmem>>
      %dma_wait3A_601 = arith.constant 0 : i32
      %dma_wait3A_602 = tpu.memref_slice %arg5[%select_n3A_180, %dma_wait3A_601] : memref<8x851968xf32, #tpu.memory_space<hbm>> -> memref<1x4096xf32, #tpu.memory_space<hbm>>
      %dma_wait3A_603 = tpu.memref_squeeze %dma_wait3A_602 : memref<1x4096xf32, #tpu.memory_space<hbm>> -> memref<4096xf32, #tpu.memory_space<hbm>>
      %dma_wait3A_604 = arith.constant 0 : i32
      %dma_wait3A_605 = tpu.memref_slice %arg11[%dma_wait3A_597, %dma_wait3A_604] : memref<2x4096xf32, #tpu.memory_space<vmem>> -> memref<1x4096xf32, #tpu.memory_space<vmem>>
      %dma_wait3A_606 = tpu.memref_squeeze %dma_wait3A_605 : memref<1x4096xf32, #tpu.memory_space<vmem>> -> memref<4096xf32, #tpu.memory_space<vmem>>
      %dma_wait3A_607 = arith.constant 0 : i32
      %dma_wait3A_608 = tpu.memref_slice %arg5[%select_n3A_180, %dma_wait3A_607] : memref<8x851968xf32, #tpu.memory_space<hbm>> -> memref<1x4096xf32, #tpu.memory_space<hbm>>
      %dma_wait3A_609 = tpu.memref_squeeze %dma_wait3A_608 : memref<1x4096xf32, #tpu.memory_space<hbm>> -> memref<4096xf32, #tpu.memory_space<hbm>>
      tpu.wait_dma2 semaphore(%arg12 : memref<!tpu.dma_semaphore, #tpu.memory_space<semaphore_mem>>) src(%dma_wait3A_609 : memref<4096xf32, #tpu.memory_space<hbm>>) dst(%dma_wait3A_606 : memref<4096xf32, #tpu.memory_space<vmem>>)
      %scan3A_610 = arith.constant 0 : i32
      %scan3A_611 = arith.constant 0 : i32
      %scan3A_612 = arith.constant 256 : i32
      %scan3A_613 = arith.addi %scan3A_611, %scan3A_612 : i32
      %scan3A_614 = arith.constant 1 : i32
      %scan3A_615 = scf.for %scan3A_703 = %scan3A_611 to %scan3A_613 step %scan3A_614 iter_args(%scan3A_704 = %scan3A_610) -> (i32)  : i32 {
        %mul3A_705 = arith.constant 16 : i32
        %mul3A_706 = arith.muli %scan3A_703, %mul3A_705 : i32
        %get3A = arith.constant 0 : i32
        %get3A_707 = arith.index_cast %get3A : i32 to index
        %get3A_708 = arith.index_cast %mul3A_706 : i32 to index
        %get3A_709 = tpu.vector_load %arg9[%get3A_707, %get3A_708] {strides = array<i32>} : memref<2x4096xi32, #tpu.memory_space<vmem>>, vector<16xi32>,
        %mul3A_710 = arith.constant 16 : i32
        %mul3A_711 = arith.muli %scan3A_703, %mul3A_710 : i32
        %get3A_712 = arith.constant 0 : i32
        %get3A_713 = arith.index_cast %get3A_712 : i32 to index
        %get3A_714 = arith.index_cast %mul3A_711 : i32 to index
        %get3A_715 = tpu.vector_load %arg10[%get3A_713, %get3A_714] {strides = array<i32>} : memref<2x4096xi32, #tpu.memory_space<vmem>>, vector<16xi32>,
        %mul3A_716 = arith.constant 16 : i32
        %mul3A_717 = arith.muli %scan3A_703, %mul3A_716 : i32
        %get3A_718 = arith.constant 0 : i32
        %get3A_719 = arith.index_cast %get3A_718 : i32 to index
        %get3A_720 = arith.index_cast %mul3A_717 : i32 to index
        %get3A_721 = tpu.vector_load %arg11[%get3A_719, %get3A_720] {strides = array<i32>} : memref<2x4096xf32, #tpu.memory_space<vmem>>, vector<16xf32>,
        %gather3A = tpu.vector_load_idx %arg7[%get3A_709] : memref<50176xf32, #tpu.memory_space<vmem>>[vector<16xi32>], vector<16xf32>,
        %mul3A_722 = arith.mulf %gather3A, %get3A_721 : vector<16xf32>
        tpu.vector_store_idx %arg8[%get3A_715], %mul3A_722 {add = true} : memref<50176xf32, #tpu.memory_space<vmem>>[vector<16xi32>], vector<16xf32>,
        %scan3A_723 = arith.constant 0 : i32
        scf.yield %scan3A_723 : i32
      }
      %scan3A_616 = arith.constant 256 : i32
      %mul3A_617 = arith.constant 2 : i32
      %mul3A_618 = arith.muli %mul3A_617, %scan3A_537 : i32
      %add3A_619 = arith.constant 2 : i32
      %add3A_620 = arith.addi %mul3A_618, %add3A_619 : i32
      %lt3A = arith.constant 104 : i32
      %lt3A_621 = arith.cmpi slt, %add3A_620, %lt3A : i32
      %mul3A_622 = arith.constant 2 : i32
      %mul3A_623 = arith.muli %mul3A_622, %scan3A_537 : i32
      %add3A_624 = arith.constant 2 : i32
      %add3A_625 = arith.addi %mul3A_623, %add3A_624 : i32
      %mul3A_626 = arith.constant 4096 : i32
      %mul3A_627 = arith.muli %add3A_625, %mul3A_626 : i32
      %jit3A_628 = arith.constant 0 : i32
      %select_n3A_629 = arith.select %lt3A_621, %mul3A_627, %jit3A_628 : i32
      %add3A_630 = arith.addi %mul3A_191, %select_n3A_629 : i32
      %dma_start3A_631 = arith.constant 0 : i32
      %dma_start3A_632 = arith.constant 0 : i32
      %dma_start3A_633 = tpu.memref_slice %arg9[%dma_start3A_631, %dma_start3A_632] : memref<2x4096xi32, #tpu.memory_space<vmem>> -> memref<1x4096xi32, #tpu.memory_space<vmem>>
      %dma_start3A_634 = tpu.memref_squeeze %dma_start3A_633 : memref<1x4096xi32, #tpu.memory_space<vmem>> -> memref<4096xi32, #tpu.memory_space<vmem>>
      %dma_start3A_635 = tpu.memref_slice %arg2[%add3A_630] : memref<851968xi32, #tpu.memory_space<hbm>> -> memref<4096xi32, #tpu.memory_space<hbm>>
      %dma_start3A_636 = arith.constant 0 : i32
      %dma_start3A_637 = tpu.memref_slice %arg9[%dma_start3A_631, %dma_start3A_636] : memref<2x4096xi32, #tpu.memory_space<vmem>> -> memref<1x4096xi32, #tpu.memory_space<vmem>>
      %dma_start3A_638 = tpu.memref_squeeze %dma_start3A_637 : memref<1x4096xi32, #tpu.memory_space<vmem>> -> memref<4096xi32, #tpu.memory_space<vmem>>
      %dma_start3A_639 = tpu.memref_slice %arg2[%add3A_630] : memref<851968xi32, #tpu.memory_space<hbm>> -> memref<4096xi32, #tpu.memory_space<hbm>>
      tpu.enqueue_dma source(%dma_start3A_639 : memref<4096xi32, #tpu.memory_space<hbm>>) target(%dma_start3A_638 : memref<4096xi32, #tpu.memory_space<vmem>>) target_semaphore(%arg12 : memref<!tpu.dma_semaphore, #tpu.memory_space<semaphore_mem>>)
      %dma_start3A_640 = arith.constant 0 : i32
      %dma_start3A_641 = arith.constant 0 : i32
      %dma_start3A_642 = tpu.memref_slice %arg10[%dma_start3A_640, %dma_start3A_641] : memref<2x4096xi32, #tpu.memory_space<vmem>> -> memref<1x4096xi32, #tpu.memory_space<vmem>>
      %dma_start3A_643 = tpu.memref_squeeze %dma_start3A_642 : memref<1x4096xi32, #tpu.memory_space<vmem>> -> memref<4096xi32, #tpu.memory_space<vmem>>
      %dma_start3A_644 = tpu.memref_slice %arg3[%add3A_630] : memref<851968xi32, #tpu.memory_space<hbm>> -> memref<4096xi32, #tpu.memory_space<hbm>>
      %dma_start3A_645 = arith.constant 0 : i32
      %dma_start3A_646 = tpu.memref_slice %arg10[%dma_start3A_640, %dma_start3A_645] : memref<2x4096xi32, #tpu.memory_space<vmem>> -> memref<1x4096xi32, #tpu.memory_space<vmem>>
      %dma_start3A_647 = tpu.memref_squeeze %dma_start3A_646 : memref<1x4096xi32, #tpu.memory_space<vmem>> -> memref<4096xi32, #tpu.memory_space<vmem>>
      %dma_start3A_648 = tpu.memref_slice %arg3[%add3A_630] : memref<851968xi32, #tpu.memory_space<hbm>> -> memref<4096xi32, #tpu.memory_space<hbm>>
      tpu.enqueue_dma source(%dma_start3A_648 : memref<4096xi32, #tpu.memory_space<hbm>>) target(%dma_start3A_647 : memref<4096xi32, #tpu.memory_space<vmem>>) target_semaphore(%arg12 : memref<!tpu.dma_semaphore, #tpu.memory_space<semaphore_mem>>)
      %dma_start3A_649 = arith.constant 0 : i32
      %dma_start3A_650 = arith.constant 0 : i32
      %dma_start3A_651 = tpu.memref_slice %arg11[%dma_start3A_649, %dma_start3A_650] : memref<2x4096xf32, #tpu.memory_space<vmem>> -> memref<1x4096xf32, #tpu.memory_space<vmem>>
      %dma_start3A_652 = tpu.memref_squeeze %dma_start3A_651 : memref<1x4096xf32, #tpu.memory_space<vmem>> -> memref<4096xf32, #tpu.memory_space<vmem>>
      %dma_start3A_653 = tpu.memref_slice %arg5[%select_n3A_180, %add3A_630] : memref<8x851968xf32, #tpu.memory_space<hbm>> -> memref<1x4096xf32, #tpu.memory_space<hbm>>
      %dma_start3A_654 = tpu.memref_squeeze %dma_start3A_653 : memref<1x4096xf32, #tpu.memory_space<hbm>> -> memref<4096xf32, #tpu.memory_space<hbm>>
      %dma_start3A_655 = arith.constant 0 : i32
      %dma_start3A_656 = tpu.memref_slice %arg11[%dma_start3A_649, %dma_start3A_655] : memref<2x4096xf32, #tpu.memory_space<vmem>> -> memref<1x4096xf32, #tpu.memory_space<vmem>>
      %dma_start3A_657 = tpu.memref_squeeze %dma_start3A_656 : memref<1x4096xf32, #tpu.memory_space<vmem>> -> memref<4096xf32, #tpu.memory_space<vmem>>
      %dma_start3A_658 = tpu.memref_slice %arg5[%select_n3A_180, %add3A_630] : memref<8x851968xf32, #tpu.memory_space<hbm>> -> memref<1x4096xf32, #tpu.memory_space<hbm>>
      %dma_start3A_659 = tpu.memref_squeeze %dma_start3A_658 : memref<1x4096xf32, #tpu.memory_space<hbm>> -> memref<4096xf32, #tpu.memory_space<hbm>>
      tpu.enqueue_dma source(%dma_start3A_659 : memref<4096xf32, #tpu.memory_space<hbm>>) target(%dma_start3A_657 : memref<4096xf32, #tpu.memory_space<vmem>>) target_semaphore(%arg12 : memref<!tpu.dma_semaphore, #tpu.memory_space<semaphore_mem>>)
      %dma_wait3A_660 = arith.constant 1 : i32
      %dma_wait3A_661 = arith.constant 0 : i32
      %dma_wait3A_662 = tpu.memref_slice %arg9[%dma_wait3A_660, %dma_wait3A_661] : memref<2x4096xi32, #tpu.memory_space<vmem>> -> memref<1x4096xi32, #tpu.memory_space<vmem>>
      %dma_wait3A_663 = tpu.memref_squeeze %dma_wait3A_662 : memref<1x4096xi32, #tpu.memory_space<vmem>> -> memref<4096xi32, #tpu.memory_space<vmem>>
      %dma_wait3A_664 = arith.constant 0 : i32
      %dma_wait3A_665 = tpu.memref_slice %arg2[%dma_wait3A_664] : memref<851968xi32, #tpu.memory_space<hbm>> -> memref<4096xi32, #tpu.memory_space<hbm>>
      %dma_wait3A_666 = arith.constant 0 : i32
      %dma_wait3A_667 = tpu.memref_slice %arg9[%dma_wait3A_660, %dma_wait3A_666] : memref<2x4096xi32, #tpu.memory_space<vmem>> -> memref<1x4096xi32, #tpu.memory_space<vmem>>
      %dma_wait3A_668 = tpu.memref_squeeze %dma_wait3A_667 : memref<1x4096xi32, #tpu.memory_space<vmem>> -> memref<4096xi32, #tpu.memory_space<vmem>>
      %dma_wait3A_669 = arith.constant 0 : i32
      %dma_wait3A_670 = tpu.memref_slice %arg2[%dma_wait3A_669] : memref<851968xi32, #tpu.memory_space<hbm>> -> memref<4096xi32, #tpu.memory_space<hbm>>
      tpu.wait_dma2 semaphore(%arg13 : memref<!tpu.dma_semaphore, #tpu.memory_space<semaphore_mem>>) src(%dma_wait3A_670 : memref<4096xi32, #tpu.memory_space<hbm>>) dst(%dma_wait3A_668 : memref<4096xi32, #tpu.memory_space<vmem>>)
      %dma_wait3A_671 = arith.constant 1 : i32
      %dma_wait3A_672 = arith.constant 0 : i32
      %dma_wait3A_673 = tpu.memref_slice %arg10[%dma_wait3A_671, %dma_wait3A_672] : memref<2x4096xi32, #tpu.memory_space<vmem>> -> memref<1x4096xi32, #tpu.memory_space<vmem>>
      %dma_wait3A_674 = tpu.memref_squeeze %dma_wait3A_673 : memref<1x4096xi32, #tpu.memory_space<vmem>> -> memref<4096xi32, #tpu.memory_space<vmem>>
      %dma_wait3A_675 = arith.constant 0 : i32
      %dma_wait3A_676 = tpu.memref_slice %arg3[%dma_wait3A_675] : memref<851968xi32, #tpu.memory_space<hbm>> -> memref<4096xi32, #tpu.memory_space<hbm>>
      %dma_wait3A_677 = arith.constant 0 : i32
      %dma_wait3A_678 = tpu.memref_slice %arg10[%dma_wait3A_671, %dma_wait3A_677] : memref<2x4096xi32, #tpu.memory_space<vmem>> -> memref<1x4096xi32, #tpu.memory_space<vmem>>
      %dma_wait3A_679 = tpu.memref_squeeze %dma_wait3A_678 : memref<1x4096xi32, #tpu.memory_space<vmem>> -> memref<4096xi32, #tpu.memory_space<vmem>>
      %dma_wait3A_680 = arith.constant 0 : i32
      %dma_wait3A_681 = tpu.memref_slice %arg3[%dma_wait3A_680] : memref<851968xi32, #tpu.memory_space<hbm>> -> memref<4096xi32, #tpu.memory_space<hbm>>
      tpu.wait_dma2 semaphore(%arg13 : memref<!tpu.dma_semaphore, #tpu.memory_space<semaphore_mem>>) src(%dma_wait3A_681 : memref<4096xi32, #tpu.memory_space<hbm>>) dst(%dma_wait3A_679 : memref<4096xi32, #tpu.memory_space<vmem>>)
      %dma_wait3A_682 = arith.constant 1 : i32
      %dma_wait3A_683 = arith.constant 0 : i32
      %dma_wait3A_684 = tpu.memref_slice %arg11[%dma_wait3A_682, %dma_wait3A_683] : memref<2x4096xf32, #tpu.memory_space<vmem>> -> memref<1x4096xf32, #tpu.memory_space<vmem>>
      %dma_wait3A_685 = tpu.memref_squeeze %dma_wait3A_684 : memref<1x4096xf32, #tpu.memory_space<vmem>> -> memref<4096xf32, #tpu.memory_space<vmem>>
      %dma_wait3A_686 = arith.constant 0 : i32
      %dma_wait3A_687 = tpu.memref_slice %arg5[%select_n3A_180, %dma_wait3A_686] : memref<8x851968xf32, #tpu.memory_space<hbm>> -> memref<1x4096xf32, #tpu.memory_space<hbm>>
      %dma_wait3A_688 = tpu.memref_squeeze %dma_wait3A_687 : memref<1x4096xf32, #tpu.memory_space<hbm>> -> memref<4096xf32, #tpu.memory_space<hbm>>
      %dma_wait3A_689 = arith.constant 0 : i32
      %dma_wait3A_690 = tpu.memref_slice %arg11[%dma_wait3A_682, %dma_wait3A_689] : memref<2x4096xf32, #tpu.memory_space<vmem>> -> memref<1x4096xf32, #tpu.memory_space<vmem>>
      %dma_wait3A_691 = tpu.memref_squeeze %dma_wait3A_690 : memref<1x4096xf32, #tpu.memory_space<vmem>> -> memref<4096xf32, #tpu.memory_space<vmem>>
      %dma_wait3A_692 = arith.constant 0 : i32
      %dma_wait3A_693 = tpu.memref_slice %arg5[%select_n3A_180, %dma_wait3A_692] : memref<8x851968xf32, #tpu.memory_space<hbm>> -> memref<1x4096xf32, #tpu.memory_space<hbm>>
      %dma_wait3A_694 = tpu.memref_squeeze %dma_wait3A_693 : memref<1x4096xf32, #tpu.memory_space<hbm>> -> memref<4096xf32, #tpu.memory_space<hbm>>
      tpu.wait_dma2 semaphore(%arg13 : memref<!tpu.dma_semaphore, #tpu.memory_space<semaphore_mem>>) src(%dma_wait3A_694 : memref<4096xf32, #tpu.memory_space<hbm>>) dst(%dma_wait3A_691 : memref<4096xf32, #tpu.memory_space<vmem>>)
      %scan3A_695 = arith.constant 0 : i32
      %scan3A_696 = arith.constant 0 : i32
      %scan3A_697 = arith.constant 256 : i32
      %scan3A_698 = arith.addi %scan3A_696, %scan3A_697 : i32
      %scan3A_699 = arith.constant 1 : i32
      %scan3A_700 = scf.for %scan3A_703 = %scan3A_696 to %scan3A_698 step %scan3A_699 iter_args(%scan3A_704 = %scan3A_695) -> (i32)  : i32 {
        %mul3A_705 = arith.constant 16 : i32
        %mul3A_706 = arith.muli %scan3A_703, %mul3A_705 : i32
        %get3A = arith.constant 1 : i32
        %get3A_707 = arith.index_cast %get3A : i32 to index
        %get3A_708 = arith.index_cast %mul3A_706 : i32 to index
        %get3A_709 = tpu.vector_load %arg9[%get3A_707, %get3A_708] {strides = array<i32>} : memref<2x4096xi32, #tpu.memory_space<vmem>>, vector<16xi32>,
        %mul3A_710 = arith.constant 16 : i32
        %mul3A_711 = arith.muli %scan3A_703, %mul3A_710 : i32
        %get3A_712 = arith.constant 1 : i32
        %get3A_713 = arith.index_cast %get3A_712 : i32 to index
        %get3A_714 = arith.index_cast %mul3A_711 : i32 to index
        %get3A_715 = tpu.vector_load %arg10[%get3A_713, %get3A_714] {strides = array<i32>} : memref<2x4096xi32, #tpu.memory_space<vmem>>, vector<16xi32>,
        %mul3A_716 = arith.constant 16 : i32
        %mul3A_717 = arith.muli %scan3A_703, %mul3A_716 : i32
        %get3A_718 = arith.constant 1 : i32
        %get3A_719 = arith.index_cast %get3A_718 : i32 to index
        %get3A_720 = arith.index_cast %mul3A_717 : i32 to index
        %get3A_721 = tpu.vector_load %arg11[%get3A_719, %get3A_720] {strides = array<i32>} : memref<2x4096xf32, #tpu.memory_space<vmem>>, vector<16xf32>,
        %gather3A = tpu.vector_load_idx %arg7[%get3A_709] : memref<50176xf32, #tpu.memory_space<vmem>>[vector<16xi32>], vector<16xf32>,
        %mul3A_722 = arith.mulf %gather3A, %get3A_721 : vector<16xf32>
        tpu.vector_store_idx %arg8[%get3A_715], %mul3A_722 {add = true} : memref<50176xf32, #tpu.memory_space<vmem>>[vector<16xi32>], vector<16xf32>,
        %scan3A_723 = arith.constant 0 : i32
        scf.yield %scan3A_723 : i32
      }
      %scan3A_701 = arith.constant 256 : i32
      %scan3A_702 = arith.constant 0 : i32
      scf.yield %scan3A_702 : i32
    }
    %scan3A_227 = arith.constant 52 : i32
    %dma_wait3A_228 = arith.constant 0 : i32
    %dma_wait3A_229 = arith.constant 0 : i32
    %dma_wait3A_230 = tpu.memref_slice %arg9[%dma_wait3A_228, %dma_wait3A_229] : memref<2x4096xi32, #tpu.memory_space<vmem>> -> memref<1x4096xi32, #tpu.memory_space<vmem>>
    %dma_wait3A_231 = tpu.memref_squeeze %dma_wait3A_230 : memref<1x4096xi32, #tpu.memory_space<vmem>> -> memref<4096xi32, #tpu.memory_space<vmem>>
    %dma_wait3A_232 = arith.constant 0 : i32
    %dma_wait3A_233 = tpu.memref_slice %arg2[%dma_wait3A_232] : memref<851968xi32, #tpu.memory_space<hbm>> -> memref<4096xi32, #tpu.memory_space<hbm>>
    %dma_wait3A_234 = arith.constant 0 : i32
    %dma_wait3A_235 = tpu.memref_slice %arg9[%dma_wait3A_228, %dma_wait3A_234] : memref<2x4096xi32, #tpu.memory_space<vmem>> -> memref<1x4096xi32, #tpu.memory_space<vmem>>
    %dma_wait3A_236 = tpu.memref_squeeze %dma_wait3A_235 : memref<1x4096xi32, #tpu.memory_space<vmem>> -> memref<4096xi32, #tpu.memory_space<vmem>>
    %dma_wait3A_237 = arith.constant 0 : i32
    %dma_wait3A_238 = tpu.memref_slice %arg2[%dma_wait3A_237] : memref<851968xi32, #tpu.memory_space<hbm>> -> memref<4096xi32, #tpu.memory_space<hbm>>
    tpu.wait_dma2 semaphore(%arg12 : memref<!tpu.dma_semaphore, #tpu.memory_space<semaphore_mem>>) src(%dma_wait3A_238 : memref<4096xi32, #tpu.memory_space<hbm>>) dst(%dma_wait3A_236 : memref<4096xi32, #tpu.memory_space<vmem>>)
    %dma_wait3A_239 = arith.constant 0 : i32
    %dma_wait3A_240 = arith.constant 0 : i32
    %dma_wait3A_241 = tpu.memref_slice %arg10[%dma_wait3A_239, %dma_wait3A_240] : memref<2x4096xi32, #tpu.memory_space<vmem>> -> memref<1x4096xi32, #tpu.memory_space<vmem>>
    %dma_wait3A_242 = tpu.memref_squeeze %dma_wait3A_241 : memref<1x4096xi32, #tpu.memory_space<vmem>> -> memref<4096xi32, #tpu.memory_space<vmem>>
    %dma_wait3A_243 = arith.constant 0 : i32
    %dma_wait3A_244 = tpu.memref_slice %arg3[%dma_wait3A_243] : memref<851968xi32, #tpu.memory_space<hbm>> -> memref<4096xi32, #tpu.memory_space<hbm>>
    %dma_wait3A_245 = arith.constant 0 : i32
    %dma_wait3A_246 = tpu.memref_slice %arg10[%dma_wait3A_239, %dma_wait3A_245] : memref<2x4096xi32, #tpu.memory_space<vmem>> -> memref<1x4096xi32, #tpu.memory_space<vmem>>
    %dma_wait3A_247 = tpu.memref_squeeze %dma_wait3A_246 : memref<1x4096xi32, #tpu.memory_space<vmem>> -> memref<4096xi32, #tpu.memory_space<vmem>>
    %dma_wait3A_248 = arith.constant 0 : i32
    %dma_wait3A_249 = tpu.memref_slice %arg3[%dma_wait3A_248] : memref<851968xi32, #tpu.memory_space<hbm>> -> memref<4096xi32, #tpu.memory_space<hbm>>
    tpu.wait_dma2 semaphore(%arg12 : memref<!tpu.dma_semaphore, #tpu.memory_space<semaphore_mem>>) src(%dma_wait3A_249 : memref<4096xi32, #tpu.memory_space<hbm>>) dst(%dma_wait3A_247 : memref<4096xi32, #tpu.memory_space<vmem>>)
    %dma_wait3A_250 = arith.constant 0 : i32
    %dma_wait3A_251 = arith.constant 0 : i32
    %dma_wait3A_252 = tpu.memref_slice %arg11[%dma_wait3A_250, %dma_wait3A_251] : memref<2x4096xf32, #tpu.memory_space<vmem>> -> memref<1x4096xf32, #tpu.memory_space<vmem>>
    %dma_wait3A_253 = tpu.memref_squeeze %dma_wait3A_252 : memref<1x4096xf32, #tpu.memory_space<vmem>> -> memref<4096xf32, #tpu.memory_space<vmem>>
    %dma_wait3A_254 = arith.constant 0 : i32
    %dma_wait3A_255 = tpu.memref_slice %arg5[%select_n3A_180, %dma_wait3A_254] : memref<8x851968xf32, #tpu.memory_space<hbm>> -> memref<1x4096xf32, #tpu.memory_space<hbm>>
    %dma_wait3A_256 = tpu.memref_squeeze %dma_wait3A_255 : memref<1x4096xf32, #tpu.memory_space<hbm>> -> memref<4096xf32, #tpu.memory_space<hbm>>
    %dma_wait3A_257 = arith.constant 0 : i32
    %dma_wait3A_258 = tpu.memref_slice %arg11[%dma_wait3A_250, %dma_wait3A_257] : memref<2x4096xf32, #tpu.memory_space<vmem>> -> memref<1x4096xf32, #tpu.memory_space<vmem>>
    %dma_wait3A_259 = tpu.memref_squeeze %dma_wait3A_258 : memref<1x4096xf32, #tpu.memory_space<vmem>> -> memref<4096xf32, #tpu.memory_space<vmem>>
    %dma_wait3A_260 = arith.constant 0 : i32
    %dma_wait3A_261 = tpu.memref_slice %arg5[%select_n3A_180, %dma_wait3A_260] : memref<8x851968xf32, #tpu.memory_space<hbm>> -> memref<1x4096xf32, #tpu.memory_space<hbm>>
    %dma_wait3A_262 = tpu.memref_squeeze %dma_wait3A_261 : memref<1x4096xf32, #tpu.memory_space<hbm>> -> memref<4096xf32, #tpu.memory_space<hbm>>
    tpu.wait_dma2 semaphore(%arg12 : memref<!tpu.dma_semaphore, #tpu.memory_space<semaphore_mem>>) src(%dma_wait3A_262 : memref<4096xf32, #tpu.memory_space<hbm>>) dst(%dma_wait3A_259 : memref<4096xf32, #tpu.memory_space<vmem>>)
    "tpu.region"() ({
      %run_scoped3A = tpu.sem_alloc : memref<!tpu.dma_semaphore, #tpu.memory_space<semaphore_mem>>
      %dma_start3A_537 = arith.constant 0 : i32
      %dma_start3A_538 = tpu.memref_slice %arg6[%sub3A_156, %select_n3A_153, %dma_start3A_537] : memref<2x64x50176xf32, #tpu.memory_space<hbm>> -> memref<1x1x50176xf32, #tpu.memory_space<hbm>>
      %dma_start3A_539 = tpu.memref_squeeze %dma_start3A_538 : memref<1x1x50176xf32, #tpu.memory_space<hbm>> -> memref<50176xf32, #tpu.memory_space<hbm>>
      %dma_start3A_540 = arith.constant 0 : i32
      %dma_start3A_541 = tpu.memref_slice %arg6[%sub3A_156, %select_n3A_153, %dma_start3A_540] : memref<2x64x50176xf32, #tpu.memory_space<hbm>> -> memref<1x1x50176xf32, #tpu.memory_space<hbm>>
      %dma_start3A_542 = tpu.memref_squeeze %dma_start3A_541 : memref<1x1x50176xf32, #tpu.memory_space<hbm>> -> memref<50176xf32, #tpu.memory_space<hbm>>
      tpu.enqueue_dma source(%arg8 : memref<50176xf32, #tpu.memory_space<vmem>>) target(%dma_start3A_542 : memref<50176xf32, #tpu.memory_space<hbm>>) target_semaphore(%run_scoped3A : memref<!tpu.dma_semaphore, #tpu.memory_space<semaphore_mem>>)
      %dma_wait3A_543 = arith.constant 0 : i32
      %dma_wait3A_544 = tpu.memref_slice %arg6[%sub3A_156, %select_n3A_153, %dma_wait3A_543] : memref<2x64x50176xf32, #tpu.memory_space<hbm>> -> memref<1x1x50176xf32, #tpu.memory_space<hbm>>
      %dma_wait3A_545 = tpu.memref_squeeze %dma_wait3A_544 : memref<1x1x50176xf32, #tpu.memory_space<hbm>> -> memref<50176xf32, #tpu.memory_space<hbm>>
      %dma_wait3A_546 = arith.constant 0 : i32
      %dma_wait3A_547 = tpu.memref_slice %arg6[%sub3A_156, %select_n3A_153, %dma_wait3A_546] : memref<2x64x50176xf32, #tpu.memory_space<hbm>> -> memref<1x1x50176xf32, #tpu.memory_space<hbm>>
      %dma_wait3A_548 = tpu.memref_squeeze %dma_wait3A_547 : memref<1x1x50176xf32, #tpu.memory_space<hbm>> -> memref<50176xf32, #tpu.memory_space<hbm>>
      tpu.wait_dma2 semaphore(%run_scoped3A : memref<!tpu.dma_semaphore, #tpu.memory_space<semaphore_mem>>) src(%arg8 : memref<50176xf32, #tpu.memory_space<vmem>>) dst(%dma_wait3A_548 : memref<50176xf32, #tpu.memory_space<hbm>>)
      tpu.yield
    }) : () -> ()
    %mul3A_263 = arith.constant 4 : i32
    %mul3A_264 = arith.muli %add3A, %mul3A_263 : i32
    %add3A_265 = arith.constant 2 : i32
    %add3A_266 = arith.addi %mul3A_264, %add3A_265 : i32
    %jit3A_267 = arith.constant 2 : i32
    %div3A_268 = arith.divsi %add3A_266, %jit3A_267 : i32
    %sign3A_269 = arith.constant 0 : i32
    %sign3A_270 = arith.cmpi sgt, %add3A_266, %sign3A_269 : i32
    %sign3A_271 = arith.extui %sign3A_270 : i1 to i32
    %sign3A_272 = arith.constant 0 : i32
    %sign3A_273 = arith.cmpi slt, %add3A_266, %sign3A_272 : i32
    %sign3A_274 = arith.extui %sign3A_273 : i1 to i32
    %sign3A_275 = arith.subi %sign3A_271, %sign3A_274 : i32
    %sign3A_276 = arith.constant 0 : i32
    %sign3A_277 = arith.cmpi sgt, %jit3A_267, %sign3A_276 : i32
    %sign3A_278 = arith.extui %sign3A_277 : i1 to i32
    %sign3A_279 = arith.constant 0 : i32
    %sign3A_280 = arith.cmpi slt, %jit3A_267, %sign3A_279 : i32
    %sign3A_281 = arith.extui %sign3A_280 : i1 to i32
    %sign3A_282 = arith.subi %sign3A_278, %sign3A_281 : i32
    %ne3A_283 = arith.cmpi ne, %sign3A_275, %sign3A_282 : i32
    %rem3A_284 = arith.remsi %add3A_266, %jit3A_267 : i32
    %ne3A_285 = arith.constant 0 : i32
    %ne3A_286 = arith.cmpi ne, %rem3A_284, %ne3A_285 : i32
    %and3A_287 = arith.andi %ne3A_283, %ne3A_286 : i1
    %sub3A_288 = arith.constant 1 : i32
    %sub3A_289 = arith.subi %div3A_268, %sub3A_288 : i32
    %select_n3A_290 = arith.select %and3A_287, %sub3A_289, %div3A_268 : i32
    %mul3A_291 = arith.constant 2 : i32
    %mul3A_292 = arith.muli %select_n3A_290, %mul3A_291 : i32
    %sub3A_293 = arith.subi %add3A_266, %mul3A_292 : i32
    %jit3A_294 = arith.constant 8 : i32
    %div3A_295 = arith.divsi %select_n3A_290, %jit3A_294 : i32
    %sign3A_296 = arith.constant 0 : i32
    %sign3A_297 = arith.cmpi sgt, %select_n3A_290, %sign3A_296 : i32
    %sign3A_298 = arith.extui %sign3A_297 : i1 to i32
    %sign3A_299 = arith.constant 0 : i32
    %sign3A_300 = arith.cmpi slt, %select_n3A_290, %sign3A_299 : i32
    %sign3A_301 = arith.extui %sign3A_300 : i1 to i32
    %sign3A_302 = arith.subi %sign3A_298, %sign3A_301 : i32
    %sign3A_303 = arith.constant 0 : i32
    %sign3A_304 = arith.cmpi sgt, %jit3A_294, %sign3A_303 : i32
    %sign3A_305 = arith.extui %sign3A_304 : i1 to i32
    %sign3A_306 = arith.constant 0 : i32
    %sign3A_307 = arith.cmpi slt, %jit3A_294, %sign3A_306 : i32
    %sign3A_308 = arith.extui %sign3A_307 : i1 to i32
    %sign3A_309 = arith.subi %sign3A_305, %sign3A_308 : i32
    %ne3A_310 = arith.cmpi ne, %sign3A_302, %sign3A_309 : i32
    %rem3A_311 = arith.remsi %select_n3A_290, %jit3A_294 : i32
    %ne3A_312 = arith.constant 0 : i32
    %ne3A_313 = arith.cmpi ne, %rem3A_311, %ne3A_312 : i32
    %and3A_314 = arith.andi %ne3A_310, %ne3A_313 : i1
    %sub3A_315 = arith.constant 1 : i32
    %sub3A_316 = arith.subi %div3A_295, %sub3A_315 : i32
    %select_n3A_317 = arith.select %and3A_314, %sub3A_316, %div3A_295 : i32
    %broadcast_in_dim3A_318 = arith.constant 0.000000e+00 : f32
    %broadcast_in_dim3A_319 = vector.broadcast %broadcast_in_dim3A_318 : f32 to vector<16xf32>
    %scan3A_320 = arith.constant 0 : i32
    %scan3A_321 = arith.constant 0 : i32
    %scan3A_322 = arith.constant 3136 : i32
    %scan3A_323 = arith.addi %scan3A_321, %scan3A_322 : i32
    %scan3A_324 = arith.constant 1 : i32
    %scan3A_325 = scf.for %scan3A_537 = %scan3A_321 to %scan3A_323 step %scan3A_324 iter_args(%scan3A_538 = %scan3A_320) -> (i32)  : i32 {
      %mul3A_539 = arith.constant 16 : i32
      %mul3A_540 = arith.muli %scan3A_537, %mul3A_539 : i32
      %swap3A = arith.index_cast %mul3A_540 : i32 to index
      %swap3A_541 = tpu.vector_load %arg8[%swap3A] {strides = array<i32>} : memref<50176xf32, #tpu.memory_space<vmem>>, vector<16xf32>,
      tpu.vector_store %arg8[%swap3A], %broadcast_in_dim3A_319 {strides = array<i32>} : memref<50176xf32, #tpu.memory_space<vmem>>, vector<16xf32>,
      %scan3A_542 = arith.constant 0 : i32
      scf.yield %scan3A_542 : i32
    }
    %scan3A_326 = arith.constant 3136 : i32
    "tpu.region"() ({
      %run_scoped3A = tpu.sem_alloc : memref<!tpu.dma_semaphore, #tpu.memory_space<semaphore_mem>>
      %dma_start3A_537 = arith.constant 0 : i32
      %dma_start3A_538 = tpu.memref_slice %arg4[%select_n3A_290, %dma_start3A_537] : memref<64x50176xf32, #tpu.memory_space<hbm>> -> memref<1x50176xf32, #tpu.memory_space<hbm>>
      %dma_start3A_539 = tpu.memref_squeeze %dma_start3A_538 : memref<1x50176xf32, #tpu.memory_space<hbm>> -> memref<50176xf32, #tpu.memory_space<hbm>>
      %dma_start3A_540 = arith.constant 0 : i32
      %dma_start3A_541 = tpu.memref_slice %arg4[%select_n3A_290, %dma_start3A_540] : memref<64x50176xf32, #tpu.memory_space<hbm>> -> memref<1x50176xf32, #tpu.memory_space<hbm>>
      %dma_start3A_542 = tpu.memref_squeeze %dma_start3A_541 : memref<1x50176xf32, #tpu.memory_space<hbm>> -> memref<50176xf32, #tpu.memory_space<hbm>>
      tpu.enqueue_dma source(%dma_start3A_542 : memref<50176xf32, #tpu.memory_space<hbm>>) target(%arg7 : memref<50176xf32, #tpu.memory_space<vmem>>) target_semaphore(%run_scoped3A : memref<!tpu.dma_semaphore, #tpu.memory_space<semaphore_mem>>)
      %dma_wait3A_543 = arith.constant 0 : i32
      %dma_wait3A_544 = tpu.memref_slice %arg4[%select_n3A_290, %dma_wait3A_543] : memref<64x50176xf32, #tpu.memory_space<hbm>> -> memref<1x50176xf32, #tpu.memory_space<hbm>>
      %dma_wait3A_545 = tpu.memref_squeeze %dma_wait3A_544 : memref<1x50176xf32, #tpu.memory_space<hbm>> -> memref<50176xf32, #tpu.memory_space<hbm>>
      %dma_wait3A_546 = arith.constant 0 : i32
      %dma_wait3A_547 = tpu.memref_slice %arg4[%select_n3A_290, %dma_wait3A_546] : memref<64x50176xf32, #tpu.memory_space<hbm>> -> memref<1x50176xf32, #tpu.memory_space<hbm>>
      %dma_wait3A_548 = tpu.memref_squeeze %dma_wait3A_547 : memref<1x50176xf32, #tpu.memory_space<hbm>> -> memref<50176xf32, #tpu.memory_space<hbm>>
      tpu.wait_dma2 semaphore(%run_scoped3A : memref<!tpu.dma_semaphore, #tpu.memory_space<semaphore_mem>>) src(%dma_wait3A_548 : memref<50176xf32, #tpu.memory_space<hbm>>) dst(%arg7 : memref<50176xf32, #tpu.memory_space<vmem>>)
      tpu.yield
    }) : () -> ()
    %mul3A_327 = arith.constant 425984 : i32
    %mul3A_328 = arith.muli %sub3A_293, %mul3A_327 : i32
    %dma_start3A_329 = arith.constant 0 : i32
    %dma_start3A_330 = arith.constant 0 : i32
    %dma_start3A_331 = tpu.memref_slice %arg9[%dma_start3A_329, %dma_start3A_330] : memref<2x4096xi32, #tpu.memory_space<vmem>> -> memref<1x4096xi32, #tpu.memory_space<vmem>>
    %dma_start3A_332 = tpu.memref_squeeze %dma_start3A_331 : memref<1x4096xi32, #tpu.memory_space<vmem>> -> memref<4096xi32, #tpu.memory_space<vmem>>
    %dma_start3A_333 = tpu.memref_slice %arg2[%mul3A_328] : memref<851968xi32, #tpu.memory_space<hbm>> -> memref<4096xi32, #tpu.memory_space<hbm>>
    %dma_start3A_334 = arith.constant 0 : i32
    %dma_start3A_335 = tpu.memref_slice %arg9[%dma_start3A_329, %dma_start3A_334] : memref<2x4096xi32, #tpu.memory_space<vmem>> -> memref<1x4096xi32, #tpu.memory_space<vmem>>
    %dma_start3A_336 = tpu.memref_squeeze %dma_start3A_335 : memref<1x4096xi32, #tpu.memory_space<vmem>> -> memref<4096xi32, #tpu.memory_space<vmem>>
    %dma_start3A_337 = tpu.memref_slice %arg2[%mul3A_328] : memref<851968xi32, #tpu.memory_space<hbm>> -> memref<4096xi32, #tpu.memory_space<hbm>>
    tpu.enqueue_dma source(%dma_start3A_337 : memref<4096xi32, #tpu.memory_space<hbm>>) target(%dma_start3A_336 : memref<4096xi32, #tpu.memory_space<vmem>>) target_semaphore(%arg12 : memref<!tpu.dma_semaphore, #tpu.memory_space<semaphore_mem>>)
    %dma_start3A_338 = arith.constant 0 : i32
    %dma_start3A_339 = arith.constant 0 : i32
    %dma_start3A_340 = tpu.memref_slice %arg10[%dma_start3A_338, %dma_start3A_339] : memref<2x4096xi32, #tpu.memory_space<vmem>> -> memref<1x4096xi32, #tpu.memory_space<vmem>>
    %dma_start3A_341 = tpu.memref_squeeze %dma_start3A_340 : memref<1x4096xi32, #tpu.memory_space<vmem>> -> memref<4096xi32, #tpu.memory_space<vmem>>
    %dma_start3A_342 = tpu.memref_slice %arg3[%mul3A_328] : memref<851968xi32, #tpu.memory_space<hbm>> -> memref<4096xi32, #tpu.memory_space<hbm>>
    %dma_start3A_343 = arith.constant 0 : i32
    %dma_start3A_344 = tpu.memref_slice %arg10[%dma_start3A_338, %dma_start3A_343] : memref<2x4096xi32, #tpu.memory_space<vmem>> -> memref<1x4096xi32, #tpu.memory_space<vmem>>
    %dma_start3A_345 = tpu.memref_squeeze %dma_start3A_344 : memref<1x4096xi32, #tpu.memory_space<vmem>> -> memref<4096xi32, #tpu.memory_space<vmem>>
    %dma_start3A_346 = tpu.memref_slice %arg3[%mul3A_328] : memref<851968xi32, #tpu.memory_space<hbm>> -> memref<4096xi32, #tpu.memory_space<hbm>>
    tpu.enqueue_dma source(%dma_start3A_346 : memref<4096xi32, #tpu.memory_space<hbm>>) target(%dma_start3A_345 : memref<4096xi32, #tpu.memory_space<vmem>>) target_semaphore(%arg12 : memref<!tpu.dma_semaphore, #tpu.memory_space<semaphore_mem>>)
    %dma_start3A_347 = arith.constant 0 : i32
    %dma_start3A_348 = arith.constant 0 : i32
    %dma_start3A_349 = tpu.memref_slice %arg11[%dma_start3A_347, %dma_start3A_348] : memref<2x4096xf32, #tpu.memory_space<vmem>> -> memref<1x4096xf32, #tpu.memory_space<vmem>>
    %dma_start3A_350 = tpu.memref_squeeze %dma_start3A_349 : memref<1x4096xf32, #tpu.memory_space<vmem>> -> memref<4096xf32, #tpu.memory_space<vmem>>
    %dma_start3A_351 = tpu.memref_slice %arg5[%select_n3A_317, %mul3A_328] : memref<8x851968xf32, #tpu.memory_space<hbm>> -> memref<1x4096xf32, #tpu.memory_space<hbm>>
    %dma_start3A_352 = tpu.memref_squeeze %dma_start3A_351 : memref<1x4096xf32, #tpu.memory_space<hbm>> -> memref<4096xf32, #tpu.memory_space<hbm>>
    %dma_start3A_353 = arith.constant 0 : i32
    %dma_start3A_354 = tpu.memref_slice %arg11[%dma_start3A_347, %dma_start3A_353] : memref<2x4096xf32, #tpu.memory_space<vmem>> -> memref<1x4096xf32, #tpu.memory_space<vmem>>
    %dma_start3A_355 = tpu.memref_squeeze %dma_start3A_354 : memref<1x4096xf32, #tpu.memory_space<vmem>> -> memref<4096xf32, #tpu.memory_space<vmem>>
    %dma_start3A_356 = tpu.memref_slice %arg5[%select_n3A_317, %mul3A_328] : memref<8x851968xf32, #tpu.memory_space<hbm>> -> memref<1x4096xf32, #tpu.memory_space<hbm>>
    %dma_start3A_357 = tpu.memref_squeeze %dma_start3A_356 : memref<1x4096xf32, #tpu.memory_space<hbm>> -> memref<4096xf32, #tpu.memory_space<hbm>>
    tpu.enqueue_dma source(%dma_start3A_357 : memref<4096xf32, #tpu.memory_space<hbm>>) target(%dma_start3A_355 : memref<4096xf32, #tpu.memory_space<vmem>>) target_semaphore(%arg12 : memref<!tpu.dma_semaphore, #tpu.memory_space<semaphore_mem>>)
    %scan3A_358 = arith.constant 0 : i32
    %scan3A_359 = arith.constant 0 : i32
    %scan3A_360 = arith.constant 52 : i32
    %scan3A_361 = arith.addi %scan3A_359, %scan3A_360 : i32
    %scan3A_362 = arith.constant 1 : i32
    %scan3A_363 = scf.for %scan3A_537 = %scan3A_359 to %scan3A_361 step %scan3A_362 iter_args(%scan3A_538 = %scan3A_358) -> (i32)  : i32 {
      %mul3A_539 = arith.constant 2 : i32
      %mul3A_540 = arith.muli %mul3A_539, %scan3A_537 : i32
      %add3A_541 = arith.constant 1 : i32
      %add3A_542 = arith.addi %mul3A_540, %add3A_541 : i32
      %mul3A_543 = arith.constant 4096 : i32
      %mul3A_544 = arith.muli %add3A_542, %mul3A_543 : i32
      %add3A_545 = arith.addi %mul3A_328, %mul3A_544 : i32
      %dma_start3A_546 = arith.constant 1 : i32
      %dma_start3A_547 = arith.constant 0 : i32
      %dma_start3A_548 = tpu.memref_slice %arg9[%dma_start3A_546, %dma_start3A_547] : memref<2x4096xi32, #tpu.memory_space<vmem>> -> memref<1x4096xi32, #tpu.memory_space<vmem>>
      %dma_start3A_549 = tpu.memref_squeeze %dma_start3A_548 : memref<1x4096xi32, #tpu.memory_space<vmem>> -> memref<4096xi32, #tpu.memory_space<vmem>>
      %dma_start3A_550 = tpu.memref_slice %arg2[%add3A_545] : memref<851968xi32, #tpu.memory_space<hbm>> -> memref<4096xi32, #tpu.memory_space<hbm>>
      %dma_start3A_551 = arith.constant 0 : i32
      %dma_start3A_552 = tpu.memref_slice %arg9[%dma_start3A_546, %dma_start3A_551] : memref<2x4096xi32, #tpu.memory_space<vmem>> -> memref<1x4096xi32, #tpu.memory_space<vmem>>
      %dma_start3A_553 = tpu.memref_squeeze %dma_start3A_552 : memref<1x4096xi32, #tpu.memory_space<vmem>> -> memref<4096xi32, #tpu.memory_space<vmem>>
      %dma_start3A_554 = tpu.memref_slice %arg2[%add3A_545] : memref<851968xi32, #tpu.memory_space<hbm>> -> memref<4096xi32, #tpu.memory_space<hbm>>
      tpu.enqueue_dma source(%dma_start3A_554 : memref<4096xi32, #tpu.memory_space<hbm>>) target(%dma_start3A_553 : memref<4096xi32, #tpu.memory_space<vmem>>) target_semaphore(%arg13 : memref<!tpu.dma_semaphore, #tpu.memory_space<semaphore_mem>>)
      %dma_start3A_555 = arith.constant 1 : i32
      %dma_start3A_556 = arith.constant 0 : i32
      %dma_start3A_557 = tpu.memref_slice %arg10[%dma_start3A_555, %dma_start3A_556] : memref<2x4096xi32, #tpu.memory_space<vmem>> -> memref<1x4096xi32, #tpu.memory_space<vmem>>
      %dma_start3A_558 = tpu.memref_squeeze %dma_start3A_557 : memref<1x4096xi32, #tpu.memory_space<vmem>> -> memref<4096xi32, #tpu.memory_space<vmem>>
      %dma_start3A_559 = tpu.memref_slice %arg3[%add3A_545] : memref<851968xi32, #tpu.memory_space<hbm>> -> memref<4096xi32, #tpu.memory_space<hbm>>
      %dma_start3A_560 = arith.constant 0 : i32
      %dma_start3A_561 = tpu.memref_slice %arg10[%dma_start3A_555, %dma_start3A_560] : memref<2x4096xi32, #tpu.memory_space<vmem>> -> memref<1x4096xi32, #tpu.memory_space<vmem>>
      %dma_start3A_562 = tpu.memref_squeeze %dma_start3A_561 : memref<1x4096xi32, #tpu.memory_space<vmem>> -> memref<4096xi32, #tpu.memory_space<vmem>>
      %dma_start3A_563 = tpu.memref_slice %arg3[%add3A_545] : memref<851968xi32, #tpu.memory_space<hbm>> -> memref<4096xi32, #tpu.memory_space<hbm>>
      tpu.enqueue_dma source(%dma_start3A_563 : memref<4096xi32, #tpu.memory_space<hbm>>) target(%dma_start3A_562 : memref<4096xi32, #tpu.memory_space<vmem>>) target_semaphore(%arg13 : memref<!tpu.dma_semaphore, #tpu.memory_space<semaphore_mem>>)
      %dma_start3A_564 = arith.constant 1 : i32
      %dma_start3A_565 = arith.constant 0 : i32
      %dma_start3A_566 = tpu.memref_slice %arg11[%dma_start3A_564, %dma_start3A_565] : memref<2x4096xf32, #tpu.memory_space<vmem>> -> memref<1x4096xf32, #tpu.memory_space<vmem>>
      %dma_start3A_567 = tpu.memref_squeeze %dma_start3A_566 : memref<1x4096xf32, #tpu.memory_space<vmem>> -> memref<4096xf32, #tpu.memory_space<vmem>>
      %dma_start3A_568 = tpu.memref_slice %arg5[%select_n3A_317, %add3A_545] : memref<8x851968xf32, #tpu.memory_space<hbm>> -> memref<1x4096xf32, #tpu.memory_space<hbm>>
      %dma_start3A_569 = tpu.memref_squeeze %dma_start3A_568 : memref<1x4096xf32, #tpu.memory_space<hbm>> -> memref<4096xf32, #tpu.memory_space<hbm>>
      %dma_start3A_570 = arith.constant 0 : i32
      %dma_start3A_571 = tpu.memref_slice %arg11[%dma_start3A_564, %dma_start3A_570] : memref<2x4096xf32, #tpu.memory_space<vmem>> -> memref<1x4096xf32, #tpu.memory_space<vmem>>
      %dma_start3A_572 = tpu.memref_squeeze %dma_start3A_571 : memref<1x4096xf32, #tpu.memory_space<vmem>> -> memref<4096xf32, #tpu.memory_space<vmem>>
      %dma_start3A_573 = tpu.memref_slice %arg5[%select_n3A_317, %add3A_545] : memref<8x851968xf32, #tpu.memory_space<hbm>> -> memref<1x4096xf32, #tpu.memory_space<hbm>>
      %dma_start3A_574 = tpu.memref_squeeze %dma_start3A_573 : memref<1x4096xf32, #tpu.memory_space<hbm>> -> memref<4096xf32, #tpu.memory_space<hbm>>
      tpu.enqueue_dma source(%dma_start3A_574 : memref<4096xf32, #tpu.memory_space<hbm>>) target(%dma_start3A_572 : memref<4096xf32, #tpu.memory_space<vmem>>) target_semaphore(%arg13 : memref<!tpu.dma_semaphore, #tpu.memory_space<semaphore_mem>>)
      %dma_wait3A_575 = arith.constant 0 : i32
      %dma_wait3A_576 = arith.constant 0 : i32
      %dma_wait3A_577 = tpu.memref_slice %arg9[%dma_wait3A_575, %dma_wait3A_576] : memref<2x4096xi32, #tpu.memory_space<vmem>> -> memref<1x4096xi32, #tpu.memory_space<vmem>>
      %dma_wait3A_578 = tpu.memref_squeeze %dma_wait3A_577 : memref<1x4096xi32, #tpu.memory_space<vmem>> -> memref<4096xi32, #tpu.memory_space<vmem>>
      %dma_wait3A_579 = arith.constant 0 : i32
      %dma_wait3A_580 = tpu.memref_slice %arg2[%dma_wait3A_579] : memref<851968xi32, #tpu.memory_space<hbm>> -> memref<4096xi32, #tpu.memory_space<hbm>>
      %dma_wait3A_581 = arith.constant 0 : i32
      %dma_wait3A_582 = tpu.memref_slice %arg9[%dma_wait3A_575, %dma_wait3A_581] : memref<2x4096xi32, #tpu.memory_space<vmem>> -> memref<1x4096xi32, #tpu.memory_space<vmem>>
      %dma_wait3A_583 = tpu.memref_squeeze %dma_wait3A_582 : memref<1x4096xi32, #tpu.memory_space<vmem>> -> memref<4096xi32, #tpu.memory_space<vmem>>
      %dma_wait3A_584 = arith.constant 0 : i32
      %dma_wait3A_585 = tpu.memref_slice %arg2[%dma_wait3A_584] : memref<851968xi32, #tpu.memory_space<hbm>> -> memref<4096xi32, #tpu.memory_space<hbm>>
      tpu.wait_dma2 semaphore(%arg12 : memref<!tpu.dma_semaphore, #tpu.memory_space<semaphore_mem>>) src(%dma_wait3A_585 : memref<4096xi32, #tpu.memory_space<hbm>>) dst(%dma_wait3A_583 : memref<4096xi32, #tpu.memory_space<vmem>>)
      %dma_wait3A_586 = arith.constant 0 : i32
      %dma_wait3A_587 = arith.constant 0 : i32
      %dma_wait3A_588 = tpu.memref_slice %arg10[%dma_wait3A_586, %dma_wait3A_587] : memref<2x4096xi32, #tpu.memory_space<vmem>> -> memref<1x4096xi32, #tpu.memory_space<vmem>>
      %dma_wait3A_589 = tpu.memref_squeeze %dma_wait3A_588 : memref<1x4096xi32, #tpu.memory_space<vmem>> -> memref<4096xi32, #tpu.memory_space<vmem>>
      %dma_wait3A_590 = arith.constant 0 : i32
      %dma_wait3A_591 = tpu.memref_slice %arg3[%dma_wait3A_590] : memref<851968xi32, #tpu.memory_space<hbm>> -> memref<4096xi32, #tpu.memory_space<hbm>>
      %dma_wait3A_592 = arith.constant 0 : i32
      %dma_wait3A_593 = tpu.memref_slice %arg10[%dma_wait3A_586, %dma_wait3A_592] : memref<2x4096xi32, #tpu.memory_space<vmem>> -> memref<1x4096xi32, #tpu.memory_space<vmem>>
      %dma_wait3A_594 = tpu.memref_squeeze %dma_wait3A_593 : memref<1x4096xi32, #tpu.memory_space<vmem>> -> memref<4096xi32, #tpu.memory_space<vmem>>
      %dma_wait3A_595 = arith.constant 0 : i32
      %dma_wait3A_596 = tpu.memref_slice %arg3[%dma_wait3A_595] : memref<851968xi32, #tpu.memory_space<hbm>> -> memref<4096xi32, #tpu.memory_space<hbm>>
      tpu.wait_dma2 semaphore(%arg12 : memref<!tpu.dma_semaphore, #tpu.memory_space<semaphore_mem>>) src(%dma_wait3A_596 : memref<4096xi32, #tpu.memory_space<hbm>>) dst(%dma_wait3A_594 : memref<4096xi32, #tpu.memory_space<vmem>>)
      %dma_wait3A_597 = arith.constant 0 : i32
      %dma_wait3A_598 = arith.constant 0 : i32
      %dma_wait3A_599 = tpu.memref_slice %arg11[%dma_wait3A_597, %dma_wait3A_598] : memref<2x4096xf32, #tpu.memory_space<vmem>> -> memref<1x4096xf32, #tpu.memory_space<vmem>>
      %dma_wait3A_600 = tpu.memref_squeeze %dma_wait3A_599 : memref<1x4096xf32, #tpu.memory_space<vmem>> -> memref<4096xf32, #tpu.memory_space<vmem>>
      %dma_wait3A_601 = arith.constant 0 : i32
      %dma_wait3A_602 = tpu.memref_slice %arg5[%select_n3A_317, %dma_wait3A_601] : memref<8x851968xf32, #tpu.memory_space<hbm>> -> memref<1x4096xf32, #tpu.memory_space<hbm>>
      %dma_wait3A_603 = tpu.memref_squeeze %dma_wait3A_602 : memref<1x4096xf32, #tpu.memory_space<hbm>> -> memref<4096xf32, #tpu.memory_space<hbm>>
      %dma_wait3A_604 = arith.constant 0 : i32
      %dma_wait3A_605 = tpu.memref_slice %arg11[%dma_wait3A_597, %dma_wait3A_604] : memref<2x4096xf32, #tpu.memory_space<vmem>> -> memref<1x4096xf32, #tpu.memory_space<vmem>>
      %dma_wait3A_606 = tpu.memref_squeeze %dma_wait3A_605 : memref<1x4096xf32, #tpu.memory_space<vmem>> -> memref<4096xf32, #tpu.memory_space<vmem>>
      %dma_wait3A_607 = arith.constant 0 : i32
      %dma_wait3A_608 = tpu.memref_slice %arg5[%select_n3A_317, %dma_wait3A_607] : memref<8x851968xf32, #tpu.memory_space<hbm>> -> memref<1x4096xf32, #tpu.memory_space<hbm>>
      %dma_wait3A_609 = tpu.memref_squeeze %dma_wait3A_608 : memref<1x4096xf32, #tpu.memory_space<hbm>> -> memref<4096xf32, #tpu.memory_space<hbm>>
      tpu.wait_dma2 semaphore(%arg12 : memref<!tpu.dma_semaphore, #tpu.memory_space<semaphore_mem>>) src(%dma_wait3A_609 : memref<4096xf32, #tpu.memory_space<hbm>>) dst(%dma_wait3A_606 : memref<4096xf32, #tpu.memory_space<vmem>>)
      %scan3A_610 = arith.constant 0 : i32
      %scan3A_611 = arith.constant 0 : i32
      %scan3A_612 = arith.constant 256 : i32
      %scan3A_613 = arith.addi %scan3A_611, %scan3A_612 : i32
      %scan3A_614 = arith.constant 1 : i32
      %scan3A_615 = scf.for %scan3A_703 = %scan3A_611 to %scan3A_613 step %scan3A_614 iter_args(%scan3A_704 = %scan3A_610) -> (i32)  : i32 {
        %mul3A_705 = arith.constant 16 : i32
        %mul3A_706 = arith.muli %scan3A_703, %mul3A_705 : i32
        %get3A = arith.constant 0 : i32
        %get3A_707 = arith.index_cast %get3A : i32 to index
        %get3A_708 = arith.index_cast %mul3A_706 : i32 to index
        %get3A_709 = tpu.vector_load %arg9[%get3A_707, %get3A_708] {strides = array<i32>} : memref<2x4096xi32, #tpu.memory_space<vmem>>, vector<16xi32>,
        %mul3A_710 = arith.constant 16 : i32
        %mul3A_711 = arith.muli %scan3A_703, %mul3A_710 : i32
        %get3A_712 = arith.constant 0 : i32
        %get3A_713 = arith.index_cast %get3A_712 : i32 to index
        %get3A_714 = arith.index_cast %mul3A_711 : i32 to index
        %get3A_715 = tpu.vector_load %arg10[%get3A_713, %get3A_714] {strides = array<i32>} : memref<2x4096xi32, #tpu.memory_space<vmem>>, vector<16xi32>,
        %mul3A_716 = arith.constant 16 : i32
        %mul3A_717 = arith.muli %scan3A_703, %mul3A_716 : i32
        %get3A_718 = arith.constant 0 : i32
        %get3A_719 = arith.index_cast %get3A_718 : i32 to index
        %get3A_720 = arith.index_cast %mul3A_717 : i32 to index
        %get3A_721 = tpu.vector_load %arg11[%get3A_719, %get3A_720] {strides = array<i32>} : memref<2x4096xf32, #tpu.memory_space<vmem>>, vector<16xf32>,
        %gather3A = tpu.vector_load_idx %arg7[%get3A_709] : memref<50176xf32, #tpu.memory_space<vmem>>[vector<16xi32>], vector<16xf32>,
        %mul3A_722 = arith.mulf %gather3A, %get3A_721 : vector<16xf32>
        tpu.vector_store_idx %arg8[%get3A_715], %mul3A_722 {add = true} : memref<50176xf32, #tpu.memory_space<vmem>>[vector<16xi32>], vector<16xf32>,
        %scan3A_723 = arith.constant 0 : i32
        scf.yield %scan3A_723 : i32
      }
      %scan3A_616 = arith.constant 256 : i32
      %mul3A_617 = arith.constant 2 : i32
      %mul3A_618 = arith.muli %mul3A_617, %scan3A_537 : i32
      %add3A_619 = arith.constant 2 : i32
      %add3A_620 = arith.addi %mul3A_618, %add3A_619 : i32
      %lt3A = arith.constant 104 : i32
      %lt3A_621 = arith.cmpi slt, %add3A_620, %lt3A : i32
      %mul3A_622 = arith.constant 2 : i32
      %mul3A_623 = arith.muli %mul3A_622, %scan3A_537 : i32
      %add3A_624 = arith.constant 2 : i32
      %add3A_625 = arith.addi %mul3A_623, %add3A_624 : i32
      %mul3A_626 = arith.constant 4096 : i32
      %mul3A_627 = arith.muli %add3A_625, %mul3A_626 : i32
      %jit3A_628 = arith.constant 0 : i32
      %select_n3A_629 = arith.select %lt3A_621, %mul3A_627, %jit3A_628 : i32
      %add3A_630 = arith.addi %mul3A_328, %select_n3A_629 : i32
      %dma_start3A_631 = arith.constant 0 : i32
      %dma_start3A_632 = arith.constant 0 : i32
      %dma_start3A_633 = tpu.memref_slice %arg9[%dma_start3A_631, %dma_start3A_632] : memref<2x4096xi32, #tpu.memory_space<vmem>> -> memref<1x4096xi32, #tpu.memory_space<vmem>>
      %dma_start3A_634 = tpu.memref_squeeze %dma_start3A_633 : memref<1x4096xi32, #tpu.memory_space<vmem>> -> memref<4096xi32, #tpu.memory_space<vmem>>
      %dma_start3A_635 = tpu.memref_slice %arg2[%add3A_630] : memref<851968xi32, #tpu.memory_space<hbm>> -> memref<4096xi32, #tpu.memory_space<hbm>>
      %dma_start3A_636 = arith.constant 0 : i32
      %dma_start3A_637 = tpu.memref_slice %arg9[%dma_start3A_631, %dma_start3A_636] : memref<2x4096xi32, #tpu.memory_space<vmem>> -> memref<1x4096xi32, #tpu.memory_space<vmem>>
      %dma_start3A_638 = tpu.memref_squeeze %dma_start3A_637 : memref<1x4096xi32, #tpu.memory_space<vmem>> -> memref<4096xi32, #tpu.memory_space<vmem>>
      %dma_start3A_639 = tpu.memref_slice %arg2[%add3A_630] : memref<851968xi32, #tpu.memory_space<hbm>> -> memref<4096xi32, #tpu.memory_space<hbm>>
      tpu.enqueue_dma source(%dma_start3A_639 : memref<4096xi32, #tpu.memory_space<hbm>>) target(%dma_start3A_638 : memref<4096xi32, #tpu.memory_space<vmem>>) target_semaphore(%arg12 : memref<!tpu.dma_semaphore, #tpu.memory_space<semaphore_mem>>)
      %dma_start3A_640 = arith.constant 0 : i32
      %dma_start3A_641 = arith.constant 0 : i32
      %dma_start3A_642 = tpu.memref_slice %arg10[%dma_start3A_640, %dma_start3A_641] : memref<2x4096xi32, #tpu.memory_space<vmem>> -> memref<1x4096xi32, #tpu.memory_space<vmem>>
      %dma_start3A_643 = tpu.memref_squeeze %dma_start3A_642 : memref<1x4096xi32, #tpu.memory_space<vmem>> -> memref<4096xi32, #tpu.memory_space<vmem>>
      %dma_start3A_644 = tpu.memref_slice %arg3[%add3A_630] : memref<851968xi32, #tpu.memory_space<hbm>> -> memref<4096xi32, #tpu.memory_space<hbm>>
      %dma_start3A_645 = arith.constant 0 : i32
      %dma_start3A_646 = tpu.memref_slice %arg10[%dma_start3A_640, %dma_start3A_645] : memref<2x4096xi32, #tpu.memory_space<vmem>> -> memref<1x4096xi32, #tpu.memory_space<vmem>>
      %dma_start3A_647 = tpu.memref_squeeze %dma_start3A_646 : memref<1x4096xi32, #tpu.memory_space<vmem>> -> memref<4096xi32, #tpu.memory_space<vmem>>
      %dma_start3A_648 = tpu.memref_slice %arg3[%add3A_630] : memref<851968xi32, #tpu.memory_space<hbm>> -> memref<4096xi32, #tpu.memory_space<hbm>>
      tpu.enqueue_dma source(%dma_start3A_648 : memref<4096xi32, #tpu.memory_space<hbm>>) target(%dma_start3A_647 : memref<4096xi32, #tpu.memory_space<vmem>>) target_semaphore(%arg12 : memref<!tpu.dma_semaphore, #tpu.memory_space<semaphore_mem>>)
      %dma_start3A_649 = arith.constant 0 : i32
      %dma_start3A_650 = arith.constant 0 : i32
      %dma_start3A_651 = tpu.memref_slice %arg11[%dma_start3A_649, %dma_start3A_650] : memref<2x4096xf32, #tpu.memory_space<vmem>> -> memref<1x4096xf32, #tpu.memory_space<vmem>>
      %dma_start3A_652 = tpu.memref_squeeze %dma_start3A_651 : memref<1x4096xf32, #tpu.memory_space<vmem>> -> memref<4096xf32, #tpu.memory_space<vmem>>
      %dma_start3A_653 = tpu.memref_slice %arg5[%select_n3A_317, %add3A_630] : memref<8x851968xf32, #tpu.memory_space<hbm>> -> memref<1x4096xf32, #tpu.memory_space<hbm>>
      %dma_start3A_654 = tpu.memref_squeeze %dma_start3A_653 : memref<1x4096xf32, #tpu.memory_space<hbm>> -> memref<4096xf32, #tpu.memory_space<hbm>>
      %dma_start3A_655 = arith.constant 0 : i32
      %dma_start3A_656 = tpu.memref_slice %arg11[%dma_start3A_649, %dma_start3A_655] : memref<2x4096xf32, #tpu.memory_space<vmem>> -> memref<1x4096xf32, #tpu.memory_space<vmem>>
      %dma_start3A_657 = tpu.memref_squeeze %dma_start3A_656 : memref<1x4096xf32, #tpu.memory_space<vmem>> -> memref<4096xf32, #tpu.memory_space<vmem>>
      %dma_start3A_658 = tpu.memref_slice %arg5[%select_n3A_317, %add3A_630] : memref<8x851968xf32, #tpu.memory_space<hbm>> -> memref<1x4096xf32, #tpu.memory_space<hbm>>
      %dma_start3A_659 = tpu.memref_squeeze %dma_start3A_658 : memref<1x4096xf32, #tpu.memory_space<hbm>> -> memref<4096xf32, #tpu.memory_space<hbm>>
      tpu.enqueue_dma source(%dma_start3A_659 : memref<4096xf32, #tpu.memory_space<hbm>>) target(%dma_start3A_657 : memref<4096xf32, #tpu.memory_space<vmem>>) target_semaphore(%arg12 : memref<!tpu.dma_semaphore, #tpu.memory_space<semaphore_mem>>)
      %dma_wait3A_660 = arith.constant 1 : i32
      %dma_wait3A_661 = arith.constant 0 : i32
      %dma_wait3A_662 = tpu.memref_slice %arg9[%dma_wait3A_660, %dma_wait3A_661] : memref<2x4096xi32, #tpu.memory_space<vmem>> -> memref<1x4096xi32, #tpu.memory_space<vmem>>
      %dma_wait3A_663 = tpu.memref_squeeze %dma_wait3A_662 : memref<1x4096xi32, #tpu.memory_space<vmem>> -> memref<4096xi32, #tpu.memory_space<vmem>>
      %dma_wait3A_664 = arith.constant 0 : i32
      %dma_wait3A_665 = tpu.memref_slice %arg2[%dma_wait3A_664] : memref<851968xi32, #tpu.memory_space<hbm>> -> memref<4096xi32, #tpu.memory_space<hbm>>
      %dma_wait3A_666 = arith.constant 0 : i32
      %dma_wait3A_667 = tpu.memref_slice %arg9[%dma_wait3A_660, %dma_wait3A_666] : memref<2x4096xi32, #tpu.memory_space<vmem>> -> memref<1x4096xi32, #tpu.memory_space<vmem>>
      %dma_wait3A_668 = tpu.memref_squeeze %dma_wait3A_667 : memref<1x4096xi32, #tpu.memory_space<vmem>> -> memref<4096xi32, #tpu.memory_space<vmem>>
      %dma_wait3A_669 = arith.constant 0 : i32
      %dma_wait3A_670 = tpu.memref_slice %arg2[%dma_wait3A_669] : memref<851968xi32, #tpu.memory_space<hbm>> -> memref<4096xi32, #tpu.memory_space<hbm>>
      tpu.wait_dma2 semaphore(%arg13 : memref<!tpu.dma_semaphore, #tpu.memory_space<semaphore_mem>>) src(%dma_wait3A_670 : memref<4096xi32, #tpu.memory_space<hbm>>) dst(%dma_wait3A_668 : memref<4096xi32, #tpu.memory_space<vmem>>)
      %dma_wait3A_671 = arith.constant 1 : i32
      %dma_wait3A_672 = arith.constant 0 : i32
      %dma_wait3A_673 = tpu.memref_slice %arg10[%dma_wait3A_671, %dma_wait3A_672] : memref<2x4096xi32, #tpu.memory_space<vmem>> -> memref<1x4096xi32, #tpu.memory_space<vmem>>
      %dma_wait3A_674 = tpu.memref_squeeze %dma_wait3A_673 : memref<1x4096xi32, #tpu.memory_space<vmem>> -> memref<4096xi32, #tpu.memory_space<vmem>>
      %dma_wait3A_675 = arith.constant 0 : i32
      %dma_wait3A_676 = tpu.memref_slice %arg3[%dma_wait3A_675] : memref<851968xi32, #tpu.memory_space<hbm>> -> memref<4096xi32, #tpu.memory_space<hbm>>
      %dma_wait3A_677 = arith.constant 0 : i32
      %dma_wait3A_678 = tpu.memref_slice %arg10[%dma_wait3A_671, %dma_wait3A_677] : memref<2x4096xi32, #tpu.memory_space<vmem>> -> memref<1x4096xi32, #tpu.memory_space<vmem>>
      %dma_wait3A_679 = tpu.memref_squeeze %dma_wait3A_678 : memref<1x4096xi32, #tpu.memory_space<vmem>> -> memref<4096xi32, #tpu.memory_space<vmem>>
      %dma_wait3A_680 = arith.constant 0 : i32
      %dma_wait3A_681 = tpu.memref_slice %arg3[%dma_wait3A_680] : memref<851968xi32, #tpu.memory_space<hbm>> -> memref<4096xi32, #tpu.memory_space<hbm>>
      tpu.wait_dma2 semaphore(%arg13 : memref<!tpu.dma_semaphore, #tpu.memory_space<semaphore_mem>>) src(%dma_wait3A_681 : memref<4096xi32, #tpu.memory_space<hbm>>) dst(%dma_wait3A_679 : memref<4096xi32, #tpu.memory_space<vmem>>)
      %dma_wait3A_682 = arith.constant 1 : i32
      %dma_wait3A_683 = arith.constant 0 : i32
      %dma_wait3A_684 = tpu.memref_slice %arg11[%dma_wait3A_682, %dma_wait3A_683] : memref<2x4096xf32, #tpu.memory_space<vmem>> -> memref<1x4096xf32, #tpu.memory_space<vmem>>
      %dma_wait3A_685 = tpu.memref_squeeze %dma_wait3A_684 : memref<1x4096xf32, #tpu.memory_space<vmem>> -> memref<4096xf32, #tpu.memory_space<vmem>>
      %dma_wait3A_686 = arith.constant 0 : i32
      %dma_wait3A_687 = tpu.memref_slice %arg5[%select_n3A_317, %dma_wait3A_686] : memref<8x851968xf32, #tpu.memory_space<hbm>> -> memref<1x4096xf32, #tpu.memory_space<hbm>>
      %dma_wait3A_688 = tpu.memref_squeeze %dma_wait3A_687 : memref<1x4096xf32, #tpu.memory_space<hbm>> -> memref<4096xf32, #tpu.memory_space<hbm>>
      %dma_wait3A_689 = arith.constant 0 : i32
      %dma_wait3A_690 = tpu.memref_slice %arg11[%dma_wait3A_682, %dma_wait3A_689] : memref<2x4096xf32, #tpu.memory_space<vmem>> -> memref<1x4096xf32, #tpu.memory_space<vmem>>
      %dma_wait3A_691 = tpu.memref_squeeze %dma_wait3A_690 : memref<1x4096xf32, #tpu.memory_space<vmem>> -> memref<4096xf32, #tpu.memory_space<vmem>>
      %dma_wait3A_692 = arith.constant 0 : i32
      %dma_wait3A_693 = tpu.memref_slice %arg5[%select_n3A_317, %dma_wait3A_692] : memref<8x851968xf32, #tpu.memory_space<hbm>> -> memref<1x4096xf32, #tpu.memory_space<hbm>>
      %dma_wait3A_694 = tpu.memref_squeeze %dma_wait3A_693 : memref<1x4096xf32, #tpu.memory_space<hbm>> -> memref<4096xf32, #tpu.memory_space<hbm>>
      tpu.wait_dma2 semaphore(%arg13 : memref<!tpu.dma_semaphore, #tpu.memory_space<semaphore_mem>>) src(%dma_wait3A_694 : memref<4096xf32, #tpu.memory_space<hbm>>) dst(%dma_wait3A_691 : memref<4096xf32, #tpu.memory_space<vmem>>)
      %scan3A_695 = arith.constant 0 : i32
      %scan3A_696 = arith.constant 0 : i32
      %scan3A_697 = arith.constant 256 : i32
      %scan3A_698 = arith.addi %scan3A_696, %scan3A_697 : i32
      %scan3A_699 = arith.constant 1 : i32
      %scan3A_700 = scf.for %scan3A_703 = %scan3A_696 to %scan3A_698 step %scan3A_699 iter_args(%scan3A_704 = %scan3A_695) -> (i32)  : i32 {
        %mul3A_705 = arith.constant 16 : i32
        %mul3A_706 = arith.muli %scan3A_703, %mul3A_705 : i32
        %get3A = arith.constant 1 : i32
        %get3A_707 = arith.index_cast %get3A : i32 to index
        %get3A_708 = arith.index_cast %mul3A_706 : i32 to index
        %get3A_709 = tpu.vector_load %arg9[%get3A_707, %get3A_708] {strides = array<i32>} : memref<2x4096xi32, #tpu.memory_space<vmem>>, vector<16xi32>,
        %mul3A_710 = arith.constant 16 : i32
        %mul3A_711 = arith.muli %scan3A_703, %mul3A_710 : i32
        %get3A_712 = arith.constant 1 : i32
        %get3A_713 = arith.index_cast %get3A_712 : i32 to index
        %get3A_714 = arith.index_cast %mul3A_711 : i32 to index
        %get3A_715 = tpu.vector_load %arg10[%get3A_713, %get3A_714] {strides = array<i32>} : memref<2x4096xi32, #tpu.memory_space<vmem>>, vector<16xi32>,
        %mul3A_716 = arith.constant 16 : i32
        %mul3A_717 = arith.muli %scan3A_703, %mul3A_716 : i32
        %get3A_718 = arith.constant 1 : i32
        %get3A_719 = arith.index_cast %get3A_718 : i32 to index
        %get3A_720 = arith.index_cast %mul3A_717 : i32 to index
        %get3A_721 = tpu.vector_load %arg11[%get3A_719, %get3A_720] {strides = array<i32>} : memref<2x4096xf32, #tpu.memory_space<vmem>>, vector<16xf32>,
        %gather3A = tpu.vector_load_idx %arg7[%get3A_709] : memref<50176xf32, #tpu.memory_space<vmem>>[vector<16xi32>], vector<16xf32>,
        %mul3A_722 = arith.mulf %gather3A, %get3A_721 : vector<16xf32>
        tpu.vector_store_idx %arg8[%get3A_715], %mul3A_722 {add = true} : memref<50176xf32, #tpu.memory_space<vmem>>[vector<16xi32>], vector<16xf32>,
        %scan3A_723 = arith.constant 0 : i32
        scf.yield %scan3A_723 : i32
      }
      %scan3A_701 = arith.constant 256 : i32
      %scan3A_702 = arith.constant 0 : i32
      scf.yield %scan3A_702 : i32
    }
    %scan3A_364 = arith.constant 52 : i32
    %dma_wait3A_365 = arith.constant 0 : i32
    %dma_wait3A_366 = arith.constant 0 : i32
    %dma_wait3A_367 = tpu.memref_slice %arg9[%dma_wait3A_365, %dma_wait3A_366] : memref<2x4096xi32, #tpu.memory_space<vmem>> -> memref<1x4096xi32, #tpu.memory_space<vmem>>
    %dma_wait3A_368 = tpu.memref_squeeze %dma_wait3A_367 : memref<1x4096xi32, #tpu.memory_space<vmem>> -> memref<4096xi32, #tpu.memory_space<vmem>>
    %dma_wait3A_369 = arith.constant 0 : i32
    %dma_wait3A_370 = tpu.memref_slice %arg2[%dma_wait3A_369] : memref<851968xi32, #tpu.memory_space<hbm>> -> memref<4096xi32, #tpu.memory_space<hbm>>
    %dma_wait3A_371 = arith.constant 0 : i32
    %dma_wait3A_372 = tpu.memref_slice %arg9[%dma_wait3A_365, %dma_wait3A_371] : memref<2x4096xi32, #tpu.memory_space<vmem>> -> memref<1x4096xi32, #tpu.memory_space<vmem>>
    %dma_wait3A_373 = tpu.memref_squeeze %dma_wait3A_372 : memref<1x4096xi32, #tpu.memory_space<vmem>> -> memref<4096xi32, #tpu.memory_space<vmem>>
    %dma_wait3A_374 = arith.constant 0 : i32
    %dma_wait3A_375 = tpu.memref_slice %arg2[%dma_wait3A_374] : memref<851968xi32, #tpu.memory_space<hbm>> -> memref<4096xi32, #tpu.memory_space<hbm>>
    tpu.wait_dma2 semaphore(%arg12 : memref<!tpu.dma_semaphore, #tpu.memory_space<semaphore_mem>>) src(%dma_wait3A_375 : memref<4096xi32, #tpu.memory_space<hbm>>) dst(%dma_wait3A_373 : memref<4096xi32, #tpu.memory_space<vmem>>)
    %dma_wait3A_376 = arith.constant 0 : i32
    %dma_wait3A_377 = arith.constant 0 : i32
    %dma_wait3A_378 = tpu.memref_slice %arg10[%dma_wait3A_376, %dma_wait3A_377] : memref<2x4096xi32, #tpu.memory_space<vmem>> -> memref<1x4096xi32, #tpu.memory_space<vmem>>
    %dma_wait3A_379 = tpu.memref_squeeze %dma_wait3A_378 : memref<1x4096xi32, #tpu.memory_space<vmem>> -> memref<4096xi32, #tpu.memory_space<vmem>>
    %dma_wait3A_380 = arith.constant 0 : i32
    %dma_wait3A_381 = tpu.memref_slice %arg3[%dma_wait3A_380] : memref<851968xi32, #tpu.memory_space<hbm>> -> memref<4096xi32, #tpu.memory_space<hbm>>
    %dma_wait3A_382 = arith.constant 0 : i32
    %dma_wait3A_383 = tpu.memref_slice %arg10[%dma_wait3A_376, %dma_wait3A_382] : memref<2x4096xi32, #tpu.memory_space<vmem>> -> memref<1x4096xi32, #tpu.memory_space<vmem>>
    %dma_wait3A_384 = tpu.memref_squeeze %dma_wait3A_383 : memref<1x4096xi32, #tpu.memory_space<vmem>> -> memref<4096xi32, #tpu.memory_space<vmem>>
    %dma_wait3A_385 = arith.constant 0 : i32
    %dma_wait3A_386 = tpu.memref_slice %arg3[%dma_wait3A_385] : memref<851968xi32, #tpu.memory_space<hbm>> -> memref<4096xi32, #tpu.memory_space<hbm>>
    tpu.wait_dma2 semaphore(%arg12 : memref<!tpu.dma_semaphore, #tpu.memory_space<semaphore_mem>>) src(%dma_wait3A_386 : memref<4096xi32, #tpu.memory_space<hbm>>) dst(%dma_wait3A_384 : memref<4096xi32, #tpu.memory_space<vmem>>)
    %dma_wait3A_387 = arith.constant 0 : i32
    %dma_wait3A_388 = arith.constant 0 : i32
    %dma_wait3A_389 = tpu.memref_slice %arg11[%dma_wait3A_387, %dma_wait3A_388] : memref<2x4096xf32, #tpu.memory_space<vmem>> -> memref<1x4096xf32, #tpu.memory_space<vmem>>
    %dma_wait3A_390 = tpu.memref_squeeze %dma_wait3A_389 : memref<1x4096xf32, #tpu.memory_space<vmem>> -> memref<4096xf32, #tpu.memory_space<vmem>>
    %dma_wait3A_391 = arith.constant 0 : i32
    %dma_wait3A_392 = tpu.memref_slice %arg5[%select_n3A_317, %dma_wait3A_391] : memref<8x851968xf32, #tpu.memory_space<hbm>> -> memref<1x4096xf32, #tpu.memory_space<hbm>>
    %dma_wait3A_393 = tpu.memref_squeeze %dma_wait3A_392 : memref<1x4096xf32, #tpu.memory_space<hbm>> -> memref<4096xf32, #tpu.memory_space<hbm>>
    %dma_wait3A_394 = arith.constant 0 : i32
    %dma_wait3A_395 = tpu.memref_slice %arg11[%dma_wait3A_387, %dma_wait3A_394] : memref<2x4096xf32, #tpu.memory_space<vmem>> -> memref<1x4096xf32, #tpu.memory_space<vmem>>
    %dma_wait3A_396 = tpu.memref_squeeze %dma_wait3A_395 : memref<1x4096xf32, #tpu.memory_space<vmem>> -> memref<4096xf32, #tpu.memory_space<vmem>>
    %dma_wait3A_397 = arith.constant 0 : i32
    %dma_wait3A_398 = tpu.memref_slice %arg5[%select_n3A_317, %dma_wait3A_397] : memref<8x851968xf32, #tpu.memory_space<hbm>> -> memref<1x4096xf32, #tpu.memory_space<hbm>>
    %dma_wait3A_399 = tpu.memref_squeeze %dma_wait3A_398 : memref<1x4096xf32, #tpu.memory_space<hbm>> -> memref<4096xf32, #tpu.memory_space<hbm>>
    tpu.wait_dma2 semaphore(%arg12 : memref<!tpu.dma_semaphore, #tpu.memory_space<semaphore_mem>>) src(%dma_wait3A_399 : memref<4096xf32, #tpu.memory_space<hbm>>) dst(%dma_wait3A_396 : memref<4096xf32, #tpu.memory_space<vmem>>)
    "tpu.region"() ({
      %run_scoped3A = tpu.sem_alloc : memref<!tpu.dma_semaphore, #tpu.memory_space<semaphore_mem>>
      %dma_start3A_537 = arith.constant 0 : i32
      %dma_start3A_538 = tpu.memref_slice %arg6[%sub3A_293, %select_n3A_290, %dma_start3A_537] : memref<2x64x50176xf32, #tpu.memory_space<hbm>> -> memref<1x1x50176xf32, #tpu.memory_space<hbm>>
      %dma_start3A_539 = tpu.memref_squeeze %dma_start3A_538 : memref<1x1x50176xf32, #tpu.memory_space<hbm>> -> memref<50176xf32, #tpu.memory_space<hbm>>
      %dma_start3A_540 = arith.constant 0 : i32
      %dma_start3A_541 = tpu.memref_slice %arg6[%sub3A_293, %select_n3A_290, %dma_start3A_540] : memref<2x64x50176xf32, #tpu.memory_space<hbm>> -> memref<1x1x50176xf32, #tpu.memory_space<hbm>>
      %dma_start3A_542 = tpu.memref_squeeze %dma_start3A_541 : memref<1x1x50176xf32, #tpu.memory_space<hbm>> -> memref<50176xf32, #tpu.memory_space<hbm>>
      tpu.enqueue_dma source(%arg8 : memref<50176xf32, #tpu.memory_space<vmem>>) target(%dma_start3A_542 : memref<50176xf32, #tpu.memory_space<hbm>>) target_semaphore(%run_scoped3A : memref<!tpu.dma_semaphore, #tpu.memory_space<semaphore_mem>>)
      %dma_wait3A_543 = arith.constant 0 : i32
      %dma_wait3A_544 = tpu.memref_slice %arg6[%sub3A_293, %select_n3A_290, %dma_wait3A_543] : memref<2x64x50176xf32, #tpu.memory_space<hbm>> -> memref<1x1x50176xf32, #tpu.memory_space<hbm>>
      %dma_wait3A_545 = tpu.memref_squeeze %dma_wait3A_544 : memref<1x1x50176xf32, #tpu.memory_space<hbm>> -> memref<50176xf32, #tpu.memory_space<hbm>>
      %dma_wait3A_546 = arith.constant 0 : i32
      %dma_wait3A_547 = tpu.memref_slice %arg6[%sub3A_293, %select_n3A_290, %dma_wait3A_546] : memref<2x64x50176xf32, #tpu.memory_space<hbm>> -> memref<1x1x50176xf32, #tpu.memory_space<hbm>>
      %dma_wait3A_548 = tpu.memref_squeeze %dma_wait3A_547 : memref<1x1x50176xf32, #tpu.memory_space<hbm>> -> memref<50176xf32, #tpu.memory_space<hbm>>
      tpu.wait_dma2 semaphore(%run_scoped3A : memref<!tpu.dma_semaphore, #tpu.memory_space<semaphore_mem>>) src(%arg8 : memref<50176xf32, #tpu.memory_space<vmem>>) dst(%dma_wait3A_548 : memref<50176xf32, #tpu.memory_space<hbm>>)
      tpu.yield
    }) : () -> ()
    %mul3A_400 = arith.constant 4 : i32
    %mul3A_401 = arith.muli %add3A, %mul3A_400 : i32
    %add3A_402 = arith.constant 3 : i32
    %add3A_403 = arith.addi %mul3A_401, %add3A_402 : i32
    %jit3A_404 = arith.constant 2 : i32
    %div3A_405 = arith.divsi %add3A_403, %jit3A_404 : i32
    %sign3A_406 = arith.constant 0 : i32
    %sign3A_407 = arith.cmpi sgt, %add3A_403, %sign3A_406 : i32
    %sign3A_408 = arith.extui %sign3A_407 : i1 to i32
    %sign3A_409 = arith.constant 0 : i32
    %sign3A_410 = arith.cmpi slt, %add3A_403, %sign3A_409 : i32
    %sign3A_411 = arith.extui %sign3A_410 : i1 to i32
    %sign3A_412 = arith.subi %sign3A_408, %sign3A_411 : i32
    %sign3A_413 = arith.constant 0 : i32
    %sign3A_414 = arith.cmpi sgt, %jit3A_404, %sign3A_413 : i32
    %sign3A_415 = arith.extui %sign3A_414 : i1 to i32
    %sign3A_416 = arith.constant 0 : i32
    %sign3A_417 = arith.cmpi slt, %jit3A_404, %sign3A_416 : i32
    %sign3A_418 = arith.extui %sign3A_417 : i1 to i32
    %sign3A_419 = arith.subi %sign3A_415, %sign3A_418 : i32
    %ne3A_420 = arith.cmpi ne, %sign3A_412, %sign3A_419 : i32
    %rem3A_421 = arith.remsi %add3A_403, %jit3A_404 : i32
    %ne3A_422 = arith.constant 0 : i32
    %ne3A_423 = arith.cmpi ne, %rem3A_421, %ne3A_422 : i32
    %and3A_424 = arith.andi %ne3A_420, %ne3A_423 : i1
    %sub3A_425 = arith.constant 1 : i32
    %sub3A_426 = arith.subi %div3A_405, %sub3A_425 : i32
    %select_n3A_427 = arith.select %and3A_424, %sub3A_426, %div3A_405 : i32
    %mul3A_428 = arith.constant 2 : i32
    %mul3A_429 = arith.muli %select_n3A_427, %mul3A_428 : i32
    %sub3A_430 = arith.subi %add3A_403, %mul3A_429 : i32
    %jit3A_431 = arith.constant 8 : i32
    %div3A_432 = arith.divsi %select_n3A_427, %jit3A_431 : i32
    %sign3A_433 = arith.constant 0 : i32
    %sign3A_434 = arith.cmpi sgt, %select_n3A_427, %sign3A_433 : i32
    %sign3A_435 = arith.extui %sign3A_434 : i1 to i32
    %sign3A_436 = arith.constant 0 : i32
    %sign3A_437 = arith.cmpi slt, %select_n3A_427, %sign3A_436 : i32
    %sign3A_438 = arith.extui %sign3A_437 : i1 to i32
    %sign3A_439 = arith.subi %sign3A_435, %sign3A_438 : i32
    %sign3A_440 = arith.constant 0 : i32
    %sign3A_441 = arith.cmpi sgt, %jit3A_431, %sign3A_440 : i32
    %sign3A_442 = arith.extui %sign3A_441 : i1 to i32
    %sign3A_443 = arith.constant 0 : i32
    %sign3A_444 = arith.cmpi slt, %jit3A_431, %sign3A_443 : i32
    %sign3A_445 = arith.extui %sign3A_444 : i1 to i32
    %sign3A_446 = arith.subi %sign3A_442, %sign3A_445 : i32
    %ne3A_447 = arith.cmpi ne, %sign3A_439, %sign3A_446 : i32
    %rem3A_448 = arith.remsi %select_n3A_427, %jit3A_431 : i32
    %ne3A_449 = arith.constant 0 : i32
    %ne3A_450 = arith.cmpi ne, %rem3A_448, %ne3A_449 : i32
    %and3A_451 = arith.andi %ne3A_447, %ne3A_450 : i1
    %sub3A_452 = arith.constant 1 : i32
    %sub3A_453 = arith.subi %div3A_432, %sub3A_452 : i32
    %select_n3A_454 = arith.select %and3A_451, %sub3A_453, %div3A_432 : i32
    %broadcast_in_dim3A_455 = arith.constant 0.000000e+00 : f32
    %broadcast_in_dim3A_456 = vector.broadcast %broadcast_in_dim3A_455 : f32 to vector<16xf32>
    %scan3A_457 = arith.constant 0 : i32
    %scan3A_458 = arith.constant 0 : i32
    %scan3A_459 = arith.constant 3136 : i32
    %scan3A_460 = arith.addi %scan3A_458, %scan3A_459 : i32
    %scan3A_461 = arith.constant 1 : i32
    %scan3A_462 = scf.for %scan3A_537 = %scan3A_458 to %scan3A_460 step %scan3A_461 iter_args(%scan3A_538 = %scan3A_457) -> (i32)  : i32 {
      %mul3A_539 = arith.constant 16 : i32
      %mul3A_540 = arith.muli %scan3A_537, %mul3A_539 : i32
      %swap3A = arith.index_cast %mul3A_540 : i32 to index
      %swap3A_541 = tpu.vector_load %arg8[%swap3A] {strides = array<i32>} : memref<50176xf32, #tpu.memory_space<vmem>>, vector<16xf32>,
      tpu.vector_store %arg8[%swap3A], %broadcast_in_dim3A_456 {strides = array<i32>} : memref<50176xf32, #tpu.memory_space<vmem>>, vector<16xf32>,
      %scan3A_542 = arith.constant 0 : i32
      scf.yield %scan3A_542 : i32
    }
    %scan3A_463 = arith.constant 3136 : i32
    "tpu.region"() ({
      %run_scoped3A = tpu.sem_alloc : memref<!tpu.dma_semaphore, #tpu.memory_space<semaphore_mem>>
      %dma_start3A_537 = arith.constant 0 : i32
      %dma_start3A_538 = tpu.memref_slice %arg4[%select_n3A_427, %dma_start3A_537] : memref<64x50176xf32, #tpu.memory_space<hbm>> -> memref<1x50176xf32, #tpu.memory_space<hbm>>
      %dma_start3A_539 = tpu.memref_squeeze %dma_start3A_538 : memref<1x50176xf32, #tpu.memory_space<hbm>> -> memref<50176xf32, #tpu.memory_space<hbm>>
      %dma_start3A_540 = arith.constant 0 : i32
      %dma_start3A_541 = tpu.memref_slice %arg4[%select_n3A_427, %dma_start3A_540] : memref<64x50176xf32, #tpu.memory_space<hbm>> -> memref<1x50176xf32, #tpu.memory_space<hbm>>
      %dma_start3A_542 = tpu.memref_squeeze %dma_start3A_541 : memref<1x50176xf32, #tpu.memory_space<hbm>> -> memref<50176xf32, #tpu.memory_space<hbm>>
      tpu.enqueue_dma source(%dma_start3A_542 : memref<50176xf32, #tpu.memory_space<hbm>>) target(%arg7 : memref<50176xf32, #tpu.memory_space<vmem>>) target_semaphore(%run_scoped3A : memref<!tpu.dma_semaphore, #tpu.memory_space<semaphore_mem>>)
      %dma_wait3A_543 = arith.constant 0 : i32
      %dma_wait3A_544 = tpu.memref_slice %arg4[%select_n3A_427, %dma_wait3A_543] : memref<64x50176xf32, #tpu.memory_space<hbm>> -> memref<1x50176xf32, #tpu.memory_space<hbm>>
      %dma_wait3A_545 = tpu.memref_squeeze %dma_wait3A_544 : memref<1x50176xf32, #tpu.memory_space<hbm>> -> memref<50176xf32, #tpu.memory_space<hbm>>
      %dma_wait3A_546 = arith.constant 0 : i32
      %dma_wait3A_547 = tpu.memref_slice %arg4[%select_n3A_427, %dma_wait3A_546] : memref<64x50176xf32, #tpu.memory_space<hbm>> -> memref<1x50176xf32, #tpu.memory_space<hbm>>
      %dma_wait3A_548 = tpu.memref_squeeze %dma_wait3A_547 : memref<1x50176xf32, #tpu.memory_space<hbm>> -> memref<50176xf32, #tpu.memory_space<hbm>>
      tpu.wait_dma2 semaphore(%run_scoped3A : memref<!tpu.dma_semaphore, #tpu.memory_space<semaphore_mem>>) src(%dma_wait3A_548 : memref<50176xf32, #tpu.memory_space<hbm>>) dst(%arg7 : memref<50176xf32, #tpu.memory_space<vmem>>)
      tpu.yield
    }) : () -> ()
    %mul3A_464 = arith.constant 425984 : i32
    %mul3A_465 = arith.muli %sub3A_430, %mul3A_464 : i32
    %dma_start3A_466 = arith.constant 0 : i32
    %dma_start3A_467 = arith.constant 0 : i32
    %dma_start3A_468 = tpu.memref_slice %arg9[%dma_start3A_466, %dma_start3A_467] : memref<2x4096xi32, #tpu.memory_space<vmem>> -> memref<1x4096xi32, #tpu.memory_space<vmem>>
    %dma_start3A_469 = tpu.memref_squeeze %dma_start3A_468 : memref<1x4096xi32, #tpu.memory_space<vmem>> -> memref<4096xi32, #tpu.memory_space<vmem>>
    %dma_start3A_470 = tpu.memref_slice %arg2[%mul3A_465] : memref<851968xi32, #tpu.memory_space<hbm>> -> memref<4096xi32, #tpu.memory_space<hbm>>
    %dma_start3A_471 = arith.constant 0 : i32
    %dma_start3A_472 = tpu.memref_slice %arg9[%dma_start3A_466, %dma_start3A_471] : memref<2x4096xi32, #tpu.memory_space<vmem>> -> memref<1x4096xi32, #tpu.memory_space<vmem>>
    %dma_start3A_473 = tpu.memref_squeeze %dma_start3A_472 : memref<1x4096xi32, #tpu.memory_space<vmem>> -> memref<4096xi32, #tpu.memory_space<vmem>>
    %dma_start3A_474 = tpu.memref_slice %arg2[%mul3A_465] : memref<851968xi32, #tpu.memory_space<hbm>> -> memref<4096xi32, #tpu.memory_space<hbm>>
    tpu.enqueue_dma source(%dma_start3A_474 : memref<4096xi32, #tpu.memory_space<hbm>>) target(%dma_start3A_473 : memref<4096xi32, #tpu.memory_space<vmem>>) target_semaphore(%arg12 : memref<!tpu.dma_semaphore, #tpu.memory_space<semaphore_mem>>)
    %dma_start3A_475 = arith.constant 0 : i32
    %dma_start3A_476 = arith.constant 0 : i32
    %dma_start3A_477 = tpu.memref_slice %arg10[%dma_start3A_475, %dma_start3A_476] : memref<2x4096xi32, #tpu.memory_space<vmem>> -> memref<1x4096xi32, #tpu.memory_space<vmem>>
    %dma_start3A_478 = tpu.memref_squeeze %dma_start3A_477 : memref<1x4096xi32, #tpu.memory_space<vmem>> -> memref<4096xi32, #tpu.memory_space<vmem>>
    %dma_start3A_479 = tpu.memref_slice %arg3[%mul3A_465] : memref<851968xi32, #tpu.memory_space<hbm>> -> memref<4096xi32, #tpu.memory_space<hbm>>
    %dma_start3A_480 = arith.constant 0 : i32
    %dma_start3A_481 = tpu.memref_slice %arg10[%dma_start3A_475, %dma_start3A_480] : memref<2x4096xi32, #tpu.memory_space<vmem>> -> memref<1x4096xi32, #tpu.memory_space<vmem>>
    %dma_start3A_482 = tpu.memref_squeeze %dma_start3A_481 : memref<1x4096xi32, #tpu.memory_space<vmem>> -> memref<4096xi32, #tpu.memory_space<vmem>>
    %dma_start3A_483 = tpu.memref_slice %arg3[%mul3A_465] : memref<851968xi32, #tpu.memory_space<hbm>> -> memref<4096xi32, #tpu.memory_space<hbm>>
    tpu.enqueue_dma source(%dma_start3A_483 : memref<4096xi32, #tpu.memory_space<hbm>>) target(%dma_start3A_482 : memref<4096xi32, #tpu.memory_space<vmem>>) target_semaphore(%arg12 : memref<!tpu.dma_semaphore, #tpu.memory_space<semaphore_mem>>)
    %dma_start3A_484 = arith.constant 0 : i32
    %dma_start3A_485 = arith.constant 0 : i32
    %dma_start3A_486 = tpu.memref_slice %arg11[%dma_start3A_484, %dma_start3A_485] : memref<2x4096xf32, #tpu.memory_space<vmem>> -> memref<1x4096xf32, #tpu.memory_space<vmem>>
    %dma_start3A_487 = tpu.memref_squeeze %dma_start3A_486 : memref<1x4096xf32, #tpu.memory_space<vmem>> -> memref<4096xf32, #tpu.memory_space<vmem>>
    %dma_start3A_488 = tpu.memref_slice %arg5[%select_n3A_454, %mul3A_465] : memref<8x851968xf32, #tpu.memory_space<hbm>> -> memref<1x4096xf32, #tpu.memory_space<hbm>>
    %dma_start3A_489 = tpu.memref_squeeze %dma_start3A_488 : memref<1x4096xf32, #tpu.memory_space<hbm>> -> memref<4096xf32, #tpu.memory_space<hbm>>
    %dma_start3A_490 = arith.constant 0 : i32
    %dma_start3A_491 = tpu.memref_slice %arg11[%dma_start3A_484, %dma_start3A_490] : memref<2x4096xf32, #tpu.memory_space<vmem>> -> memref<1x4096xf32, #tpu.memory_space<vmem>>
    %dma_start3A_492 = tpu.memref_squeeze %dma_start3A_491 : memref<1x4096xf32, #tpu.memory_space<vmem>> -> memref<4096xf32, #tpu.memory_space<vmem>>
    %dma_start3A_493 = tpu.memref_slice %arg5[%select_n3A_454, %mul3A_465] : memref<8x851968xf32, #tpu.memory_space<hbm>> -> memref<1x4096xf32, #tpu.memory_space<hbm>>
    %dma_start3A_494 = tpu.memref_squeeze %dma_start3A_493 : memref<1x4096xf32, #tpu.memory_space<hbm>> -> memref<4096xf32, #tpu.memory_space<hbm>>
    tpu.enqueue_dma source(%dma_start3A_494 : memref<4096xf32, #tpu.memory_space<hbm>>) target(%dma_start3A_492 : memref<4096xf32, #tpu.memory_space<vmem>>) target_semaphore(%arg12 : memref<!tpu.dma_semaphore, #tpu.memory_space<semaphore_mem>>)
    %scan3A_495 = arith.constant 0 : i32
    %scan3A_496 = arith.constant 0 : i32
    %scan3A_497 = arith.constant 52 : i32
    %scan3A_498 = arith.addi %scan3A_496, %scan3A_497 : i32
    %scan3A_499 = arith.constant 1 : i32
    %scan3A_500 = scf.for %scan3A_537 = %scan3A_496 to %scan3A_498 step %scan3A_499 iter_args(%scan3A_538 = %scan3A_495) -> (i32)  : i32 {
      %mul3A_539 = arith.constant 2 : i32
      %mul3A_540 = arith.muli %mul3A_539, %scan3A_537 : i32
      %add3A_541 = arith.constant 1 : i32
      %add3A_542 = arith.addi %mul3A_540, %add3A_541 : i32
      %mul3A_543 = arith.constant 4096 : i32
      %mul3A_544 = arith.muli %add3A_542, %mul3A_543 : i32
      %add3A_545 = arith.addi %mul3A_465, %mul3A_544 : i32
      %dma_start3A_546 = arith.constant 1 : i32
      %dma_start3A_547 = arith.constant 0 : i32
      %dma_start3A_548 = tpu.memref_slice %arg9[%dma_start3A_546, %dma_start3A_547] : memref<2x4096xi32, #tpu.memory_space<vmem>> -> memref<1x4096xi32, #tpu.memory_space<vmem>>
      %dma_start3A_549 = tpu.memref_squeeze %dma_start3A_548 : memref<1x4096xi32, #tpu.memory_space<vmem>> -> memref<4096xi32, #tpu.memory_space<vmem>>
      %dma_start3A_550 = tpu.memref_slice %arg2[%add3A_545] : memref<851968xi32, #tpu.memory_space<hbm>> -> memref<4096xi32, #tpu.memory_space<hbm>>
      %dma_start3A_551 = arith.constant 0 : i32
      %dma_start3A_552 = tpu.memref_slice %arg9[%dma_start3A_546, %dma_start3A_551] : memref<2x4096xi32, #tpu.memory_space<vmem>> -> memref<1x4096xi32, #tpu.memory_space<vmem>>
      %dma_start3A_553 = tpu.memref_squeeze %dma_start3A_552 : memref<1x4096xi32, #tpu.memory_space<vmem>> -> memref<4096xi32, #tpu.memory_space<vmem>>
      %dma_start3A_554 = tpu.memref_slice %arg2[%add3A_545] : memref<851968xi32, #tpu.memory_space<hbm>> -> memref<4096xi32, #tpu.memory_space<hbm>>
      tpu.enqueue_dma source(%dma_start3A_554 : memref<4096xi32, #tpu.memory_space<hbm>>) target(%dma_start3A_553 : memref<4096xi32, #tpu.memory_space<vmem>>) target_semaphore(%arg13 : memref<!tpu.dma_semaphore, #tpu.memory_space<semaphore_mem>>)
      %dma_start3A_555 = arith.constant 1 : i32
      %dma_start3A_556 = arith.constant 0 : i32
      %dma_start3A_557 = tpu.memref_slice %arg10[%dma_start3A_555, %dma_start3A_556] : memref<2x4096xi32, #tpu.memory_space<vmem>> -> memref<1x4096xi32, #tpu.memory_space<vmem>>
      %dma_start3A_558 = tpu.memref_squeeze %dma_start3A_557 : memref<1x4096xi32, #tpu.memory_space<vmem>> -> memref<4096xi32, #tpu.memory_space<vmem>>
      %dma_start3A_559 = tpu.memref_slice %arg3[%add3A_545] : memref<851968xi32, #tpu.memory_space<hbm>> -> memref<4096xi32, #tpu.memory_space<hbm>>
      %dma_start3A_560 = arith.constant 0 : i32
      %dma_start3A_561 = tpu.memref_slice %arg10[%dma_start3A_555, %dma_start3A_560] : memref<2x4096xi32, #tpu.memory_space<vmem>> -> memref<1x4096xi32, #tpu.memory_space<vmem>>
      %dma_start3A_562 = tpu.memref_squeeze %dma_start3A_561 : memref<1x4096xi32, #tpu.memory_space<vmem>> -> memref<4096xi32, #tpu.memory_space<vmem>>
      %dma_start3A_563 = tpu.memref_slice %arg3[%add3A_545] : memref<851968xi32, #tpu.memory_space<hbm>> -> memref<4096xi32, #tpu.memory_space<hbm>>
      tpu.enqueue_dma source(%dma_start3A_563 : memref<4096xi32, #tpu.memory_space<hbm>>) target(%dma_start3A_562 : memref<4096xi32, #tpu.memory_space<vmem>>) target_semaphore(%arg13 : memref<!tpu.dma_semaphore, #tpu.memory_space<semaphore_mem>>)
      %dma_start3A_564 = arith.constant 1 : i32
      %dma_start3A_565 = arith.constant 0 : i32
      %dma_start3A_566 = tpu.memref_slice %arg11[%dma_start3A_564, %dma_start3A_565] : memref<2x4096xf32, #tpu.memory_space<vmem>> -> memref<1x4096xf32, #tpu.memory_space<vmem>>
      %dma_start3A_567 = tpu.memref_squeeze %dma_start3A_566 : memref<1x4096xf32, #tpu.memory_space<vmem>> -> memref<4096xf32, #tpu.memory_space<vmem>>
      %dma_start3A_568 = tpu.memref_slice %arg5[%select_n3A_454, %add3A_545] : memref<8x851968xf32, #tpu.memory_space<hbm>> -> memref<1x4096xf32, #tpu.memory_space<hbm>>
      %dma_start3A_569 = tpu.memref_squeeze %dma_start3A_568 : memref<1x4096xf32, #tpu.memory_space<hbm>> -> memref<4096xf32, #tpu.memory_space<hbm>>
      %dma_start3A_570 = arith.constant 0 : i32
      %dma_start3A_571 = tpu.memref_slice %arg11[%dma_start3A_564, %dma_start3A_570] : memref<2x4096xf32, #tpu.memory_space<vmem>> -> memref<1x4096xf32, #tpu.memory_space<vmem>>
      %dma_start3A_572 = tpu.memref_squeeze %dma_start3A_571 : memref<1x4096xf32, #tpu.memory_space<vmem>> -> memref<4096xf32, #tpu.memory_space<vmem>>
      %dma_start3A_573 = tpu.memref_slice %arg5[%select_n3A_454, %add3A_545] : memref<8x851968xf32, #tpu.memory_space<hbm>> -> memref<1x4096xf32, #tpu.memory_space<hbm>>
      %dma_start3A_574 = tpu.memref_squeeze %dma_start3A_573 : memref<1x4096xf32, #tpu.memory_space<hbm>> -> memref<4096xf32, #tpu.memory_space<hbm>>
      tpu.enqueue_dma source(%dma_start3A_574 : memref<4096xf32, #tpu.memory_space<hbm>>) target(%dma_start3A_572 : memref<4096xf32, #tpu.memory_space<vmem>>) target_semaphore(%arg13 : memref<!tpu.dma_semaphore, #tpu.memory_space<semaphore_mem>>)
      %dma_wait3A_575 = arith.constant 0 : i32
      %dma_wait3A_576 = arith.constant 0 : i32
      %dma_wait3A_577 = tpu.memref_slice %arg9[%dma_wait3A_575, %dma_wait3A_576] : memref<2x4096xi32, #tpu.memory_space<vmem>> -> memref<1x4096xi32, #tpu.memory_space<vmem>>
      %dma_wait3A_578 = tpu.memref_squeeze %dma_wait3A_577 : memref<1x4096xi32, #tpu.memory_space<vmem>> -> memref<4096xi32, #tpu.memory_space<vmem>>
      %dma_wait3A_579 = arith.constant 0 : i32
      %dma_wait3A_580 = tpu.memref_slice %arg2[%dma_wait3A_579] : memref<851968xi32, #tpu.memory_space<hbm>> -> memref<4096xi32, #tpu.memory_space<hbm>>
      %dma_wait3A_581 = arith.constant 0 : i32
      %dma_wait3A_582 = tpu.memref_slice %arg9[%dma_wait3A_575, %dma_wait3A_581] : memref<2x4096xi32, #tpu.memory_space<vmem>> -> memref<1x4096xi32, #tpu.memory_space<vmem>>
      %dma_wait3A_583 = tpu.memref_squeeze %dma_wait3A_582 : memref<1x4096xi32, #tpu.memory_space<vmem>> -> memref<4096xi32, #tpu.memory_space<vmem>>
      %dma_wait3A_584 = arith.constant 0 : i32
      %dma_wait3A_585 = tpu.memref_slice %arg2[%dma_wait3A_584] : memref<851968xi32, #tpu.memory_space<hbm>> -> memref<4096xi32, #tpu.memory_space<hbm>>
      tpu.wait_dma2 semaphore(%arg12 : memref<!tpu.dma_semaphore, #tpu.memory_space<semaphore_mem>>) src(%dma_wait3A_585 : memref<4096xi32, #tpu.memory_space<hbm>>) dst(%dma_wait3A_583 : memref<4096xi32, #tpu.memory_space<vmem>>)
      %dma_wait3A_586 = arith.constant 0 : i32
      %dma_wait3A_587 = arith.constant 0 : i32
      %dma_wait3A_588 = tpu.memref_slice %arg10[%dma_wait3A_586, %dma_wait3A_587] : memref<2x4096xi32, #tpu.memory_space<vmem>> -> memref<1x4096xi32, #tpu.memory_space<vmem>>
      %dma_wait3A_589 = tpu.memref_squeeze %dma_wait3A_588 : memref<1x4096xi32, #tpu.memory_space<vmem>> -> memref<4096xi32, #tpu.memory_space<vmem>>
      %dma_wait3A_590 = arith.constant 0 : i32
      %dma_wait3A_591 = tpu.memref_slice %arg3[%dma_wait3A_590] : memref<851968xi32, #tpu.memory_space<hbm>> -> memref<4096xi32, #tpu.memory_space<hbm>>
      %dma_wait3A_592 = arith.constant 0 : i32
      %dma_wait3A_593 = tpu.memref_slice %arg10[%dma_wait3A_586, %dma_wait3A_592] : memref<2x4096xi32, #tpu.memory_space<vmem>> -> memref<1x4096xi32, #tpu.memory_space<vmem>>
      %dma_wait3A_594 = tpu.memref_squeeze %dma_wait3A_593 : memref<1x4096xi32, #tpu.memory_space<vmem>> -> memref<4096xi32, #tpu.memory_space<vmem>>
      %dma_wait3A_595 = arith.constant 0 : i32
      %dma_wait3A_596 = tpu.memref_slice %arg3[%dma_wait3A_595] : memref<851968xi32, #tpu.memory_space<hbm>> -> memref<4096xi32, #tpu.memory_space<hbm>>
      tpu.wait_dma2 semaphore(%arg12 : memref<!tpu.dma_semaphore, #tpu.memory_space<semaphore_mem>>) src(%dma_wait3A_596 : memref<4096xi32, #tpu.memory_space<hbm>>) dst(%dma_wait3A_594 : memref<4096xi32, #tpu.memory_space<vmem>>)
      %dma_wait3A_597 = arith.constant 0 : i32
      %dma_wait3A_598 = arith.constant 0 : i32
      %dma_wait3A_599 = tpu.memref_slice %arg11[%dma_wait3A_597, %dma_wait3A_598] : memref<2x4096xf32, #tpu.memory_space<vmem>> -> memref<1x4096xf32, #tpu.memory_space<vmem>>
      %dma_wait3A_600 = tpu.memref_squeeze %dma_wait3A_599 : memref<1x4096xf32, #tpu.memory_space<vmem>> -> memref<4096xf32, #tpu.memory_space<vmem>>
      %dma_wait3A_601 = arith.constant 0 : i32
      %dma_wait3A_602 = tpu.memref_slice %arg5[%select_n3A_454, %dma_wait3A_601] : memref<8x851968xf32, #tpu.memory_space<hbm>> -> memref<1x4096xf32, #tpu.memory_space<hbm>>
      %dma_wait3A_603 = tpu.memref_squeeze %dma_wait3A_602 : memref<1x4096xf32, #tpu.memory_space<hbm>> -> memref<4096xf32, #tpu.memory_space<hbm>>
      %dma_wait3A_604 = arith.constant 0 : i32
      %dma_wait3A_605 = tpu.memref_slice %arg11[%dma_wait3A_597, %dma_wait3A_604] : memref<2x4096xf32, #tpu.memory_space<vmem>> -> memref<1x4096xf32, #tpu.memory_space<vmem>>
      %dma_wait3A_606 = tpu.memref_squeeze %dma_wait3A_605 : memref<1x4096xf32, #tpu.memory_space<vmem>> -> memref<4096xf32, #tpu.memory_space<vmem>>
      %dma_wait3A_607 = arith.constant 0 : i32
      %dma_wait3A_608 = tpu.memref_slice %arg5[%select_n3A_454, %dma_wait3A_607] : memref<8x851968xf32, #tpu.memory_space<hbm>> -> memref<1x4096xf32, #tpu.memory_space<hbm>>
      %dma_wait3A_609 = tpu.memref_squeeze %dma_wait3A_608 : memref<1x4096xf32, #tpu.memory_space<hbm>> -> memref<4096xf32, #tpu.memory_space<hbm>>
      tpu.wait_dma2 semaphore(%arg12 : memref<!tpu.dma_semaphore, #tpu.memory_space<semaphore_mem>>) src(%dma_wait3A_609 : memref<4096xf32, #tpu.memory_space<hbm>>) dst(%dma_wait3A_606 : memref<4096xf32, #tpu.memory_space<vmem>>)
      %scan3A_610 = arith.constant 0 : i32
      %scan3A_611 = arith.constant 0 : i32
      %scan3A_612 = arith.constant 256 : i32
      %scan3A_613 = arith.addi %scan3A_611, %scan3A_612 : i32
      %scan3A_614 = arith.constant 1 : i32
      %scan3A_615 = scf.for %scan3A_703 = %scan3A_611 to %scan3A_613 step %scan3A_614 iter_args(%scan3A_704 = %scan3A_610) -> (i32)  : i32 {
        %mul3A_705 = arith.constant 16 : i32
        %mul3A_706 = arith.muli %scan3A_703, %mul3A_705 : i32
        %get3A = arith.constant 0 : i32
        %get3A_707 = arith.index_cast %get3A : i32 to index
        %get3A_708 = arith.index_cast %mul3A_706 : i32 to index
        %get3A_709 = tpu.vector_load %arg9[%get3A_707, %get3A_708] {strides = array<i32>} : memref<2x4096xi32, #tpu.memory_space<vmem>>, vector<16xi32>,
        %mul3A_710 = arith.constant 16 : i32
        %mul3A_711 = arith.muli %scan3A_703, %mul3A_710 : i32
        %get3A_712 = arith.constant 0 : i32
        %get3A_713 = arith.index_cast %get3A_712 : i32 to index
        %get3A_714 = arith.index_cast %mul3A_711 : i32 to index
        %get3A_715 = tpu.vector_load %arg10[%get3A_713, %get3A_714] {strides = array<i32>} : memref<2x4096xi32, #tpu.memory_space<vmem>>, vector<16xi32>,
        %mul3A_716 = arith.constant 16 : i32
        %mul3A_717 = arith.muli %scan3A_703, %mul3A_716 : i32
        %get3A_718 = arith.constant 0 : i32
        %get3A_719 = arith.index_cast %get3A_718 : i32 to index
        %get3A_720 = arith.index_cast %mul3A_717 : i32 to index
        %get3A_721 = tpu.vector_load %arg11[%get3A_719, %get3A_720] {strides = array<i32>} : memref<2x4096xf32, #tpu.memory_space<vmem>>, vector<16xf32>,
        %gather3A = tpu.vector_load_idx %arg7[%get3A_709] : memref<50176xf32, #tpu.memory_space<vmem>>[vector<16xi32>], vector<16xf32>,
        %mul3A_722 = arith.mulf %gather3A, %get3A_721 : vector<16xf32>
        tpu.vector_store_idx %arg8[%get3A_715], %mul3A_722 {add = true} : memref<50176xf32, #tpu.memory_space<vmem>>[vector<16xi32>], vector<16xf32>,
        %scan3A_723 = arith.constant 0 : i32
        scf.yield %scan3A_723 : i32
      }
      %scan3A_616 = arith.constant 256 : i32
      %mul3A_617 = arith.constant 2 : i32
      %mul3A_618 = arith.muli %mul3A_617, %scan3A_537 : i32
      %add3A_619 = arith.constant 2 : i32
      %add3A_620 = arith.addi %mul3A_618, %add3A_619 : i32
      %lt3A = arith.constant 104 : i32
      %lt3A_621 = arith.cmpi slt, %add3A_620, %lt3A : i32
      %mul3A_622 = arith.constant 2 : i32
      %mul3A_623 = arith.muli %mul3A_622, %scan3A_537 : i32
      %add3A_624 = arith.constant 2 : i32
      %add3A_625 = arith.addi %mul3A_623, %add3A_624 : i32
      %mul3A_626 = arith.constant 4096 : i32
      %mul3A_627 = arith.muli %add3A_625, %mul3A_626 : i32
      %jit3A_628 = arith.constant 0 : i32
      %select_n3A_629 = arith.select %lt3A_621, %mul3A_627, %jit3A_628 : i32
      %add3A_630 = arith.addi %mul3A_465, %select_n3A_629 : i32
      %dma_start3A_631 = arith.constant 0 : i32
      %dma_start3A_632 = arith.constant 0 : i32
      %dma_start3A_633 = tpu.memref_slice %arg9[%dma_start3A_631, %dma_start3A_632] : memref<2x4096xi32, #tpu.memory_space<vmem>> -> memref<1x4096xi32, #tpu.memory_space<vmem>>
      %dma_start3A_634 = tpu.memref_squeeze %dma_start3A_633 : memref<1x4096xi32, #tpu.memory_space<vmem>> -> memref<4096xi32, #tpu.memory_space<vmem>>
      %dma_start3A_635 = tpu.memref_slice %arg2[%add3A_630] : memref<851968xi32, #tpu.memory_space<hbm>> -> memref<4096xi32, #tpu.memory_space<hbm>>
      %dma_start3A_636 = arith.constant 0 : i32
      %dma_start3A_637 = tpu.memref_slice %arg9[%dma_start3A_631, %dma_start3A_636] : memref<2x4096xi32, #tpu.memory_space<vmem>> -> memref<1x4096xi32, #tpu.memory_space<vmem>>
      %dma_start3A_638 = tpu.memref_squeeze %dma_start3A_637 : memref<1x4096xi32, #tpu.memory_space<vmem>> -> memref<4096xi32, #tpu.memory_space<vmem>>
      %dma_start3A_639 = tpu.memref_slice %arg2[%add3A_630] : memref<851968xi32, #tpu.memory_space<hbm>> -> memref<4096xi32, #tpu.memory_space<hbm>>
      tpu.enqueue_dma source(%dma_start3A_639 : memref<4096xi32, #tpu.memory_space<hbm>>) target(%dma_start3A_638 : memref<4096xi32, #tpu.memory_space<vmem>>) target_semaphore(%arg12 : memref<!tpu.dma_semaphore, #tpu.memory_space<semaphore_mem>>)
      %dma_start3A_640 = arith.constant 0 : i32
      %dma_start3A_641 = arith.constant 0 : i32
      %dma_start3A_642 = tpu.memref_slice %arg10[%dma_start3A_640, %dma_start3A_641] : memref<2x4096xi32, #tpu.memory_space<vmem>> -> memref<1x4096xi32, #tpu.memory_space<vmem>>
      %dma_start3A_643 = tpu.memref_squeeze %dma_start3A_642 : memref<1x4096xi32, #tpu.memory_space<vmem>> -> memref<4096xi32, #tpu.memory_space<vmem>>
      %dma_start3A_644 = tpu.memref_slice %arg3[%add3A_630] : memref<851968xi32, #tpu.memory_space<hbm>> -> memref<4096xi32, #tpu.memory_space<hbm>>
      %dma_start3A_645 = arith.constant 0 : i32
      %dma_start3A_646 = tpu.memref_slice %arg10[%dma_start3A_640, %dma_start3A_645] : memref<2x4096xi32, #tpu.memory_space<vmem>> -> memref<1x4096xi32, #tpu.memory_space<vmem>>
      %dma_start3A_647 = tpu.memref_squeeze %dma_start3A_646 : memref<1x4096xi32, #tpu.memory_space<vmem>> -> memref<4096xi32, #tpu.memory_space<vmem>>
      %dma_start3A_648 = tpu.memref_slice %arg3[%add3A_630] : memref<851968xi32, #tpu.memory_space<hbm>> -> memref<4096xi32, #tpu.memory_space<hbm>>
      tpu.enqueue_dma source(%dma_start3A_648 : memref<4096xi32, #tpu.memory_space<hbm>>) target(%dma_start3A_647 : memref<4096xi32, #tpu.memory_space<vmem>>) target_semaphore(%arg12 : memref<!tpu.dma_semaphore, #tpu.memory_space<semaphore_mem>>)
      %dma_start3A_649 = arith.constant 0 : i32
      %dma_start3A_650 = arith.constant 0 : i32
      %dma_start3A_651 = tpu.memref_slice %arg11[%dma_start3A_649, %dma_start3A_650] : memref<2x4096xf32, #tpu.memory_space<vmem>> -> memref<1x4096xf32, #tpu.memory_space<vmem>>
      %dma_start3A_652 = tpu.memref_squeeze %dma_start3A_651 : memref<1x4096xf32, #tpu.memory_space<vmem>> -> memref<4096xf32, #tpu.memory_space<vmem>>
      %dma_start3A_653 = tpu.memref_slice %arg5[%select_n3A_454, %add3A_630] : memref<8x851968xf32, #tpu.memory_space<hbm>> -> memref<1x4096xf32, #tpu.memory_space<hbm>>
      %dma_start3A_654 = tpu.memref_squeeze %dma_start3A_653 : memref<1x4096xf32, #tpu.memory_space<hbm>> -> memref<4096xf32, #tpu.memory_space<hbm>>
      %dma_start3A_655 = arith.constant 0 : i32
      %dma_start3A_656 = tpu.memref_slice %arg11[%dma_start3A_649, %dma_start3A_655] : memref<2x4096xf32, #tpu.memory_space<vmem>> -> memref<1x4096xf32, #tpu.memory_space<vmem>>
      %dma_start3A_657 = tpu.memref_squeeze %dma_start3A_656 : memref<1x4096xf32, #tpu.memory_space<vmem>> -> memref<4096xf32, #tpu.memory_space<vmem>>
      %dma_start3A_658 = tpu.memref_slice %arg5[%select_n3A_454, %add3A_630] : memref<8x851968xf32, #tpu.memory_space<hbm>> -> memref<1x4096xf32, #tpu.memory_space<hbm>>
      %dma_start3A_659 = tpu.memref_squeeze %dma_start3A_658 : memref<1x4096xf32, #tpu.memory_space<hbm>> -> memref<4096xf32, #tpu.memory_space<hbm>>
      tpu.enqueue_dma source(%dma_start3A_659 : memref<4096xf32, #tpu.memory_space<hbm>>) target(%dma_start3A_657 : memref<4096xf32, #tpu.memory_space<vmem>>) target_semaphore(%arg12 : memref<!tpu.dma_semaphore, #tpu.memory_space<semaphore_mem>>)
      %dma_wait3A_660 = arith.constant 1 : i32
      %dma_wait3A_661 = arith.constant 0 : i32
      %dma_wait3A_662 = tpu.memref_slice %arg9[%dma_wait3A_660, %dma_wait3A_661] : memref<2x4096xi32, #tpu.memory_space<vmem>> -> memref<1x4096xi32, #tpu.memory_space<vmem>>
      %dma_wait3A_663 = tpu.memref_squeeze %dma_wait3A_662 : memref<1x4096xi32, #tpu.memory_space<vmem>> -> memref<4096xi32, #tpu.memory_space<vmem>>
      %dma_wait3A_664 = arith.constant 0 : i32
      %dma_wait3A_665 = tpu.memref_slice %arg2[%dma_wait3A_664] : memref<851968xi32, #tpu.memory_space<hbm>> -> memref<4096xi32, #tpu.memory_space<hbm>>
      %dma_wait3A_666 = arith.constant 0 : i32
      %dma_wait3A_667 = tpu.memref_slice %arg9[%dma_wait3A_660, %dma_wait3A_666] : memref<2x4096xi32, #tpu.memory_space<vmem>> -> memref<1x4096xi32, #tpu.memory_space<vmem>>
      %dma_wait3A_668 = tpu.memref_squeeze %dma_wait3A_667 : memref<1x4096xi32, #tpu.memory_space<vmem>> -> memref<4096xi32, #tpu.memory_space<vmem>>
      %dma_wait3A_669 = arith.constant 0 : i32
      %dma_wait3A_670 = tpu.memref_slice %arg2[%dma_wait3A_669] : memref<851968xi32, #tpu.memory_space<hbm>> -> memref<4096xi32, #tpu.memory_space<hbm>>
      tpu.wait_dma2 semaphore(%arg13 : memref<!tpu.dma_semaphore, #tpu.memory_space<semaphore_mem>>) src(%dma_wait3A_670 : memref<4096xi32, #tpu.memory_space<hbm>>) dst(%dma_wait3A_668 : memref<4096xi32, #tpu.memory_space<vmem>>)
      %dma_wait3A_671 = arith.constant 1 : i32
      %dma_wait3A_672 = arith.constant 0 : i32
      %dma_wait3A_673 = tpu.memref_slice %arg10[%dma_wait3A_671, %dma_wait3A_672] : memref<2x4096xi32, #tpu.memory_space<vmem>> -> memref<1x4096xi32, #tpu.memory_space<vmem>>
      %dma_wait3A_674 = tpu.memref_squeeze %dma_wait3A_673 : memref<1x4096xi32, #tpu.memory_space<vmem>> -> memref<4096xi32, #tpu.memory_space<vmem>>
      %dma_wait3A_675 = arith.constant 0 : i32
      %dma_wait3A_676 = tpu.memref_slice %arg3[%dma_wait3A_675] : memref<851968xi32, #tpu.memory_space<hbm>> -> memref<4096xi32, #tpu.memory_space<hbm>>
      %dma_wait3A_677 = arith.constant 0 : i32
      %dma_wait3A_678 = tpu.memref_slice %arg10[%dma_wait3A_671, %dma_wait3A_677] : memref<2x4096xi32, #tpu.memory_space<vmem>> -> memref<1x4096xi32, #tpu.memory_space<vmem>>
      %dma_wait3A_679 = tpu.memref_squeeze %dma_wait3A_678 : memref<1x4096xi32, #tpu.memory_space<vmem>> -> memref<4096xi32, #tpu.memory_space<vmem>>
      %dma_wait3A_680 = arith.constant 0 : i32
      %dma_wait3A_681 = tpu.memref_slice %arg3[%dma_wait3A_680] : memref<851968xi32, #tpu.memory_space<hbm>> -> memref<4096xi32, #tpu.memory_space<hbm>>
      tpu.wait_dma2 semaphore(%arg13 : memref<!tpu.dma_semaphore, #tpu.memory_space<semaphore_mem>>) src(%dma_wait3A_681 : memref<4096xi32, #tpu.memory_space<hbm>>) dst(%dma_wait3A_679 : memref<4096xi32, #tpu.memory_space<vmem>>)
      %dma_wait3A_682 = arith.constant 1 : i32
      %dma_wait3A_683 = arith.constant 0 : i32
      %dma_wait3A_684 = tpu.memref_slice %arg11[%dma_wait3A_682, %dma_wait3A_683] : memref<2x4096xf32, #tpu.memory_space<vmem>> -> memref<1x4096xf32, #tpu.memory_space<vmem>>
      %dma_wait3A_685 = tpu.memref_squeeze %dma_wait3A_684 : memref<1x4096xf32, #tpu.memory_space<vmem>> -> memref<4096xf32, #tpu.memory_space<vmem>>
      %dma_wait3A_686 = arith.constant 0 : i32
      %dma_wait3A_687 = tpu.memref_slice %arg5[%select_n3A_454, %dma_wait3A_686] : memref<8x851968xf32, #tpu.memory_space<hbm>> -> memref<1x4096xf32, #tpu.memory_space<hbm>>
      %dma_wait3A_688 = tpu.memref_squeeze %dma_wait3A_687 : memref<1x4096xf32, #tpu.memory_space<hbm>> -> memref<4096xf32, #tpu.memory_space<hbm>>
      %dma_wait3A_689 = arith.constant 0 : i32
      %dma_wait3A_690 = tpu.memref_slice %arg11[%dma_wait3A_682, %dma_wait3A_689] : memref<2x4096xf32, #tpu.memory_space<vmem>> -> memref<1x4096xf32, #tpu.memory_space<vmem>>
      %dma_wait3A_691 = tpu.memref_squeeze %dma_wait3A_690 : memref<1x4096xf32, #tpu.memory_space<vmem>> -> memref<4096xf32, #tpu.memory_space<vmem>>
      %dma_wait3A_692 = arith.constant 0 : i32
      %dma_wait3A_693 = tpu.memref_slice %arg5[%select_n3A_454, %dma_wait3A_692] : memref<8x851968xf32, #tpu.memory_space<hbm>> -> memref<1x4096xf32, #tpu.memory_space<hbm>>
      %dma_wait3A_694 = tpu.memref_squeeze %dma_wait3A_693 : memref<1x4096xf32, #tpu.memory_space<hbm>> -> memref<4096xf32, #tpu.memory_space<hbm>>
      tpu.wait_dma2 semaphore(%arg13 : memref<!tpu.dma_semaphore, #tpu.memory_space<semaphore_mem>>) src(%dma_wait3A_694 : memref<4096xf32, #tpu.memory_space<hbm>>) dst(%dma_wait3A_691 : memref<4096xf32, #tpu.memory_space<vmem>>)
      %scan3A_695 = arith.constant 0 : i32
      %scan3A_696 = arith.constant 0 : i32
      %scan3A_697 = arith.constant 256 : i32
      %scan3A_698 = arith.addi %scan3A_696, %scan3A_697 : i32
      %scan3A_699 = arith.constant 1 : i32
      %scan3A_700 = scf.for %scan3A_703 = %scan3A_696 to %scan3A_698 step %scan3A_699 iter_args(%scan3A_704 = %scan3A_695) -> (i32)  : i32 {
        %mul3A_705 = arith.constant 16 : i32
        %mul3A_706 = arith.muli %scan3A_703, %mul3A_705 : i32
        %get3A = arith.constant 1 : i32
        %get3A_707 = arith.index_cast %get3A : i32 to index
        %get3A_708 = arith.index_cast %mul3A_706 : i32 to index
        %get3A_709 = tpu.vector_load %arg9[%get3A_707, %get3A_708] {strides = array<i32>} : memref<2x4096xi32, #tpu.memory_space<vmem>>, vector<16xi32>,
        %mul3A_710 = arith.constant 16 : i32
        %mul3A_711 = arith.muli %scan3A_703, %mul3A_710 : i32
        %get3A_712 = arith.constant 1 : i32
        %get3A_713 = arith.index_cast %get3A_712 : i32 to index
        %get3A_714 = arith.index_cast %mul3A_711 : i32 to index
        %get3A_715 = tpu.vector_load %arg10[%get3A_713, %get3A_714] {strides = array<i32>} : memref<2x4096xi32, #tpu.memory_space<vmem>>, vector<16xi32>,
        %mul3A_716 = arith.constant 16 : i32
        %mul3A_717 = arith.muli %scan3A_703, %mul3A_716 : i32
        %get3A_718 = arith.constant 1 : i32
        %get3A_719 = arith.index_cast %get3A_718 : i32 to index
        %get3A_720 = arith.index_cast %mul3A_717 : i32 to index
        %get3A_721 = tpu.vector_load %arg11[%get3A_719, %get3A_720] {strides = array<i32>} : memref<2x4096xf32, #tpu.memory_space<vmem>>, vector<16xf32>,
        %gather3A = tpu.vector_load_idx %arg7[%get3A_709] : memref<50176xf32, #tpu.memory_space<vmem>>[vector<16xi32>], vector<16xf32>,
        %mul3A_722 = arith.mulf %gather3A, %get3A_721 : vector<16xf32>
        tpu.vector_store_idx %arg8[%get3A_715], %mul3A_722 {add = true} : memref<50176xf32, #tpu.memory_space<vmem>>[vector<16xi32>], vector<16xf32>,
        %scan3A_723 = arith.constant 0 : i32
        scf.yield %scan3A_723 : i32
      }
      %scan3A_701 = arith.constant 256 : i32
      %scan3A_702 = arith.constant 0 : i32
      scf.yield %scan3A_702 : i32
    }
    %scan3A_501 = arith.constant 52 : i32
    %dma_wait3A_502 = arith.constant 0 : i32
    %dma_wait3A_503 = arith.constant 0 : i32
    %dma_wait3A_504 = tpu.memref_slice %arg9[%dma_wait3A_502, %dma_wait3A_503] : memref<2x4096xi32, #tpu.memory_space<vmem>> -> memref<1x4096xi32, #tpu.memory_space<vmem>>
    %dma_wait3A_505 = tpu.memref_squeeze %dma_wait3A_504 : memref<1x4096xi32, #tpu.memory_space<vmem>> -> memref<4096xi32, #tpu.memory_space<vmem>>
    %dma_wait3A_506 = arith.constant 0 : i32
    %dma_wait3A_507 = tpu.memref_slice %arg2[%dma_wait3A_506] : memref<851968xi32, #tpu.memory_space<hbm>> -> memref<4096xi32, #tpu.memory_space<hbm>>
    %dma_wait3A_508 = arith.constant 0 : i32
    %dma_wait3A_509 = tpu.memref_slice %arg9[%dma_wait3A_502, %dma_wait3A_508] : memref<2x4096xi32, #tpu.memory_space<vmem>> -> memref<1x4096xi32, #tpu.memory_space<vmem>>
    %dma_wait3A_510 = tpu.memref_squeeze %dma_wait3A_509 : memref<1x4096xi32, #tpu.memory_space<vmem>> -> memref<4096xi32, #tpu.memory_space<vmem>>
    %dma_wait3A_511 = arith.constant 0 : i32
    %dma_wait3A_512 = tpu.memref_slice %arg2[%dma_wait3A_511] : memref<851968xi32, #tpu.memory_space<hbm>> -> memref<4096xi32, #tpu.memory_space<hbm>>
    tpu.wait_dma2 semaphore(%arg12 : memref<!tpu.dma_semaphore, #tpu.memory_space<semaphore_mem>>) src(%dma_wait3A_512 : memref<4096xi32, #tpu.memory_space<hbm>>) dst(%dma_wait3A_510 : memref<4096xi32, #tpu.memory_space<vmem>>)
    %dma_wait3A_513 = arith.constant 0 : i32
    %dma_wait3A_514 = arith.constant 0 : i32
    %dma_wait3A_515 = tpu.memref_slice %arg10[%dma_wait3A_513, %dma_wait3A_514] : memref<2x4096xi32, #tpu.memory_space<vmem>> -> memref<1x4096xi32, #tpu.memory_space<vmem>>
    %dma_wait3A_516 = tpu.memref_squeeze %dma_wait3A_515 : memref<1x4096xi32, #tpu.memory_space<vmem>> -> memref<4096xi32, #tpu.memory_space<vmem>>
    %dma_wait3A_517 = arith.constant 0 : i32
    %dma_wait3A_518 = tpu.memref_slice %arg3[%dma_wait3A_517] : memref<851968xi32, #tpu.memory_space<hbm>> -> memref<4096xi32, #tpu.memory_space<hbm>>
    %dma_wait3A_519 = arith.constant 0 : i32
    %dma_wait3A_520 = tpu.memref_slice %arg10[%dma_wait3A_513, %dma_wait3A_519] : memref<2x4096xi32, #tpu.memory_space<vmem>> -> memref<1x4096xi32, #tpu.memory_space<vmem>>
    %dma_wait3A_521 = tpu.memref_squeeze %dma_wait3A_520 : memref<1x4096xi32, #tpu.memory_space<vmem>> -> memref<4096xi32, #tpu.memory_space<vmem>>
    %dma_wait3A_522 = arith.constant 0 : i32
    %dma_wait3A_523 = tpu.memref_slice %arg3[%dma_wait3A_522] : memref<851968xi32, #tpu.memory_space<hbm>> -> memref<4096xi32, #tpu.memory_space<hbm>>
    tpu.wait_dma2 semaphore(%arg12 : memref<!tpu.dma_semaphore, #tpu.memory_space<semaphore_mem>>) src(%dma_wait3A_523 : memref<4096xi32, #tpu.memory_space<hbm>>) dst(%dma_wait3A_521 : memref<4096xi32, #tpu.memory_space<vmem>>)
    %dma_wait3A_524 = arith.constant 0 : i32
    %dma_wait3A_525 = arith.constant 0 : i32
    %dma_wait3A_526 = tpu.memref_slice %arg11[%dma_wait3A_524, %dma_wait3A_525] : memref<2x4096xf32, #tpu.memory_space<vmem>> -> memref<1x4096xf32, #tpu.memory_space<vmem>>
    %dma_wait3A_527 = tpu.memref_squeeze %dma_wait3A_526 : memref<1x4096xf32, #tpu.memory_space<vmem>> -> memref<4096xf32, #tpu.memory_space<vmem>>
    %dma_wait3A_528 = arith.constant 0 : i32
    %dma_wait3A_529 = tpu.memref_slice %arg5[%select_n3A_454, %dma_wait3A_528] : memref<8x851968xf32, #tpu.memory_space<hbm>> -> memref<1x4096xf32, #tpu.memory_space<hbm>>
    %dma_wait3A_530 = tpu.memref_squeeze %dma_wait3A_529 : memref<1x4096xf32, #tpu.memory_space<hbm>> -> memref<4096xf32, #tpu.memory_space<hbm>>
    %dma_wait3A_531 = arith.constant 0 : i32
    %dma_wait3A_532 = tpu.memref_slice %arg11[%dma_wait3A_524, %dma_wait3A_531] : memref<2x4096xf32, #tpu.memory_space<vmem>> -> memref<1x4096xf32, #tpu.memory_space<vmem>>
    %dma_wait3A_533 = tpu.memref_squeeze %dma_wait3A_532 : memref<1x4096xf32, #tpu.memory_space<vmem>> -> memref<4096xf32, #tpu.memory_space<vmem>>
    %dma_wait3A_534 = arith.constant 0 : i32
    %dma_wait3A_535 = tpu.memref_slice %arg5[%select_n3A_454, %dma_wait3A_534] : memref<8x851968xf32, #tpu.memory_space<hbm>> -> memref<1x4096xf32, #tpu.memory_space<hbm>>
    %dma_wait3A_536 = tpu.memref_squeeze %dma_wait3A_535 : memref<1x4096xf32, #tpu.memory_space<hbm>> -> memref<4096xf32, #tpu.memory_space<hbm>>
    tpu.wait_dma2 semaphore(%arg12 : memref<!tpu.dma_semaphore, #tpu.memory_space<semaphore_mem>>) src(%dma_wait3A_536 : memref<4096xf32, #tpu.memory_space<hbm>>) dst(%dma_wait3A_533 : memref<4096xf32, #tpu.memory_space<vmem>>)
    "tpu.region"() ({
      %run_scoped3A = tpu.sem_alloc : memref<!tpu.dma_semaphore, #tpu.memory_space<semaphore_mem>>
      %dma_start3A_537 = arith.constant 0 : i32
      %dma_start3A_538 = tpu.memref_slice %arg6[%sub3A_430, %select_n3A_427, %dma_start3A_537] : memref<2x64x50176xf32, #tpu.memory_space<hbm>> -> memref<1x1x50176xf32, #tpu.memory_space<hbm>>
      %dma_start3A_539 = tpu.memref_squeeze %dma_start3A_538 : memref<1x1x50176xf32, #tpu.memory_space<hbm>> -> memref<50176xf32, #tpu.memory_space<hbm>>
      %dma_start3A_540 = arith.constant 0 : i32
      %dma_start3A_541 = tpu.memref_slice %arg6[%sub3A_430, %select_n3A_427, %dma_start3A_540] : memref<2x64x50176xf32, #tpu.memory_space<hbm>> -> memref<1x1x50176xf32, #tpu.memory_space<hbm>>
      %dma_start3A_542 = tpu.memref_squeeze %dma_start3A_541 : memref<1x1x50176xf32, #tpu.memory_space<hbm>> -> memref<50176xf32, #tpu.memory_space<hbm>>
      tpu.enqueue_dma source(%arg8 : memref<50176xf32, #tpu.memory_space<vmem>>) target(%dma_start3A_542 : memref<50176xf32, #tpu.memory_space<hbm>>) target_semaphore(%run_scoped3A : memref<!tpu.dma_semaphore, #tpu.memory_space<semaphore_mem>>)
      %dma_wait3A_543 = arith.constant 0 : i32
      %dma_wait3A_544 = tpu.memref_slice %arg6[%sub3A_430, %select_n3A_427, %dma_wait3A_543] : memref<2x64x50176xf32, #tpu.memory_space<hbm>> -> memref<1x1x50176xf32, #tpu.memory_space<hbm>>
      %dma_wait3A_545 = tpu.memref_squeeze %dma_wait3A_544 : memref<1x1x50176xf32, #tpu.memory_space<hbm>> -> memref<50176xf32, #tpu.memory_space<hbm>>
      %dma_wait3A_546 = arith.constant 0 : i32
      %dma_wait3A_547 = tpu.memref_slice %arg6[%sub3A_430, %select_n3A_427, %dma_wait3A_546] : memref<2x64x50176xf32, #tpu.memory_space<hbm>> -> memref<1x1x50176xf32, #tpu.memory_space<hbm>>
      %dma_wait3A_548 = tpu.memref_squeeze %dma_wait3A_547 : memref<1x1x50176xf32, #tpu.memory_space<hbm>> -> memref<50176xf32, #tpu.memory_space<hbm>>
      tpu.wait_dma2 semaphore(%run_scoped3A : memref<!tpu.dma_semaphore, #tpu.memory_space<semaphore_mem>>) src(%arg8 : memref<50176xf32, #tpu.memory_space<vmem>>) dst(%dma_wait3A_548 : memref<50176xf32, #tpu.memory_space<hbm>>)
      tpu.yield
    }) : () -> ()
    return
  }
}

#map = affine_map<(d0, d1) -> (0)>
#map1 = affine_map<(d0, d1) -> (0, 0)>
module attributes {stable_mosaic.version = 14 : i64} {
  func.func @_scw1(%arg0: i32, %arg1: i32, %arg2: memref<851968xi32, #tpu.memory_space<hbm>>, %arg3: memref<851968xi32, #tpu.memory_space<hbm>>, %arg4: memref<8x50176xf32, #tpu.memory_space<hbm>>, %arg5: memref<8x50176xf32, #tpu.memory_space<hbm>>, %arg6: memref<8x851968xf32, #tpu.memory_space<hbm>>, %arg7: memref<50176xf32, #tpu.memory_space<vmem>>, %arg8: memref<50176xf32, #tpu.memory_space<vmem>>, %arg9: memref<2048xi32, #tpu.memory_space<vmem>>, %arg10: memref<2048xi32, #tpu.memory_space<vmem>>, %arg11: memref<2048xf32, #tpu.memory_space<vmem>>) attributes {dimension_semantics = [#tpu.dimension_semantics<core_parallel>, #tpu.dimension_semantics<subcore_parallel>], iteration_bounds = array<i64: 2, 16>, scalar_prefetch = 0 : i64, scratch_operands = 5 : i64, tpu.core_type = #tpu.core_type<sc_vector_subcore>, window_params = [{transform_indices = #map}, {transform_indices = #map}, {transform_indices = #map1}, {transform_indices = #map1}, {transform_indices = #map1}]} {
    %mul3A = arith.constant 2 : i32
    %mul3A_0 = arith.muli %arg1, %mul3A : i32
    %add3A = arith.addi %mul3A_0, %arg0 : i32
    %jit3A = arith.constant 4 : i32
    %div3A = arith.divsi %add3A, %jit3A : i32
    %sign3A = arith.constant 0 : i32
    %sign3A_1 = arith.cmpi sgt, %add3A, %sign3A : i32
    %sign3A_2 = arith.extui %sign3A_1 : i1 to i32
    %sign3A_3 = arith.constant 0 : i32
    %sign3A_4 = arith.cmpi slt, %add3A, %sign3A_3 : i32
    %sign3A_5 = arith.extui %sign3A_4 : i1 to i32
    %sign3A_6 = arith.subi %sign3A_2, %sign3A_5 : i32
    %sign3A_7 = arith.constant 0 : i32
    %sign3A_8 = arith.cmpi sgt, %jit3A, %sign3A_7 : i32
    %sign3A_9 = arith.extui %sign3A_8 : i1 to i32
    %sign3A_10 = arith.constant 0 : i32
    %sign3A_11 = arith.cmpi slt, %jit3A, %sign3A_10 : i32
    %sign3A_12 = arith.extui %sign3A_11 : i1 to i32
    %sign3A_13 = arith.subi %sign3A_9, %sign3A_12 : i32
    %ne3A = arith.cmpi ne, %sign3A_6, %sign3A_13 : i32
    %rem3A = arith.remsi %add3A, %jit3A : i32
    %ne3A_14 = arith.constant 0 : i32
    %ne3A_15 = arith.cmpi ne, %rem3A, %ne3A_14 : i32
    %and3A = arith.andi %ne3A, %ne3A_15 : i1
    %sub3A = arith.constant 1 : i32
    %sub3A_16 = arith.subi %div3A, %sub3A : i32
    %select_n3A = arith.select %and3A, %sub3A_16, %div3A : i32
    %mul3A_17 = arith.constant 4 : i32
    %mul3A_18 = arith.muli %select_n3A, %mul3A_17 : i32
    %sub3A_19 = arith.subi %add3A, %mul3A_18 : i32
    "tpu.region"() ({
      %run_scoped3A = tpu.sem_alloc : memref<!tpu.dma_semaphore, #tpu.memory_space<semaphore_mem>>
      %dma_start3A = arith.constant 0 : i32
      %dma_start3A_28 = tpu.memref_slice %arg4[%select_n3A, %dma_start3A] : memref<8x50176xf32, #tpu.memory_space<hbm>> -> memref<1x50176xf32, #tpu.memory_space<hbm>>
      %dma_start3A_29 = tpu.memref_squeeze %dma_start3A_28 : memref<1x50176xf32, #tpu.memory_space<hbm>> -> memref<50176xf32, #tpu.memory_space<hbm>>
      %dma_start3A_30 = arith.constant 0 : i32
      %dma_start3A_31 = tpu.memref_slice %arg4[%select_n3A, %dma_start3A_30] : memref<8x50176xf32, #tpu.memory_space<hbm>> -> memref<1x50176xf32, #tpu.memory_space<hbm>>
      %dma_start3A_32 = tpu.memref_squeeze %dma_start3A_31 : memref<1x50176xf32, #tpu.memory_space<hbm>> -> memref<50176xf32, #tpu.memory_space<hbm>>
      tpu.enqueue_dma source(%dma_start3A_32 : memref<50176xf32, #tpu.memory_space<hbm>>) target(%arg7 : memref<50176xf32, #tpu.memory_space<vmem>>) target_semaphore(%run_scoped3A : memref<!tpu.dma_semaphore, #tpu.memory_space<semaphore_mem>>)
      %dma_wait3A = arith.constant 0 : i32
      %dma_wait3A_33 = tpu.memref_slice %arg4[%select_n3A, %dma_wait3A] : memref<8x50176xf32, #tpu.memory_space<hbm>> -> memref<1x50176xf32, #tpu.memory_space<hbm>>
      %dma_wait3A_34 = tpu.memref_squeeze %dma_wait3A_33 : memref<1x50176xf32, #tpu.memory_space<hbm>> -> memref<50176xf32, #tpu.memory_space<hbm>>
      %dma_wait3A_35 = arith.constant 0 : i32
      %dma_wait3A_36 = tpu.memref_slice %arg4[%select_n3A, %dma_wait3A_35] : memref<8x50176xf32, #tpu.memory_space<hbm>> -> memref<1x50176xf32, #tpu.memory_space<hbm>>
      %dma_wait3A_37 = tpu.memref_squeeze %dma_wait3A_36 : memref<1x50176xf32, #tpu.memory_space<hbm>> -> memref<50176xf32, #tpu.memory_space<hbm>>
      tpu.wait_dma2 semaphore(%run_scoped3A : memref<!tpu.dma_semaphore, #tpu.memory_space<semaphore_mem>>) src(%dma_wait3A_37 : memref<50176xf32, #tpu.memory_space<hbm>>) dst(%arg7 : memref<50176xf32, #tpu.memory_space<vmem>>)
      tpu.yield
    }) : () -> ()
    "tpu.region"() ({
      %run_scoped3A = tpu.sem_alloc : memref<!tpu.dma_semaphore, #tpu.memory_space<semaphore_mem>>
      %dma_start3A = arith.constant 0 : i32
      %dma_start3A_28 = tpu.memref_slice %arg5[%select_n3A, %dma_start3A] : memref<8x50176xf32, #tpu.memory_space<hbm>> -> memref<1x50176xf32, #tpu.memory_space<hbm>>
      %dma_start3A_29 = tpu.memref_squeeze %dma_start3A_28 : memref<1x50176xf32, #tpu.memory_space<hbm>> -> memref<50176xf32, #tpu.memory_space<hbm>>
      %dma_start3A_30 = arith.constant 0 : i32
      %dma_start3A_31 = tpu.memref_slice %arg5[%select_n3A, %dma_start3A_30] : memref<8x50176xf32, #tpu.memory_space<hbm>> -> memref<1x50176xf32, #tpu.memory_space<hbm>>
      %dma_start3A_32 = tpu.memref_squeeze %dma_start3A_31 : memref<1x50176xf32, #tpu.memory_space<hbm>> -> memref<50176xf32, #tpu.memory_space<hbm>>
      tpu.enqueue_dma source(%dma_start3A_32 : memref<50176xf32, #tpu.memory_space<hbm>>) target(%arg8 : memref<50176xf32, #tpu.memory_space<vmem>>) target_semaphore(%run_scoped3A : memref<!tpu.dma_semaphore, #tpu.memory_space<semaphore_mem>>)
      %dma_wait3A = arith.constant 0 : i32
      %dma_wait3A_33 = tpu.memref_slice %arg5[%select_n3A, %dma_wait3A] : memref<8x50176xf32, #tpu.memory_space<hbm>> -> memref<1x50176xf32, #tpu.memory_space<hbm>>
      %dma_wait3A_34 = tpu.memref_squeeze %dma_wait3A_33 : memref<1x50176xf32, #tpu.memory_space<hbm>> -> memref<50176xf32, #tpu.memory_space<hbm>>
      %dma_wait3A_35 = arith.constant 0 : i32
      %dma_wait3A_36 = tpu.memref_slice %arg5[%select_n3A, %dma_wait3A_35] : memref<8x50176xf32, #tpu.memory_space<hbm>> -> memref<1x50176xf32, #tpu.memory_space<hbm>>
      %dma_wait3A_37 = tpu.memref_squeeze %dma_wait3A_36 : memref<1x50176xf32, #tpu.memory_space<hbm>> -> memref<50176xf32, #tpu.memory_space<hbm>>
      tpu.wait_dma2 semaphore(%run_scoped3A : memref<!tpu.dma_semaphore, #tpu.memory_space<semaphore_mem>>) src(%dma_wait3A_37 : memref<50176xf32, #tpu.memory_space<hbm>>) dst(%arg8 : memref<50176xf32, #tpu.memory_space<vmem>>)
      tpu.yield
    }) : () -> ()
    %mul3A_20 = arith.constant 212992 : i32
    %mul3A_21 = arith.muli %sub3A_19, %mul3A_20 : i32
    %scan3A = arith.constant 0 : i32
    %scan3A_22 = arith.constant 0 : i32
    %scan3A_23 = arith.constant 104 : i32
    %scan3A_24 = arith.addi %scan3A_22, %scan3A_23 : i32
    %scan3A_25 = arith.constant 1 : i32
    %scan3A_26 = scf.for %scan3A_28 = %scan3A_22 to %scan3A_24 step %scan3A_25 iter_args(%scan3A_29 = %scan3A) -> (i32)  : i32 {
      %mul3A_30 = arith.constant 2048 : i32
      %mul3A_31 = arith.muli %scan3A_28, %mul3A_30 : i32
      %add3A_32 = arith.addi %mul3A_21, %mul3A_31 : i32
      "tpu.region"() ({
        %run_scoped3A = tpu.sem_alloc : memref<!tpu.dma_semaphore, #tpu.memory_space<semaphore_mem>>
        %dma_start3A = tpu.memref_slice %arg2[%add3A_32] : memref<851968xi32, #tpu.memory_space<hbm>> -> memref<2048xi32, #tpu.memory_space<hbm>>
        %dma_start3A_41 = tpu.memref_slice %arg2[%add3A_32] : memref<851968xi32, #tpu.memory_space<hbm>> -> memref<2048xi32, #tpu.memory_space<hbm>>
        tpu.enqueue_dma source(%dma_start3A_41 : memref<2048xi32, #tpu.memory_space<hbm>>) target(%arg9 : memref<2048xi32, #tpu.memory_space<vmem>>) target_semaphore(%run_scoped3A : memref<!tpu.dma_semaphore, #tpu.memory_space<semaphore_mem>>)
        %dma_wait3A = tpu.memref_slice %arg2[%add3A_32] : memref<851968xi32, #tpu.memory_space<hbm>> -> memref<2048xi32, #tpu.memory_space<hbm>>
        %dma_wait3A_42 = tpu.memref_slice %arg2[%add3A_32] : memref<851968xi32, #tpu.memory_space<hbm>> -> memref<2048xi32, #tpu.memory_space<hbm>>
        tpu.wait_dma2 semaphore(%run_scoped3A : memref<!tpu.dma_semaphore, #tpu.memory_space<semaphore_mem>>) src(%dma_wait3A_42 : memref<2048xi32, #tpu.memory_space<hbm>>) dst(%arg9 : memref<2048xi32, #tpu.memory_space<vmem>>)
        tpu.yield
      }) : () -> ()
      "tpu.region"() ({
        %run_scoped3A = tpu.sem_alloc : memref<!tpu.dma_semaphore, #tpu.memory_space<semaphore_mem>>
        %dma_start3A = tpu.memref_slice %arg3[%add3A_32] : memref<851968xi32, #tpu.memory_space<hbm>> -> memref<2048xi32, #tpu.memory_space<hbm>>
        %dma_start3A_41 = tpu.memref_slice %arg3[%add3A_32] : memref<851968xi32, #tpu.memory_space<hbm>> -> memref<2048xi32, #tpu.memory_space<hbm>>
        tpu.enqueue_dma source(%dma_start3A_41 : memref<2048xi32, #tpu.memory_space<hbm>>) target(%arg10 : memref<2048xi32, #tpu.memory_space<vmem>>) target_semaphore(%run_scoped3A : memref<!tpu.dma_semaphore, #tpu.memory_space<semaphore_mem>>)
        %dma_wait3A = tpu.memref_slice %arg3[%add3A_32] : memref<851968xi32, #tpu.memory_space<hbm>> -> memref<2048xi32, #tpu.memory_space<hbm>>
        %dma_wait3A_42 = tpu.memref_slice %arg3[%add3A_32] : memref<851968xi32, #tpu.memory_space<hbm>> -> memref<2048xi32, #tpu.memory_space<hbm>>
        tpu.wait_dma2 semaphore(%run_scoped3A : memref<!tpu.dma_semaphore, #tpu.memory_space<semaphore_mem>>) src(%dma_wait3A_42 : memref<2048xi32, #tpu.memory_space<hbm>>) dst(%arg10 : memref<2048xi32, #tpu.memory_space<vmem>>)
        tpu.yield
      }) : () -> ()
      %scan3A_33 = arith.constant 0 : i32
      %scan3A_34 = arith.constant 0 : i32
      %scan3A_35 = arith.constant 128 : i32
      %scan3A_36 = arith.addi %scan3A_34, %scan3A_35 : i32
      %scan3A_37 = arith.constant 1 : i32
      %scan3A_38 = scf.for %scan3A_41 = %scan3A_34 to %scan3A_36 step %scan3A_37 iter_args(%scan3A_42 = %scan3A_33) -> (i32)  : i32 {
        %mul3A_43 = arith.constant 16 : i32
        %mul3A_44 = arith.muli %scan3A_41, %mul3A_43 : i32
        %get3A = arith.index_cast %mul3A_44 : i32 to index
        %get3A_45 = tpu.vector_load %arg9[%get3A] {strides = array<i32>} : memref<2048xi32, #tpu.memory_space<vmem>>, vector<16xi32>,
        %mul3A_46 = arith.constant 16 : i32
        %mul3A_47 = arith.muli %scan3A_41, %mul3A_46 : i32
        %get3A_48 = arith.index_cast %mul3A_47 : i32 to index
        %get3A_49 = tpu.vector_load %arg10[%get3A_48] {strides = array<i32>} : memref<2048xi32, #tpu.memory_space<vmem>>, vector<16xi32>,
        %gather3A = tpu.vector_load_idx %arg7[%get3A_45] : memref<50176xf32, #tpu.memory_space<vmem>>[vector<16xi32>], vector<16xf32>,
        %gather3A_50 = tpu.vector_load_idx %arg8[%get3A_49] : memref<50176xf32, #tpu.memory_space<vmem>>[vector<16xi32>], vector<16xf32>,
        %add3A_51 = arith.addf %gather3A, %gather3A_50 : vector<16xf32>
        %mul3A_52 = arith.constant 2.000000e-01 : f32
        %mul3A_53 = vector.broadcast %mul3A_52 : f32 to vector<16xf32>
        %mul3A_54 = arith.mulf %mul3A_53, %add3A_51 : vector<16xf32>
        %max3A = arith.maximumf %add3A_51, %mul3A_54 : vector<16xf32>
        %exp3A = math.exp %max3A : vector<16xf32>
        %mul3A_55 = arith.constant 16 : i32
        %mul3A_56 = arith.muli %scan3A_41, %mul3A_55 : i32
        %swap3A = arith.index_cast %mul3A_56 : i32 to index
        %swap3A_57 = tpu.vector_load %arg11[%swap3A] {strides = array<i32>} : memref<2048xf32, #tpu.memory_space<vmem>>, vector<16xf32>,
        tpu.vector_store %arg11[%swap3A], %exp3A {strides = array<i32>} : memref<2048xf32, #tpu.memory_space<vmem>>, vector<16xf32>,
        %scan3A_58 = arith.constant 0 : i32
        scf.yield %scan3A_58 : i32
      }
      %scan3A_39 = arith.constant 128 : i32
      "tpu.region"() ({
        %run_scoped3A = tpu.sem_alloc : memref<!tpu.dma_semaphore, #tpu.memory_space<semaphore_mem>>
        %dma_start3A = tpu.memref_slice %arg6[%select_n3A, %add3A_32] : memref<8x851968xf32, #tpu.memory_space<hbm>> -> memref<1x2048xf32, #tpu.memory_space<hbm>>
        %dma_start3A_41 = tpu.memref_squeeze %dma_start3A : memref<1x2048xf32, #tpu.memory_space<hbm>> -> memref<2048xf32, #tpu.memory_space<hbm>>
        %dma_start3A_42 = tpu.memref_slice %arg6[%select_n3A, %add3A_32] : memref<8x851968xf32, #tpu.memory_space<hbm>> -> memref<1x2048xf32, #tpu.memory_space<hbm>>
        %dma_start3A_43 = tpu.memref_squeeze %dma_start3A_42 : memref<1x2048xf32, #tpu.memory_space<hbm>> -> memref<2048xf32, #tpu.memory_space<hbm>>
        tpu.enqueue_dma source(%arg11 : memref<2048xf32, #tpu.memory_space<vmem>>) target(%dma_start3A_43 : memref<2048xf32, #tpu.memory_space<hbm>>) target_semaphore(%run_scoped3A : memref<!tpu.dma_semaphore, #tpu.memory_space<semaphore_mem>>)
        %dma_wait3A = tpu.memref_slice %arg6[%select_n3A, %add3A_32] : memref<8x851968xf32, #tpu.memory_space<hbm>> -> memref<1x2048xf32, #tpu.memory_space<hbm>>
        %dma_wait3A_44 = tpu.memref_squeeze %dma_wait3A : memref<1x2048xf32, #tpu.memory_space<hbm>> -> memref<2048xf32, #tpu.memory_space<hbm>>
        %dma_wait3A_45 = tpu.memref_slice %arg6[%select_n3A, %add3A_32] : memref<8x851968xf32, #tpu.memory_space<hbm>> -> memref<1x2048xf32, #tpu.memory_space<hbm>>
        %dma_wait3A_46 = tpu.memref_squeeze %dma_wait3A_45 : memref<1x2048xf32, #tpu.memory_space<hbm>> -> memref<2048xf32, #tpu.memory_space<hbm>>
        tpu.wait_dma2 semaphore(%run_scoped3A : memref<!tpu.dma_semaphore, #tpu.memory_space<semaphore_mem>>) src(%arg11 : memref<2048xf32, #tpu.memory_space<vmem>>) dst(%dma_wait3A_46 : memref<2048xf32, #tpu.memory_space<hbm>>)
        tpu.yield
      }) : () -> ()
      %scan3A_40 = arith.constant 0 : i32
      scf.yield %scan3A_40 : i32
    }
    %scan3A_27 = arith.constant 104 : i32
    return
  }
}

#map = affine_map<(d0, d1) -> (0)>
#map1 = affine_map<(d0, d1) -> (0, 0)>
#map2 = affine_map<(d0, d1) -> (0, 0, 0)>
module attributes {stable_mosaic.version = 14 : i64} {
  func.func @_scm2(%arg0: i32, %arg1: i32, %arg2: memref<851968xi32, #tpu.memory_space<hbm>>, %arg3: memref<851968xi32, #tpu.memory_space<hbm>>, %arg4: memref<7x50176xf32, #tpu.memory_space<hbm>>, %arg5: memref<851968xf32, #tpu.memory_space<hbm>>, %arg6: memref<4x8x50176xf32, #tpu.memory_space<hbm>>, %arg7: memref<50176xf32, #tpu.memory_space<vmem>>, %arg8: memref<50176xf32, #tpu.memory_space<vmem>>, %arg9: memref<2048xi32, #tpu.memory_space<vmem>>, %arg10: memref<2048xi32, #tpu.memory_space<vmem>>, %arg11: memref<2048xf32, #tpu.memory_space<vmem>>) attributes {dimension_semantics = [#tpu.dimension_semantics<core_parallel>, #tpu.dimension_semantics<subcore_parallel>], iteration_bounds = array<i64: 2, 16>, scalar_prefetch = 0 : i64, scratch_operands = 5 : i64, tpu.core_type = #tpu.core_type<sc_vector_subcore>, window_params = [{transform_indices = #map}, {transform_indices = #map}, {transform_indices = #map1}, {transform_indices = #map}, {transform_indices = #map2}]} {
    %mul3A = arith.constant 2 : i32
    %mul3A_0 = arith.muli %arg1, %mul3A : i32
    %add3A = arith.addi %mul3A_0, %arg0 : i32
    %jit3A = arith.constant 4 : i32
    %div3A = arith.divsi %add3A, %jit3A : i32
    %sign3A = arith.constant 0 : i32
    %sign3A_1 = arith.cmpi sgt, %add3A, %sign3A : i32
    %sign3A_2 = arith.extui %sign3A_1 : i1 to i32
    %sign3A_3 = arith.constant 0 : i32
    %sign3A_4 = arith.cmpi slt, %add3A, %sign3A_3 : i32
    %sign3A_5 = arith.extui %sign3A_4 : i1 to i32
    %sign3A_6 = arith.subi %sign3A_2, %sign3A_5 : i32
    %sign3A_7 = arith.constant 0 : i32
    %sign3A_8 = arith.cmpi sgt, %jit3A, %sign3A_7 : i32
    %sign3A_9 = arith.extui %sign3A_8 : i1 to i32
    %sign3A_10 = arith.constant 0 : i32
    %sign3A_11 = arith.cmpi slt, %jit3A, %sign3A_10 : i32
    %sign3A_12 = arith.extui %sign3A_11 : i1 to i32
    %sign3A_13 = arith.subi %sign3A_9, %sign3A_12 : i32
    %ne3A = arith.cmpi ne, %sign3A_6, %sign3A_13 : i32
    %rem3A = arith.remsi %add3A, %jit3A : i32
    %ne3A_14 = arith.constant 0 : i32
    %ne3A_15 = arith.cmpi ne, %rem3A, %ne3A_14 : i32
    %and3A = arith.andi %ne3A, %ne3A_15 : i1
    %sub3A = arith.constant 1 : i32
    %sub3A_16 = arith.subi %div3A, %sub3A : i32
    %select_n3A = arith.select %and3A, %sub3A_16, %div3A : i32
    %mul3A_17 = arith.constant 4 : i32
    %mul3A_18 = arith.muli %select_n3A, %mul3A_17 : i32
    %sub3A_19 = arith.subi %add3A, %mul3A_18 : i32
    %broadcast_in_dim3A = arith.constant 0.000000e+00 : f32
    %broadcast_in_dim3A_20 = vector.broadcast %broadcast_in_dim3A : f32 to vector<16xf32>
    %scan3A = arith.constant 0 : i32
    %scan3A_21 = arith.constant 0 : i32
    %scan3A_22 = arith.constant 3136 : i32
    %scan3A_23 = arith.addi %scan3A_21, %scan3A_22 : i32
    %scan3A_24 = arith.constant 1 : i32
    %scan3A_25 = scf.for %scan3A_38 = %scan3A_21 to %scan3A_23 step %scan3A_24 iter_args(%scan3A_39 = %scan3A) -> (i32)  : i32 {
      %mul3A_40 = arith.constant 16 : i32
      %mul3A_41 = arith.muli %scan3A_38, %mul3A_40 : i32
      %swap3A = arith.index_cast %mul3A_41 : i32 to index
      %swap3A_42 = tpu.vector_load %arg8[%swap3A] {strides = array<i32>} : memref<50176xf32, #tpu.memory_space<vmem>>, vector<16xf32>,
      tpu.vector_store %arg8[%swap3A], %broadcast_in_dim3A_20 {strides = array<i32>} : memref<50176xf32, #tpu.memory_space<vmem>>, vector<16xf32>,
      %scan3A_43 = arith.constant 0 : i32
      scf.yield %scan3A_43 : i32
    }
    %scan3A_26 = arith.constant 3136 : i32
    %lt3A = arith.constant 7 : i32
    %lt3A_27 = arith.cmpi slt, %select_n3A, %lt3A : i32
    %convert_element_type3A = arith.extui %lt3A_27 : i1 to i32
    %cond3A = arith.constant 0 : i32
    %cond3A_28 = arith.cmpi ne, %convert_element_type3A, %cond3A : i32
    scf.if %cond3A_28 {
      "tpu.region"() ({
        %run_scoped3A = tpu.sem_alloc : memref<!tpu.dma_semaphore, #tpu.memory_space<semaphore_mem>>
        %dma_start3A = arith.constant 0 : i32
        %dma_start3A_38 = tpu.memref_slice %arg4[%select_n3A, %dma_start3A] : memref<7x50176xf32, #tpu.memory_space<hbm>> -> memref<1x50176xf32, #tpu.memory_space<hbm>>
        %dma_start3A_39 = tpu.memref_squeeze %dma_start3A_38 : memref<1x50176xf32, #tpu.memory_space<hbm>> -> memref<50176xf32, #tpu.memory_space<hbm>>
        %dma_start3A_40 = arith.constant 0 : i32
        %dma_start3A_41 = tpu.memref_slice %arg4[%select_n3A, %dma_start3A_40] : memref<7x50176xf32, #tpu.memory_space<hbm>> -> memref<1x50176xf32, #tpu.memory_space<hbm>>
        %dma_start3A_42 = tpu.memref_squeeze %dma_start3A_41 : memref<1x50176xf32, #tpu.memory_space<hbm>> -> memref<50176xf32, #tpu.memory_space<hbm>>
        tpu.enqueue_dma source(%dma_start3A_42 : memref<50176xf32, #tpu.memory_space<hbm>>) target(%arg7 : memref<50176xf32, #tpu.memory_space<vmem>>) target_semaphore(%run_scoped3A : memref<!tpu.dma_semaphore, #tpu.memory_space<semaphore_mem>>)
        %dma_wait3A = arith.constant 0 : i32
        %dma_wait3A_43 = tpu.memref_slice %arg4[%select_n3A, %dma_wait3A] : memref<7x50176xf32, #tpu.memory_space<hbm>> -> memref<1x50176xf32, #tpu.memory_space<hbm>>
        %dma_wait3A_44 = tpu.memref_squeeze %dma_wait3A_43 : memref<1x50176xf32, #tpu.memory_space<hbm>> -> memref<50176xf32, #tpu.memory_space<hbm>>
        %dma_wait3A_45 = arith.constant 0 : i32
        %dma_wait3A_46 = tpu.memref_slice %arg4[%select_n3A, %dma_wait3A_45] : memref<7x50176xf32, #tpu.memory_space<hbm>> -> memref<1x50176xf32, #tpu.memory_space<hbm>>
        %dma_wait3A_47 = tpu.memref_squeeze %dma_wait3A_46 : memref<1x50176xf32, #tpu.memory_space<hbm>> -> memref<50176xf32, #tpu.memory_space<hbm>>
        tpu.wait_dma2 semaphore(%run_scoped3A : memref<!tpu.dma_semaphore, #tpu.memory_space<semaphore_mem>>) src(%dma_wait3A_47 : memref<50176xf32, #tpu.memory_space<hbm>>) dst(%arg7 : memref<50176xf32, #tpu.memory_space<vmem>>)
        tpu.yield
      }) : () -> ()
    } else {
    }
    %mul3A_29 = arith.constant 212992 : i32
    %mul3A_30 = arith.muli %sub3A_19, %mul3A_29 : i32
    %scan3A_31 = arith.constant 0 : i32
    %scan3A_32 = arith.constant 0 : i32
    %scan3A_33 = arith.constant 104 : i32
    %scan3A_34 = arith.addi %scan3A_32, %scan3A_33 : i32
    %scan3A_35 = arith.constant 1 : i32
    %scan3A_36 = scf.for %scan3A_38 = %scan3A_32 to %scan3A_34 step %scan3A_35 iter_args(%scan3A_39 = %scan3A_31) -> (i32)  : i32 {
      %mul3A_40 = arith.constant 2048 : i32
      %mul3A_41 = arith.muli %scan3A_38, %mul3A_40 : i32
      %add3A_42 = arith.addi %mul3A_30, %mul3A_41 : i32
      "tpu.region"() ({
        %run_scoped3A = tpu.sem_alloc : memref<!tpu.dma_semaphore, #tpu.memory_space<semaphore_mem>>
        %dma_start3A = tpu.memref_slice %arg2[%add3A_42] : memref<851968xi32, #tpu.memory_space<hbm>> -> memref<2048xi32, #tpu.memory_space<hbm>>
        %dma_start3A_53 = tpu.memref_slice %arg2[%add3A_42] : memref<851968xi32, #tpu.memory_space<hbm>> -> memref<2048xi32, #tpu.memory_space<hbm>>
        tpu.enqueue_dma source(%dma_start3A_53 : memref<2048xi32, #tpu.memory_space<hbm>>) target(%arg9 : memref<2048xi32, #tpu.memory_space<vmem>>) target_semaphore(%run_scoped3A : memref<!tpu.dma_semaphore, #tpu.memory_space<semaphore_mem>>)
        %dma_wait3A = tpu.memref_slice %arg2[%add3A_42] : memref<851968xi32, #tpu.memory_space<hbm>> -> memref<2048xi32, #tpu.memory_space<hbm>>
        %dma_wait3A_54 = tpu.memref_slice %arg2[%add3A_42] : memref<851968xi32, #tpu.memory_space<hbm>> -> memref<2048xi32, #tpu.memory_space<hbm>>
        tpu.wait_dma2 semaphore(%run_scoped3A : memref<!tpu.dma_semaphore, #tpu.memory_space<semaphore_mem>>) src(%dma_wait3A_54 : memref<2048xi32, #tpu.memory_space<hbm>>) dst(%arg9 : memref<2048xi32, #tpu.memory_space<vmem>>)
        tpu.yield
      }) : () -> ()
      "tpu.region"() ({
        %run_scoped3A = tpu.sem_alloc : memref<!tpu.dma_semaphore, #tpu.memory_space<semaphore_mem>>
        %dma_start3A = tpu.memref_slice %arg3[%add3A_42] : memref<851968xi32, #tpu.memory_space<hbm>> -> memref<2048xi32, #tpu.memory_space<hbm>>
        %dma_start3A_53 = tpu.memref_slice %arg3[%add3A_42] : memref<851968xi32, #tpu.memory_space<hbm>> -> memref<2048xi32, #tpu.memory_space<hbm>>
        tpu.enqueue_dma source(%dma_start3A_53 : memref<2048xi32, #tpu.memory_space<hbm>>) target(%arg10 : memref<2048xi32, #tpu.memory_space<vmem>>) target_semaphore(%run_scoped3A : memref<!tpu.dma_semaphore, #tpu.memory_space<semaphore_mem>>)
        %dma_wait3A = tpu.memref_slice %arg3[%add3A_42] : memref<851968xi32, #tpu.memory_space<hbm>> -> memref<2048xi32, #tpu.memory_space<hbm>>
        %dma_wait3A_54 = tpu.memref_slice %arg3[%add3A_42] : memref<851968xi32, #tpu.memory_space<hbm>> -> memref<2048xi32, #tpu.memory_space<hbm>>
        tpu.wait_dma2 semaphore(%run_scoped3A : memref<!tpu.dma_semaphore, #tpu.memory_space<semaphore_mem>>) src(%dma_wait3A_54 : memref<2048xi32, #tpu.memory_space<hbm>>) dst(%arg10 : memref<2048xi32, #tpu.memory_space<vmem>>)
        tpu.yield
      }) : () -> ()
      "tpu.region"() ({
        %run_scoped3A = tpu.sem_alloc : memref<!tpu.dma_semaphore, #tpu.memory_space<semaphore_mem>>
        %dma_start3A = tpu.memref_slice %arg5[%add3A_42] : memref<851968xf32, #tpu.memory_space<hbm>> -> memref<2048xf32, #tpu.memory_space<hbm>>
        %dma_start3A_53 = tpu.memref_slice %arg5[%add3A_42] : memref<851968xf32, #tpu.memory_space<hbm>> -> memref<2048xf32, #tpu.memory_space<hbm>>
        tpu.enqueue_dma source(%dma_start3A_53 : memref<2048xf32, #tpu.memory_space<hbm>>) target(%arg11 : memref<2048xf32, #tpu.memory_space<vmem>>) target_semaphore(%run_scoped3A : memref<!tpu.dma_semaphore, #tpu.memory_space<semaphore_mem>>)
        %dma_wait3A = tpu.memref_slice %arg5[%add3A_42] : memref<851968xf32, #tpu.memory_space<hbm>> -> memref<2048xf32, #tpu.memory_space<hbm>>
        %dma_wait3A_54 = tpu.memref_slice %arg5[%add3A_42] : memref<851968xf32, #tpu.memory_space<hbm>> -> memref<2048xf32, #tpu.memory_space<hbm>>
        tpu.wait_dma2 semaphore(%run_scoped3A : memref<!tpu.dma_semaphore, #tpu.memory_space<semaphore_mem>>) src(%dma_wait3A_54 : memref<2048xf32, #tpu.memory_space<hbm>>) dst(%arg11 : memref<2048xf32, #tpu.memory_space<vmem>>)
        tpu.yield
      }) : () -> ()
      %lt3A_43 = arith.constant 7 : i32
      %lt3A_44 = arith.cmpi slt, %select_n3A, %lt3A_43 : i32
      %convert_element_type3A_45 = arith.extui %lt3A_44 : i1 to i32
      %cond3A_46 = arith.constant 0 : i32
      %cond3A_47 = arith.cmpi ne, %convert_element_type3A_45, %cond3A_46 : i32
      scf.if %cond3A_47 {
        %scan3A_53 = arith.constant 0 : i32
        %scan3A_54 = arith.constant 0 : i32
        %scan3A_55 = arith.constant 128 : i32
        %scan3A_56 = arith.addi %scan3A_54, %scan3A_55 : i32
        %scan3A_57 = arith.constant 1 : i32
        %scan3A_58 = scf.for %scan3A_60 = %scan3A_54 to %scan3A_56 step %scan3A_57 iter_args(%scan3A_61 = %scan3A_53) -> (i32)  : i32 {
          %mul3A_62 = arith.constant 16 : i32
          %mul3A_63 = arith.muli %scan3A_60, %mul3A_62 : i32
          %get3A = arith.index_cast %mul3A_63 : i32 to index
          %get3A_64 = tpu.vector_load %arg9[%get3A] {strides = array<i32>} : memref<2048xi32, #tpu.memory_space<vmem>>, vector<16xi32>,
          %mul3A_65 = arith.constant 16 : i32
          %mul3A_66 = arith.muli %scan3A_60, %mul3A_65 : i32
          %get3A_67 = arith.index_cast %mul3A_66 : i32 to index
          %get3A_68 = tpu.vector_load %arg10[%get3A_67] {strides = array<i32>} : memref<2048xi32, #tpu.memory_space<vmem>>, vector<16xi32>,
          %mul3A_69 = arith.constant 16 : i32
          %mul3A_70 = arith.muli %scan3A_60, %mul3A_69 : i32
          %get3A_71 = arith.index_cast %mul3A_70 : i32 to index
          %get3A_72 = tpu.vector_load %arg11[%get3A_71] {strides = array<i32>} : memref<2048xf32, #tpu.memory_space<vmem>>, vector<16xf32>,
          %gather3A = tpu.vector_load_idx %arg7[%get3A_64] : memref<50176xf32, #tpu.memory_space<vmem>>[vector<16xi32>], vector<16xf32>,
          %mul3A_73 = arith.mulf %gather3A, %get3A_72 : vector<16xf32>
          tpu.vector_store_idx %arg8[%get3A_68], %mul3A_73 {add = true} : memref<50176xf32, #tpu.memory_space<vmem>>[vector<16xi32>], vector<16xf32>,
          %scan3A_74 = arith.constant 0 : i32
          scf.yield %scan3A_74 : i32
        }
        %scan3A_59 = arith.constant 128 : i32
      } else {
      }
      %eq3A = arith.constant 7 : i32
      %eq3A_48 = arith.cmpi eq, %select_n3A, %eq3A : i32
      %convert_element_type3A_49 = arith.extui %eq3A_48 : i1 to i32
      %cond3A_50 = arith.constant 0 : i32
      %cond3A_51 = arith.cmpi ne, %convert_element_type3A_49, %cond3A_50 : i32
      scf.if %cond3A_51 {
        %scan3A_53 = arith.constant 0 : i32
        %scan3A_54 = arith.constant 0 : i32
        %scan3A_55 = arith.constant 128 : i32
        %scan3A_56 = arith.addi %scan3A_54, %scan3A_55 : i32
        %scan3A_57 = arith.constant 1 : i32
        %scan3A_58 = scf.for %scan3A_60 = %scan3A_54 to %scan3A_56 step %scan3A_57 iter_args(%scan3A_61 = %scan3A_53) -> (i32)  : i32 {
          %mul3A_62 = arith.constant 16 : i32
          %mul3A_63 = arith.muli %scan3A_60, %mul3A_62 : i32
          %get3A = arith.index_cast %mul3A_63 : i32 to index
          %get3A_64 = tpu.vector_load %arg10[%get3A] {strides = array<i32>} : memref<2048xi32, #tpu.memory_space<vmem>>, vector<16xi32>,
          %mul3A_65 = arith.constant 16 : i32
          %mul3A_66 = arith.muli %scan3A_60, %mul3A_65 : i32
          %get3A_67 = arith.index_cast %mul3A_66 : i32 to index
          %get3A_68 = tpu.vector_load %arg11[%get3A_67] {strides = array<i32>} : memref<2048xf32, #tpu.memory_space<vmem>>, vector<16xf32>,
          tpu.vector_store_idx %arg8[%get3A_64], %get3A_68 {add = true} : memref<50176xf32, #tpu.memory_space<vmem>>[vector<16xi32>], vector<16xf32>,
          %scan3A_69 = arith.constant 0 : i32
          scf.yield %scan3A_69 : i32
        }
        %scan3A_59 = arith.constant 128 : i32
      } else {
      }
      %scan3A_52 = arith.constant 0 : i32
      scf.yield %scan3A_52 : i32
    }
    %scan3A_37 = arith.constant 104 : i32
    "tpu.region"() ({
      %run_scoped3A = tpu.sem_alloc : memref<!tpu.dma_semaphore, #tpu.memory_space<semaphore_mem>>
      %dma_start3A = arith.constant 0 : i32
      %dma_start3A_38 = tpu.memref_slice %arg6[%sub3A_19, %select_n3A, %dma_start3A] : memref<4x8x50176xf32, #tpu.memory_space<hbm>> -> memref<1x1x50176xf32, #tpu.memory_space<hbm>>
      %dma_start3A_39 = tpu.memref_squeeze %dma_start3A_38 : memref<1x1x50176xf32, #tpu.memory_space<hbm>> -> memref<50176xf32, #tpu.memory_space<hbm>>
      %dma_start3A_40 = arith.constant 0 : i32
      %dma_start3A_41 = tpu.memref_slice %arg6[%sub3A_19, %select_n3A, %dma_start3A_40] : memref<4x8x50176xf32, #tpu.memory_space<hbm>> -> memref<1x1x50176xf32, #tpu.memory_space<hbm>>
      %dma_start3A_42 = tpu.memref_squeeze %dma_start3A_41 : memref<1x1x50176xf32, #tpu.memory_space<hbm>> -> memref<50176xf32, #tpu.memory_space<hbm>>
      tpu.enqueue_dma source(%arg8 : memref<50176xf32, #tpu.memory_space<vmem>>) target(%dma_start3A_42 : memref<50176xf32, #tpu.memory_space<hbm>>) target_semaphore(%run_scoped3A : memref<!tpu.dma_semaphore, #tpu.memory_space<semaphore_mem>>)
      %dma_wait3A = arith.constant 0 : i32
      %dma_wait3A_43 = tpu.memref_slice %arg6[%sub3A_19, %select_n3A, %dma_wait3A] : memref<4x8x50176xf32, #tpu.memory_space<hbm>> -> memref<1x1x50176xf32, #tpu.memory_space<hbm>>
      %dma_wait3A_44 = tpu.memref_squeeze %dma_wait3A_43 : memref<1x1x50176xf32, #tpu.memory_space<hbm>> -> memref<50176xf32, #tpu.memory_space<hbm>>
      %dma_wait3A_45 = arith.constant 0 : i32
      %dma_wait3A_46 = tpu.memref_slice %arg6[%sub3A_19, %select_n3A, %dma_wait3A_45] : memref<4x8x50176xf32, #tpu.memory_space<hbm>> -> memref<1x1x50176xf32, #tpu.memory_space<hbm>>
      %dma_wait3A_47 = tpu.memref_squeeze %dma_wait3A_46 : memref<1x1x50176xf32, #tpu.memory_space<hbm>> -> memref<50176xf32, #tpu.memory_space<hbm>>
      tpu.wait_dma2 semaphore(%run_scoped3A : memref<!tpu.dma_semaphore, #tpu.memory_space<semaphore_mem>>) src(%arg8 : memref<50176xf32, #tpu.memory_space<vmem>>) dst(%dma_wait3A_47 : memref<50176xf32, #tpu.memory_space<hbm>>)
      tpu.yield
    }) : () -> ()
    return
  }
}

module attributes {stable_mosaic.version = 14 : i64} {
  func.func @_tc1_body(%arg0: i32, %arg1: memref<512x1433xf32, #tpu.memory_space<vmem>>, %arg2: memref<1433x64xf32, #tpu.memory_space<vmem>>, %arg3: memref<64x8xf32, #tpu.memory_space<vmem>>, %arg4: memref<64x8xf32, #tpu.memory_space<vmem>>, %arg5: memref<64x512xf32, #tpu.memory_space<vmem>>, %arg6: memref<8x512xf32, #tpu.memory_space<vmem>>, %arg7: memref<8x512xf32, #tpu.memory_space<vmem>>) attributes {dimension_semantics = [#tpu.dimension_semantics<arbitrary>], iteration_bounds = array<i64: 98>, scalar_prefetch = 0 : i64, scratch_operands = 0 : i64, tpu.core_type = #tpu.core_type<tc>, window_params = [{transform_indices = @transform_0, window_bounds = array<i64: 512, 1433>}, {pipeline_mode = #tpu.pipeline_mode<synchronous>, transform_indices = @transform_1, window_bounds = array<i64: 1433, 64>}, {pipeline_mode = #tpu.pipeline_mode<synchronous>, transform_indices = @transform_2, window_bounds = array<i64: 64, 8>}, {pipeline_mode = #tpu.pipeline_mode<synchronous>, transform_indices = @transform_3, window_bounds = array<i64: 64, 8>}, {transform_indices = @transform_4, window_bounds = array<i64: 64, 512>}, {transform_indices = @transform_5, window_bounds = array<i64: 8, 512>}, {transform_indices = @transform_6, window_bounds = array<i64: 8, 512>}]} {
    %get3A = arith.constant 0 : index
    %get3A_0 = arith.constant 0 : index
    %get3A_1 = vector.load %arg1[%get3A, %get3A_0] : memref<512x1433xf32, #tpu.memory_space<vmem>>, vector<512x1433xf32>
    %get3A_2 = arith.constant 0 : index
    %get3A_3 = arith.constant 0 : index
    %get3A_4 = vector.load %arg2[%get3A_2, %get3A_3] : memref<1433x64xf32, #tpu.memory_space<vmem>>, vector<1433x64xf32>
    %dot_general3A = arith.constant dense<0.000000e+00> : vector<512x64xf32>
    %dot_general3A_5 = tpu.matmul %get3A_1, %get3A_4, %dot_general3A {dimension_numbers = #tpu.dot_dimension_numbers<[1], [0], [0], [1], [0, 0, 1, 1], [], []>, transpose_lhs_hint = false} : vector<512x1433xf32>, vector<1433x64xf32>, vector<512x64xf32> -> vector<512x64xf32>
    %get3A_6 = arith.constant 0 : index
    %get3A_7 = arith.constant 0 : index
    %get3A_8 = vector.load %arg3[%get3A_6, %get3A_7] : memref<64x8xf32, #tpu.memory_space<vmem>>, vector<64x8xf32>
    %dot_general3A_9 = arith.constant dense<0.000000e+00> : vector<512x8xf32>
    %dot_general3A_10 = tpu.matmul %dot_general3A_5, %get3A_8, %dot_general3A_9 {dimension_numbers = #tpu.dot_dimension_numbers<[1], [0], [0], [1], [0, 0, 1, 1], [], []>, transpose_lhs_hint = false} : vector<512x64xf32>, vector<64x8xf32>, vector<512x8xf32> -> vector<512x8xf32>
    %get3A_11 = arith.constant 0 : index
    %get3A_12 = arith.constant 0 : index
    %get3A_13 = vector.load %arg4[%get3A_11, %get3A_12] : memref<64x8xf32, #tpu.memory_space<vmem>>, vector<64x8xf32>
    %dot_general3A_14 = arith.constant dense<0.000000e+00> : vector<512x8xf32>
    %dot_general3A_15 = tpu.matmul %dot_general3A_5, %get3A_13, %dot_general3A_14 {dimension_numbers = #tpu.dot_dimension_numbers<[1], [0], [0], [1], [0, 0, 1, 1], [], []>, transpose_lhs_hint = false} : vector<512x64xf32>, vector<64x8xf32>, vector<512x8xf32> -> vector<512x8xf32>
    %transpose3A = tpu.transpose %dot_general3A_5, [1, 0] : vector<512x64xf32> -> vector<64x512xf32>
    %swap3A = arith.constant 0 : index
    %swap3A_16 = arith.constant 0 : index
    %swap3A_17 = vector.load %arg5[%swap3A, %swap3A_16] : memref<64x512xf32, #tpu.memory_space<vmem>>, vector<64x512xf32>
    tpu.vector_store %arg5[%swap3A, %swap3A_16], %transpose3A {strides = array<i32>} : memref<64x512xf32, #tpu.memory_space<vmem>>, vector<64x512xf32>,
    %transpose3A_18 = tpu.transpose %dot_general3A_10, [1, 0] : vector<512x8xf32> -> vector<8x512xf32>
    %swap3A_19 = arith.constant 0 : index
    %swap3A_20 = arith.constant 0 : index
    %swap3A_21 = vector.load %arg6[%swap3A_19, %swap3A_20] : memref<8x512xf32, #tpu.memory_space<vmem>>, vector<8x512xf32>
    tpu.vector_store %arg6[%swap3A_19, %swap3A_20], %transpose3A_18 {strides = array<i32>} : memref<8x512xf32, #tpu.memory_space<vmem>>, vector<8x512xf32>,
    %transpose3A_22 = tpu.transpose %dot_general3A_15, [1, 0] : vector<512x8xf32> -> vector<8x512xf32>
    %swap3A_23 = arith.constant 0 : index
    %swap3A_24 = arith.constant 0 : index
    %swap3A_25 = vector.load %arg7[%swap3A_23, %swap3A_24] : memref<8x512xf32, #tpu.memory_space<vmem>>, vector<8x512xf32>
    tpu.vector_store %arg7[%swap3A_23, %swap3A_24], %transpose3A_22 {strides = array<i32>} : memref<8x512xf32, #tpu.memory_space<vmem>>, vector<8x512xf32>,
    return
  }
  func.func @transform_0(%arg0: i32) -> (i32, i32) {
    %c0_i32 = arith.constant 0 : i32
    %c0_i32_0 = arith.constant 0 : i32
    return %arg0, %c0_i32 : i32, i32
  }
  func.func @transform_1(%arg0: i32) -> (i32, i32) {
    %c0_i32 = arith.constant 0 : i32
    %c0_i32_0 = arith.constant 0 : i32
    %c0_i32_1 = arith.constant 0 : i32
    return %c0_i32, %c0_i32_0 : i32, i32
  }
  func.func @transform_2(%arg0: i32) -> (i32, i32) {
    %c0_i32 = arith.constant 0 : i32
    %c0_i32_0 = arith.constant 0 : i32
    %c0_i32_1 = arith.constant 0 : i32
    return %c0_i32, %c0_i32_0 : i32, i32
  }
  func.func @transform_3(%arg0: i32) -> (i32, i32) {
    %c0_i32 = arith.constant 0 : i32
    %c0_i32_0 = arith.constant 0 : i32
    %c0_i32_1 = arith.constant 0 : i32
    return %c0_i32, %c0_i32_0 : i32, i32
  }
  func.func @transform_4(%arg0: i32) -> (i32, i32) {
    %c0_i32 = arith.constant 0 : i32
    %c0_i32_0 = arith.constant 0 : i32
    return %c0_i32, %arg0 : i32, i32
  }
  func.func @transform_5(%arg0: i32) -> (i32, i32) {
    %c0_i32 = arith.constant 0 : i32
    %c0_i32_0 = arith.constant 0 : i32
    return %c0_i32, %arg0 : i32, i32
  }
  func.func @transform_6(%arg0: i32) -> (i32, i32) {
    %c0_i32 = arith.constant 0 : i32
    %c0_i32_0 = arith.constant 0 : i32
    return %c0_i32, %arg0 : i32, i32
  }
}

module attributes {stable_mosaic.version = 14 : i64} {
  func.func @_tc2_body(%arg0: i32, %arg1: memref<2x64x512xf32, #tpu.memory_space<vmem>>, %arg2: memref<4x8x512xf32, #tpu.memory_space<vmem>>, %arg3: memref<1x64xf32, #tpu.memory_space<vmem>>, %arg4: memref<8x64xf32, #tpu.memory_space<vmem>>, %arg5: memref<64x7xf32, #tpu.memory_space<vmem>>, %arg6: memref<7x1xf32, #tpu.memory_space<vmem>>, %arg7: memref<7x1xf32, #tpu.memory_space<vmem>>, %arg8: memref<7x512xf32, #tpu.memory_space<vmem>>, %arg9: memref<2x512xf32, #tpu.memory_space<vmem>>) attributes {dimension_semantics = [#tpu.dimension_semantics<arbitrary>], iteration_bounds = array<i64: 98>, scalar_prefetch = 0 : i64, scratch_operands = 0 : i64, tpu.core_type = #tpu.core_type<tc>, window_params = [{transform_indices = @transform_0, window_bounds = array<i64: 2, 64, 512>}, {transform_indices = @transform_1, window_bounds = array<i64: 4, 8, 512>}, {pipeline_mode = #tpu.pipeline_mode<synchronous>, transform_indices = @transform_2, window_bounds = array<i64: 1, 64>}, {pipeline_mode = #tpu.pipeline_mode<synchronous>, transform_indices = @transform_3, window_bounds = array<i64: 8, 64>}, {pipeline_mode = #tpu.pipeline_mode<synchronous>, transform_indices = @transform_4, window_bounds = array<i64: 64, 7>}, {pipeline_mode = #tpu.pipeline_mode<synchronous>, transform_indices = @transform_5, window_bounds = array<i64: 7, 1>}, {pipeline_mode = #tpu.pipeline_mode<synchronous>, transform_indices = @transform_6, window_bounds = array<i64: 7, 1>}, {transform_indices = @transform_7, window_bounds = array<i64: 7, 512>}, {transform_indices = @transform_8, window_bounds = array<i64: 2, 512>}]} {
    %get3A = arith.constant 0 : index
    %get3A_0 = arith.constant 0 : index
    %get3A_1 = arith.constant 0 : index
    %get3A_2 = vector.load %arg1[%get3A, %get3A_0, %get3A_1] : memref<2x64x512xf32, #tpu.memory_space<vmem>>, vector<2x64x512xf32>
    %slice3A = vector.extract_strided_slice %get3A_2 {offsets = [0, 0, 0], sizes = [1, 64, 512], strides = [1, 1, 1]} : vector<2x64x512xf32> to vector<1x64x512xf32>
    %squeeze3A = vector.shape_cast %slice3A : vector<1x64x512xf32> to vector<64x512xf32>
    %slice3A_3 = vector.extract_strided_slice %get3A_2 {offsets = [1, 0, 0], sizes = [1, 64, 512], strides = [1, 1, 1]} : vector<2x64x512xf32> to vector<1x64x512xf32>
    %squeeze3A_4 = vector.shape_cast %slice3A_3 : vector<1x64x512xf32> to vector<64x512xf32>
    %add3A = arith.addf %squeeze3A, %squeeze3A_4 : vector<64x512xf32>
    %transpose3A = tpu.transpose %add3A, [1, 0] : vector<64x512xf32> -> vector<512x64xf32>
    %get3A_5 = arith.constant 0 : index
    %get3A_6 = arith.constant 0 : index
    %get3A_7 = arith.constant 0 : index
    %get3A_8 = vector.load %arg2[%get3A_5, %get3A_6, %get3A_7] : memref<4x8x512xf32, #tpu.memory_space<vmem>>, vector<4x8x512xf32>
    %slice3A_9 = vector.extract_strided_slice %get3A_8 {offsets = [0, 0, 0], sizes = [1, 8, 512], strides = [1, 1, 1]} : vector<4x8x512xf32> to vector<1x8x512xf32>
    %squeeze3A_10 = vector.shape_cast %slice3A_9 : vector<1x8x512xf32> to vector<8x512xf32>
    %slice3A_11 = vector.extract_strided_slice %get3A_8 {offsets = [1, 0, 0], sizes = [1, 8, 512], strides = [1, 1, 1]} : vector<4x8x512xf32> to vector<1x8x512xf32>
    %squeeze3A_12 = vector.shape_cast %slice3A_11 : vector<1x8x512xf32> to vector<8x512xf32>
    %add3A_13 = arith.addf %squeeze3A_10, %squeeze3A_12 : vector<8x512xf32>
    %slice3A_14 = vector.extract_strided_slice %get3A_8 {offsets = [2, 0, 0], sizes = [1, 8, 512], strides = [1, 1, 1]} : vector<4x8x512xf32> to vector<1x8x512xf32>
    %squeeze3A_15 = vector.shape_cast %slice3A_14 : vector<1x8x512xf32> to vector<8x512xf32>
    %add3A_16 = arith.addf %add3A_13, %squeeze3A_15 : vector<8x512xf32>
    %slice3A_17 = vector.extract_strided_slice %get3A_8 {offsets = [3, 0, 0], sizes = [1, 8, 512], strides = [1, 1, 1]} : vector<4x8x512xf32> to vector<1x8x512xf32>
    %squeeze3A_18 = vector.shape_cast %slice3A_17 : vector<1x8x512xf32> to vector<8x512xf32>
    %add3A_19 = arith.addf %add3A_16, %squeeze3A_18 : vector<8x512xf32>
    %transpose3A_20 = tpu.transpose %add3A_19, [1, 0] : vector<8x512xf32> -> vector<512x8xf32>
    %get3A_21 = arith.constant 0 : index
    %get3A_22 = arith.constant 0 : index
    %get3A_23 = vector.load %arg4[%get3A_21, %get3A_22] : memref<8x64xf32, #tpu.memory_space<vmem>>, vector<8x64xf32>
    %dot_general3A = arith.constant dense<0.000000e+00> : vector<512x64xf32>
    %dot_general3A_24 = tpu.matmul %transpose3A_20, %get3A_23, %dot_general3A {dimension_numbers = #tpu.dot_dimension_numbers<[1], [0], [0], [1], [0, 0, 1, 1], [], []>, transpose_lhs_hint = false} : vector<512x8xf32>, vector<8x64xf32>, vector<512x64xf32> -> vector<512x64xf32>
    %add3A_25 = arith.constant 1.000000e-16 : f32
    %add3A_26 = vector.broadcast %add3A_25 : f32 to vector<512x64xf32>
    %add3A_27 = arith.addf %dot_general3A_24, %add3A_26 : vector<512x64xf32>
    %div3A = arith.divf %transpose3A, %add3A_27 : vector<512x64xf32>
    %get3A_28 = arith.constant 0 : index
    %get3A_29 = arith.constant 0 : index
    %get3A_30 = vector.load %arg3[%get3A_28, %get3A_29] : memref<1x64xf32, #tpu.memory_space<vmem>>, vector<1x64xf32>
    %add3A_31 = vector.broadcast %get3A_30 : vector<1x64xf32> to vector<512x64xf32>
    %add3A_32 = arith.addf %div3A, %add3A_31 : vector<512x64xf32>
    %gt3A = arith.constant 0.000000e+00 : f32
    %gt3A_33 = vector.broadcast %gt3A : f32 to vector<512x64xf32>
    %gt3A_34 = arith.cmpf ogt, %add3A_32, %gt3A_33 : vector<512x64xf32>
    %exp3A = math.exp %add3A_32 : vector<512x64xf32>
    %sub3A = arith.constant 1.000000e+00 : f32
    %sub3A_35 = vector.broadcast %sub3A : f32 to vector<512x64xf32>
    %sub3A_36 = arith.subf %exp3A, %sub3A_35 : vector<512x64xf32>
    %select_n3A = arith.select %gt3A_34, %add3A_32, %sub3A_36 : vector<512x64xi1>, vector<512x64xf32>
    %get3A_37 = arith.constant 0 : index
    %get3A_38 = arith.constant 0 : index
    %get3A_39 = vector.load %arg5[%get3A_37, %get3A_38] : memref<64x7xf32, #tpu.memory_space<vmem>>, vector<64x7xf32>
    %dot_general3A_40 = arith.constant dense<0.000000e+00> : vector<512x7xf32>
    %dot_general3A_41 = tpu.matmul %select_n3A, %get3A_39, %dot_general3A_40 {dimension_numbers = #tpu.dot_dimension_numbers<[1], [0], [0], [1], [0, 0, 1, 1], [], []>, transpose_lhs_hint = false} : vector<512x64xf32>, vector<64x7xf32>, vector<512x7xf32> -> vector<512x7xf32>
    %get3A_42 = arith.constant 0 : index
    %get3A_43 = arith.constant 0 : index
    %get3A_44 = vector.load %arg6[%get3A_42, %get3A_43] : memref<7x1xf32, #tpu.memory_space<vmem>>, vector<7x1xf32>
    %dot_general3A_45 = arith.constant dense<0.000000e+00> : vector<512x1xf32>
    %dot_general3A_46 = tpu.matmul %dot_general3A_41, %get3A_44, %dot_general3A_45 {dimension_numbers = #tpu.dot_dimension_numbers<[1], [0], [0], [1], [0, 0, 1, 1], [], []>, transpose_lhs_hint = false} : vector<512x7xf32>, vector<7x1xf32>, vector<512x1xf32> -> vector<512x1xf32>
    %get3A_47 = arith.constant 0 : index
    %get3A_48 = arith.constant 0 : index
    %get3A_49 = vector.load %arg7[%get3A_47, %get3A_48] : memref<7x1xf32, #tpu.memory_space<vmem>>, vector<7x1xf32>
    %dot_general3A_50 = arith.constant dense<0.000000e+00> : vector<512x1xf32>
    %dot_general3A_51 = tpu.matmul %dot_general3A_41, %get3A_49, %dot_general3A_50 {dimension_numbers = #tpu.dot_dimension_numbers<[1], [0], [0], [1], [0, 0, 1, 1], [], []>, transpose_lhs_hint = false} : vector<512x7xf32>, vector<7x1xf32>, vector<512x1xf32> -> vector<512x1xf32>
    %transpose3A_52 = tpu.transpose %dot_general3A_41, [1, 0] : vector<512x7xf32> -> vector<7x512xf32>
    %swap3A = arith.constant 0 : index
    %swap3A_53 = arith.constant 0 : index
    %swap3A_54 = vector.load %arg8[%swap3A, %swap3A_53] : memref<7x512xf32, #tpu.memory_space<vmem>>, vector<7x512xf32>
    tpu.vector_store %arg8[%swap3A, %swap3A_53], %transpose3A_52 {strides = array<i32>} : memref<7x512xf32, #tpu.memory_space<vmem>>, vector<7x512xf32>,
    %concatenate3A = tpu.concatenate %dot_general3A_46, %dot_general3A_51 in 1 : vector<512x1xf32>, vector<512x1xf32> -> vector<512x2xf32>
    %transpose3A_55 = tpu.transpose %concatenate3A, [1, 0] : vector<512x2xf32> -> vector<2x512xf32>
    %swap3A_56 = arith.constant 0 : index
    %swap3A_57 = arith.constant 0 : index
    %swap3A_58 = vector.load %arg9[%swap3A_56, %swap3A_57] : memref<2x512xf32, #tpu.memory_space<vmem>>, vector<2x512xf32>
    tpu.vector_store %arg9[%swap3A_56, %swap3A_57], %transpose3A_55 {strides = array<i32>} : memref<2x512xf32, #tpu.memory_space<vmem>>, vector<2x512xf32>,
    return
  }
  func.func @transform_0(%arg0: i32) -> (i32, i32, i32) {
    %c0_i32 = arith.constant 0 : i32
    %c0_i32_0 = arith.constant 0 : i32
    %c0_i32_1 = arith.constant 0 : i32
    return %c0_i32, %c0_i32_0, %arg0 : i32, i32, i32
  }
  func.func @transform_1(%arg0: i32) -> (i32, i32, i32) {
    %c0_i32 = arith.constant 0 : i32
    %c0_i32_0 = arith.constant 0 : i32
    %c0_i32_1 = arith.constant 0 : i32
    return %c0_i32, %c0_i32_0, %arg0 : i32, i32, i32
  }
  func.func @transform_2(%arg0: i32) -> (i32, i32) {
    %c0_i32 = arith.constant 0 : i32
    %c0_i32_0 = arith.constant 0 : i32
    %c0_i32_1 = arith.constant 0 : i32
    return %c0_i32, %c0_i32_0 : i32, i32
  }
  func.func @transform_3(%arg0: i32) -> (i32, i32) {
    %c0_i32 = arith.constant 0 : i32
    %c0_i32_0 = arith.constant 0 : i32
    %c0_i32_1 = arith.constant 0 : i32
    return %c0_i32, %c0_i32_0 : i32, i32
  }
  func.func @transform_4(%arg0: i32) -> (i32, i32) {
    %c0_i32 = arith.constant 0 : i32
    %c0_i32_0 = arith.constant 0 : i32
    %c0_i32_1 = arith.constant 0 : i32
    return %c0_i32, %c0_i32_0 : i32, i32
  }
  func.func @transform_5(%arg0: i32) -> (i32, i32) {
    %c0_i32 = arith.constant 0 : i32
    %c0_i32_0 = arith.constant 0 : i32
    %c0_i32_1 = arith.constant 0 : i32
    return %c0_i32, %c0_i32_0 : i32, i32
  }
  func.func @transform_6(%arg0: i32) -> (i32, i32) {
    %c0_i32 = arith.constant 0 : i32
    %c0_i32_0 = arith.constant 0 : i32
    %c0_i32_1 = arith.constant 0 : i32
    return %c0_i32, %c0_i32_0 : i32, i32
  }
  func.func @transform_7(%arg0: i32) -> (i32, i32) {
    %c0_i32 = arith.constant 0 : i32
    %c0_i32_0 = arith.constant 0 : i32
    return %c0_i32, %arg0 : i32, i32
  }
  func.func @transform_8(%arg0: i32) -> (i32, i32) {
    %c0_i32 = arith.constant 0 : i32
    %c0_i32_0 = arith.constant 0 : i32
    return %c0_i32, %arg0 : i32, i32
  }
}

module attributes {stable_mosaic.version = 14 : i64} {
  func.func @_tc3_body(%arg0: i32, %arg1: memref<4x8x512xf32, #tpu.memory_space<vmem>>, %arg2: memref<1x7xf32, #tpu.memory_space<vmem>>, %arg3: memref<512x7xf32, #tpu.memory_space<vmem>>) attributes {dimension_semantics = [#tpu.dimension_semantics<arbitrary>], iteration_bounds = array<i64: 98>, scalar_prefetch = 0 : i64, scratch_operands = 0 : i64, tpu.core_type = #tpu.core_type<tc>, window_params = [{transform_indices = @transform_0, window_bounds = array<i64: 4, 8, 512>}, {pipeline_mode = #tpu.pipeline_mode<synchronous>, transform_indices = @transform_1, window_bounds = array<i64: 1, 7>}, {transform_indices = @transform_2, window_bounds = array<i64: 512, 7>}]} {
    %get3A = arith.constant 0 : index
    %get3A_0 = arith.constant 0 : index
    %get3A_1 = arith.constant 0 : index
    %get3A_2 = vector.load %arg1[%get3A, %get3A_0, %get3A_1] : memref<4x8x512xf32, #tpu.memory_space<vmem>>, vector<4x8x512xf32>
    %slice3A = vector.extract_strided_slice %get3A_2 {offsets = [0, 0, 0], sizes = [1, 8, 512], strides = [1, 1, 1]} : vector<4x8x512xf32> to vector<1x8x512xf32>
    %squeeze3A = vector.shape_cast %slice3A : vector<1x8x512xf32> to vector<8x512xf32>
    %slice3A_3 = vector.extract_strided_slice %get3A_2 {offsets = [1, 0, 0], sizes = [1, 8, 512], strides = [1, 1, 1]} : vector<4x8x512xf32> to vector<1x8x512xf32>
    %squeeze3A_4 = vector.shape_cast %slice3A_3 : vector<1x8x512xf32> to vector<8x512xf32>
    %add3A = arith.addf %squeeze3A, %squeeze3A_4 : vector<8x512xf32>
    %slice3A_5 = vector.extract_strided_slice %get3A_2 {offsets = [2, 0, 0], sizes = [1, 8, 512], strides = [1, 1, 1]} : vector<4x8x512xf32> to vector<1x8x512xf32>
    %squeeze3A_6 = vector.shape_cast %slice3A_5 : vector<1x8x512xf32> to vector<8x512xf32>
    %add3A_7 = arith.addf %add3A, %squeeze3A_6 : vector<8x512xf32>
    %slice3A_8 = vector.extract_strided_slice %get3A_2 {offsets = [3, 0, 0], sizes = [1, 8, 512], strides = [1, 1, 1]} : vector<4x8x512xf32> to vector<1x8x512xf32>
    %squeeze3A_9 = vector.shape_cast %slice3A_8 : vector<1x8x512xf32> to vector<8x512xf32>
    %add3A_10 = arith.addf %add3A_7, %squeeze3A_9 : vector<8x512xf32>
    %slice3A_11 = vector.extract_strided_slice %add3A_10 {offsets = [0, 0], sizes = [7, 512], strides = [1, 1]} : vector<8x512xf32> to vector<7x512xf32>
    %slice3A_12 = vector.extract_strided_slice %add3A_10 {offsets = [7, 0], sizes = [1, 512], strides = [1, 1]} : vector<8x512xf32> to vector<1x512xf32>
    %add3A_13 = arith.constant 1.000000e-16 : f32
    %add3A_14 = vector.broadcast %add3A_13 : f32 to vector<1x512xf32>
    %add3A_15 = arith.addf %slice3A_12, %add3A_14 : vector<1x512xf32>
    %div3A = vector.broadcast %add3A_15 : vector<1x512xf32> to vector<7x512xf32>
    %div3A_16 = arith.divf %slice3A_11, %div3A : vector<7x512xf32>
    %transpose3A = tpu.transpose %div3A_16, [1, 0] : vector<7x512xf32> -> vector<512x7xf32>
    %get3A_17 = arith.constant 0 : index
    %get3A_18 = arith.constant 0 : index
    %get3A_19 = vector.load %arg2[%get3A_17, %get3A_18] : memref<1x7xf32, #tpu.memory_space<vmem>>, vector<1x7xf32>
    %add3A_20 = vector.broadcast %get3A_19 : vector<1x7xf32> to vector<512x7xf32>
    %add3A_21 = arith.addf %transpose3A, %add3A_20 : vector<512x7xf32>
    %reduce_max3A = arith.constant dense<0xFF800000> : vector<512xf32>
    %reduce_max3A_22 = vector.multi_reduction <maximumf>, %add3A_21, %reduce_max3A [1] : vector<512x7xf32> to vector<512xf32>
    %broadcast_in_dim3A = vector.shape_cast %reduce_max3A_22 : vector<512xf32> to vector<512x1xf32>
    %sub3A = vector.broadcast %broadcast_in_dim3A : vector<512x1xf32> to vector<512x7xf32>
    %sub3A_23 = arith.subf %add3A_21, %sub3A : vector<512x7xf32>
    %exp3A = math.exp %sub3A_23 : vector<512x7xf32>
    %reduce_sum3A = arith.constant dense<0.000000e+00> : vector<512xf32>
    %reduce_sum3A_24 = vector.multi_reduction <add>, %exp3A, %reduce_sum3A [1] : vector<512x7xf32> to vector<512xf32>
    %broadcast_in_dim3A_25 = vector.shape_cast %reduce_sum3A_24 : vector<512xf32> to vector<512x1xf32>
    %log3A = math.log %broadcast_in_dim3A_25 : vector<512x1xf32>
    %sub3A_26 = vector.broadcast %log3A : vector<512x1xf32> to vector<512x7xf32>
    %sub3A_27 = arith.subf %sub3A_23, %sub3A_26 : vector<512x7xf32>
    %swap3A = arith.constant 0 : index
    %swap3A_28 = arith.constant 0 : index
    %swap3A_29 = vector.load %arg3[%swap3A, %swap3A_28] : memref<512x7xf32, #tpu.memory_space<vmem>>, vector<512x7xf32>
    tpu.vector_store %arg3[%swap3A, %swap3A_28], %sub3A_27 {strides = array<i32>} : memref<512x7xf32, #tpu.memory_space<vmem>>, vector<512x7xf32>,
    return
  }
  func.func @transform_0(%arg0: i32) -> (i32, i32, i32) {
    %c0_i32 = arith.constant 0 : i32
    %c0_i32_0 = arith.constant 0 : i32
    %c0_i32_1 = arith.constant 0 : i32
    return %c0_i32, %c0_i32_0, %arg0 : i32, i32, i32
  }
  func.func @transform_1(%arg0: i32) -> (i32, i32) {
    %c0_i32 = arith.constant 0 : i32
    %c0_i32_0 = arith.constant 0 : i32
    %c0_i32_1 = arith.constant 0 : i32
    return %c0_i32, %c0_i32_0 : i32, i32
  }
  func.func @transform_2(%arg0: i32) -> (i32, i32) {
    %c0_i32 = arith.constant 0 : i32
    %c0_i32_0 = arith.constant 0 : i32
    return %arg0, %c0_i32 : i32, i32
  }
}

</mosaic_0001>

<sc_bundles>
// kernel: kernel.10.cloned.1.call-start
scs
__scs_entry_jumppad:
0x0: {  	(pc) =	sbr.rel $0x88, $3  }
0x1: {  	(tag) =	ssettag $0x0;
	lr =	simm.s32 $0x1  }
0x2: {  	[smem:$0x3F97] =	sst lr;
	_ =	strace $0xD0000000  }
0x3: {  	_ = 	snop  }
0x4: {  	_ = 	snop  }
0x5: {  	_ = 	snop  }
0x6: {  	_ = 	snop  }
0x7: {  	_ = 	snop  }
__scs_overlays_trampoline_lowered:
0x8: {  	[smem:$0x3FA6] =	sst s0  }
0x9: {  	[smem:$0x3FA7] =	sst s1  }
0xa: {  	[smem:$0x3FA8] =	sst s2  }
0xb: {  	[smem:$0x3FA9] =	sst s3  }
0xc: {  	[smem:$0x3FAA] =	sst s4  }
0xd: {  	[smem:$0x3FAB] =	sst s5  }
0xe: {  	[smem:$0x3FAC] =	sst s6  }
0xf: {  	[smem:$0x3FAD] =	sst s7  }
0x10: {  	[smem:$0x3FAE] =	sst s8  }
0x11: {  	[smem:$0x3FAF] =	sst s9;
	s0 =	simm.s32 @!p0 $0x0  }
0x12: {  	s1 =	sld [smem:$0x3F95];
	s0 =	simm.s32 @p0 $0x1  }
0x13: {  	[smem:$0x3FB0] =	sst s0;
	s0 =	simm.s32 @!p1 $0x0  }
0x14: {  	s2 =	sld [smem:$0x3F94];
	s0 =	simm.s32 @p1 $0x1  }
0x15: {  	[smem:$0x3FB1] =	sst s0;
	s0 =	simm.s32 @!p2 $0x0  }
0x16: {  	s3 =	sld [smem:$0x3FDB];
	s0 =	simm.s32 @p2 $0x1  }
0x17: {  	s4 =	simm.s32 $0x1BF5;
	[smem:$0x3FB3] =	sst s0  }
0x18: {  	s0 =	sld [smem:$0x3F96];
	_ =	swait.ge [sflag:s4], $0x0  }
0x19: {  	s7 =	sld [smem:$0x3F97]  }
0x1a: {  	s8 =	sadd.s32 $0xFFFFE003, lr  }
0x1b: {  	s9 =	sadd.s32 $0xFFFFFEF7, lr;
	s5 =	simm.s32 $0xFFFFFFFF;
	p2 =	slt.u32 s8, $0xFFFFF086  }
0x1c: {  	p1 =	slt.u32 s9, $0xF7A;
	s5 =	simm.s32 @!p2 $0x0  }
0x1d: {  	s5 =	simm.s32 @p1 $0x1;
	p0 =	seq.s32 s7, s2  }
0x1e: {  	s7 =	smul.u32 @!p0 $0xF7A, s2;
	p2 =	seq.s32 @!p0 s5, $0x0  }
0x1f: {  	s9 =	smul.u32 $0xF7A, s1;
	s8 =	simm.s32 @!p0 $0x1BF5;
	p2 =	por !p2, p0  }
0x20: {  	[sflag:s8] =	ssyncset.s32 @!p0 $0xFFFFF086;
	s6 =	sadd.s32 @!p0 s3, s7;
	s7 =	simm.s32 @!p0 $0x108  }
0x21: {  	s3 =	sadd.s32 s3, s9;
	s6 =	sadd.s32 @!p0 $0x88, s6;
	s7 =	simm.s32 @p2 $0x1082  }
0x22: {  	[simem:s7], [sflag:s8] =	dma.local @!p0 [hbm:s6], $0xF7A  }
0x23: {  	s9 =	sor.u32 $0xD0000000, s2;
	s6 =	simm.s32 $0x108;
	_ =	swait.ge @!p0 [sflag:s8], $0x0  }
0x24: {  	s3 =	sadd.s32 $0x88, s3;
	s6 =	simm.s32 @!p1 $0x1082;
	[sflag:s4] =	ssyncset.s32 $0xFFFFF086  }
0x25: {  	[simem:s6], [sflag:s4] =	dma.local [hbm:s3], $0xF7A  }
0x26: {  	[smem:$0x3F97] =	sst s1;
	(tag) =	ssettag s2;
	_ =	strace s9  }
0x27: {  	s1 =	sld [smem:$0x3FA7]  }
0x28: {  	s2 =	sld [smem:$0x3FA8]  }
0x29: {  	s4 =	sld [smem:$0x3FAA]  }
0x2a: {  	p0 =	seq.s32 s5, $0x0;
	s5 =	sld [smem:$0x3FAB]  }
0x2b: {  	s6 =	sld [smem:$0x3FAC]  }
0x2c: {  	s7 =	sld [smem:$0x3FAD]  }
0x2d: {  	s3 =	simm.s32 $0x108;
	s8 =	sld [smem:$0x3FAE]  }
0x2e: {  	s3 =	simm.s32 @!p0 $0x1082;
	s9 =	sld [smem:$0x3FAF]  }
0x2f: {  	lr =	sadd.s32 s0, s3;
	s0 =	sld [smem:$0x3FA6]  }
0x30: {  	s3 =	sld [smem:$0x3FA9]  }
0x31: {  	[smem:$0x3FB2] =	sst s10  }
0x32: {  	s10 =	sld [smem:$0x3FB0];
	_ =	sdelay $0x3  }
0x33: {  	p0 =	seq.s32 s10, $0x1;
	s10 =	sld [smem:$0x3FB2];
	_ =	sdelay $0x3  }
0x34: {  	[smem:$0x3FB2] =	sst s10  }
0x35: {  	s10 =	sld [smem:$0x3FB1];
	_ =	sdelay $0x3  }
0x36: {  	p1 =	seq.s32 s10, $0x1;
	s10 =	sld [smem:$0x3FB2];
	_ =	sdelay $0x3  }
0x37: {  	[smem:$0x3FB2] =	sst s10  }
0x38: {  	s10 =	sld [smem:$0x3FB3]  }
0x39: {  	_ = 	snop;
	(pc) =	sbr.ind lr, $3  }
0x3a: {  	_ = 	snop  }
0x3b: {  	_ = 	snop  }
0x3c: {  	p2 =	seq.s32 s10, $0x1;
	s10 =	sld [smem:$0x3FB2]  }
0x3d: {  	_ =	shalt  }
0x3e: {  	_ =	shalt  }
0x3f: {  	_ =	shalt  }
0x40: {  	_ =	shalt  }
0x41: {  	_ =	shalt  }
0x42: {  	_ =	shalt  }
0x43: {  	_ =	shalt  }
0x44: {  	_ =	shalt  }
0x45: {  	_ =	shalt  }
0x46: {  	_ =	shalt  }
0x47: {  	_ =	shalt  }
0x48: {  	_ =	shalt  }
0x49: {  	_ =	shalt  }
0x4a: {  	_ =	shalt  }
0x4b: {  	_ =	shalt  }
0x4c: {  	_ =	shalt  }
0x4d: {  	_ =	shalt  }
0x4e: {  	_ =	shalt  }
0x4f: {  	_ =	shalt  }
0x50: {  	_ =	shalt  }
0x51: {  	_ =	shalt  }
0x52: {  	_ =	shalt  }
0x53: {  	_ =	shalt  }
0x54: {  	_ =	shalt  }
0x55: {  	_ =	shalt  }
0x56: {  	_ =	shalt  }
0x57: {  	_ =	shalt  }
0x58: {  	_ =	shalt  }
0x59: {  	_ =	shalt  }
0x5a: {  	_ =	shalt  }
0x5b: {  	_ =	shalt  }
0x5c: {  	_ =	shalt  }
0x5d: {  	_ =	shalt  }
0x5e: {  	_ =	shalt  }
0x5f: {  	_ =	shalt  }
0x60: {  	_ =	shalt  }
0x61: {  	_ =	shalt  }
0x62: {  	_ =	shalt  }
0x63: {  	_ =	shalt  }
0x64: {  	_ =	shalt  }
0x65: {  	_ =	shalt  }
0x66: {  	_ =	shalt  }
0x67: {  	_ =	shalt  }
0x68: {  	_ =	shalt  }
0x69: {  	_ =	shalt  }
0x6a: {  	_ =	shalt  }
0x6b: {  	_ =	shalt  }
0x6c: {  	_ =	shalt  }
0x6d: {  	_ =	shalt  }
0x6e: {  	_ =	shalt  }
0x6f: {  	_ =	shalt  }
0x70: {  	_ =	shalt  }
0x71: {  	_ =	shalt  }
0x72: {  	_ =	shalt  }
0x73: {  	_ =	shalt  }
0x74: {  	_ =	shalt  }
0x75: {  	_ =	shalt  }
0x76: {  	_ =	shalt  }
0x77: {  	_ =	shalt  }
0x78: {  	_ =	shalt  }
0x79: {  	_ =	shalt  }
0x7a: {  	_ =	shalt  }
0x7b: {  	_ =	shalt  }
0x7c: {  	_ =	shalt  }
0x7d: {  	_ =	shalt  }
0x7e: {  	_ =	shalt  }
0x7f: {  	_ =	shalt  }
0x80: {  	_ =	shalt  }
0x81: {  	_ =	shalt  }
0x82: {  	_ =	shalt  }
0x83: {  	_ =	shalt  }
0x84: {  	_ =	shalt  }
0x85: {  	_ =	shalt  }
0x86: {  	_ =	shalt  }
0x87: {  	_ =	shalt  }
.Lfunc_end0:
.L_simem_size_0:
called_computation_lowered:
.L_overlay_start_0:
0x88: {  	s2 =	sld [smem:$0x3FD9]  }
0x89: {  	s3 =	sld [smem:$0x3FFE];
	_ =	sdelay $0x1  }
0x8a: {  	s1 =	srdreg.scid  }
0x8b: {  	s0 =	sand.u32 $0x1, s1  }
0x8c: {  	s16 =	sshll.u32 s0, $0xA;
	s2 =	sadd.s32 s3, s2  }
0x8d: {  	s2 =	sadd.s32 s2, s16  }
0x8e: {  	[smem:$0x3FBE] =	sst s2  }
0x8f: {  	_ = 	snop  }
0x90: {  	(tm) =	ssettm $0x1  }
0x91: {  	s17 =	sld [smem:$0x3FFB];
	_ =	sdelay $0x3  }
0x92: {  	_ =	strace s17  }
0x93: {  	s2 =	sld [smem:$0x3FFC];
	_ =	sdelay $0x3  }
0x94: {  	_ =	strace s2  }
0x95: {  	s2 =	sld [smem:$0x3FFD];
	_ =	sdelay $0x3  }
0x96: {  	_ =	strace s2  }
0x97: {  	_ =	strace $0x8FFFFFFF  }
0x98: {  	s18 =	sld [smem:$0x3FDB];
	_ =	sdelay $0x1  }
0x99: {  	s19 =	simm.s32 $_scs_section_size  }
0x9a: {  	s4 =	simm.s32 $_size__tile_overlayer_lowered;
	s5 =	simm.s32 $_tile_overlayer_lowered  }
0x9b: {  	s22 =	simm.s32 $0x1BFF;
	s21 =	sshll.u32 s5, $0x1;
	s2 =	sadd.s32 s19, s18  }
0x9c: {  	s6 =	simm.s32 $0x0;
	s20 =	sshll.u32 s4, $0x1;
	s4 =	sadd.s32 s21, s2  }
0x9d: {  	[timem:s6], [sflag:s22] =	dma.local [hbm:s4], s20  }
0x9e: {  	_ =	swait.ge [sflag:s22], s20  }
0x9f: {  	s3 =	ssub.s32 $0x0, s20;
	[sflag:s22] =	ssyncset.done $0x0  }
0xa0: {  	[sflag:s22] =	ssyncadd.s32 s3;
	_ =	sdelay $0x1  }
0xa1: {  	s23 =	simm.s32 $0x1B8B  }
0xa2: {  	_ =	swait.ge [sflag:s23], $0x1  }
0xa3: {  	[sflag:s23] =	ssyncset.done $0x0  }
0xa4: {  	s25 =	simm.s32 $0x1B8E;
	s24 =	sld [smem:$0x3FFE];
	[sflag:s23] =	ssyncadd.s32 $0xFFFFFFFF  }
0xa5: {  	s26 =	simm.s32 $execute0_lowered;
	[smem:$0x3FD2] =	sst s25  }
0xa6: {  	s4 =	sshll.u32 s26, $0x1;
	_ =	strace $0x80000046;
	[dreg:$0x1] =	wrdreg $0xFFFFFFFF  }
0xa7: {  	s28 =	simm.s32 $_size_execute0_lowered;
	s2 =	sadd.s32 s2, s4;
	[dreg:$0x0] =	wrdreg $0x0  }
0xa8: {  	s4 =	sshll.u32 s28, $0x1;
	[dreg:$0x2] =	wrdreg s2  }
0xa9: {  	[dreg:$0x3] =	wrdreg s4  }
0xaa: {  	[dreg:$0x4] =	wrdreg $0xC0  }
0xab: {  	_ =	task [dreg:s6], $0x5FFFF  }
0xac: {  	[dreg:$0x1] =	wrdreg $0xFFFFFFFF  }
0xad: {  	[dreg:$0x0] =	wrdreg $0x60  }
0xae: {  	[dreg:$0x2] =	wrdreg s24  }
0xaf: {  	[dreg:$0x3] =	wrdreg $0x9  }
0xb0: {  	_ =	task.clear_ibuf [dreg:s6], $0x4FFFF;
	_ =	strace $0x90000046  }
0xb1: {  	s29 =	simm.s32 $0x9;
	_ =	strace $0x80000048  }
0xb2: {  	_ =	swait.ge [sflag:s29], $0x1  }
0xb3: {  	[sflag:s29] =	ssyncadd.s32 $0xFFFFFFFF  }
0xb4: {  	_ =	strace $0x90000048  }
0xb5: {  	_ =	sfence  }
0xb6: {  	s30 =	sld [smem:$0x0];
	_ =	sdelay $0x2  }
0xb7: {  	s31 =	sshll.u32 s1, $0xD;
	s1 =	sshrl.u32 s1, $0x2  }
0xb8: {  	s3 =	sand.u32 $0x4000, s31;
	s1 =	sadd.s32 s1, s30  }
0xb9: {  	s0 =	sor.u32 s3, s0;
	s1 =	sshll.u32 s1, $0x11  }
0xba: {  	s0 =	sor.u32 s1, s0  }
0xbb: {  	s0 =	sadd.s32 $0x8F2B, s0  }
0xbc: {  	[sflag:s0] =	ssyncadd.remote.s32 $0x1  }
0xbd: {  	_ =	sfence.sel $0xFFFF  }
0xbe: {  	[dreg:$0x0] =	wrdreg $0xFFFFFFFF;
	(pc) =	sbr.abs _section_cstart, $3  }
0xbf: {  	[dreg:$0x1] =	wrdreg $0xFFFFFFFF  }
0xc0: {  	_ =	task.clear_ibuf [dreg:s6], $0x2FFFF;
	_ =	strace $0x9FFFFFFF  }
0xc1: {  	(tm) =	ssettm $0x7FFFFFFF  }
tec
execute0_lowered:
.L_overlay_start_1:
0x0: {  	(tag) =	ssettag $0x1  }
0x1: {  	s5 =	rddreg [dreg:$0x0]  }
0x2: {  	s0 =	rddreg [dreg:$0x1];
	s2 =	simm.s32 $0x0  }
0x3: {  	s1 =	stileid.u32;
	s7 =	srdreg.scid;
	s11 =	simm.s32 $0x400  }
0x4: {  	s12 =	simm.s32 $0x1;
	s13 =	simm.s32 $0xC400;
	s14 =	simm.s32 $0x18800  }
0x5: {  	s15 =	simm.s32 $0x19000;
	s16 =	simm.s32 $0x19800;
	s17 =	simm.s32 $0x0  }
0x6: {  	[smem:$0x7FF] =	sst s2;
	s3 =	sadd.s32 $0x945400, s5;
	s6 =	sshrl.u32 s1, $0x1  }
0x7: {  	s4 =	sadd.s32 $0x92B400, s5;
	s7 =	sand.u32 $0x1, s7;
	s9 =	sshll.u32 s1, $0x1  }
0x8: {  	_ =	strace $0x80000047;
	s8 =	sshll.u32 s6, $0x4;
	s30 =	ssub.s32 $0x2, s7  }
0x9: {  	s7 =	sor.u32 s7, s9;
	s6 =	sshll.u32 s6, $0x2;
	s10 =	sshrl.u32 s30, $0x1  }
0xa: {  	s8 =	sadd.s32 s8, s5;
	s7 =	ssub.s32 s7, s6;
	s31 =	ssub.s32 s30, s10  }
0xb: {  	s5 =	sadd.s32 $0x3400, s8;
	s6 =	sadd.s32 $0xF800, s8;
	s7 =	smul.u32 $0x34000, s7  }
0xc: {  	s8 =	sadd.s32 $0x7DC00, s8;
	s10 =	simm.s32 $0x80;
	s9 =	smax.u32 s31, $0x1  }
.LBB2_1:
0xd: {  	[tilespmem:s2], [sflag:$0x1] =	stream.strided.gather [hbm4b:s5+s10], $0xC400, s11, s10, $0x38;
	[tilespmem:$0x1A000] =	vst v63  }
0xe: {  	_ =	swait.ge [sflag:s12], $0xC400  }
0xf: {  	[sflag:s12] =	ssyncset.done $0x0  }
0x10: {  	[sflag:s12] =	ssyncadd.s32 $0xFFFF3C00  }
0x11: {  	[tilespmem:s13], [sflag:$0x1] =	stream.strided.gather [hbm4b:s6+s10], $0xC400, s11, s10, $0x38;
	[tilespmem:$0x1A000] =	vst v63  }
0x12: {  	_ =	swait.ge [sflag:s12], $0xC400  }
0x13: {  	[sflag:s12] =	ssyncset.done $0x0  }
0x14: {  	s18 =	simm.s32 $0x0;
	[sflag:s12] =	ssyncadd.s32 $0xFFFF3C00  }
.LBB2_2:
0x15: {  	s19 =	sshll.u32 s18, $0xB  }
0x16: {  	s19 =	sadd.s32 s7, s19  }
0x17: {  	s20 =	sshrl.u32 s19, $0x3  }
0x18: {  	s22 =	simm.s32 $0x0;
	s21 =	sadd.s32 s3, s20  }
0x19: {  	[tilespmem:s14], [sflag:$0x1] =	stream.linear.gather [hbm4b:s21+s22], $0x800, $0x38;
	[tilespmem:$0x1A000] =	vst v63  }
0x1a: {  	_ =	swait.ge [sflag:s12], $0x800  }
0x1b: {  	[sflag:s12] =	ssyncset.done $0x0  }
0x1c: {  	s20 =	sadd.s32 s4, s20;
	[sflag:s12] =	ssyncadd.s32 $0xFFFFF800  }
0x1d: {  	[tilespmem:s15], [sflag:$0x1] =	stream.linear.gather [hbm4b:s20+s22], $0x800, $0x38;
	[tilespmem:$0x1A000] =	vst v63  }
0x1e: {  	_ =	swait.ge [sflag:s12], $0x800  }
0x1f: {  	[sflag:s12] =	ssyncset.done $0x0  }
0x20: {  	s20 =	simm.s32 $0x0;
	[sflag:s12] =	ssyncadd.s32 $0xFFFFF800  }
0x21: {  	v0 =	vld [tilespmem:s20+$0x19000]  }
0x22: {  	v1 =	vld [tilespmem:s20+$0x18800];
	_ =	sdelay $0x6  }
0x23: {  	v0 =	vld.idx.msk [tilespmem:v0+s13+$0x0], $0xffff  }
0x24: {  	v1 =	vld.idx.msk [tilespmem:v1+s2+$0x0], $0xffff;
	_ =	sdelay $0x4  }
0x25: {  	v0 =	vadd.f32 v0, v1;
	_ =	sdelay $0x1  }
0x26: {  	v1 =	vmul.f32 $2.000000030e-01, v0;
	_ =	sdelay $0x1  }
0x27: {  	v0 =	vmax.f32 v0, v1  }
0x28: {  	v0 =	vmul.f32 $1.442695020e+00, v0;
	_ =	sdelay $0x1  }
0x29: {  	(erf) = vpow2.f32 v0;
	_ =	sdelay $0x1  }
0x2a: {  	s22 =	simm.s32 $0x10  }
0x2b: {  	s21 =	simm.s32 $0x80;
	v0 =	vld [tilespmem:s22+$0x19000]  }
.LBB2_3:
0x2c: {  	p0 =	sne.s32 s21, $0x1FC0;
	v1 =	vld [tilespmem:s22+$0x18800];
	_ =	sdelay $0x4  }
0x2d: {  	v2 =	vpop (erf)  }
0x2e: {  	[tilespmem:s20+$0x19800] =	vst v2;
	s20 =	smov.u32 s22  }
0x2f: {  	v0 =	vld.idx.msk [tilespmem:v0+s13+$0x0], $0xffff  }
0x30: {  	v1 =	vld.idx.msk [tilespmem:v1+s2+$0x0], $0xffff;
	_ =	sdelay $0x5  }
0x31: {  	v0 =	vadd.f32 v0, v1;
	_ =	sdelay $0x1  }
0x32: {  	v1 =	vmul.f32 $2.000000030e-01, v0;
	_ =	sdelay $0x1  }
0x33: {  	v0 =	vmax.f32 v0, v1  }
0x34: {  	v0 =	vmul.f32 $1.442695020e+00, v0  }
.Ltmp0:
0x35: {  	(pc) =	sbr.rel @p0 .LBB2_3-.Ltmp0, $3  }
0x36: {  	(erf) = vpow2.f32 v0;
	_ =	sdelay $0x1  }
0x37: {  	s22 =	sshra.s32 s21, $0x2  }
0x38: {  	s21 =	sadd.s32 $0x40, s21;
	v0 =	vld [tilespmem:s22+$0x19000]  }
0x39: {  	_ = 	snop  }
0x3a: {  	v1 =	vld [tilespmem:s22+$0x18800];
	_ =	sdelay $0x4  }
0x3b: {  	v2 =	vpop (erf)  }
0x3c: {  	[tilespmem:s20+$0x19800] =	vst v2  }
0x3d: {  	v0 =	vld.idx.msk [tilespmem:v0+s13+$0x0], $0xffff  }
0x3e: {  	v1 =	vld.idx.msk [tilespmem:v1+s2+$0x0], $0xffff;
	_ =	sdelay $0x4  }
0x3f: {  	v0 =	vadd.f32 v0, v1;
	_ =	sdelay $0x1  }
0x40: {  	v1 =	vmul.f32 $2.000000030e-01, v0;
	_ =	sdelay $0x1  }
0x41: {  	v0 =	vmax.f32 v0, v1  }
0x42: {  	v0 =	vmul.f32 $1.442695020e+00, v0;
	_ =	sdelay $0x1  }
0x43: {  	(erf) = vpow2.f32 v0;
	_ =	sdelay $0x7  }
0x44: {  	s18 =	sadd.s32 $0x1, s18  }
0x45: {  	s19 =	sand.u32 $0x1FFFF800, s19;
	p0 =	sne.s32 s18, $0x68;
	v0 =	vpop (erf)  }
.Ltmp1:
0x46: {  	s19 =	sadd.s32 s19, s8;
	[tilespmem:s22+$0x19800] =	vst v0;
	(pc) =	sbr.rel @p0 .LBB2_2-.Ltmp1, $4  }
0x47: {  	[hbm4b:s19+s10] =	stream.strided.scatter [tilespmem:s16], [sflag:$0x1], $0x800, s11, s10, $0x38;
	[tilespmem:$0x1A000] =	vst v63  }
0x48: {  	_ =	swait.ge [sflag:s12], $0x800  }
0x49: {  	[sflag:s12] =	ssyncset.done $0x0  }
0x4a: {  	[sflag:s12] =	ssyncadd.s32 $0xFFFFF800  }
0x4b: {  	s17 =	sadd.s32 $0x1, s17  }
0x4c: {  	p0 =	sne.s32 s17, s9  }
.Ltmp2:
0x4d: {  	_ = 	snop;
	(pc) =	sbr.rel @p0 .LBB2_1-.Ltmp2, $1  }
0x4e: {  	_ =	sdelay $0x3  }
0x4f: {  	_ =	sfence.sel $0x180000  }
0x50: {  	[bflag:$0x0] =	sbarrier.arrive $0xFFFF  }
0x51: {  	p0 =	sne.s32 s1, $0x0;
	_ =	strace $0x90000047  }
0x52: {  	s0 =	sadd.s32 @!p0 $0x100000, s0;
	[bflag:$0x2] =	sbarrier.arrive $0xFFFF  }
0x53: {  	[sflag:s0] =	ssyncadd.tile.s32 @!p0 $0x1;
	_ =	shalt  }
.Lfunc_end2:
_tile_overlayer_lowered:
.L_overlay_start_2:
0x54: {  	(tag) =	ssettag $0x2  }
0x55: {  	s0 =	rddreg [dreg:$0x0];
	s2 =	stileid.u32  }
0x56: {  	s1 =	rddreg [dreg:$0x1];
	p0 =	sne.s32 s2, $0x0  }
0x57: {  	s3 =	rddreg [dreg:$0x2];
	[bflag:$0x3] =	sbarrier.arrive $0xFFFF;
	s2 =	simm.s32 @!p0 $0x1C01  }
0x58: {  	[timem:s3], [sflag:s2] =	dma.local @!p0 [hbm:s0], s1  }
0x59: {  	s0 =	simm.s32 @!p0 $0x1  }
0x5a: {  	_ =	swait.ge @!p0 [sflag:s0], s1  }
0x5b: {  	s1 =	ssub.s32 @!p0 $0x0, s1;
	[sflag:s0] =	ssyncset.done @!p0 $0x0  }
0x5c: {  	[sflag:s0] =	ssyncadd.s32 @!p0 s1  }
0x5d: {  	[bflag:$0x3] =	sbarrier.arrive $0xFFFF  }
0x5e: {  	_ =	shalt  }

// kernel: kernel.13.cloned.1.call-start
scs
__scs_entry_jumppad:
0x0: {  	(pc) =	sbr.rel $0x88, $3  }
0x1: {  	(tag) =	ssettag $0x0;
	lr =	simm.s32 $0x1  }
0x2: {  	[smem:$0x3F97] =	sst lr;
	_ =	strace $0xD0000000  }
0x3: {  	_ = 	snop  }
0x4: {  	_ = 	snop  }
0x5: {  	_ = 	snop  }
0x6: {  	_ = 	snop  }
0x7: {  	_ = 	snop  }
__scs_overlays_trampoline_lowered:
0x8: {  	[smem:$0x3FA6] =	sst s0  }
0x9: {  	[smem:$0x3FA7] =	sst s1  }
0xa: {  	[smem:$0x3FA8] =	sst s2  }
0xb: {  	[smem:$0x3FA9] =	sst s3  }
0xc: {  	[smem:$0x3FAA] =	sst s4  }
0xd: {  	[smem:$0x3FAB] =	sst s5  }
0xe: {  	[smem:$0x3FAC] =	sst s6  }
0xf: {  	[smem:$0x3FAD] =	sst s7  }
0x10: {  	[smem:$0x3FAE] =	sst s8  }
0x11: {  	[smem:$0x3FAF] =	sst s9;
	s0 =	simm.s32 @!p0 $0x0  }
0x12: {  	s1 =	sld [smem:$0x3F95];
	s0 =	simm.s32 @p0 $0x1  }
0x13: {  	[smem:$0x3FB0] =	sst s0;
	s0 =	simm.s32 @!p1 $0x0  }
0x14: {  	s2 =	sld [smem:$0x3F94];
	s0 =	simm.s32 @p1 $0x1  }
0x15: {  	[smem:$0x3FB1] =	sst s0;
	s0 =	simm.s32 @!p2 $0x0  }
0x16: {  	s3 =	sld [smem:$0x3FDB];
	s0 =	simm.s32 @p2 $0x1  }
0x17: {  	s4 =	simm.s32 $0x1BF5;
	[smem:$0x3FB3] =	sst s0  }
0x18: {  	s0 =	sld [smem:$0x3F96];
	_ =	swait.ge [sflag:s4], $0x0  }
0x19: {  	s7 =	sld [smem:$0x3F97]  }
0x1a: {  	s8 =	sadd.s32 $0xFFFFE003, lr  }
0x1b: {  	s9 =	sadd.s32 $0xFFFFFEF7, lr;
	s5 =	simm.s32 $0xFFFFFFFF;
	p2 =	slt.u32 s8, $0xFFFFF086  }
0x1c: {  	p1 =	slt.u32 s9, $0xF7A;
	s5 =	simm.s32 @!p2 $0x0  }
0x1d: {  	s5 =	simm.s32 @p1 $0x1;
	p0 =	seq.s32 s7, s2  }
0x1e: {  	s7 =	smul.u32 @!p0 $0xF7A, s2;
	p2 =	seq.s32 @!p0 s5, $0x0  }
0x1f: {  	s9 =	smul.u32 $0xF7A, s1;
	s8 =	simm.s32 @!p0 $0x1BF5;
	p2 =	por !p2, p0  }
0x20: {  	[sflag:s8] =	ssyncset.s32 @!p0 $0xFFFFF086;
	s6 =	sadd.s32 @!p0 s3, s7;
	s7 =	simm.s32 @!p0 $0x108  }
0x21: {  	s3 =	sadd.s32 s3, s9;
	s6 =	sadd.s32 @!p0 $0x88, s6;
	s7 =	simm.s32 @p2 $0x1082  }
0x22: {  	[simem:s7], [sflag:s8] =	dma.local @!p0 [hbm:s6], $0xF7A  }
0x23: {  	s9 =	sor.u32 $0xD0000000, s2;
	s6 =	simm.s32 $0x108;
	_ =	swait.ge @!p0 [sflag:s8], $0x0  }
0x24: {  	s3 =	sadd.s32 $0x88, s3;
	s6 =	simm.s32 @!p1 $0x1082;
	[sflag:s4] =	ssyncset.s32 $0xFFFFF086  }
0x25: {  	[simem:s6], [sflag:s4] =	dma.local [hbm:s3], $0xF7A  }
0x26: {  	[smem:$0x3F97] =	sst s1;
	(tag) =	ssettag s2;
	_ =	strace s9  }
0x27: {  	s1 =	sld [smem:$0x3FA7]  }
0x28: {  	s2 =	sld [smem:$0x3FA8]  }
0x29: {  	s4 =	sld [smem:$0x3FAA]  }
0x2a: {  	p0 =	seq.s32 s5, $0x0;
	s5 =	sld [smem:$0x3FAB]  }
0x2b: {  	s6 =	sld [smem:$0x3FAC]  }
0x2c: {  	s7 =	sld [smem:$0x3FAD]  }
0x2d: {  	s3 =	simm.s32 $0x108;
	s8 =	sld [smem:$0x3FAE]  }
0x2e: {  	s3 =	simm.s32 @!p0 $0x1082;
	s9 =	sld [smem:$0x3FAF]  }
0x2f: {  	lr =	sadd.s32 s0, s3;
	s0 =	sld [smem:$0x3FA6]  }
0x30: {  	s3 =	sld [smem:$0x3FA9]  }
0x31: {  	[smem:$0x3FB2] =	sst s10  }
0x32: {  	s10 =	sld [smem:$0x3FB0];
	_ =	sdelay $0x3  }
0x33: {  	p0 =	seq.s32 s10, $0x1;
	s10 =	sld [smem:$0x3FB2];
	_ =	sdelay $0x3  }
0x34: {  	[smem:$0x3FB2] =	sst s10  }
0x35: {  	s10 =	sld [smem:$0x3FB1];
	_ =	sdelay $0x3  }
0x36: {  	p1 =	seq.s32 s10, $0x1;
	s10 =	sld [smem:$0x3FB2];
	_ =	sdelay $0x3  }
0x37: {  	[smem:$0x3FB2] =	sst s10  }
0x38: {  	s10 =	sld [smem:$0x3FB3]  }
0x39: {  	_ = 	snop;
	(pc) =	sbr.ind lr, $3  }
0x3a: {  	_ = 	snop  }
0x3b: {  	_ = 	snop  }
0x3c: {  	p2 =	seq.s32 s10, $0x1;
	s10 =	sld [smem:$0x3FB2]  }
0x3d: {  	_ =	shalt  }
0x3e: {  	_ =	shalt  }
0x3f: {  	_ =	shalt  }
0x40: {  	_ =	shalt  }
0x41: {  	_ =	shalt  }
0x42: {  	_ =	shalt  }
0x43: {  	_ =	shalt  }
0x44: {  	_ =	shalt  }
0x45: {  	_ =	shalt  }
0x46: {  	_ =	shalt  }
0x47: {  	_ =	shalt  }
0x48: {  	_ =	shalt  }
0x49: {  	_ =	shalt  }
0x4a: {  	_ =	shalt  }
0x4b: {  	_ =	shalt  }
0x4c: {  	_ =	shalt  }
0x4d: {  	_ =	shalt  }
0x4e: {  	_ =	shalt  }
0x4f: {  	_ =	shalt  }
0x50: {  	_ =	shalt  }
0x51: {  	_ =	shalt  }
0x52: {  	_ =	shalt  }
0x53: {  	_ =	shalt  }
0x54: {  	_ =	shalt  }
0x55: {  	_ =	shalt  }
0x56: {  	_ =	shalt  }
0x57: {  	_ =	shalt  }
0x58: {  	_ =	shalt  }
0x59: {  	_ =	shalt  }
0x5a: {  	_ =	shalt  }
0x5b: {  	_ =	shalt  }
0x5c: {  	_ =	shalt  }
0x5d: {  	_ =	shalt  }
0x5e: {  	_ =	shalt  }
0x5f: {  	_ =	shalt  }
0x60: {  	_ =	shalt  }
0x61: {  	_ =	shalt  }
0x62: {  	_ =	shalt  }
0x63: {  	_ =	shalt  }
0x64: {  	_ =	shalt  }
0x65: {  	_ =	shalt  }
0x66: {  	_ =	shalt  }
0x67: {  	_ =	shalt  }
0x68: {  	_ =	shalt  }
0x69: {  	_ =	shalt  }
0x6a: {  	_ =	shalt  }
0x6b: {  	_ =	shalt  }
0x6c: {  	_ =	shalt  }
0x6d: {  	_ =	shalt  }
0x6e: {  	_ =	shalt  }
0x6f: {  	_ =	shalt  }
0x70: {  	_ =	shalt  }
0x71: {  	_ =	shalt  }
0x72: {  	_ =	shalt  }
0x73: {  	_ =	shalt  }
0x74: {  	_ =	shalt  }
0x75: {  	_ =	shalt  }
0x76: {  	_ =	shalt  }
0x77: {  	_ =	shalt  }
0x78: {  	_ =	shalt  }
0x79: {  	_ =	shalt  }
0x7a: {  	_ =	shalt  }
0x7b: {  	_ =	shalt  }
0x7c: {  	_ =	shalt  }
0x7d: {  	_ =	shalt  }
0x7e: {  	_ =	shalt  }
0x7f: {  	_ =	shalt  }
0x80: {  	_ =	shalt  }
0x81: {  	_ =	shalt  }
0x82: {  	_ =	shalt  }
0x83: {  	_ =	shalt  }
0x84: {  	_ =	shalt  }
0x85: {  	_ =	shalt  }
0x86: {  	_ =	shalt  }
0x87: {  	_ =	shalt  }
.Lfunc_end0:
.L_simem_size_0:
called_computation.1_lowered:
.L_overlay_start_0:
0x88: {  	s2 =	sld [smem:$0x3FD9]  }
0x89: {  	s3 =	sld [smem:$0x3FFE];
	_ =	sdelay $0x1  }
0x8a: {  	s1 =	srdreg.scid  }
0x8b: {  	s0 =	sand.u32 $0x1, s1  }
0x8c: {  	s16 =	sshll.u32 s0, $0xA;
	s2 =	sadd.s32 s3, s2  }
0x8d: {  	s2 =	sadd.s32 s2, s16  }
0x8e: {  	[smem:$0x3FBE] =	sst s2  }
0x8f: {  	_ = 	snop  }
0x90: {  	(tm) =	ssettm $0x1  }
0x91: {  	s17 =	sld [smem:$0x3FFB];
	_ =	sdelay $0x3  }
0x92: {  	_ =	strace s17  }
0x93: {  	s2 =	sld [smem:$0x3FFC];
	_ =	sdelay $0x3  }
0x94: {  	_ =	strace s2  }
0x95: {  	s2 =	sld [smem:$0x3FFD];
	_ =	sdelay $0x3  }
0x96: {  	_ =	strace s2  }
0x97: {  	_ =	strace $0x8FFFFFFF  }
0x98: {  	s18 =	sld [smem:$0x3FDB];
	_ =	sdelay $0x1  }
0x99: {  	s19 =	simm.s32 $_scs_section_size  }
0x9a: {  	s4 =	simm.s32 $_size__tile_overlayer_lowered;
	s5 =	simm.s32 $_tile_overlayer_lowered  }
0x9b: {  	s22 =	simm.s32 $0x1BFF;
	s21 =	sshll.u32 s5, $0x1;
	s2 =	sadd.s32 s19, s18  }
0x9c: {  	s6 =	simm.s32 $0x0;
	s20 =	sshll.u32 s4, $0x1;
	s4 =	sadd.s32 s21, s2  }
0x9d: {  	[timem:s6], [sflag:s22] =	dma.local [hbm:s4], s20  }
0x9e: {  	_ =	swait.ge [sflag:s22], s20  }
0x9f: {  	s3 =	ssub.s32 $0x0, s20;
	[sflag:s22] =	ssyncset.done $0x0  }
0xa0: {  	[sflag:s22] =	ssyncadd.s32 s3;
	_ =	sdelay $0x1  }
0xa1: {  	s23 =	simm.s32 $0x1B8B  }
0xa2: {  	_ =	swait.ge [sflag:s23], $0x1  }
0xa3: {  	[sflag:s23] =	ssyncset.done $0x0  }
0xa4: {  	s25 =	simm.s32 $0x1B8E;
	s24 =	sld [smem:$0x3FFE];
	[sflag:s23] =	ssyncadd.s32 $0xFFFFFFFF  }
0xa5: {  	s26 =	simm.s32 $execute0_lowered;
	[smem:$0x3FD2] =	sst s25  }
0xa6: {  	s4 =	sshll.u32 s26, $0x1;
	_ =	strace $0x80000049;
	[dreg:$0x1] =	wrdreg $0xFFFFFFFF  }
0xa7: {  	s28 =	simm.s32 $_size_execute0_lowered;
	s2 =	sadd.s32 s2, s4;
	[dreg:$0x0] =	wrdreg $0x0  }
0xa8: {  	s4 =	sshll.u32 s28, $0x1;
	[dreg:$0x2] =	wrdreg s2  }
0xa9: {  	[dreg:$0x3] =	wrdreg s4  }
0xaa: {  	[dreg:$0x4] =	wrdreg $0xC0  }
0xab: {  	_ =	task [dreg:s6], $0x5FFFF  }
0xac: {  	[dreg:$0x1] =	wrdreg $0xFFFFFFFF  }
0xad: {  	[dreg:$0x0] =	wrdreg $0x60  }
0xae: {  	[dreg:$0x2] =	wrdreg s24  }
0xaf: {  	[dreg:$0x3] =	wrdreg $0x9  }
0xb0: {  	_ =	task.clear_ibuf [dreg:s6], $0x4FFFF;
	_ =	strace $0x90000049  }
0xb1: {  	s29 =	simm.s32 $0x9;
	_ =	strace $0x8000004B  }
0xb2: {  	_ =	swait.ge [sflag:s29], $0x1  }
0xb3: {  	[sflag:s29] =	ssyncadd.s32 $0xFFFFFFFF  }
0xb4: {  	_ =	strace $0x9000004B  }
0xb5: {  	_ =	sfence  }
0xb6: {  	s30 =	sld [smem:$0x0];
	_ =	sdelay $0x2  }
0xb7: {  	s31 =	sshll.u32 s1, $0xD;
	s1 =	sshrl.u32 s1, $0x2  }
0xb8: {  	s3 =	sand.u32 $0x4000, s31;
	s1 =	sadd.s32 s1, s30  }
0xb9: {  	s0 =	sor.u32 s3, s0;
	s1 =	sshll.u32 s1, $0x11  }
0xba: {  	s0 =	sor.u32 s1, s0  }
0xbb: {  	s0 =	sadd.s32 $0x8F2B, s0  }
0xbc: {  	[sflag:s0] =	ssyncadd.remote.s32 $0x1  }
0xbd: {  	_ =	sfence.sel $0xFFFF  }
0xbe: {  	[dreg:$0x0] =	wrdreg $0xFFFFFFFF;
	(pc) =	sbr.abs _section_cstart, $3  }
0xbf: {  	[dreg:$0x1] =	wrdreg $0xFFFFFFFF  }
0xc0: {  	_ =	task.clear_ibuf [dreg:s6], $0x2FFFF;
	_ =	strace $0x9FFFFFFF  }
0xc1: {  	(tm) =	ssettm $0x7FFFFFFF  }
tec
execute0_lowered:
.L_overlay_start_1:
0x0: {  	(tag) =	ssettag $0x1  }
0x1: {  	s0 =	rddreg [dreg:$0x0];
	s1 =	simm.s32 $0x0  }
0x2: {  	s6 =	srdreg.scid;
	s10 =	stileid.u32;
	s18 =	simm.s32 $0x80  }
0x3: {  	s19 =	simm.s32 $0x400;
	s20 =	simm.s32 $0x3;
	[smem:$0x7FF] =	sst s1  }
0x4: {  	s21 =	simm.s32 $0x1;
	s2 =	sadd.s32 $0x945400, s0;
	s4 =	sadd.s32 $0x92B400, s0  }
0x5: {  	s3 =	sadd.s32 $0x1BC00, s0;
	s5 =	sadd.s32 $0x7DC00, s0;
	s6 =	sand.u32 $0x1, s6  }
0x6: {  	s7 =	sshrl.u32 s10, $0x1;
	s8 =	sshll.u32 s10, $0x9;
	s16 =	sadd.s32 $0x14DC00, s0  }
0x7: {  	s10 =	sshll.u32 s10, $0x6;
	_ =	strace $0x8000004A;
	s9 =	smul.u32 $0x62000, s7  }
0x8: {  	s22 =	sshll.u32 s6, $0x8;
	s8 =	sand.u32 $0x200, s8;
	s23 =	ssub.s32 $0x2, s6  }
0x9: {  	s6 =	sand.u32 $0x380, s10;
	s10 =	sadd.s32 $0x952400, s0;
	s12 =	sor.u32 s22, s8  }
0xa: {  	s24 =	sshrl.u32 s23, $0x1;
	s25 =	sshrl.u32 s6, $0x3;
	s22 =	simm.s32 $0xC400  }
0xb: {  	s8 =	sor.u32 s9, s12;
	s17 =	ssub.s32 s23, s24;
	s14 =	sadd.s32 $0x310000, s9  }
0xc: {  	s15 =	sor.u32 $0x80, s12;
	s23 =	simm.s32 $0x2;
	s24 =	simm.s32 $0x0  }
0xd: {  	s11 =	sshrl.u32 s8, $0x3;
	s8 =	sadd.s32 s5, s25;
	s28 =	sor.u32 s12, s14  }
0xe: {  	s9 =	sor.u32 s9, s15;
	s30 =	sor.u32 s14, s15;
	s17 =	smax.u32 s17, $0x1  }
0xf: {  	s7 =	sadd.s32 s3, s11;
	s26 =	sadd.s32 s16, s11;
	s11 =	sadd.s32 $0x938400, s0  }
0x10: {  	s12 =	sadd.s32 $0x68000, s8;
	s0 =	sshrl.u32 s28, $0x3;
	s29 =	sshrl.u32 s9, $0x3  }
0x11: {  	s31 =	sshrl.u32 s30, $0x3;
	[dreg:$0x2] =	wrdreg s26;
	s13 =	sadd.s32 s16, s0  }
0x12: {  	v0 =	vimm.f32 $0.0e+00;
	s14 =	sadd.s32 s3, s29;
	s15 =	sadd.s32 s16, s29;
	s16 =	sadd.s32 s16, s31  }
.LBB2_1:
0x13: {  	s0 =	simm.s32 $0x40;
	s3 =	simm.s32 $0x0  }
.LBB2_2:
0x14: {  	p0 =	sne.s32 s0, $0x30FC0;
	[tilespmem:s3+$0xC400] =	vst v0;
	s3 =	smov.u32 s0;
	s0 =	sadd.s32 $0x40, s0  }
.Ltmp0:
0x15: {  	(pc) =	sbr.rel @p0 .LBB2_2-.Ltmp0, $2  }
0x16: {  	_ =	sdelay $0x2  }
0x17: {  	s3 =	sshra.s32 s3, $0x2  }
0x18: {  	[tilespmem:s3+$0xC400] =	vst v0;
	s0 =	simm.s32 $0x0  }
0x19: {  	[tilespmem:s0], [sflag:$0x3] =	stream.strided.gather [hbm4b:s7+s18], $0xC400, s19, s18, $0x38;
	[tilespmem:$0x1E800] =	vst v63  }
0x1a: {  	_ =	swait.ge [sflag:s20], $0xC400  }
0x1b: {  	[sflag:s20] =	ssyncset.done $0x0  }
0x1c: {  	s3 =	simm.s32 $0x18800;
	s9 =	simm.s32 $0x0;
	[sflag:s20] =	ssyncadd.s32 $0xFFFF3C00  }
.LBB2_4:
0x1d: {  	p0 =	sne.s32 s9, $0x1F0  }
.Ltmp1:
0x1e: {  	_ = 	snop;
	(pc) =	sbr.rel @p0 .LBB2_4-.Ltmp1, $4  }
0x1f: {  	_ = 	snop  }
0x20: {  	s25 =	sadd.s32 s9, s2  }
0x21: {  	[tilespmem:s3], [sflag:$0x1] =	stream.linear.gather [hbm4b:s25+s0], $0x80, $0x38;
	[tilespmem:$0x1E800] =	vst v63  }
0x22: {  	s9 =	sadd.s32 $0x10, s9;
	s3 =	sadd.s32 $0x100, s3  }
0x23: {  	s25 =	simm.s32 $0x1A800  }
0x24: {  	s26 =	simm.s32 $0x10;
	s3 =	sadd.s32 $0x0, s4;
	s0 =	simm.s32 $0x1A900  }
.LBB2_6:
0x25: {  	[tilespmem:s25], [sflag:$0x1] =	stream.linear.gather [hbm4b:s3+s1], $0x80, $0x38;
	[tilespmem:$0x1E800] =	vst v63  }
0x26: {  	s3 =	smov.u32 s26;
	s25 =	smov.u32 s0;
	p0 =	sne.s32 s26, $0x1F0  }
.Ltmp2:
0x27: {  	s26 =	sadd.s32 $0x10, s26;
	(pc) =	sbr.rel @p0 .LBB2_6-.Ltmp2, $2  }
0x28: {  	_ =	sdelay $0x2  }
0x29: {  	s0 =	sadd.s32 $0x100, s0;
	s3 =	sadd.s32 s3, s4  }
0x2a: {  	[tilespmem:s25], [sflag:$0x1] =	stream.linear.gather [hbm4b:s3+s1], $0x80, $0x38;
	[tilespmem:$0x1E800] =	vst v63  }
0x2b: {  	s25 =	simm.s32 $0x0;
	s26 =	simm.s32 $0x1C800  }
0x2c: {  	s28 =	simm.s32 $0x80;
	s3 =	sadd.s32 $0x0, s8;
	s0 =	simm.s32 $0x1C900  }
.LBB2_8:
0x2d: {  	[tilespmem:s26], [sflag:$0x1] =	stream.linear.gather [hbm4b:s3+s25], $0x80, $0x38;
	[tilespmem:$0x1E800] =	vst v63  }
0x2e: {  	s3 =	smov.u32 s28;
	s26 =	smov.u32 s0;
	p0 =	sne.s32 s28, $0xF80  }
.Ltmp3:
0x2f: {  	s28 =	sadd.s32 $0x80, s28;
	(pc) =	sbr.rel @p0 .LBB2_8-.Ltmp3, $2  }
0x30: {  	_ =	sdelay $0x2  }
0x31: {  	s0 =	sadd.s32 $0x100, s0;
	s3 =	sadd.s32 s3, s8  }
0x32: {  	[tilespmem:s26], [sflag:$0x1] =	stream.linear.gather [hbm4b:s3+s25], $0x80, $0x38;
	[tilespmem:$0x1E800] =	vst v63  }
.LBB2_10:
0x33: {  	s26 =	sshll.u32 s25, $0x6  }
0x34: {  	s28 =	sor.u32 $0x20, s26  }
0x35: {  	s29 =	sshll.u32 s28, $0x4  }
0x36: {  	s31 =	simm.s32 $0x18880;
	s30 =	sadd.s32 s2, s29  }
0x37: {  	s0 =	simm.s32 $0x10;
	s3 =	simm.s32 $0x18980;
	s9 =	sadd.s32 $0x0, s30  }
.LBB2_11:
0x38: {  	[tilespmem:s31], [sflag:$0x2] =	stream.linear.gather [hbm4b:s9+s1], $0x80, $0x38;
	[tilespmem:$0x1E800] =	vst v63  }
0x39: {  	s9 =	smov.u32 s0;
	s31 =	smov.u32 s3;
	p0 =	sne.s32 s0, $0x1F0  }
.Ltmp4:
0x3a: {  	s0 =	sadd.s32 $0x10, s0;
	(pc) =	sbr.rel @p0 .LBB2_11-.Ltmp4, $2  }
0x3b: {  	_ =	sdelay $0x2  }
0x3c: {  	s3 =	sadd.s32 $0x100, s3;
	s9 =	sadd.s32 s9, s30  }
0x3d: {  	[tilespmem:s31], [sflag:$0x2] =	stream.linear.gather [hbm4b:s9+s1], $0x80, $0x38;
	[tilespmem:$0x1E800] =	vst v63  }
0x3e: {  	s29 =	sadd.s32 s4, s29;
	s30 =	simm.s32 $0x1A880  }
0x3f: {  	s0 =	simm.s32 $0x10;
	s3 =	simm.s32 $0x1A980;
	s9 =	sadd.s32 $0x0, s29  }
.LBB2_13:
0x40: {  	[tilespmem:s30], [sflag:$0x2] =	stream.linear.gather [hbm4b:s9+s1], $0x80, $0x38;
	[tilespmem:$0x1E800] =	vst v63  }
0x41: {  	s9 =	smov.u32 s0;
	s30 =	smov.u32 s3;
	p0 =	sne.s32 s0, $0x1F0  }
.Ltmp5:
0x42: {  	s0 =	sadd.s32 $0x10, s0;
	(pc) =	sbr.rel @p0 .LBB2_13-.Ltmp5, $2  }
0x43: {  	_ =	sdelay $0x2  }
0x44: {  	s3 =	sadd.s32 $0x100, s3;
	s9 =	sadd.s32 s9, s29  }
0x45: {  	[tilespmem:s30], [sflag:$0x2] =	stream.linear.gather [hbm4b:s9+s1], $0x80, $0x38;
	[tilespmem:$0x1E800] =	vst v63  }
0x46: {  	s0 =	sshll.u32 s28, $0xA  }
0x47: {  	s0 =	sor.u32 s6, s0  }
0x48: {  	s0 =	sshrl.u32 s0, $0x3  }
0x49: {  	s29 =	simm.s32 $0x1C880;
	s28 =	sadd.s32 s5, s0  }
0x4a: {  	s3 =	simm.s32 $0x1C980;
	s0 =	simm.s32 $0x80;
	s9 =	sadd.s32 $0x0, s28  }
.LBB2_15:
0x4b: {  	[tilespmem:s29], [sflag:$0x2] =	stream.linear.gather [hbm4b:s9+s1], $0x80, $0x38;
	[tilespmem:$0x1E800] =	vst v63  }
0x4c: {  	s9 =	smov.u32 s0;
	s29 =	smov.u32 s3;
	p0 =	sne.s32 s0, $0xF80  }
.Ltmp6:
0x4d: {  	s0 =	sadd.s32 $0x80, s0;
	(pc) =	sbr.rel @p0 .LBB2_15-.Ltmp6, $2  }
0x4e: {  	_ =	sdelay $0x2  }
0x4f: {  	s3 =	sadd.s32 $0x100, s3;
	s9 =	sadd.s32 s9, s28  }
0x50: {  	[tilespmem:s29], [sflag:$0x2] =	stream.linear.gather [hbm4b:s9+s1], $0x80, $0x38;
	[tilespmem:$0x1E800] =	vst v63  }
0x51: {  	_ =	swait.ge [sflag:s21], $0x1000  }
0x52: {  	[sflag:s21] =	ssyncset.done $0x0  }
0x53: {  	[sflag:s21] =	ssyncadd.s32 $0xFFFFF000  }
0x54: {  	_ =	swait.ge [sflag:s21], $0x1000  }
0x55: {  	[sflag:s21] =	ssyncset.done $0x0  }
0x56: {  	[sflag:s21] =	ssyncadd.s32 $0xFFFFF000  }
0x57: {  	s0 =	simm.s32 $0x0;
	_ =	swait.ge [sflag:s21], $0x1000  }
0x58: {  	s3 =	sand.u32 $0x70, s0;
	s0 =	sand.u32 $0x1F00, s0;
	[sflag:s21] =	ssyncset.done $0x0  }
0x59: {  	s0 =	sor.u32 s3, s0;
	[sflag:s21] =	ssyncadd.s32 $0xFFFFF000  }
0x5a: {  	v1 =	vld [tilespmem:s0+$0x18800];
	_ =	sdelay $0x7  }
0x5b: {  	v2 =	vld.idx.msk [tilespmem:v1+s1+$0x0], $0xffff  }
0x5c: {  	v1 =	vld [tilespmem:s0+$0x1A800]  }
0x5d: {  	v3 =	vld [tilespmem:s0+$0x1C800];
	_ =	sdelay $0x4  }
0x5e: {  	s31 =	simm.s32 $0x10;
	s28 =	simm.s32 $0x20;
	v2 =	vmul.f32 v2, v3  }
0x5f: {  	s29 =	simm.s32 $0x20;
	s3 =	sand.u32 $0x1F00, s28;
	s0 =	sand.u32 $0x70, s31  }
.LBB2_17:
0x60: {  	p0 =	sne.s32 s29, $0xFF0;
	s0 =	sor.u32 s0, s3;
	[tilespmem:v1+s22+$0x0] =	vst.idx.add.f32.msk $0xffff, v2  }
0x61: {  	v2 =	vld [tilespmem:s0+$0x18800];
	_ =	sdelay $0x6  }
0x62: {  	v1 =	vld [tilespmem:s0+$0x1A800]  }
0x63: {  	v2 =	vld.idx.msk [tilespmem:v2+s1+$0x0], $0xffff  }
0x64: {  	v3 =	vld [tilespmem:s0+$0x1C800];
	_ =	sdelay $0x1  }
.Ltmp7:
0x65: {  	(pc) =	sbr.rel @p0 .LBB2_17-.Ltmp7, $3  }
0x66: {  	_ =	sdelay $0x1  }
0x67: {  	s28 =	sadd.s32 $0x20, s28;
	v2 =	vmul.f32 v2, v3  }
0x68: {  	s3 =	sand.u32 $0x1F00, s28;
	s0 =	sand.u32 $0x70, s29;
	s29 =	sadd.s32 $0x10, s29  }
0x69: {  	_ =	sdelay $0x3  }
0x6a: {  	s0 =	sor.u32 s0, s3;
	[tilespmem:v1+s22+$0x0] =	vst.idx.add.f32.msk $0xffff, v2  }
0x6b: {  	v1 =	vld [tilespmem:s0+$0x18800];
	_ =	sdelay $0x5  }
0x6c: {  	v2 =	vld [tilespmem:s0+$0x1A800]  }
0x6d: {  	v3 =	vld [tilespmem:s0+$0x1C800]  }
0x6e: {  	v1 =	vld.idx.msk [tilespmem:v1+s1+$0x0], $0xffff;
	_ =	sdelay $0x2  }
0x6f: {  	s26 =	sadd.s32 $0x40, s26;
	p0 =	seq.s32 s25, $0x33  }
0x70: {  	s26 =	simm.s32 @p0 $0x0  }
0x71: {  	s28 =	sshll.u32 s26, $0x4;
	v1 =	vmul.f32 v1, v3  }
0x72: {  	s30 =	simm.s32 $0x18800;
	s29 =	sadd.s32 s2, s28  }
0x73: {  	s3 =	simm.s32 $0x18900;
	s0 =	simm.s32 $0x10;
	s9 =	sadd.s32 $0x0, s29;
	[tilespmem:v2+s22+$0x0] =	vst.idx.add.f32.msk $0xffff, v1  }
.LBB2_19:
0x74: {  	[tilespmem:s30], [sflag:$0x1] =	stream.linear.gather [hbm4b:s9+s1], $0x80, $0x38;
	[tilespmem:$0x1E800] =	vst v63  }
0x75: {  	s9 =	smov.u32 s0;
	s30 =	smov.u32 s3;
	p0 =	sne.s32 s0, $0x1F0  }
.Ltmp8:
0x76: {  	s0 =	sadd.s32 $0x10, s0;
	(pc) =	sbr.rel @p0 .LBB2_19-.Ltmp8, $2  }
0x77: {  	_ =	sdelay $0x2  }
0x78: {  	s3 =	sadd.s32 $0x100, s3;
	s9 =	sadd.s32 s9, s29  }
0x79: {  	[tilespmem:s30], [sflag:$0x1] =	stream.linear.gather [hbm4b:s9+s1], $0x80, $0x38;
	[tilespmem:$0x1E800] =	vst v63  }
0x7a: {  	s28 =	sadd.s32 s4, s28;
	s29 =	simm.s32 $0x1A800  }
0x7b: {  	s0 =	simm.s32 $0x10;
	s3 =	simm.s32 $0x1A900;
	s9 =	sadd.s32 $0x0, s28  }
.LBB2_21:
0x7c: {  	[tilespmem:s29], [sflag:$0x1] =	stream.linear.gather [hbm4b:s9+s1], $0x80, $0x38;
	[tilespmem:$0x1E800] =	vst v63  }
0x7d: {  	s9 =	smov.u32 s0;
	s29 =	smov.u32 s3;
	p0 =	sne.s32 s0, $0x1F0  }
.Ltmp9:
0x7e: {  	s0 =	sadd.s32 $0x10, s0;
	(pc) =	sbr.rel @p0 .LBB2_21-.Ltmp9, $2  }
0x7f: {  	_ =	sdelay $0x2  }
0x80: {  	s3 =	sadd.s32 $0x100, s3;
	s9 =	sadd.s32 s9, s28  }
0x81: {  	[tilespmem:s29], [sflag:$0x1] =	stream.linear.gather [hbm4b:s9+s1], $0x80, $0x38;
	[tilespmem:$0x1E800] =	vst v63  }
0x82: {  	s0 =	sshll.u32 s26, $0xA  }
0x83: {  	s0 =	sor.u32 s6, s0  }
0x84: {  	s0 =	sshrl.u32 s0, $0x3  }
0x85: {  	s28 =	simm.s32 $0x1C800;
	s26 =	sadd.s32 s5, s0  }
0x86: {  	s3 =	simm.s32 $0x1C900;
	s0 =	simm.s32 $0x80;
	s9 =	sadd.s32 $0x0, s26  }
.LBB2_23:
0x87: {  	[tilespmem:s28], [sflag:$0x1] =	stream.linear.gather [hbm4b:s9+s1], $0x80, $0x38;
	[tilespmem:$0x1E800] =	vst v63  }
0x88: {  	s9 =	smov.u32 s0;
	s28 =	smov.u32 s3;
	p0 =	sne.s32 s0, $0xF80  }
.Ltmp10:
0x89: {  	s0 =	sadd.s32 $0x80, s0;
	(pc) =	sbr.rel @p0 .LBB2_23-.Ltmp10, $2  }
0x8a: {  	_ =	sdelay $0x2  }
0x8b: {  	s3 =	sadd.s32 $0x100, s3;
	s9 =	sadd.s32 s9, s26  }
0x8c: {  	[tilespmem:s28], [sflag:$0x1] =	stream.linear.gather [hbm4b:s9+s1], $0x80, $0x38;
	[tilespmem:$0x1E800] =	vst v63  }
0x8d: {  	_ =	swait.ge [sflag:s23], $0x1000  }
0x8e: {  	[sflag:s23] =	ssyncset.done $0x0  }
0x8f: {  	[sflag:s23] =	ssyncadd.s32 $0xFFFFF000  }
0x90: {  	_ =	swait.ge [sflag:s23], $0x1000  }
0x91: {  	[sflag:s23] =	ssyncset.done $0x0  }
0x92: {  	[sflag:s23] =	ssyncadd.s32 $0xFFFFF000  }
0x93: {  	s0 =	simm.s32 $0x0;
	_ =	swait.ge [sflag:s23], $0x1000  }
0x94: {  	s3 =	sand.u32 $0x70, s0;
	s0 =	sand.u32 $0x1F00, s0;
	[sflag:s23] =	ssyncset.done $0x0  }
0x95: {  	s0 =	sor.u32 s0, s3;
	[sflag:s23] =	ssyncadd.s32 $0xFFFFF000  }
0x96: {  	v1 =	vld [tilespmem:s0+$0x18880];
	_ =	sdelay $0x7  }
0x97: {  	v2 =	vld.idx.msk [tilespmem:v1+s1+$0x0], $0xffff  }
0x98: {  	v1 =	vld [tilespmem:s0+$0x1A880]  }
0x99: {  	v3 =	vld [tilespmem:s0+$0x1C880];
	_ =	sdelay $0x4  }
0x9a: {  	s31 =	simm.s32 $0x10;
	s26 =	simm.s32 $0x20;
	v2 =	vmul.f32 v2, v3  }
0x9b: {  	s28 =	simm.s32 $0x20;
	s3 =	sand.u32 $0x1F00, s26;
	s0 =	sand.u32 $0x70, s31  }
.LBB2_25:
0x9c: {  	p0 =	sne.s32 s28, $0xFF0;
	s0 =	sor.u32 s3, s0;
	[tilespmem:v1+s22+$0x0] =	vst.idx.add.f32.msk $0xffff, v2  }
0x9d: {  	v2 =	vld [tilespmem:s0+$0x18880];
	_ =	sdelay $0x6  }
0x9e: {  	v1 =	vld [tilespmem:s0+$0x1A880]  }
0x9f: {  	v2 =	vld.idx.msk [tilespmem:v2+s1+$0x0], $0xffff  }
0xa0: {  	v3 =	vld [tilespmem:s0+$0x1C880];
	_ =	sdelay $0x1  }
.Ltmp11:
0xa1: {  	(pc) =	sbr.rel @p0 .LBB2_25-.Ltmp11, $3  }
0xa2: {  	_ =	sdelay $0x1  }
0xa3: {  	s26 =	sadd.s32 $0x20, s26;
	v2 =	vmul.f32 v2, v3  }
0xa4: {  	s3 =	sand.u32 $0x1F00, s26;
	s0 =	sand.u32 $0x70, s28;
	s28 =	sadd.s32 $0x10, s28  }
0xa5: {  	_ =	sdelay $0x3  }
0xa6: {  	s0 =	sor.u32 s3, s0;
	[tilespmem:v1+s22+$0x0] =	vst.idx.add.f32.msk $0xffff, v2  }
0xa7: {  	v1 =	vld [tilespmem:s0+$0x18880];
	_ =	sdelay $0x5  }
0xa8: {  	v2 =	vld [tilespmem:s0+$0x1A880]  }
0xa9: {  	v3 =	vld [tilespmem:s0+$0x1C880]  }
0xaa: {  	v1 =	vld.idx.msk [tilespmem:v1+s1+$0x0], $0xffff  }
0xab: {  	s25 =	sadd.s32 $0x1, s25  }
0xac: {  	p0 =	sne.s32 s25, $0x34  }
.Ltmp12:
0xad: {  	_ = 	snop;
	(pc) =	sbr.rel @p0 .LBB2_10-.Ltmp12, $3  }
0xae: {  	_ = 	snop  }
0xaf: {  	v1 =	vmul.f32 v1, v3;
	_ =	sdelay $0x1  }
0xb0: {  	[tilespmem:v2+s22+$0x0] =	vst.idx.add.f32.msk $0xffff, v1  }
0xb1: {  	_ =	swait.ge [sflag:s21], $0x1000  }
0xb2: {  	[sflag:s21] =	ssyncset.done $0x0  }
0xb3: {  	[sflag:s21] =	ssyncadd.s32 $0xFFFFF000  }
0xb4: {  	_ =	swait.ge [sflag:s21], $0x1000  }
0xb5: {  	[sflag:s21] =	ssyncset.done $0x0  }
0xb6: {  	[sflag:s21] =	ssyncadd.s32 $0xFFFFF000  }
0xb7: {  	_ =	swait.ge [sflag:s21], $0x1000  }
0xb8: {  	[sflag:s21] =	ssyncset.done $0x0  }
0xb9: {  	s0 =	rddreg [dreg:$0x2];
	[sflag:s21] =	ssyncadd.s32 $0xFFFFF000  }
0xba: {  	[hbm4b:s0+s18] =	stream.strided.scatter [tilespmem:s22], [sflag:$0x3], $0xC400, s19, s18, $0x38;
	[tilespmem:$0x1E800] =	vst v63  }
0xbb: {  	_ =	swait.ge [sflag:s20], $0xC400  }
0xbc: {  	[sflag:s20] =	ssyncset.done $0x0  }
0xbd: {  	s3 =	simm.s32 $0x0;
	s0 =	simm.s32 $0x40;
	[sflag:s20] =	ssyncadd.s32 $0xFFFF3C00  }
.LBB2_28:
0xbe: {  	p0 =	sne.s32 s0, $0x30FC0;
	[tilespmem:s3+$0xC400] =	vst v0;
	s3 =	smov.u32 s0;
	s0 =	sadd.s32 $0x40, s0  }
.Ltmp13:
0xbf: {  	(pc) =	sbr.rel @p0 .LBB2_28-.Ltmp13, $2  }
0xc0: {  	_ =	sdelay $0x2  }
0xc1: {  	s3 =	sshra.s32 s3, $0x2  }
0xc2: {  	[tilespmem:s3+$0xC400] =	vst v0;
	s0 =	simm.s32 $0x0  }
0xc3: {  	[tilespmem:s0], [sflag:$0x3] =	stream.strided.gather [hbm4b:s7+s18], $0xC400, s19, s18, $0x38;
	[tilespmem:$0x1E800] =	vst v63  }
0xc4: {  	_ =	swait.ge [sflag:s20], $0xC400  }
0xc5: {  	s25 =	simm.s32 $0x18800;
	s9 =	sadd.s32 $0x0, s10;
	[sflag:s20] =	ssyncset.done $0x0  }
0xc6: {  	s3 =	simm.s32 $0x18900;
	s0 =	simm.s32 $0x10;
	[sflag:s20] =	ssyncadd.s32 $0xFFFF3C00  }
.LBB2_30:
0xc7: {  	[tilespmem:s25], [sflag:$0x1] =	stream.linear.gather [hbm4b:s9+s1], $0x80, $0x38;
	[tilespmem:$0x1E800] =	vst v63  }
0xc8: {  	s9 =	smov.u32 s0;
	s25 =	smov.u32 s3;
	p0 =	sne.s32 s0, $0x1F0  }
.Ltmp14:
0xc9: {  	s0 =	sadd.s32 $0x10, s0;
	(pc) =	sbr.rel @p0 .LBB2_30-.Ltmp14, $2  }
0xca: {  	_ =	sdelay $0x2  }
0xcb: {  	s3 =	sadd.s32 $0x100, s3;
	s9 =	sadd.s32 s9, s10  }
0xcc: {  	[tilespmem:s25], [sflag:$0x1] =	stream.linear.gather [hbm4b:s9+s1], $0x80, $0x38;
	[tilespmem:$0x1E800] =	vst v63  }
0xcd: {  	s25 =	simm.s32 $0x1A800  }
0xce: {  	s0 =	simm.s32 $0x10;
	s9 =	sadd.s32 $0x0, s11;
	s3 =	simm.s32 $0x1A900  }
.LBB2_32:
0xcf: {  	[tilespmem:s25], [sflag:$0x1] =	stream.linear.gather [hbm4b:s9+s1], $0x80, $0x38;
	[tilespmem:$0x1E800] =	vst v63  }
0xd0: {  	s9 =	smov.u32 s0;
	s25 =	smov.u32 s3;
	p0 =	sne.s32 s0, $0x1F0  }
.Ltmp15:
0xd1: {  	s0 =	sadd.s32 $0x10, s0;
	(pc) =	sbr.rel @p0 .LBB2_32-.Ltmp15, $2  }
0xd2: {  	_ =	sdelay $0x2  }
0xd3: {  	s3 =	sadd.s32 $0x100, s3;
	s9 =	sadd.s32 s9, s11  }
0xd4: {  	[tilespmem:s25], [sflag:$0x1] =	stream.linear.gather [hbm4b:s9+s1], $0x80, $0x38;
	[tilespmem:$0x1E800] =	vst v63  }
0xd5: {  	s25 =	simm.s32 $0x0;
	s26 =	simm.s32 $0x1C800  }
0xd6: {  	s0 =	simm.s32 $0x80;
	s9 =	sadd.s32 $0x0, s12;
	s3 =	simm.s32 $0x1C900  }
.LBB2_34:
0xd7: {  	[tilespmem:s26], [sflag:$0x1] =	stream.linear.gather [hbm4b:s9+s25], $0x80, $0x38;
	[tilespmem:$0x1E800] =	vst v63  }
0xd8: {  	s9 =	smov.u32 s0;
	s26 =	smov.u32 s3;
	p0 =	sne.s32 s0, $0xF80  }
.Ltmp16:
0xd9: {  	s0 =	sadd.s32 $0x80, s0;
	(pc) =	sbr.rel @p0 .LBB2_34-.Ltmp16, $2  }
0xda: {  	_ =	sdelay $0x2  }
0xdb: {  	s3 =	sadd.s32 $0x100, s3;
	s9 =	sadd.s32 s9, s12  }
0xdc: {  	[tilespmem:s26], [sflag:$0x1] =	stream.linear.gather [hbm4b:s9+s25], $0x80, $0x38;
	[tilespmem:$0x1E800] =	vst v63  }
.LBB2_36:
0xdd: {  	s26 =	sshll.u32 s25, $0xD  }
0xde: {  	s28 =	sadd.s32 $0x69000, s26  }
0xdf: {  	s29 =	sshrl.u32 s28, $0x3  }
0xe0: {  	s31 =	simm.s32 $0x18880;
	s30 =	sadd.s32 s2, s29  }
0xe1: {  	s0 =	simm.s32 $0x10;
	s3 =	simm.s32 $0x18980;
	s9 =	sadd.s32 $0x0, s30  }
.LBB2_37:
0xe2: {  	[tilespmem:s31], [sflag:$0x2] =	stream.linear.gather [hbm4b:s9+s1], $0x80, $0x38;
	[tilespmem:$0x1E800] =	vst v63  }
0xe3: {  	s9 =	smov.u32 s0;
	s31 =	smov.u32 s3;
	p0 =	sne.s32 s0, $0x1F0  }
.Ltmp17:
0xe4: {  	s0 =	sadd.s32 $0x10, s0;
	(pc) =	sbr.rel @p0 .LBB2_37-.Ltmp17, $2  }
0xe5: {  	_ =	sdelay $0x2  }
0xe6: {  	s3 =	sadd.s32 $0x100, s3;
	s9 =	sadd.s32 s9, s30  }
0xe7: {  	[tilespmem:s31], [sflag:$0x2] =	stream.linear.gather [hbm4b:s9+s1], $0x80, $0x38;
	[tilespmem:$0x1E800] =	vst v63  }
0xe8: {  	s29 =	sadd.s32 s4, s29;
	s30 =	simm.s32 $0x1A880  }
0xe9: {  	s0 =	simm.s32 $0x10;
	s3 =	simm.s32 $0x1A980;
	s9 =	sadd.s32 $0x0, s29  }
.LBB2_39:
0xea: {  	[tilespmem:s30], [sflag:$0x2] =	stream.linear.gather [hbm4b:s9+s1], $0x80, $0x38;
	[tilespmem:$0x1E800] =	vst v63  }
0xeb: {  	s9 =	smov.u32 s0;
	s30 =	smov.u32 s3;
	p0 =	sne.s32 s0, $0x1F0  }
.Ltmp18:
0xec: {  	s0 =	sadd.s32 $0x10, s0;
	(pc) =	sbr.rel @p0 .LBB2_39-.Ltmp18, $2  }
0xed: {  	_ =	sdelay $0x2  }
0xee: {  	s3 =	sadd.s32 $0x100, s3;
	s9 =	sadd.s32 s9, s29  }
0xef: {  	[tilespmem:s30], [sflag:$0x2] =	stream.linear.gather [hbm4b:s9+s1], $0x80, $0x38;
	[tilespmem:$0x1E800] =	vst v63  }
0xf0: {  	s28 =	sadd.s32 s28, s8;
	s29 =	simm.s32 $0x1C880  }
0xf1: {  	s0 =	simm.s32 $0x80;
	s3 =	simm.s32 $0x1C980;
	s9 =	sadd.s32 $0x0, s28  }
.LBB2_41:
0xf2: {  	[tilespmem:s29], [sflag:$0x2] =	stream.linear.gather [hbm4b:s9+s1], $0x80, $0x38;
	[tilespmem:$0x1E800] =	vst v63  }
0xf3: {  	s9 =	smov.u32 s0;
	s29 =	smov.u32 s3;
	p0 =	sne.s32 s0, $0xF80  }
.Ltmp19:
0xf4: {  	s0 =	sadd.s32 $0x80, s0;
	(pc) =	sbr.rel @p0 .LBB2_41-.Ltmp19, $2  }
0xf5: {  	_ =	sdelay $0x2  }
0xf6: {  	s3 =	sadd.s32 $0x100, s3;
	s9 =	sadd.s32 s9, s28  }
0xf7: {  	[tilespmem:s29], [sflag:$0x2] =	stream.linear.gather [hbm4b:s9+s1], $0x80, $0x38;
	[tilespmem:$0x1E800] =	vst v63  }
0xf8: {  	_ =	swait.ge [sflag:s21], $0x1000  }
0xf9: {  	[sflag:s21] =	ssyncset.done $0x0  }
0xfa: {  	[sflag:s21] =	ssyncadd.s32 $0xFFFFF000  }
0xfb: {  	_ =	swait.ge [sflag:s21], $0x1000  }
0xfc: {  	[sflag:s21] =	ssyncset.done $0x0  }
0xfd: {  	[sflag:s21] =	ssyncadd.s32 $0xFFFFF000  }
0xfe: {  	s0 =	simm.s32 $0x0;
	_ =	swait.ge [sflag:s21], $0x1000  }
0xff: {  	s3 =	sand.u32 $0x70, s0;
	s0 =	sand.u32 $0x1F00, s0;
	[sflag:s21] =	ssyncset.done $0x0  }
0x100: {  	s0 =	sor.u32 s3, s0;
	[sflag:s21] =	ssyncadd.s32 $0xFFFFF000  }
0x101: {  	v1 =	vld [tilespmem:s0+$0x18800];
	_ =	sdelay $0x7  }
0x102: {  	v2 =	vld.idx.msk [tilespmem:v1+s1+$0x0], $0xffff  }
0x103: {  	v1 =	vld [tilespmem:s0+$0x1A800]  }
0x104: {  	v3 =	vld [tilespmem:s0+$0x1C800];
	_ =	sdelay $0x4  }
0x105: {  	s31 =	simm.s32 $0x10;
	s28 =	simm.s32 $0x20;
	v2 =	vmul.f32 v2, v3  }
0x106: {  	s29 =	simm.s32 $0x20;
	s3 =	sand.u32 $0x1F00, s28;
	s0 =	sand.u32 $0x70, s31  }
.LBB2_43:
0x107: {  	p0 =	sne.s32 s29, $0xFF0;
	s0 =	sor.u32 s0, s3;
	[tilespmem:v1+s22+$0x0] =	vst.idx.add.f32.msk $0xffff, v2  }
0x108: {  	v2 =	vld [tilespmem:s0+$0x18800];
	_ =	sdelay $0x6  }
0x109: {  	v1 =	vld [tilespmem:s0+$0x1A800]  }
0x10a: {  	v2 =	vld.idx.msk [tilespmem:v2+s1+$0x0], $0xffff  }
0x10b: {  	v3 =	vld [tilespmem:s0+$0x1C800];
	_ =	sdelay $0x1  }
.Ltmp20:
0x10c: {  	(pc) =	sbr.rel @p0 .LBB2_43-.Ltmp20, $3  }
0x10d: {  	_ =	sdelay $0x1  }
0x10e: {  	s28 =	sadd.s32 $0x20, s28;
	v2 =	vmul.f32 v2, v3  }
0x10f: {  	s3 =	sand.u32 $0x1F00, s28;
	s0 =	sand.u32 $0x70, s29;
	s29 =	sadd.s32 $0x10, s29  }
0x110: {  	_ =	sdelay $0x3  }
0x111: {  	s0 =	sor.u32 s0, s3;
	[tilespmem:v1+s22+$0x0] =	vst.idx.add.f32.msk $0xffff, v2  }
0x112: {  	v1 =	vld [tilespmem:s0+$0x18800];
	_ =	sdelay $0x5  }
0x113: {  	v2 =	vld [tilespmem:s0+$0x1A800]  }
0x114: {  	v3 =	vld [tilespmem:s0+$0x1C800]  }
0x115: {  	v1 =	vld.idx.msk [tilespmem:v1+s1+$0x0], $0xffff;
	_ =	sdelay $0x2  }
0x116: {  	p0 =	seq.s32 s25, $0x33;
	s26 =	sadd.s32 $0x6A000, s26  }
0x117: {  	s26 =	simm.s32 @p0 $0x68000  }
0x118: {  	s28 =	sshrl.u32 s26, $0x3;
	v1 =	vmul.f32 v1, v3  }
0x119: {  	s30 =	simm.s32 $0x18800;
	s29 =	sadd.s32 s2, s28  }
0x11a: {  	s3 =	simm.s32 $0x18900;
	s0 =	simm.s32 $0x10;
	s9 =	sadd.s32 $0x0, s29;
	[tilespmem:v2+s22+$0x0] =	vst.idx.add.f32.msk $0xffff, v1  }
.LBB2_45:
0x11b: {  	[tilespmem:s30], [sflag:$0x1] =	stream.linear.gather [hbm4b:s9+s1], $0x80, $0x38;
	[tilespmem:$0x1E800] =	vst v63  }
0x11c: {  	s9 =	smov.u32 s0;
	s30 =	smov.u32 s3;
	p0 =	sne.s32 s0, $0x1F0  }
.Ltmp21:
0x11d: {  	s0 =	sadd.s32 $0x10, s0;
	(pc) =	sbr.rel @p0 .LBB2_45-.Ltmp21, $2  }
0x11e: {  	_ =	sdelay $0x2  }
0x11f: {  	s3 =	sadd.s32 $0x100, s3;
	s9 =	sadd.s32 s9, s29  }
0x120: {  	[tilespmem:s30], [sflag:$0x1] =	stream.linear.gather [hbm4b:s9+s1], $0x80, $0x38;
	[tilespmem:$0x1E800] =	vst v63  }
0x121: {  	s28 =	sadd.s32 s4, s28;
	s29 =	simm.s32 $0x1A800  }
0x122: {  	s0 =	simm.s32 $0x10;
	s3 =	simm.s32 $0x1A900;
	s9 =	sadd.s32 $0x0, s28  }
.LBB2_47:
0x123: {  	[tilespmem:s29], [sflag:$0x1] =	stream.linear.gather [hbm4b:s9+s1], $0x80, $0x38;
	[tilespmem:$0x1E800] =	vst v63  }
0x124: {  	s9 =	smov.u32 s0;
	s29 =	smov.u32 s3;
	p0 =	sne.s32 s0, $0x1F0  }
.Ltmp22:
0x125: {  	s0 =	sadd.s32 $0x10, s0;
	(pc) =	sbr.rel @p0 .LBB2_47-.Ltmp22, $2  }
0x126: {  	_ =	sdelay $0x2  }
0x127: {  	s3 =	sadd.s32 $0x100, s3;
	s9 =	sadd.s32 s9, s28  }
0x128: {  	[tilespmem:s29], [sflag:$0x1] =	stream.linear.gather [hbm4b:s9+s1], $0x80, $0x38;
	[tilespmem:$0x1E800] =	vst v63  }
0x129: {  	s26 =	sadd.s32 s26, s8;
	s28 =	simm.s32 $0x1C800  }
0x12a: {  	s0 =	simm.s32 $0x80;
	s3 =	simm.s32 $0x1C900;
	s9 =	sadd.s32 $0x0, s26  }
.LBB2_49:
0x12b: {  	[tilespmem:s28], [sflag:$0x1] =	stream.linear.gather [hbm4b:s9+s1], $0x80, $0x38;
	[tilespmem:$0x1E800] =	vst v63  }
0x12c: {  	s9 =	smov.u32 s0;
	s28 =	smov.u32 s3;
	p0 =	sne.s32 s0, $0xF80  }
.Ltmp23:
0x12d: {  	s0 =	sadd.s32 $0x80, s0;
	(pc) =	sbr.rel @p0 .LBB2_49-.Ltmp23, $2  }
0x12e: {  	_ =	sdelay $0x2  }
0x12f: {  	s3 =	sadd.s32 $0x100, s3;
	s9 =	sadd.s32 s9, s26  }
0x130: {  	[tilespmem:s28], [sflag:$0x1] =	stream.linear.gather [hbm4b:s9+s1], $0x80, $0x38;
	[tilespmem:$0x1E800] =	vst v63  }
0x131: {  	_ =	swait.ge [sflag:s23], $0x1000  }
0x132: {  	[sflag:s23] =	ssyncset.done $0x0  }
0x133: {  	[sflag:s23] =	ssyncadd.s32 $0xFFFFF000  }
0x134: {  	_ =	swait.ge [sflag:s23], $0x1000  }
0x135: {  	[sflag:s23] =	ssyncset.done $0x0  }
0x136: {  	[sflag:s23] =	ssyncadd.s32 $0xFFFFF000  }
0x137: {  	s0 =	simm.s32 $0x0;
	_ =	swait.ge [sflag:s23], $0x1000  }
0x138: {  	s3 =	sand.u32 $0x70, s0;
	s0 =	sand.u32 $0x1F00, s0;
	[sflag:s23] =	ssyncset.done $0x0  }
0x139: {  	s0 =	sor.u32 s0, s3;
	[sflag:s23] =	ssyncadd.s32 $0xFFFFF000  }
0x13a: {  	v1 =	vld [tilespmem:s0+$0x18880];
	_ =	sdelay $0x7  }
0x13b: {  	v2 =	vld.idx.msk [tilespmem:v1+s1+$0x0], $0xffff  }
0x13c: {  	v1 =	vld [tilespmem:s0+$0x1A880]  }
0x13d: {  	v3 =	vld [tilespmem:s0+$0x1C880];
	_ =	sdelay $0x4  }
0x13e: {  	s31 =	simm.s32 $0x10;
	s26 =	simm.s32 $0x20;
	v2 =	vmul.f32 v2, v3  }
0x13f: {  	s28 =	simm.s32 $0x20;
	s3 =	sand.u32 $0x1F00, s26;
	s0 =	sand.u32 $0x70, s31  }
.LBB2_51:
0x140: {  	p0 =	sne.s32 s28, $0xFF0;
	s0 =	sor.u32 s3, s0;
	[tilespmem:v1+s22+$0x0] =	vst.idx.add.f32.msk $0xffff, v2  }
0x141: {  	v2 =	vld [tilespmem:s0+$0x18880];
	_ =	sdelay $0x6  }
0x142: {  	v1 =	vld [tilespmem:s0+$0x1A880]  }
0x143: {  	v2 =	vld.idx.msk [tilespmem:v2+s1+$0x0], $0xffff  }
0x144: {  	v3 =	vld [tilespmem:s0+$0x1C880];
	_ =	sdelay $0x1  }
.Ltmp24:
0x145: {  	(pc) =	sbr.rel @p0 .LBB2_51-.Ltmp24, $3  }
0x146: {  	_ =	sdelay $0x1  }
0x147: {  	s26 =	sadd.s32 $0x20, s26;
	v2 =	vmul.f32 v2, v3  }
0x148: {  	s3 =	sand.u32 $0x1F00, s26;
	s0 =	sand.u32 $0x70, s28;
	s28 =	sadd.s32 $0x10, s28  }
0x149: {  	_ =	sdelay $0x3  }
0x14a: {  	s0 =	sor.u32 s3, s0;
	[tilespmem:v1+s22+$0x0] =	vst.idx.add.f32.msk $0xffff, v2  }
0x14b: {  	v1 =	vld [tilespmem:s0+$0x18880];
	_ =	sdelay $0x5  }
0x14c: {  	v2 =	vld [tilespmem:s0+$0x1A880]  }
0x14d: {  	v3 =	vld [tilespmem:s0+$0x1C880]  }
0x14e: {  	v1 =	vld.idx.msk [tilespmem:v1+s1+$0x0], $0xffff  }
0x14f: {  	s25 =	sadd.s32 $0x1, s25  }
0x150: {  	p0 =	sne.s32 s25, $0x34  }
.Ltmp25:
0x151: {  	_ = 	snop;
	(pc) =	sbr.rel @p0 .LBB2_36-.Ltmp25, $3  }
0x152: {  	_ = 	snop  }
0x153: {  	v1 =	vmul.f32 v1, v3;
	_ =	sdelay $0x1  }
0x154: {  	[tilespmem:v2+s22+$0x0] =	vst.idx.add.f32.msk $0xffff, v1  }
0x155: {  	_ =	swait.ge [sflag:s21], $0x1000  }
0x156: {  	[sflag:s21] =	ssyncset.done $0x0  }
0x157: {  	[sflag:s21] =	ssyncadd.s32 $0xFFFFF000  }
0x158: {  	_ =	swait.ge [sflag:s21], $0x1000  }
0x159: {  	[sflag:s21] =	ssyncset.done $0x0  }
0x15a: {  	[sflag:s21] =	ssyncadd.s32 $0xFFFFF000  }
0x15b: {  	_ =	swait.ge [sflag:s21], $0x1000  }
0x15c: {  	[sflag:s21] =	ssyncset.done $0x0  }
0x15d: {  	[sflag:s21] =	ssyncadd.s32 $0xFFFFF000  }
0x15e: {  	[hbm4b:s13+s18] =	stream.strided.scatter [tilespmem:s22], [sflag:$0x3], $0xC400, s19, s18, $0x38;
	[tilespmem:$0x1E800] =	vst v63  }
0x15f: {  	_ =	swait.ge [sflag:s20], $0xC400  }
0x160: {  	[sflag:s20] =	ssyncset.done $0x0  }
0x161: {  	s0 =	simm.s32 $0x40;
	s3 =	simm.s32 $0x0;
	[sflag:s20] =	ssyncadd.s32 $0xFFFF3C00  }
.LBB2_54:
0x162: {  	p0 =	sne.s32 s0, $0x30FC0;
	[tilespmem:s3+$0xC400] =	vst v0;
	s3 =	smov.u32 s0;
	s0 =	sadd.s32 $0x40, s0  }
.Ltmp26:
0x163: {  	(pc) =	sbr.rel @p0 .LBB2_54-.Ltmp26, $2  }
0x164: {  	_ =	sdelay $0x2  }
0x165: {  	s3 =	sshra.s32 s3, $0x2  }
0x166: {  	[tilespmem:s3+$0xC400] =	vst v0;
	s26 =	simm.s32 $0x0  }
0x167: {  	[tilespmem:s26], [sflag:$0x3] =	stream.strided.gather [hbm4b:s14+s18], $0xC400, s19, s18, $0x38;
	[tilespmem:$0x1E800] =	vst v63  }
0x168: {  	_ =	swait.ge [sflag:s20], $0xC400  }
0x169: {  	[sflag:s20] =	ssyncset.done $0x0  }
0x16a: {  	s0 =	simm.s32 $0x18800;
	s3 =	simm.s32 $0x0;
	[sflag:s20] =	ssyncadd.s32 $0xFFFF3C00  }
.LBB2_56:
0x16b: {  	p0 =	sne.s32 s3, $0x1F0  }
.Ltmp27:
0x16c: {  	_ = 	snop;
	(pc) =	sbr.rel @p0 .LBB2_56-.Ltmp27, $4  }
0x16d: {  	_ = 	snop  }
0x16e: {  	s9 =	sadd.s32 s3, s2  }
0x16f: {  	[tilespmem:s0], [sflag:$0x1] =	stream.linear.gather [hbm4b:s9+s26], $0x80, $0x38;
	[tilespmem:$0x1E800] =	vst v63  }
0x170: {  	s3 =	sadd.s32 $0x10, s3;
	s0 =	sadd.s32 $0x100, s0  }
0x171: {  	s0 =	simm.s32 $0x1A800  }
.LBB2_58:
0x172: {  	p0 =	sne.s32 s26, $0x1F0  }
.Ltmp28:
0x173: {  	_ = 	snop;
	(pc) =	sbr.rel @p0 .LBB2_58-.Ltmp28, $4  }
0x174: {  	_ = 	snop  }
0x175: {  	s3 =	sadd.s32 s26, s4;
	s25 =	simm.s32 $0x0  }
0x176: {  	[tilespmem:s0], [sflag:$0x1] =	stream.linear.gather [hbm4b:s3+s25], $0x80, $0x38;
	[tilespmem:$0x1E800] =	vst v63  }
0x177: {  	s26 =	sadd.s32 $0x10, s26;
	s0 =	sadd.s32 $0x100, s0  }
0x178: {  	s26 =	simm.s32 $0x1C800  }
0x179: {  	s0 =	simm.s32 $0x80;
	s9 =	sadd.s32 $0x0, s8;
	s3 =	simm.s32 $0x1C900  }
.LBB2_60:
0x17a: {  	[tilespmem:s26], [sflag:$0x1] =	stream.linear.gather [hbm4b:s9+s25], $0x80, $0x38;
	[tilespmem:$0x1E800] =	vst v63  }
0x17b: {  	s9 =	smov.u32 s0;
	s26 =	smov.u32 s3;
	p0 =	sne.s32 s0, $0xF80  }
.Ltmp29:
0x17c: {  	s0 =	sadd.s32 $0x80, s0;
	(pc) =	sbr.rel @p0 .LBB2_60-.Ltmp29, $2  }
0x17d: {  	_ =	sdelay $0x2  }
0x17e: {  	s3 =	sadd.s32 $0x100, s3;
	s9 =	sadd.s32 s9, s8  }
0x17f: {  	[tilespmem:s26], [sflag:$0x1] =	stream.linear.gather [hbm4b:s9+s25], $0x80, $0x38;
	[tilespmem:$0x1E800] =	vst v63  }
.LBB2_62:
0x180: {  	s26 =	sshll.u32 s25, $0x6  }
0x181: {  	s28 =	sor.u32 $0x20, s26  }
0x182: {  	s29 =	sshll.u32 s28, $0x4  }
0x183: {  	s31 =	simm.s32 $0x18880;
	s30 =	sadd.s32 s2, s29  }
0x184: {  	s0 =	simm.s32 $0x10;
	s3 =	simm.s32 $0x18980;
	s9 =	sadd.s32 $0x0, s30  }
.LBB2_63:
0x185: {  	[tilespmem:s31], [sflag:$0x2] =	stream.linear.gather [hbm4b:s9+s1], $0x80, $0x38;
	[tilespmem:$0x1E800] =	vst v63  }
0x186: {  	s9 =	smov.u32 s0;
	s31 =	smov.u32 s3;
	p0 =	sne.s32 s0, $0x1F0  }
.Ltmp30:
0x187: {  	s0 =	sadd.s32 $0x10, s0;
	(pc) =	sbr.rel @p0 .LBB2_63-.Ltmp30, $2  }
0x188: {  	_ =	sdelay $0x2  }
0x189: {  	s3 =	sadd.s32 $0x100, s3;
	s9 =	sadd.s32 s9, s30  }
0x18a: {  	[tilespmem:s31], [sflag:$0x2] =	stream.linear.gather [hbm4b:s9+s1], $0x80, $0x38;
	[tilespmem:$0x1E800] =	vst v63  }
0x18b: {  	s29 =	sadd.s32 s4, s29;
	s30 =	simm.s32 $0x1A880  }
0x18c: {  	s0 =	simm.s32 $0x10;
	s3 =	simm.s32 $0x1A980;
	s9 =	sadd.s32 $0x0, s29  }
.LBB2_65:
0x18d: {  	[tilespmem:s30], [sflag:$0x2] =	stream.linear.gather [hbm4b:s9+s1], $0x80, $0x38;
	[tilespmem:$0x1E800] =	vst v63  }
0x18e: {  	s9 =	smov.u32 s0;
	s30 =	smov.u32 s3;
	p0 =	sne.s32 s0, $0x1F0  }
.Ltmp31:
0x18f: {  	s0 =	sadd.s32 $0x10, s0;
	(pc) =	sbr.rel @p0 .LBB2_65-.Ltmp31, $2  }
0x190: {  	_ =	sdelay $0x2  }
0x191: {  	s3 =	sadd.s32 $0x100, s3;
	s9 =	sadd.s32 s9, s29  }
0x192: {  	[tilespmem:s30], [sflag:$0x2] =	stream.linear.gather [hbm4b:s9+s1], $0x80, $0x38;
	[tilespmem:$0x1E800] =	vst v63  }
0x193: {  	s0 =	sshll.u32 s28, $0xA  }
0x194: {  	s0 =	sor.u32 s6, s0  }
0x195: {  	s0 =	sshrl.u32 s0, $0x3  }
0x196: {  	s29 =	simm.s32 $0x1C880;
	s28 =	sadd.s32 s5, s0  }
0x197: {  	s3 =	simm.s32 $0x1C980;
	s0 =	simm.s32 $0x80;
	s9 =	sadd.s32 $0x0, s28  }
.LBB2_67:
0x198: {  	[tilespmem:s29], [sflag:$0x2] =	stream.linear.gather [hbm4b:s9+s1], $0x80, $0x38;
	[tilespmem:$0x1E800] =	vst v63  }
0x199: {  	s9 =	smov.u32 s0;
	s29 =	smov.u32 s3;
	p0 =	sne.s32 s0, $0xF80  }
.Ltmp32:
0x19a: {  	s0 =	sadd.s32 $0x80, s0;
	(pc) =	sbr.rel @p0 .LBB2_67-.Ltmp32, $2  }
0x19b: {  	_ =	sdelay $0x2  }
0x19c: {  	s3 =	sadd.s32 $0x100, s3;
	s9 =	sadd.s32 s9, s28  }
0x19d: {  	[tilespmem:s29], [sflag:$0x2] =	stream.linear.gather [hbm4b:s9+s1], $0x80, $0x38;
	[tilespmem:$0x1E800] =	vst v63  }
0x19e: {  	_ =	swait.ge [sflag:s21], $0x1000  }
0x19f: {  	[sflag:s21] =	ssyncset.done $0x0  }
0x1a0: {  	[sflag:s21] =	ssyncadd.s32 $0xFFFFF000  }
0x1a1: {  	_ =	swait.ge [sflag:s21], $0x1000  }
0x1a2: {  	[sflag:s21] =	ssyncset.done $0x0  }
0x1a3: {  	[sflag:s21] =	ssyncadd.s32 $0xFFFFF000  }
0x1a4: {  	s0 =	simm.s32 $0x0;
	_ =	swait.ge [sflag:s21], $0x1000  }
0x1a5: {  	s3 =	sand.u32 $0x70, s0;
	s0 =	sand.u32 $0x1F00, s0;
	[sflag:s21] =	ssyncset.done $0x0  }
0x1a6: {  	s0 =	sor.u32 s3, s0;
	[sflag:s21] =	ssyncadd.s32 $0xFFFFF000  }
0x1a7: {  	v1 =	vld [tilespmem:s0+$0x18800];
	_ =	sdelay $0x7  }
0x1a8: {  	v2 =	vld.idx.msk [tilespmem:v1+s1+$0x0], $0xffff  }
0x1a9: {  	v1 =	vld [tilespmem:s0+$0x1A800]  }
0x1aa: {  	v3 =	vld [tilespmem:s0+$0x1C800];
	_ =	sdelay $0x4  }
0x1ab: {  	s31 =	simm.s32 $0x10;
	s28 =	simm.s32 $0x20;
	v2 =	vmul.f32 v2, v3  }
0x1ac: {  	s29 =	simm.s32 $0x20;
	s3 =	sand.u32 $0x1F00, s28;
	s0 =	sand.u32 $0x70, s31  }
.LBB2_69:
0x1ad: {  	p0 =	sne.s32 s29, $0xFF0;
	s0 =	sor.u32 s0, s3;
	[tilespmem:v1+s22+$0x0] =	vst.idx.add.f32.msk $0xffff, v2  }
0x1ae: {  	v2 =	vld [tilespmem:s0+$0x18800];
	_ =	sdelay $0x6  }
0x1af: {  	v1 =	vld [tilespmem:s0+$0x1A800]  }
0x1b0: {  	v2 =	vld.idx.msk [tilespmem:v2+s1+$0x0], $0xffff  }
0x1b1: {  	v3 =	vld [tilespmem:s0+$0x1C800];
	_ =	sdelay $0x1  }
.Ltmp33:
0x1b2: {  	(pc) =	sbr.rel @p0 .LBB2_69-.Ltmp33, $3  }
0x1b3: {  	_ =	sdelay $0x1  }
0x1b4: {  	s28 =	sadd.s32 $0x20, s28;
	v2 =	vmul.f32 v2, v3  }
0x1b5: {  	s3 =	sand.u32 $0x1F00, s28;
	s0 =	sand.u32 $0x70, s29;
	s29 =	sadd.s32 $0x10, s29  }
0x1b6: {  	_ =	sdelay $0x3  }
0x1b7: {  	s0 =	sor.u32 s0, s3;
	[tilespmem:v1+s22+$0x0] =	vst.idx.add.f32.msk $0xffff, v2  }
0x1b8: {  	v1 =	vld [tilespmem:s0+$0x18800];
	_ =	sdelay $0x5  }
0x1b9: {  	v2 =	vld [tilespmem:s0+$0x1A800]  }
0x1ba: {  	v3 =	vld [tilespmem:s0+$0x1C800]  }
0x1bb: {  	v1 =	vld.idx.msk [tilespmem:v1+s1+$0x0], $0xffff;
	_ =	sdelay $0x2  }
0x1bc: {  	s26 =	sadd.s32 $0x40, s26;
	p0 =	seq.s32 s25, $0x33  }
0x1bd: {  	s26 =	simm.s32 @p0 $0x0  }
0x1be: {  	s28 =	sshll.u32 s26, $0x4;
	v1 =	vmul.f32 v1, v3  }
0x1bf: {  	s30 =	simm.s32 $0x18800;
	s29 =	sadd.s32 s2, s28  }
0x1c0: {  	s3 =	simm.s32 $0x18900;
	s0 =	simm.s32 $0x10;
	s9 =	sadd.s32 $0x0, s29;
	[tilespmem:v2+s22+$0x0] =	vst.idx.add.f32.msk $0xffff, v1  }
.LBB2_71:
0x1c1: {  	[tilespmem:s30], [sflag:$0x1] =	stream.linear.gather [hbm4b:s9+s1], $0x80, $0x38;
	[tilespmem:$0x1E800] =	vst v63  }
0x1c2: {  	s9 =	smov.u32 s0;
	s30 =	smov.u32 s3;
	p0 =	sne.s32 s0, $0x1F0  }
.Ltmp34:
0x1c3: {  	s0 =	sadd.s32 $0x10, s0;
	(pc) =	sbr.rel @p0 .LBB2_71-.Ltmp34, $2  }
0x1c4: {  	_ =	sdelay $0x2  }
0x1c5: {  	s3 =	sadd.s32 $0x100, s3;
	s9 =	sadd.s32 s9, s29  }
0x1c6: {  	[tilespmem:s30], [sflag:$0x1] =	stream.linear.gather [hbm4b:s9+s1], $0x80, $0x38;
	[tilespmem:$0x1E800] =	vst v63  }
0x1c7: {  	s28 =	sadd.s32 s4, s28;
	s29 =	simm.s32 $0x1A800  }
0x1c8: {  	s0 =	simm.s32 $0x10;
	s3 =	simm.s32 $0x1A900;
	s9 =	sadd.s32 $0x0, s28  }
.LBB2_73:
0x1c9: {  	[tilespmem:s29], [sflag:$0x1] =	stream.linear.gather [hbm4b:s9+s1], $0x80, $0x38;
	[tilespmem:$0x1E800] =	vst v63  }
0x1ca: {  	s9 =	smov.u32 s0;
	s29 =	smov.u32 s3;
	p0 =	sne.s32 s0, $0x1F0  }
.Ltmp35:
0x1cb: {  	s0 =	sadd.s32 $0x10, s0;
	(pc) =	sbr.rel @p0 .LBB2_73-.Ltmp35, $2  }
0x1cc: {  	_ =	sdelay $0x2  }
0x1cd: {  	s3 =	sadd.s32 $0x100, s3;
	s9 =	sadd.s32 s9, s28  }
0x1ce: {  	[tilespmem:s29], [sflag:$0x1] =	stream.linear.gather [hbm4b:s9+s1], $0x80, $0x38;
	[tilespmem:$0x1E800] =	vst v63  }
0x1cf: {  	s0 =	sshll.u32 s26, $0xA  }
0x1d0: {  	s0 =	sor.u32 s6, s0  }
0x1d1: {  	s0 =	sshrl.u32 s0, $0x3  }
0x1d2: {  	s28 =	simm.s32 $0x1C800;
	s26 =	sadd.s32 s5, s0  }
0x1d3: {  	s3 =	simm.s32 $0x1C900;
	s0 =	simm.s32 $0x80;
	s9 =	sadd.s32 $0x0, s26  }
.LBB2_75:
0x1d4: {  	[tilespmem:s28], [sflag:$0x1] =	stream.linear.gather [hbm4b:s9+s1], $0x80, $0x38;
	[tilespmem:$0x1E800] =	vst v63  }
0x1d5: {  	s9 =	smov.u32 s0;
	s28 =	smov.u32 s3;
	p0 =	sne.s32 s0, $0xF80  }
.Ltmp36:
0x1d6: {  	s0 =	sadd.s32 $0x80, s0;
	(pc) =	sbr.rel @p0 .LBB2_75-.Ltmp36, $2  }
0x1d7: {  	_ =	sdelay $0x2  }
0x1d8: {  	s3 =	sadd.s32 $0x100, s3;
	s9 =	sadd.s32 s9, s26  }
0x1d9: {  	[tilespmem:s28], [sflag:$0x1] =	stream.linear.gather [hbm4b:s9+s1], $0x80, $0x38;
	[tilespmem:$0x1E800] =	vst v63  }
0x1da: {  	_ =	swait.ge [sflag:s23], $0x1000  }
0x1db: {  	[sflag:s23] =	ssyncset.done $0x0  }
0x1dc: {  	[sflag:s23] =	ssyncadd.s32 $0xFFFFF000  }
0x1dd: {  	_ =	swait.ge [sflag:s23], $0x1000  }
0x1de: {  	[sflag:s23] =	ssyncset.done $0x0  }
0x1df: {  	[sflag:s23] =	ssyncadd.s32 $0xFFFFF000  }
0x1e0: {  	s0 =	simm.s32 $0x0;
	_ =	swait.ge [sflag:s23], $0x1000  }
0x1e1: {  	s3 =	sand.u32 $0x70, s0;
	s0 =	sand.u32 $0x1F00, s0;
	[sflag:s23] =	ssyncset.done $0x0  }
0x1e2: {  	s0 =	sor.u32 s0, s3;
	[sflag:s23] =	ssyncadd.s32 $0xFFFFF000  }
0x1e3: {  	v1 =	vld [tilespmem:s0+$0x18880];
	_ =	sdelay $0x7  }
0x1e4: {  	v2 =	vld.idx.msk [tilespmem:v1+s1+$0x0], $0xffff  }
0x1e5: {  	v1 =	vld [tilespmem:s0+$0x1A880]  }
0x1e6: {  	v3 =	vld [tilespmem:s0+$0x1C880];
	_ =	sdelay $0x4  }
0x1e7: {  	s31 =	simm.s32 $0x10;
	s26 =	simm.s32 $0x20;
	v2 =	vmul.f32 v2, v3  }
0x1e8: {  	s28 =	simm.s32 $0x20;
	s3 =	sand.u32 $0x1F00, s26;
	s0 =	sand.u32 $0x70, s31  }
.LBB2_77:
0x1e9: {  	p0 =	sne.s32 s28, $0xFF0;
	s0 =	sor.u32 s3, s0;
	[tilespmem:v1+s22+$0x0] =	vst.idx.add.f32.msk $0xffff, v2  }
0x1ea: {  	v2 =	vld [tilespmem:s0+$0x18880];
	_ =	sdelay $0x6  }
0x1eb: {  	v1 =	vld [tilespmem:s0+$0x1A880]  }
0x1ec: {  	v2 =	vld.idx.msk [tilespmem:v2+s1+$0x0], $0xffff  }
0x1ed: {  	v3 =	vld [tilespmem:s0+$0x1C880];
	_ =	sdelay $0x1  }
.Ltmp37:
0x1ee: {  	(pc) =	sbr.rel @p0 .LBB2_77-.Ltmp37, $3  }
0x1ef: {  	_ =	sdelay $0x1  }
0x1f0: {  	s26 =	sadd.s32 $0x20, s26;
	v2 =	vmul.f32 v2, v3  }
0x1f1: {  	s3 =	sand.u32 $0x1F00, s26;
	s0 =	sand.u32 $0x70, s28;
	s28 =	sadd.s32 $0x10, s28  }
0x1f2: {  	_ =	sdelay $0x3  }
0x1f3: {  	s0 =	sor.u32 s3, s0;
	[tilespmem:v1+s22+$0x0] =	vst.idx.add.f32.msk $0xffff, v2  }
0x1f4: {  	v1 =	vld [tilespmem:s0+$0x18880];
	_ =	sdelay $0x5  }
0x1f5: {  	v2 =	vld [tilespmem:s0+$0x1A880]  }
0x1f6: {  	v3 =	vld [tilespmem:s0+$0x1C880]  }
0x1f7: {  	v1 =	vld.idx.msk [tilespmem:v1+s1+$0x0], $0xffff  }
0x1f8: {  	s25 =	sadd.s32 $0x1, s25  }
0x1f9: {  	p0 =	sne.s32 s25, $0x34  }
.Ltmp38:
0x1fa: {  	_ = 	snop;
	(pc) =	sbr.rel @p0 .LBB2_62-.Ltmp38, $3  }
0x1fb: {  	_ = 	snop  }
0x1fc: {  	v1 =	vmul.f32 v1, v3;
	_ =	sdelay $0x1  }
0x1fd: {  	[tilespmem:v2+s22+$0x0] =	vst.idx.add.f32.msk $0xffff, v1  }
0x1fe: {  	_ =	swait.ge [sflag:s21], $0x1000  }
0x1ff: {  	[sflag:s21] =	ssyncset.done $0x0  }
0x200: {  	[sflag:s21] =	ssyncadd.s32 $0xFFFFF000  }
0x201: {  	_ =	swait.ge [sflag:s21], $0x1000  }
0x202: {  	[sflag:s21] =	ssyncset.done $0x0  }
0x203: {  	[sflag:s21] =	ssyncadd.s32 $0xFFFFF000  }
0x204: {  	_ =	swait.ge [sflag:s21], $0x1000  }
0x205: {  	[sflag:s21] =	ssyncset.done $0x0  }
0x206: {  	[sflag:s21] =	ssyncadd.s32 $0xFFFFF000  }
0x207: {  	[hbm4b:s15+s18] =	stream.strided.scatter [tilespmem:s22], [sflag:$0x3], $0xC400, s19, s18, $0x38;
	[tilespmem:$0x1E800] =	vst v63  }
0x208: {  	_ =	swait.ge [sflag:s20], $0xC400  }
0x209: {  	[sflag:s20] =	ssyncset.done $0x0  }
0x20a: {  	s0 =	simm.s32 $0x40;
	s3 =	simm.s32 $0x0;
	[sflag:s20] =	ssyncadd.s32 $0xFFFF3C00  }
.LBB2_80:
0x20b: {  	p0 =	sne.s32 s0, $0x30FC0;
	[tilespmem:s3+$0xC400] =	vst v0;
	s3 =	smov.u32 s0;
	s0 =	sadd.s32 $0x40, s0  }
.Ltmp39:
0x20c: {  	(pc) =	sbr.rel @p0 .LBB2_80-.Ltmp39, $2  }
0x20d: {  	_ =	sdelay $0x2  }
0x20e: {  	s3 =	sshra.s32 s3, $0x2  }
0x20f: {  	[tilespmem:s3+$0xC400] =	vst v0;
	s26 =	simm.s32 $0x0  }
0x210: {  	[tilespmem:s26], [sflag:$0x3] =	stream.strided.gather [hbm4b:s14+s18], $0xC400, s19, s18, $0x38;
	[tilespmem:$0x1E800] =	vst v63  }
0x211: {  	_ =	swait.ge [sflag:s20], $0xC400  }
0x212: {  	[sflag:s20] =	ssyncset.done $0x0  }
0x213: {  	s0 =	simm.s32 $0x18800;
	s3 =	simm.s32 $0x0;
	[sflag:s20] =	ssyncadd.s32 $0xFFFF3C00  }
.LBB2_82:
0x214: {  	p0 =	sne.s32 s3, $0x1F0  }
.Ltmp40:
0x215: {  	_ = 	snop;
	(pc) =	sbr.rel @p0 .LBB2_82-.Ltmp40, $4  }
0x216: {  	_ = 	snop  }
0x217: {  	s9 =	sadd.s32 s3, s10  }
0x218: {  	[tilespmem:s0], [sflag:$0x1] =	stream.linear.gather [hbm4b:s9+s26], $0x80, $0x38;
	[tilespmem:$0x1E800] =	vst v63  }
0x219: {  	s3 =	sadd.s32 $0x10, s3;
	s0 =	sadd.s32 $0x100, s0  }
0x21a: {  	s0 =	simm.s32 $0x1A800  }
.LBB2_84:
0x21b: {  	p0 =	sne.s32 s26, $0x1F0  }
.Ltmp41:
0x21c: {  	_ = 	snop;
	(pc) =	sbr.rel @p0 .LBB2_84-.Ltmp41, $4  }
0x21d: {  	_ = 	snop  }
0x21e: {  	s3 =	sadd.s32 s26, s11;
	s25 =	simm.s32 $0x0  }
0x21f: {  	[tilespmem:s0], [sflag:$0x1] =	stream.linear.gather [hbm4b:s3+s25], $0x80, $0x38;
	[tilespmem:$0x1E800] =	vst v63  }
0x220: {  	s26 =	sadd.s32 $0x10, s26;
	s0 =	sadd.s32 $0x100, s0  }
0x221: {  	s26 =	simm.s32 $0x1C800  }
0x222: {  	s0 =	simm.s32 $0x80;
	s9 =	sadd.s32 $0x0, s12;
	s3 =	simm.s32 $0x1C900  }
.LBB2_86:
0x223: {  	[tilespmem:s26], [sflag:$0x1] =	stream.linear.gather [hbm4b:s9+s25], $0x80, $0x38;
	[tilespmem:$0x1E800] =	vst v63  }
0x224: {  	s9 =	smov.u32 s0;
	s26 =	smov.u32 s3;
	p0 =	sne.s32 s0, $0xF80  }
.Ltmp42:
0x225: {  	s0 =	sadd.s32 $0x80, s0;
	(pc) =	sbr.rel @p0 .LBB2_86-.Ltmp42, $2  }
0x226: {  	_ =	sdelay $0x2  }
0x227: {  	s3 =	sadd.s32 $0x100, s3;
	s9 =	sadd.s32 s9, s12  }
0x228: {  	[tilespmem:s26], [sflag:$0x1] =	stream.linear.gather [hbm4b:s9+s25], $0x80, $0x38;
	[tilespmem:$0x1E800] =	vst v63  }
.LBB2_88:
0x229: {  	s26 =	sshll.u32 s25, $0xD  }
0x22a: {  	s28 =	sadd.s32 $0x69000, s26  }
0x22b: {  	s29 =	sshrl.u32 s28, $0x3  }
0x22c: {  	s31 =	simm.s32 $0x18880;
	s30 =	sadd.s32 s2, s29  }
0x22d: {  	s0 =	simm.s32 $0x10;
	s3 =	simm.s32 $0x18980;
	s9 =	sadd.s32 $0x0, s30  }
.LBB2_89:
0x22e: {  	[tilespmem:s31], [sflag:$0x2] =	stream.linear.gather [hbm4b:s9+s1], $0x80, $0x38;
	[tilespmem:$0x1E800] =	vst v63  }
0x22f: {  	s9 =	smov.u32 s0;
	s31 =	smov.u32 s3;
	p0 =	sne.s32 s0, $0x1F0  }
.Ltmp43:
0x230: {  	s0 =	sadd.s32 $0x10, s0;
	(pc) =	sbr.rel @p0 .LBB2_89-.Ltmp43, $2  }
0x231: {  	_ =	sdelay $0x2  }
0x232: {  	s3 =	sadd.s32 $0x100, s3;
	s9 =	sadd.s32 s9, s30  }
0x233: {  	[tilespmem:s31], [sflag:$0x2] =	stream.linear.gather [hbm4b:s9+s1], $0x80, $0x38;
	[tilespmem:$0x1E800] =	vst v63  }
0x234: {  	s29 =	sadd.s32 s4, s29;
	s30 =	simm.s32 $0x1A880  }
0x235: {  	s0 =	simm.s32 $0x10;
	s3 =	simm.s32 $0x1A980;
	s9 =	sadd.s32 $0x0, s29  }
.LBB2_91:
0x236: {  	[tilespmem:s30], [sflag:$0x2] =	stream.linear.gather [hbm4b:s9+s1], $0x80, $0x38;
	[tilespmem:$0x1E800] =	vst v63  }
0x237: {  	s9 =	smov.u32 s0;
	s30 =	smov.u32 s3;
	p0 =	sne.s32 s0, $0x1F0  }
.Ltmp44:
0x238: {  	s0 =	sadd.s32 $0x10, s0;
	(pc) =	sbr.rel @p0 .LBB2_91-.Ltmp44, $2  }
0x239: {  	_ =	sdelay $0x2  }
0x23a: {  	s3 =	sadd.s32 $0x100, s3;
	s9 =	sadd.s32 s9, s29  }
0x23b: {  	[tilespmem:s30], [sflag:$0x2] =	stream.linear.gather [hbm4b:s9+s1], $0x80, $0x38;
	[tilespmem:$0x1E800] =	vst v63  }
0x23c: {  	s28 =	sadd.s32 s28, s8;
	s29 =	simm.s32 $0x1C880  }
0x23d: {  	s0 =	simm.s32 $0x80;
	s3 =	simm.s32 $0x1C980;
	s9 =	sadd.s32 $0x0, s28  }
.LBB2_93:
0x23e: {  	[tilespmem:s29], [sflag:$0x2] =	stream.linear.gather [hbm4b:s9+s1], $0x80, $0x38;
	[tilespmem:$0x1E800] =	vst v63  }
0x23f: {  	s9 =	smov.u32 s0;
	s29 =	smov.u32 s3;
	p0 =	sne.s32 s0, $0xF80  }
.Ltmp45:
0x240: {  	s0 =	sadd.s32 $0x80, s0;
	(pc) =	sbr.rel @p0 .LBB2_93-.Ltmp45, $2  }
0x241: {  	_ =	sdelay $0x2  }
0x242: {  	s3 =	sadd.s32 $0x100, s3;
	s9 =	sadd.s32 s9, s28  }
0x243: {  	[tilespmem:s29], [sflag:$0x2] =	stream.linear.gather [hbm4b:s9+s1], $0x80, $0x38;
	[tilespmem:$0x1E800] =	vst v63  }
0x244: {  	_ =	swait.ge [sflag:s21], $0x1000  }
0x245: {  	[sflag:s21] =	ssyncset.done $0x0  }
0x246: {  	[sflag:s21] =	ssyncadd.s32 $0xFFFFF000  }
0x247: {  	_ =	swait.ge [sflag:s21], $0x1000  }
0x248: {  	[sflag:s21] =	ssyncset.done $0x0  }
0x249: {  	[sflag:s21] =	ssyncadd.s32 $0xFFFFF000  }
0x24a: {  	s0 =	simm.s32 $0x0;
	_ =	swait.ge [sflag:s21], $0x1000  }
0x24b: {  	s3 =	sand.u32 $0x70, s0;
	s0 =	sand.u32 $0x1F00, s0;
	[sflag:s21] =	ssyncset.done $0x0  }
0x24c: {  	s0 =	sor.u32 s3, s0;
	[sflag:s21] =	ssyncadd.s32 $0xFFFFF000  }
0x24d: {  	v1 =	vld [tilespmem:s0+$0x18800];
	_ =	sdelay $0x7  }
0x24e: {  	v2 =	vld.idx.msk [tilespmem:v1+s1+$0x0], $0xffff  }
0x24f: {  	v1 =	vld [tilespmem:s0+$0x1A800]  }
0x250: {  	v3 =	vld [tilespmem:s0+$0x1C800];
	_ =	sdelay $0x4  }
0x251: {  	s31 =	simm.s32 $0x10;
	s28 =	simm.s32 $0x20;
	v2 =	vmul.f32 v2, v3  }
0x252: {  	s29 =	simm.s32 $0x20;
	s3 =	sand.u32 $0x1F00, s28;
	s0 =	sand.u32 $0x70, s31  }
.LBB2_95:
0x253: {  	p0 =	sne.s32 s29, $0xFF0;
	s0 =	sor.u32 s0, s3;
	[tilespmem:v1+s22+$0x0] =	vst.idx.add.f32.msk $0xffff, v2  }
0x254: {  	v2 =	vld [tilespmem:s0+$0x18800];
	_ =	sdelay $0x6  }
0x255: {  	v1 =	vld [tilespmem:s0+$0x1A800]  }
0x256: {  	v2 =	vld.idx.msk [tilespmem:v2+s1+$0x0], $0xffff  }
0x257: {  	v3 =	vld [tilespmem:s0+$0x1C800];
	_ =	sdelay $0x1  }
.Ltmp46:
0x258: {  	(pc) =	sbr.rel @p0 .LBB2_95-.Ltmp46, $3  }
0x259: {  	_ =	sdelay $0x1  }
0x25a: {  	s28 =	sadd.s32 $0x20, s28;
	v2 =	vmul.f32 v2, v3  }
0x25b: {  	s3 =	sand.u32 $0x1F00, s28;
	s0 =	sand.u32 $0x70, s29;
	s29 =	sadd.s32 $0x10, s29  }
0x25c: {  	_ =	sdelay $0x3  }
0x25d: {  	s0 =	sor.u32 s0, s3;
	[tilespmem:v1+s22+$0x0] =	vst.idx.add.f32.msk $0xffff, v2  }
0x25e: {  	v1 =	vld [tilespmem:s0+$0x18800];
	_ =	sdelay $0x5  }
0x25f: {  	v2 =	vld [tilespmem:s0+$0x1A800]  }
0x260: {  	v3 =	vld [tilespmem:s0+$0x1C800]  }
0x261: {  	v1 =	vld.idx.msk [tilespmem:v1+s1+$0x0], $0xffff;
	_ =	sdelay $0x2  }
0x262: {  	p0 =	seq.s32 s25, $0x33;
	s26 =	sadd.s32 $0x6A000, s26  }
0x263: {  	s26 =	simm.s32 @p0 $0x68000  }
0x264: {  	s28 =	sshrl.u32 s26, $0x3;
	v1 =	vmul.f32 v1, v3  }
0x265: {  	s30 =	simm.s32 $0x18800;
	s29 =	sadd.s32 s2, s28  }
0x266: {  	s3 =	simm.s32 $0x18900;
	s0 =	simm.s32 $0x10;
	s9 =	sadd.s32 $0x0, s29;
	[tilespmem:v2+s22+$0x0] =	vst.idx.add.f32.msk $0xffff, v1  }
.LBB2_97:
0x267: {  	[tilespmem:s30], [sflag:$0x1] =	stream.linear.gather [hbm4b:s9+s1], $0x80, $0x38;
	[tilespmem:$0x1E800] =	vst v63  }
0x268: {  	s9 =	smov.u32 s0;
	s30 =	smov.u32 s3;
	p0 =	sne.s32 s0, $0x1F0  }
.Ltmp47:
0x269: {  	s0 =	sadd.s32 $0x10, s0;
	(pc) =	sbr.rel @p0 .LBB2_97-.Ltmp47, $2  }
0x26a: {  	_ =	sdelay $0x2  }
0x26b: {  	s3 =	sadd.s32 $0x100, s3;
	s9 =	sadd.s32 s9, s29  }
0x26c: {  	[tilespmem:s30], [sflag:$0x1] =	stream.linear.gather [hbm4b:s9+s1], $0x80, $0x38;
	[tilespmem:$0x1E800] =	vst v63  }
0x26d: {  	s28 =	sadd.s32 s4, s28;
	s29 =	simm.s32 $0x1A800  }
0x26e: {  	s0 =	simm.s32 $0x10;
	s3 =	simm.s32 $0x1A900;
	s9 =	sadd.s32 $0x0, s28  }
.LBB2_99:
0x26f: {  	[tilespmem:s29], [sflag:$0x1] =	stream.linear.gather [hbm4b:s9+s1], $0x80, $0x38;
	[tilespmem:$0x1E800] =	vst v63  }
0x270: {  	s9 =	smov.u32 s0;
	s29 =	smov.u32 s3;
	p0 =	sne.s32 s0, $0x1F0  }
.Ltmp48:
0x271: {  	s0 =	sadd.s32 $0x10, s0;
	(pc) =	sbr.rel @p0 .LBB2_99-.Ltmp48, $2  }
0x272: {  	_ =	sdelay $0x2  }
0x273: {  	s3 =	sadd.s32 $0x100, s3;
	s9 =	sadd.s32 s9, s28  }
0x274: {  	[tilespmem:s29], [sflag:$0x1] =	stream.linear.gather [hbm4b:s9+s1], $0x80, $0x38;
	[tilespmem:$0x1E800] =	vst v63  }
0x275: {  	s26 =	sadd.s32 s26, s8;
	s28 =	simm.s32 $0x1C800  }
0x276: {  	s0 =	simm.s32 $0x80;
	s3 =	simm.s32 $0x1C900;
	s9 =	sadd.s32 $0x0, s26  }
.LBB2_101:
0x277: {  	[tilespmem:s28], [sflag:$0x1] =	stream.linear.gather [hbm4b:s9+s1], $0x80, $0x38;
	[tilespmem:$0x1E800] =	vst v63  }
0x278: {  	s9 =	smov.u32 s0;
	s28 =	smov.u32 s3;
	p0 =	sne.s32 s0, $0xF80  }
.Ltmp49:
0x279: {  	s0 =	sadd.s32 $0x80, s0;
	(pc) =	sbr.rel @p0 .LBB2_101-.Ltmp49, $2  }
0x27a: {  	_ =	sdelay $0x2  }
0x27b: {  	s3 =	sadd.s32 $0x100, s3;
	s9 =	sadd.s32 s9, s26  }
0x27c: {  	[tilespmem:s28], [sflag:$0x1] =	stream.linear.gather [hbm4b:s9+s1], $0x80, $0x38;
	[tilespmem:$0x1E800] =	vst v63  }
0x27d: {  	_ =	swait.ge [sflag:s23], $0x1000  }
0x27e: {  	[sflag:s23] =	ssyncset.done $0x0  }
0x27f: {  	[sflag:s23] =	ssyncadd.s32 $0xFFFFF000  }
0x280: {  	_ =	swait.ge [sflag:s23], $0x1000  }
0x281: {  	[sflag:s23] =	ssyncset.done $0x0  }
0x282: {  	[sflag:s23] =	ssyncadd.s32 $0xFFFFF000  }
0x283: {  	s0 =	simm.s32 $0x0;
	_ =	swait.ge [sflag:s23], $0x1000  }
0x284: {  	s3 =	sand.u32 $0x70, s0;
	s0 =	sand.u32 $0x1F00, s0;
	[sflag:s23] =	ssyncset.done $0x0  }
0x285: {  	s0 =	sor.u32 s0, s3;
	[sflag:s23] =	ssyncadd.s32 $0xFFFFF000  }
0x286: {  	v1 =	vld [tilespmem:s0+$0x18880];
	_ =	sdelay $0x7  }
0x287: {  	v2 =	vld.idx.msk [tilespmem:v1+s1+$0x0], $0xffff  }
0x288: {  	v1 =	vld [tilespmem:s0+$0x1A880]  }
0x289: {  	v3 =	vld [tilespmem:s0+$0x1C880];
	_ =	sdelay $0x4  }
0x28a: {  	s31 =	simm.s32 $0x10;
	s26 =	simm.s32 $0x20;
	v2 =	vmul.f32 v2, v3  }
0x28b: {  	s28 =	simm.s32 $0x20;
	s3 =	sand.u32 $0x1F00, s26;
	s0 =	sand.u32 $0x70, s31  }
.LBB2_103:
0x28c: {  	p0 =	sne.s32 s28, $0xFF0;
	s0 =	sor.u32 s3, s0;
	[tilespmem:v1+s22+$0x0] =	vst.idx.add.f32.msk $0xffff, v2  }
0x28d: {  	v2 =	vld [tilespmem:s0+$0x18880];
	_ =	sdelay $0x6  }
0x28e: {  	v1 =	vld [tilespmem:s0+$0x1A880]  }
0x28f: {  	v2 =	vld.idx.msk [tilespmem:v2+s1+$0x0], $0xffff  }
0x290: {  	v3 =	vld [tilespmem:s0+$0x1C880];
	_ =	sdelay $0x1  }
.Ltmp50:
0x291: {  	(pc) =	sbr.rel @p0 .LBB2_103-.Ltmp50, $3  }
0x292: {  	_ =	sdelay $0x1  }
0x293: {  	s26 =	sadd.s32 $0x20, s26;
	v2 =	vmul.f32 v2, v3  }
0x294: {  	s3 =	sand.u32 $0x1F00, s26;
	s0 =	sand.u32 $0x70, s28;
	s28 =	sadd.s32 $0x10, s28  }
0x295: {  	_ =	sdelay $0x3  }
0x296: {  	s0 =	sor.u32 s3, s0;
	[tilespmem:v1+s22+$0x0] =	vst.idx.add.f32.msk $0xffff, v2  }
0x297: {  	v1 =	vld [tilespmem:s0+$0x18880];
	_ =	sdelay $0x5  }
0x298: {  	v2 =	vld [tilespmem:s0+$0x1A880]  }
0x299: {  	v3 =	vld [tilespmem:s0+$0x1C880]  }
0x29a: {  	v1 =	vld.idx.msk [tilespmem:v1+s1+$0x0], $0xffff  }
0x29b: {  	s25 =	sadd.s32 $0x1, s25  }
0x29c: {  	p0 =	sne.s32 s25, $0x34  }
.Ltmp51:
0x29d: {  	_ = 	snop;
	(pc) =	sbr.rel @p0 .LBB2_88-.Ltmp51, $3  }
0x29e: {  	_ = 	snop  }
0x29f: {  	v1 =	vmul.f32 v1, v3;
	_ =	sdelay $0x1  }
0x2a0: {  	[tilespmem:v2+s22+$0x0] =	vst.idx.add.f32.msk $0xffff, v1  }
0x2a1: {  	_ =	swait.ge [sflag:s21], $0x1000  }
0x2a2: {  	[sflag:s21] =	ssyncset.done $0x0  }
0x2a3: {  	[sflag:s21] =	ssyncadd.s32 $0xFFFFF000  }
0x2a4: {  	_ =	swait.ge [sflag:s21], $0x1000  }
0x2a5: {  	[sflag:s21] =	ssyncset.done $0x0  }
0x2a6: {  	[sflag:s21] =	ssyncadd.s32 $0xFFFFF000  }
0x2a7: {  	s24 =	sadd.s32 $0x1, s24;
	_ =	swait.ge [sflag:s21], $0x1000  }
0x2a8: {  	p0 =	sne.s32 s24, s17;
	[sflag:s21] =	ssyncset.done $0x0  }
.Ltmp52:
0x2a9: {  	[sflag:s21] =	ssyncadd.s32 $0xFFFFF000;
	(pc) =	sbr.rel @p0 .LBB2_1-.Ltmp52, $4  }
0x2aa: {  	[hbm4b:s16+s18] =	stream.strided.scatter [tilespmem:s22], [sflag:$0x3], $0xC400, s19, s18, $0x38;
	[tilespmem:$0x1E800] =	vst v63  }
0x2ab: {  	_ =	swait.ge [sflag:s20], $0xC400  }
0x2ac: {  	[sflag:s20] =	ssyncset.done $0x0  }
0x2ad: {  	[sflag:s20] =	ssyncadd.s32 $0xFFFF3C00  }
0x2ae: {  	_ =	sfence.sel $0x180000  }
0x2af: {  	[bflag:$0x0] =	sbarrier.arrive $0xFFFF  }
0x2b0: {  	_ =	strace $0x9000004A  }
0x2b1: {  	s0 =	stileid.u32;
	[bflag:$0x2] =	sbarrier.arrive $0xFFFF  }
0x2b2: {  	p0 =	sne.s32 s0, $0x0;
	s0 =	rddreg [dreg:$0x1]  }
0x2b3: {  	s0 =	sadd.s32 @!p0 $0x100000, s0  }
0x2b4: {  	[sflag:s0] =	ssyncadd.tile.s32 @!p0 $0x1;
	_ =	shalt  }
.Lfunc_end2:
_tile_overlayer_lowered:
.L_overlay_start_2:
0x2b5: {  	(tag) =	ssettag $0x2  }
0x2b6: {  	s0 =	rddreg [dreg:$0x0];
	s2 =	stileid.u32  }
0x2b7: {  	s1 =	rddreg [dreg:$0x1];
	p0 =	sne.s32 s2, $0x0  }
0x2b8: {  	s3 =	rddreg [dreg:$0x2];
	[bflag:$0x3] =	sbarrier.arrive $0xFFFF;
	s2 =	simm.s32 @!p0 $0x1C03  }
0x2b9: {  	[timem:s3], [sflag:s2] =	dma.local @!p0 [hbm:s0], s1  }
0x2ba: {  	s0 =	simm.s32 @!p0 $0x3  }
0x2bb: {  	_ =	swait.ge @!p0 [sflag:s0], s1  }
0x2bc: {  	s1 =	ssub.s32 @!p0 $0x0, s1;
	[sflag:s0] =	ssyncset.done @!p0 $0x0  }
0x2bd: {  	[sflag:s0] =	ssyncadd.s32 @!p0 s1  }
0x2be: {  	[bflag:$0x3] =	sbarrier.arrive $0xFFFF  }
0x2bf: {  	_ =	shalt  }

// kernel: kernel.16.cloned.1.call-start
scs
__scs_entry_jumppad:
0x0: {  	(pc) =	sbr.rel $0x88, $3  }
0x1: {  	(tag) =	ssettag $0x0;
	lr =	simm.s32 $0x1  }
0x2: {  	[smem:$0x3F97] =	sst lr;
	_ =	strace $0xD0000000  }
0x3: {  	_ = 	snop  }
0x4: {  	_ = 	snop  }
0x5: {  	_ = 	snop  }
0x6: {  	_ = 	snop  }
0x7: {  	_ = 	snop  }
__scs_overlays_trampoline_lowered:
0x8: {  	[smem:$0x3FA6] =	sst s0  }
0x9: {  	[smem:$0x3FA7] =	sst s1  }
0xa: {  	[smem:$0x3FA8] =	sst s2  }
0xb: {  	[smem:$0x3FA9] =	sst s3  }
0xc: {  	[smem:$0x3FAA] =	sst s4  }
0xd: {  	[smem:$0x3FAB] =	sst s5  }
0xe: {  	[smem:$0x3FAC] =	sst s6  }
0xf: {  	[smem:$0x3FAD] =	sst s7  }
0x10: {  	[smem:$0x3FAE] =	sst s8  }
0x11: {  	[smem:$0x3FAF] =	sst s9;
	s0 =	simm.s32 @!p0 $0x0  }
0x12: {  	s1 =	sld [smem:$0x3F95];
	s0 =	simm.s32 @p0 $0x1  }
0x13: {  	[smem:$0x3FB0] =	sst s0;
	s0 =	simm.s32 @!p1 $0x0  }
0x14: {  	s2 =	sld [smem:$0x3F94];
	s0 =	simm.s32 @p1 $0x1  }
0x15: {  	[smem:$0x3FB1] =	sst s0;
	s0 =	simm.s32 @!p2 $0x0  }
0x16: {  	s3 =	sld [smem:$0x3FDB];
	s0 =	simm.s32 @p2 $0x1  }
0x17: {  	s4 =	simm.s32 $0x1BF5;
	[smem:$0x3FB3] =	sst s0  }
0x18: {  	s0 =	sld [smem:$0x3F96];
	_ =	swait.ge [sflag:s4], $0x0  }
0x19: {  	s7 =	sld [smem:$0x3F97]  }
0x1a: {  	s8 =	sadd.s32 $0xFFFFE003, lr  }
0x1b: {  	s9 =	sadd.s32 $0xFFFFFEF7, lr;
	s5 =	simm.s32 $0xFFFFFFFF;
	p2 =	slt.u32 s8, $0xFFFFF086  }
0x1c: {  	p1 =	slt.u32 s9, $0xF7A;
	s5 =	simm.s32 @!p2 $0x0  }
0x1d: {  	s5 =	simm.s32 @p1 $0x1;
	p0 =	seq.s32 s7, s2  }
0x1e: {  	s7 =	smul.u32 @!p0 $0xF7A, s2;
	p2 =	seq.s32 @!p0 s5, $0x0  }
0x1f: {  	s9 =	smul.u32 $0xF7A, s1;
	s8 =	simm.s32 @!p0 $0x1BF5;
	p2 =	por !p2, p0  }
0x20: {  	[sflag:s8] =	ssyncset.s32 @!p0 $0xFFFFF086;
	s6 =	sadd.s32 @!p0 s3, s7;
	s7 =	simm.s32 @!p0 $0x108  }
0x21: {  	s3 =	sadd.s32 s3, s9;
	s6 =	sadd.s32 @!p0 $0x88, s6;
	s7 =	simm.s32 @p2 $0x1082  }
0x22: {  	[simem:s7], [sflag:s8] =	dma.local @!p0 [hbm:s6], $0xF7A  }
0x23: {  	s9 =	sor.u32 $0xD0000000, s2;
	s6 =	simm.s32 $0x108;
	_ =	swait.ge @!p0 [sflag:s8], $0x0  }
0x24: {  	s3 =	sadd.s32 $0x88, s3;
	s6 =	simm.s32 @!p1 $0x1082;
	[sflag:s4] =	ssyncset.s32 $0xFFFFF086  }
0x25: {  	[simem:s6], [sflag:s4] =	dma.local [hbm:s3], $0xF7A  }
0x26: {  	[smem:$0x3F97] =	sst s1;
	(tag) =	ssettag s2;
	_ =	strace s9  }
0x27: {  	s1 =	sld [smem:$0x3FA7]  }
0x28: {  	s2 =	sld [smem:$0x3FA8]  }
0x29: {  	s4 =	sld [smem:$0x3FAA]  }
0x2a: {  	p0 =	seq.s32 s5, $0x0;
	s5 =	sld [smem:$0x3FAB]  }
0x2b: {  	s6 =	sld [smem:$0x3FAC]  }
0x2c: {  	s7 =	sld [smem:$0x3FAD]  }
0x2d: {  	s3 =	simm.s32 $0x108;
	s8 =	sld [smem:$0x3FAE]  }
0x2e: {  	s3 =	simm.s32 @!p0 $0x1082;
	s9 =	sld [smem:$0x3FAF]  }
0x2f: {  	lr =	sadd.s32 s0, s3;
	s0 =	sld [smem:$0x3FA6]  }
0x30: {  	s3 =	sld [smem:$0x3FA9]  }
0x31: {  	[smem:$0x3FB2] =	sst s10  }
0x32: {  	s10 =	sld [smem:$0x3FB0];
	_ =	sdelay $0x3  }
0x33: {  	p0 =	seq.s32 s10, $0x1;
	s10 =	sld [smem:$0x3FB2];
	_ =	sdelay $0x3  }
0x34: {  	[smem:$0x3FB2] =	sst s10  }
0x35: {  	s10 =	sld [smem:$0x3FB1];
	_ =	sdelay $0x3  }
0x36: {  	p1 =	seq.s32 s10, $0x1;
	s10 =	sld [smem:$0x3FB2];
	_ =	sdelay $0x3  }
0x37: {  	[smem:$0x3FB2] =	sst s10  }
0x38: {  	s10 =	sld [smem:$0x3FB3]  }
0x39: {  	_ = 	snop;
	(pc) =	sbr.ind lr, $3  }
0x3a: {  	_ = 	snop  }
0x3b: {  	_ = 	snop  }
0x3c: {  	p2 =	seq.s32 s10, $0x1;
	s10 =	sld [smem:$0x3FB2]  }
0x3d: {  	_ =	shalt  }
0x3e: {  	_ =	shalt  }
0x3f: {  	_ =	shalt  }
0x40: {  	_ =	shalt  }
0x41: {  	_ =	shalt  }
0x42: {  	_ =	shalt  }
0x43: {  	_ =	shalt  }
0x44: {  	_ =	shalt  }
0x45: {  	_ =	shalt  }
0x46: {  	_ =	shalt  }
0x47: {  	_ =	shalt  }
0x48: {  	_ =	shalt  }
0x49: {  	_ =	shalt  }
0x4a: {  	_ =	shalt  }
0x4b: {  	_ =	shalt  }
0x4c: {  	_ =	shalt  }
0x4d: {  	_ =	shalt  }
0x4e: {  	_ =	shalt  }
0x4f: {  	_ =	shalt  }
0x50: {  	_ =	shalt  }
0x51: {  	_ =	shalt  }
0x52: {  	_ =	shalt  }
0x53: {  	_ =	shalt  }
0x54: {  	_ =	shalt  }
0x55: {  	_ =	shalt  }
0x56: {  	_ =	shalt  }
0x57: {  	_ =	shalt  }
0x58: {  	_ =	shalt  }
0x59: {  	_ =	shalt  }
0x5a: {  	_ =	shalt  }
0x5b: {  	_ =	shalt  }
0x5c: {  	_ =	shalt  }
0x5d: {  	_ =	shalt  }
0x5e: {  	_ =	shalt  }
0x5f: {  	_ =	shalt  }
0x60: {  	_ =	shalt  }
0x61: {  	_ =	shalt  }
0x62: {  	_ =	shalt  }
0x63: {  	_ =	shalt  }
0x64: {  	_ =	shalt  }
0x65: {  	_ =	shalt  }
0x66: {  	_ =	shalt  }
0x67: {  	_ =	shalt  }
0x68: {  	_ =	shalt  }
0x69: {  	_ =	shalt  }
0x6a: {  	_ =	shalt  }
0x6b: {  	_ =	shalt  }
0x6c: {  	_ =	shalt  }
0x6d: {  	_ =	shalt  }
0x6e: {  	_ =	shalt  }
0x6f: {  	_ =	shalt  }
0x70: {  	_ =	shalt  }
0x71: {  	_ =	shalt  }
0x72: {  	_ =	shalt  }
0x73: {  	_ =	shalt  }
0x74: {  	_ =	shalt  }
0x75: {  	_ =	shalt  }
0x76: {  	_ =	shalt  }
0x77: {  	_ =	shalt  }
0x78: {  	_ =	shalt  }
0x79: {  	_ =	shalt  }
0x7a: {  	_ =	shalt  }
0x7b: {  	_ =	shalt  }
0x7c: {  	_ =	shalt  }
0x7d: {  	_ =	shalt  }
0x7e: {  	_ =	shalt  }
0x7f: {  	_ =	shalt  }
0x80: {  	_ =	shalt  }
0x81: {  	_ =	shalt  }
0x82: {  	_ =	shalt  }
0x83: {  	_ =	shalt  }
0x84: {  	_ =	shalt  }
0x85: {  	_ =	shalt  }
0x86: {  	_ =	shalt  }
0x87: {  	_ =	shalt  }
.Lfunc_end0:
.L_simem_size_0:
called_computation.2_lowered:
.L_overlay_start_0:
0x88: {  	s2 =	sld [smem:$0x3FD9]  }
0x89: {  	s3 =	sld [smem:$0x3FFE];
	_ =	sdelay $0x1  }
0x8a: {  	s1 =	srdreg.scid  }
0x8b: {  	s0 =	sand.u32 $0x1, s1  }
0x8c: {  	s17 =	sshll.u32 s0, $0xA;
	s2 =	sadd.s32 s3, s2  }
0x8d: {  	s2 =	sadd.s32 s2, s17  }
0x8e: {  	[smem:$0x3FBE] =	sst s2  }
0x8f: {  	_ = 	snop  }
0x90: {  	(tm) =	ssettm $0x1  }
0x91: {  	s18 =	sld [smem:$0x3FFB];
	_ =	sdelay $0x3  }
0x92: {  	_ =	strace s18  }
0x93: {  	s2 =	sld [smem:$0x3FFC];
	_ =	sdelay $0x3  }
0x94: {  	_ =	strace s2  }
0x95: {  	s2 =	sld [smem:$0x3FFD];
	_ =	sdelay $0x3  }
0x96: {  	_ =	strace s2  }
0x97: {  	_ =	strace $0x8FFFFFFF  }
0x98: {  	s19 =	sld [smem:$0x3FDB];
	_ =	sdelay $0x1  }
0x99: {  	s20 =	simm.s32 $_scs_section_size  }
0x9a: {  	s4 =	simm.s32 $_size__tile_overlayer_lowered;
	s5 =	simm.s32 $_tile_overlayer_lowered  }
0x9b: {  	s6 =	simm.s32 $0x1BFF;
	s21 =	sshll.u32 s5, $0x1;
	s3 =	sadd.s32 s20, s19  }
0x9c: {  	s22 =	simm.s32 $0x0;
	s4 =	sshll.u32 s4, $0x1;
	s5 =	sadd.s32 s21, s3  }
0x9d: {  	[timem:s22], [sflag:s6] =	dma.local [hbm:s5], s4  }
0x9e: {  	_ =	swait.ge [sflag:s6], s4  }
0x9f: {  	s4 =	ssub.s32 $0x0, s4;
	[sflag:s6] =	ssyncset.done $0x0  }
0xa0: {  	[sflag:s6] =	ssyncadd.s32 s4;
	_ =	sdelay $0x1  }
0xa1: {  	s23 =	simm.s32 $0x1B8B  }
0xa2: {  	_ =	swait.ge [sflag:s23], $0x1  }
0xa3: {  	[sflag:s23] =	ssyncset.done $0x0  }
0xa4: {  	[sflag:s23] =	ssyncadd.s32 $0xFFFFFFFF  }
0xa5: {  	s4 =	sld [smem:$0x0]  }
0xa6: {  	s5 =	sand.u32 $0xFFFFFFFE, s1  }
0xa7: {  	p0 =	sne.s32 s1, s5  }
0xa8: {  	s5 =	sshll.u32 @p0 s5, $0xE  }
0xa9: {  	s5 =	sadd.s32 @p0 $0x11B8D, s5;
	s6 =	sshll.u32 @p0 s4, $0x11  }
0xaa: {  	s5 =	sor.u32 @p0 s6, s5  }
0xab: {  	[sflag:s5] =	ssyncadd.remote.s32 @p0 $0x1;
	_ =	sdelay $0x1  }
0xac: {  	s5 =	simm.s32 @p0 $0x1B8D  }
0xad: {  	_ =	swait.eq @p0 [sflag:s5], $0x1  }
0xae: {  	[sflag:s5] =	ssyncadd.s32 @p0 $0xFFFFFFFF  }
0xaf: {  	s6 =	sshll.u32 @!p0 s1, $0xE  }
0xb0: {  	s6 =	sor.u32 @!p0 $0x4000, s6;
	s5 =	simm.s32 @!p0 $0x1B8D  }
0xb1: {  	s4 =	sshll.u32 @!p0 s4, $0x11;
	s6 =	sadd.s32 @!p0 $0x11B8D, s6;
	_ =	swait.eq @!p0 [sflag:s5], $0x1  }
0xb2: {  	s4 =	sor.u32 @!p0 s4, s6;
	[sflag:s5] =	ssyncadd.s32 @!p0 $0xFFFFFFFF  }
0xb3: {  	s25 =	simm.s32 $0x1B8E;
	s24 =	sld [smem:$0x3FFE];
	[sflag:s4] =	ssyncadd.remote.s32 @!p0 $0x1  }
0xb4: {  	s26 =	simm.s32 $execute0_lowered;
	[smem:$0x3FD2] =	sst s25  }
0xb5: {  	s5 =	sshll.u32 s26, $0x1;
	_ =	strace $0x8000004C;
	[dreg:$0x1] =	wrdreg $0xFFFFFFFF  }
0xb6: {  	s28 =	simm.s32 $_size_execute0_lowered;
	s3 =	sadd.s32 s3, s5;
	[dreg:$0x0] =	wrdreg $0x0  }
0xb7: {  	s5 =	sshll.u32 s28, $0x1;
	[dreg:$0x2] =	wrdreg s3  }
0xb8: {  	[dreg:$0x3] =	wrdreg s5  }
0xb9: {  	[dreg:$0x4] =	wrdreg $0xC0  }
0xba: {  	_ =	task [dreg:s22], $0x5FFFF  }
0xbb: {  	[dreg:$0x1] =	wrdreg $0xFFFFFFFF  }
0xbc: {  	[dreg:$0x0] =	wrdreg $0x60  }
0xbd: {  	[dreg:$0x2] =	wrdreg s24  }
0xbe: {  	[dreg:$0x3] =	wrdreg $0xA  }
0xbf: {  	_ =	task.clear_ibuf [dreg:s22], $0x4FFFF;
	_ =	strace $0x9000004C  }
0xc0: {  	s29 =	simm.s32 $0xA;
	_ =	strace $0x8000004E  }
0xc1: {  	_ =	swait.ge [sflag:s29], $0x1  }
0xc2: {  	[sflag:s29] =	ssyncadd.s32 $0xFFFFFFFF  }
0xc3: {  	_ =	strace $0x9000004E  }
0xc4: {  	_ =	sfence  }
0xc5: {  	s30 =	sld [smem:$0x0];
	_ =	sdelay $0x2  }
0xc6: {  	s31 =	sshll.u32 s1, $0xD;
	s1 =	sshrl.u32 s1, $0x2  }
0xc7: {  	s4 =	sand.u32 $0x4000, s31;
	s1 =	sadd.s32 s1, s30  }
0xc8: {  	s0 =	sor.u32 s4, s0;
	s1 =	sshll.u32 s1, $0x11  }
0xc9: {  	s0 =	sor.u32 s1, s0  }
0xca: {  	s0 =	sadd.s32 $0x8F2B, s0  }
0xcb: {  	[sflag:s0] =	ssyncadd.remote.s32 $0x1  }
0xcc: {  	_ =	sfence.sel $0xFFFF  }
0xcd: {  	[dreg:$0x0] =	wrdreg $0xFFFFFFFF;
	(pc) =	sbr.abs _section_cstart, $3  }
0xce: {  	[dreg:$0x1] =	wrdreg $0xFFFFFFFF  }
0xcf: {  	_ =	task.clear_ibuf [dreg:s22], $0x2FFFF;
	_ =	strace $0x9FFFFFFF  }
0xd0: {  	(tm) =	ssettm $0x7FFFFFFF  }
0xd1: {  	_ =	shalt  }
tec
execute0_lowered:
.L_overlay_start_1:
0x0: {  	(tag) =	ssettag $0x1  }
0x1: {  	s0 =	stileid.u32  }
0x2: {  	s1 =	srdreg.scid;
	s6 =	rddreg [dreg:$0x0];
	s2 =	simm.s32 $0x0  }
0x3: {  	s10 =	simm.s32 $0x80;
	s11 =	simm.s32 $0x400;
	s12 =	simm.s32 $0xCC00  }
0x4: {  	s4 =	sshrl.u32 s0, $0x1;
	s5 =	sand.u32 $0x1, s1;
	s28 =	sshll.u32 s0, $0x1  }
0x5: {  	s1 =	rddreg [dreg:$0x1];
	s3 =	sor.u32 s5, s28;
	s7 =	sshll.u32 s4, $0x2  }
0x6: {  	s13 =	simm.s32 $0x0;
	[smem:$0x7FF] =	sst s2;
	s7 =	ssub.s32 s3, s7  }
0x7: {  	_ =	strace $0x8000004D;
	s9 =	sshll.u32 s4, $0x7;
	s8 =	smul.u32 $0x62000, s7  }
0x8: {  	s4 =	sshll.u32 s4, $0x4;
	s5 =	ssub.s32 $0x2, s5;
	s3 =	sadd.s32 $0x92B400, s6  }
0x9: {  	s29 =	sadd.s32 s4, s6;
	s31 =	sshrl.u32 s5, $0x1;
	s8 =	sor.u32 s9, s8  }
0xa: {  	s4 =	smul.u32 $0x34000, s7;
	s9 =	simm.s32 $0x1;
	s30 =	sshrl.u32 s8, $0x3  }
0xb: {  	s8 =	ssub.s32 s5, s31;
	s5 =	sadd.s32 $0x7DC00, s29;
	s6 =	sadd.s32 s30, s6  }
0xc: {  	v0 =	vimm.f32 $0.0e+00;
	s7 =	smax.u32 s8, $0x1;
	s8 =	simm.s32 $0xC400;
	s6 =	sadd.s32 $0x211C00, s6  }
.LBB2_1:
0xd: {  	s14 =	simm.s32 $0x40;
	s15 =	simm.s32 $0x0  }
.LBB2_2:
0xe: {  	p0 =	sne.s32 s14, $0x30FC0;
	[tilespmem:s15+$0x0] =	vst v0;
	s15 =	smov.u32 s14;
	s14 =	sadd.s32 $0x40, s14  }
.Ltmp0:
0xf: {  	(pc) =	sbr.rel @p0 .LBB2_2-.Ltmp0, $2  }
0x10: {  	_ =	sdelay $0x2  }
0x11: {  	s15 =	sshra.s32 s15, $0x2  }
0x12: {  	[tilespmem:s15+$0x0] =	vst v0;
	s14 =	simm.s32 $0x0;
	s15 =	simm.s32 $0x0  }
.LBB2_4:
0x13: {  	s16 =	sshll.u32 s15, $0xB  }
0x14: {  	s16 =	sadd.s32 s4, s16  }
0x15: {  	s17 =	sshrl.u32 s16, $0x3  }
0x16: {  	s17 =	sadd.s32 s3, s17  }
0x17: {  	[tilespmem:s8], [sflag:$0x1] =	stream.linear.gather [hbm4b:s17+s14], $0x800, $0x38;
	[tilespmem:$0xD400] =	vst v63  }
0x18: {  	_ =	swait.ge [sflag:s9], $0x800  }
0x19: {  	s16 =	sand.u32 $0x1FFFF800, s16;
	[sflag:s9] =	ssyncset.done $0x0  }
0x1a: {  	s16 =	sadd.s32 s16, s5;
	[sflag:s9] =	ssyncadd.s32 $0xFFFFF800  }
0x1b: {  	[tilespmem:s12], [sflag:$0x1] =	stream.strided.gather [hbm4b:s16+s10], $0x800, s11, s10, $0x38;
	[tilespmem:$0xD400] =	vst v63  }
0x1c: {  	_ =	swait.ge [sflag:s9], $0x800  }
0x1d: {  	[sflag:s9] =	ssyncset.done $0x0  }
0x1e: {  	s17 =	simm.s32 $0x0;
	s16 =	simm.s32 $0x40;
	[sflag:s9] =	ssyncadd.s32 $0xFFFFF800  }
.LBB2_5:
0x1f: {  	p0 =	sne.s32 s16, $0x1FC0;
	v1 =	vld [tilespmem:s17+$0xC400];
	_ =	sdelay $0x2  }
0x20: {  	v2 =	vld [tilespmem:s17+$0xCC00]  }
.Ltmp1:
0x21: {  	(pc) =	sbr.rel @p0 .LBB2_5-.Ltmp1, $2  }
0x22: {  	_ =	sdelay $0x2  }
0x23: {  	s17 =	sshra.s32 s16, $0x2;
	s16 =	sadd.s32 $0x40, s16;
	[tilespmem:v1+s2+$0x0] =	vst.idx.add.f32.msk $0xffff, v2  }
0x24: {  	v1 =	vld [tilespmem:s17+$0xC400];
	_ =	sdelay $0x1  }
0x25: {  	s15 =	sadd.s32 $0x1, s15  }
0x26: {  	v2 =	vld [tilespmem:s17+$0xCC00];
	p0 =	sne.s32 s15, $0x68  }
.Ltmp2:
0x27: {  	_ = 	snop;
	(pc) =	sbr.rel @p0 .LBB2_4-.Ltmp2, $2  }
0x28: {  	_ =	sdelay $0x2  }
0x29: {  	[tilespmem:v1+s2+$0x0] =	vst.idx.add.f32.msk $0xffff, v2  }
0x2a: {  	s13 =	sadd.s32 $0x1, s13  }
0x2b: {  	p0 =	sne.s32 s13, s7  }
.Ltmp3:
0x2c: {  	_ = 	snop;
	(pc) =	sbr.rel @p0 .LBB2_1-.Ltmp3, $4  }
0x2d: {  	[hbm4b:s6+s10] =	stream.strided.scatter [tilespmem:s2], [sflag:$0x1], $0xC400, s11, s10, $0x38;
	[tilespmem:$0xD400] =	vst v63  }
0x2e: {  	_ =	swait.ge [sflag:s9], $0xC400  }
0x2f: {  	[sflag:s9] =	ssyncset.done $0x0  }
0x30: {  	[sflag:s9] =	ssyncadd.s32 $0xFFFF3C00  }
0x31: {  	_ =	sfence.sel $0x180000  }
0x32: {  	[bflag:$0x0] =	sbarrier.arrive $0xFFFF  }
0x33: {  	p0 =	sne.s32 s0, $0x0;
	_ =	strace $0x9000004D  }
0x34: {  	s0 =	sadd.s32 @!p0 $0x100000, s1;
	[bflag:$0x2] =	sbarrier.arrive $0xFFFF  }
0x35: {  	[sflag:s0] =	ssyncadd.tile.s32 @!p0 $0x1;
	_ =	shalt  }
.Lfunc_end2:
_tile_overlayer_lowered:
.L_overlay_start_2:
0x36: {  	(tag) =	ssettag $0x2  }
0x37: {  	s0 =	rddreg [dreg:$0x0];
	s2 =	stileid.u32  }
0x38: {  	s1 =	rddreg [dreg:$0x1];
	p0 =	sne.s32 s2, $0x0  }
0x39: {  	s3 =	rddreg [dreg:$0x2];
	[bflag:$0x3] =	sbarrier.arrive $0xFFFF;
	s2 =	simm.s32 @!p0 $0x1C01  }
0x3a: {  	[timem:s3], [sflag:s2] =	dma.local @!p0 [hbm:s0], s1  }
0x3b: {  	s0 =	simm.s32 @!p0 $0x1  }
0x3c: {  	_ =	swait.ge @!p0 [sflag:s0], s1  }
0x3d: {  	s1 =	ssub.s32 @!p0 $0x0, s1;
	[sflag:s0] =	ssyncset.done @!p0 $0x0  }
0x3e: {  	[sflag:s0] =	ssyncadd.s32 @!p0 s1  }
0x3f: {  	[bflag:$0x3] =	sbarrier.arrive $0xFFFF  }
0x40: {  	_ =	shalt  }

// kernel: kernel.19.cloned.1.call-start
scs
__scs_entry_jumppad:
0x0: {  	(pc) =	sbr.rel $0x88, $3  }
0x1: {  	(tag) =	ssettag $0x0;
	lr =	simm.s32 $0x1  }
0x2: {  	[smem:$0x3F97] =	sst lr;
	_ =	strace $0xD0000000  }
0x3: {  	_ = 	snop  }
0x4: {  	_ = 	snop  }
0x5: {  	_ = 	snop  }
0x6: {  	_ = 	snop  }
0x7: {  	_ = 	snop  }
__scs_overlays_trampoline_lowered:
0x8: {  	[smem:$0x3FA6] =	sst s0  }
0x9: {  	[smem:$0x3FA7] =	sst s1  }
0xa: {  	[smem:$0x3FA8] =	sst s2  }
0xb: {  	[smem:$0x3FA9] =	sst s3  }
0xc: {  	[smem:$0x3FAA] =	sst s4  }
0xd: {  	[smem:$0x3FAB] =	sst s5  }
0xe: {  	[smem:$0x3FAC] =	sst s6  }
0xf: {  	[smem:$0x3FAD] =	sst s7  }
0x10: {  	[smem:$0x3FAE] =	sst s8  }
0x11: {  	[smem:$0x3FAF] =	sst s9;
	s0 =	simm.s32 @!p0 $0x0  }
0x12: {  	s1 =	sld [smem:$0x3F95];
	s0 =	simm.s32 @p0 $0x1  }
0x13: {  	[smem:$0x3FB0] =	sst s0;
	s0 =	simm.s32 @!p1 $0x0  }
0x14: {  	s2 =	sld [smem:$0x3F94];
	s0 =	simm.s32 @p1 $0x1  }
0x15: {  	[smem:$0x3FB1] =	sst s0;
	s0 =	simm.s32 @!p2 $0x0  }
0x16: {  	s3 =	sld [smem:$0x3FDB];
	s0 =	simm.s32 @p2 $0x1  }
0x17: {  	s4 =	simm.s32 $0x1BF5;
	[smem:$0x3FB3] =	sst s0  }
0x18: {  	s0 =	sld [smem:$0x3F96];
	_ =	swait.ge [sflag:s4], $0x0  }
0x19: {  	s7 =	sld [smem:$0x3F97]  }
0x1a: {  	s8 =	sadd.s32 $0xFFFFE003, lr  }
0x1b: {  	s9 =	sadd.s32 $0xFFFFFEF7, lr;
	s5 =	simm.s32 $0xFFFFFFFF;
	p2 =	slt.u32 s8, $0xFFFFF086  }
0x1c: {  	p1 =	slt.u32 s9, $0xF7A;
	s5 =	simm.s32 @!p2 $0x0  }
0x1d: {  	s5 =	simm.s32 @p1 $0x1;
	p0 =	seq.s32 s7, s2  }
0x1e: {  	s7 =	smul.u32 @!p0 $0xF7A, s2;
	p2 =	seq.s32 @!p0 s5, $0x0  }
0x1f: {  	s9 =	smul.u32 $0xF7A, s1;
	s8 =	simm.s32 @!p0 $0x1BF5;
	p2 =	por !p2, p0  }
0x20: {  	[sflag:s8] =	ssyncset.s32 @!p0 $0xFFFFF086;
	s6 =	sadd.s32 @!p0 s3, s7;
	s7 =	simm.s32 @!p0 $0x108  }
0x21: {  	s3 =	sadd.s32 s3, s9;
	s6 =	sadd.s32 @!p0 $0x88, s6;
	s7 =	simm.s32 @p2 $0x1082  }
0x22: {  	[simem:s7], [sflag:s8] =	dma.local @!p0 [hbm:s6], $0xF7A  }
0x23: {  	s9 =	sor.u32 $0xD0000000, s2;
	s6 =	simm.s32 $0x108;
	_ =	swait.ge @!p0 [sflag:s8], $0x0  }
0x24: {  	s3 =	sadd.s32 $0x88, s3;
	s6 =	simm.s32 @!p1 $0x1082;
	[sflag:s4] =	ssyncset.s32 $0xFFFFF086  }
0x25: {  	[simem:s6], [sflag:s4] =	dma.local [hbm:s3], $0xF7A  }
0x26: {  	[smem:$0x3F97] =	sst s1;
	(tag) =	ssettag s2;
	_ =	strace s9  }
0x27: {  	s1 =	sld [smem:$0x3FA7]  }
0x28: {  	s2 =	sld [smem:$0x3FA8]  }
0x29: {  	s4 =	sld [smem:$0x3FAA]  }
0x2a: {  	p0 =	seq.s32 s5, $0x0;
	s5 =	sld [smem:$0x3FAB]  }
0x2b: {  	s6 =	sld [smem:$0x3FAC]  }
0x2c: {  	s7 =	sld [smem:$0x3FAD]  }
0x2d: {  	s3 =	simm.s32 $0x108;
	s8 =	sld [smem:$0x3FAE]  }
0x2e: {  	s3 =	simm.s32 @!p0 $0x1082;
	s9 =	sld [smem:$0x3FAF]  }
0x2f: {  	lr =	sadd.s32 s0, s3;
	s0 =	sld [smem:$0x3FA6]  }
0x30: {  	s3 =	sld [smem:$0x3FA9]  }
0x31: {  	[smem:$0x3FB2] =	sst s10  }
0x32: {  	s10 =	sld [smem:$0x3FB0];
	_ =	sdelay $0x3  }
0x33: {  	p0 =	seq.s32 s10, $0x1;
	s10 =	sld [smem:$0x3FB2];
	_ =	sdelay $0x3  }
0x34: {  	[smem:$0x3FB2] =	sst s10  }
0x35: {  	s10 =	sld [smem:$0x3FB1];
	_ =	sdelay $0x3  }
0x36: {  	p1 =	seq.s32 s10, $0x1;
	s10 =	sld [smem:$0x3FB2];
	_ =	sdelay $0x3  }
0x37: {  	[smem:$0x3FB2] =	sst s10  }
0x38: {  	s10 =	sld [smem:$0x3FB3]  }
0x39: {  	_ = 	snop;
	(pc) =	sbr.ind lr, $3  }
0x3a: {  	_ = 	snop  }
0x3b: {  	_ = 	snop  }
0x3c: {  	p2 =	seq.s32 s10, $0x1;
	s10 =	sld [smem:$0x3FB2]  }
0x3d: {  	_ =	shalt  }
0x3e: {  	_ =	shalt  }
0x3f: {  	_ =	shalt  }
0x40: {  	_ =	shalt  }
0x41: {  	_ =	shalt  }
0x42: {  	_ =	shalt  }
0x43: {  	_ =	shalt  }
0x44: {  	_ =	shalt  }
0x45: {  	_ =	shalt  }
0x46: {  	_ =	shalt  }
0x47: {  	_ =	shalt  }
0x48: {  	_ =	shalt  }
0x49: {  	_ =	shalt  }
0x4a: {  	_ =	shalt  }
0x4b: {  	_ =	shalt  }
0x4c: {  	_ =	shalt  }
0x4d: {  	_ =	shalt  }
0x4e: {  	_ =	shalt  }
0x4f: {  	_ =	shalt  }
0x50: {  	_ =	shalt  }
0x51: {  	_ =	shalt  }
0x52: {  	_ =	shalt  }
0x53: {  	_ =	shalt  }
0x54: {  	_ =	shalt  }
0x55: {  	_ =	shalt  }
0x56: {  	_ =	shalt  }
0x57: {  	_ =	shalt  }
0x58: {  	_ =	shalt  }
0x59: {  	_ =	shalt  }
0x5a: {  	_ =	shalt  }
0x5b: {  	_ =	shalt  }
0x5c: {  	_ =	shalt  }
0x5d: {  	_ =	shalt  }
0x5e: {  	_ =	shalt  }
0x5f: {  	_ =	shalt  }
0x60: {  	_ =	shalt  }
0x61: {  	_ =	shalt  }
0x62: {  	_ =	shalt  }
0x63: {  	_ =	shalt  }
0x64: {  	_ =	shalt  }
0x65: {  	_ =	shalt  }
0x66: {  	_ =	shalt  }
0x67: {  	_ =	shalt  }
0x68: {  	_ =	shalt  }
0x69: {  	_ =	shalt  }
0x6a: {  	_ =	shalt  }
0x6b: {  	_ =	shalt  }
0x6c: {  	_ =	shalt  }
0x6d: {  	_ =	shalt  }
0x6e: {  	_ =	shalt  }
0x6f: {  	_ =	shalt  }
0x70: {  	_ =	shalt  }
0x71: {  	_ =	shalt  }
0x72: {  	_ =	shalt  }
0x73: {  	_ =	shalt  }
0x74: {  	_ =	shalt  }
0x75: {  	_ =	shalt  }
0x76: {  	_ =	shalt  }
0x77: {  	_ =	shalt  }
0x78: {  	_ =	shalt  }
0x79: {  	_ =	shalt  }
0x7a: {  	_ =	shalt  }
0x7b: {  	_ =	shalt  }
0x7c: {  	_ =	shalt  }
0x7d: {  	_ =	shalt  }
0x7e: {  	_ =	shalt  }
0x7f: {  	_ =	shalt  }
0x80: {  	_ =	shalt  }
0x81: {  	_ =	shalt  }
0x82: {  	_ =	shalt  }
0x83: {  	_ =	shalt  }
0x84: {  	_ =	shalt  }
0x85: {  	_ =	shalt  }
0x86: {  	_ =	shalt  }
0x87: {  	_ =	shalt  }
.Lfunc_end0:
.L_simem_size_0:
called_computation.3_lowered:
.L_overlay_start_0:
0x88: {  	s2 =	sld [smem:$0x3FD9]  }
0x89: {  	s3 =	sld [smem:$0x3FFE];
	_ =	sdelay $0x1  }
0x8a: {  	s1 =	srdreg.scid  }
0x8b: {  	s0 =	sand.u32 $0x1, s1  }
0x8c: {  	s17 =	sshll.u32 s0, $0xA;
	s2 =	sadd.s32 s3, s2  }
0x8d: {  	s2 =	sadd.s32 s2, s17  }
0x8e: {  	[smem:$0x3FBE] =	sst s2  }
0x8f: {  	_ = 	snop  }
0x90: {  	s2 =	sld [smem:$0x3FD0];
	(tm) =	ssettm $0x1  }
0x91: {  	s18 =	sld [smem:$0x3FFB];
	_ =	sdelay $0x3  }
0x92: {  	_ =	strace s18  }
0x93: {  	s3 =	sld [smem:$0x3FFC];
	_ =	sdelay $0x3  }
0x94: {  	_ =	strace s3  }
0x95: {  	s3 =	sld [smem:$0x3FFD];
	_ =	sdelay $0x3  }
0x96: {  	_ =	strace s3  }
0x97: {  	_ =	strace $0x8FFFFFFF  }
0x98: {  	s19 =	sld [smem:$0x3FDB];
	_ =	sdelay $0x1  }
0x99: {  	s4 =	simm.s32 $_scs_section_size  }
0x9a: {  	s5 =	simm.s32 $_size__tile_overlayer_lowered;
	s6 =	simm.s32 $_tile_overlayer_lowered  }
0x9b: {  	s22 =	simm.s32 $0x1BFF;
	s21 =	sshll.u32 s6, $0x1;
	s3 =	sadd.s32 s4, s19  }
0x9c: {  	s7 =	simm.s32 $0x0;
	s20 =	sshll.u32 s5, $0x1;
	s5 =	sadd.s32 s21, s3  }
0x9d: {  	[timem:s7], [sflag:s22] =	dma.local [hbm:s5], s20  }
0x9e: {  	_ =	swait.ge [sflag:s22], s20  }
0x9f: {  	s4 =	ssub.s32 $0x0, s20;
	[sflag:s22] =	ssyncset.done $0x0  }
0xa0: {  	[sflag:s22] =	ssyncadd.s32 s4;
	_ =	sdelay $0x1  }
0xa1: {  	s23 =	simm.s32 $0x1B8B  }
0xa2: {  	_ =	swait.ge [sflag:s23], $0x1  }
0xa3: {  	[sflag:s23] =	ssyncset.done $0x0  }
0xa4: {  	s25 =	simm.s32 $0x1B8E;
	s24 =	sld [smem:$0x3FFE];
	[sflag:s23] =	ssyncadd.s32 $0xFFFFFFFF  }
0xa5: {  	s26 =	simm.s32 $execute0_lowered;
	[smem:$0x3FD2] =	sst s25  }
0xa6: {  	s5 =	sshll.u32 s26, $0x1;
	_ =	strace $0x8000004F;
	[dreg:$0x1] =	wrdreg $0xFFFFFFFF  }
0xa7: {  	s28 =	simm.s32 $_size_execute0_lowered;
	s3 =	sadd.s32 s3, s5;
	[dreg:$0x0] =	wrdreg $0x0  }
0xa8: {  	s5 =	sshll.u32 s28, $0x1;
	[dreg:$0x2] =	wrdreg s3  }
0xa9: {  	[dreg:$0x3] =	wrdreg s5  }
0xaa: {  	[dreg:$0x4] =	wrdreg $0xC0  }
0xab: {  	_ =	task [dreg:s7], $0x5FFFF  }
0xac: {  	[dreg:$0x1] =	wrdreg $0xFFFFFFFF  }
0xad: {  	[dreg:$0x0] =	wrdreg $0x60  }
0xae: {  	[dreg:$0x2] =	wrdreg s24  }
0xaf: {  	[dreg:$0x3] =	wrdreg s2  }
0xb0: {  	[dreg:$0x4] =	wrdreg $0x9  }
0xb1: {  	_ =	task.clear_ibuf [dreg:s7], $0x5FFFF;
	_ =	strace $0x9000004F  }
0xb2: {  	s29 =	simm.s32 $0x9;
	_ =	strace $0x80000051  }
0xb3: {  	_ =	swait.ge [sflag:s29], $0x1  }
0xb4: {  	[sflag:s29] =	ssyncadd.s32 $0xFFFFFFFF  }
0xb5: {  	_ =	strace $0x90000051  }
0xb6: {  	_ =	sfence  }
0xb7: {  	s30 =	sld [smem:$0x0];
	_ =	sdelay $0x2  }
0xb8: {  	s31 =	sshll.u32 s1, $0xD;
	s1 =	sshrl.u32 s1, $0x2  }
0xb9: {  	s3 =	sand.u32 $0x4000, s31;
	s1 =	sadd.s32 s1, s30  }
0xba: {  	s0 =	sor.u32 s3, s0;
	s1 =	sshll.u32 s1, $0x11  }
0xbb: {  	s0 =	sor.u32 s1, s0  }
0xbc: {  	s0 =	sadd.s32 $0x8F2B, s0  }
0xbd: {  	[sflag:s0] =	ssyncadd.remote.s32 $0x1  }
0xbe: {  	_ =	sfence.sel $0xFFFF  }
0xbf: {  	[dreg:$0x0] =	wrdreg $0xFFFFFFFF;
	(pc) =	sbr.abs _section_cstart, $3  }
0xc0: {  	[dreg:$0x1] =	wrdreg $0xFFFFFFFF  }
0xc1: {  	_ =	task.clear_ibuf [dreg:s7], $0x2FFFF;
	_ =	strace $0x9FFFFFFF  }
0xc2: {  	(tm) =	ssettm $0x7FFFFFFF  }
0xc3: {  	_ =	shalt  }
tec
execute0_lowered:
.L_overlay_start_1:
0x0: {  	(tag) =	ssettag $0x1  }
0x1: {  	s6 =	rddreg [dreg:$0x0]  }
0x2: {  	s1 =	rddreg [dreg:$0x1]  }
0x3: {  	s0 =	rddreg [dreg:$0x2];
	s2 =	simm.s32 $0x0  }
0x4: {  	s5 =	srdreg.scid;
	s3 =	stileid.u32;
	s11 =	simm.s32 $0x100  }
0x5: {  	s12 =	simm.s32 $0x1;
	s13 =	simm.s32 $0xC400;
	s14 =	simm.s32 $0x18800  }
0x6: {  	s15 =	simm.s32 $0x19000;
	s16 =	simm.s32 $0x19800;
	s17 =	simm.s32 $0x0  }
0x7: {  	[smem:$0x7FF] =	sst s2;
	s4 =	sadd.s32 $0x945400, s6;
	s7 =	sand.u32 $0x1, s5  }
0x8: {  	s5 =	sadd.s32 $0x92B400, s6;
	s9 =	sshll.u32 s3, $0x1;
	s8 =	ssub.s32 $0x2, s7  }
0x9: {  	s6 =	sadd.s32 $0xF800, s6;
	_ =	strace $0x80000050;
	s10 =	sshrl.u32 s8, $0x1  }
0xa: {  	s9 =	sor.u32 s7, s9;
	s7 =	sadd.s32 $0x10, s1;
	s10 =	ssub.s32 s8, s10  }
0xb: {  	s8 =	smul.u32 $0x6800, s9;
	s9 =	smax.u32 s10, $0x1;
	s10 =	simm.s32 $0x80  }
.LBB2_1:
0xc: {  	[tilespmem:s2], [sflag:$0x1] =	stream.strided.gather [hbm4b:s1+s10], $0xC400, s11, s10, $0x38;
	[tilespmem:$0x1A000] =	vst v63  }
0xd: {  	_ =	swait.ge [sflag:s12], $0xC400  }
0xe: {  	[sflag:s12] =	ssyncset.done $0x0  }
0xf: {  	[sflag:s12] =	ssyncadd.s32 $0xFFFF3C00  }
0x10: {  	[tilespmem:s13], [sflag:$0x1] =	stream.strided.gather [hbm4b:s7+s10], $0xC400, s11, s10, $0x38;
	[tilespmem:$0x1A000] =	vst v63  }
0x11: {  	_ =	swait.ge [sflag:s12], $0xC400  }
0x12: {  	[sflag:s12] =	ssyncset.done $0x0  }
0x13: {  	s18 =	simm.s32 $0x0;
	[sflag:s12] =	ssyncadd.s32 $0xFFFF3C00  }
.LBB2_2:
0x14: {  	s19 =	sshll.u32 s18, $0xB  }
0x15: {  	s19 =	sadd.s32 s8, s19  }
0x16: {  	s19 =	sshrl.u32 s19, $0x3  }
0x17: {  	s21 =	simm.s32 $0x0;
	s20 =	sadd.s32 s4, s19  }
0x18: {  	[tilespmem:s14], [sflag:$0x1] =	stream.linear.gather [hbm4b:s20+s21], $0x800, $0x38;
	[tilespmem:$0x1A000] =	vst v63  }
0x19: {  	_ =	swait.ge [sflag:s12], $0x800  }
0x1a: {  	[sflag:s12] =	ssyncset.done $0x0  }
0x1b: {  	s31 =	sadd.s32 s5, s19;
	[sflag:s12] =	ssyncadd.s32 $0xFFFFF800  }
0x1c: {  	[tilespmem:s15], [sflag:$0x1] =	stream.linear.gather [hbm4b:s31+s21], $0x800, $0x38;
	[tilespmem:$0x1A000] =	vst v63  }
0x1d: {  	_ =	swait.ge [sflag:s12], $0x800  }
0x1e: {  	[sflag:s12] =	ssyncset.done $0x0  }
0x1f: {  	s20 =	simm.s32 $0x0;
	[sflag:s12] =	ssyncadd.s32 $0xFFFFF800  }
0x20: {  	v0 =	vld [tilespmem:s20+$0x19000]  }
0x21: {  	v1 =	vld [tilespmem:s20+$0x18800];
	_ =	sdelay $0x6  }
0x22: {  	v0 =	vld.idx.msk [tilespmem:v0+s13+$0x0], $0xffff  }
0x23: {  	v1 =	vld.idx.msk [tilespmem:v1+s2+$0x0], $0xffff;
	_ =	sdelay $0x4  }
0x24: {  	v0 =	vadd.f32 v0, v1;
	_ =	sdelay $0x1  }
0x25: {  	v1 =	vmul.f32 $2.000000030e-01, v0;
	_ =	sdelay $0x1  }
0x26: {  	v0 =	vmax.f32 v0, v1  }
0x27: {  	v0 =	vmul.f32 $1.442695020e+00, v0;
	_ =	sdelay $0x1  }
0x28: {  	(erf) = vpow2.f32 v0;
	_ =	sdelay $0x1  }
0x29: {  	s22 =	simm.s32 $0x10  }
0x2a: {  	s21 =	simm.s32 $0x80;
	v0 =	vld [tilespmem:s22+$0x19000]  }
.LBB2_3:
0x2b: {  	p0 =	sne.s32 s21, $0x1FC0;
	v1 =	vld [tilespmem:s22+$0x18800];
	_ =	sdelay $0x4  }
0x2c: {  	v2 =	vpop (erf)  }
0x2d: {  	[tilespmem:s20+$0x19800] =	vst v2;
	s20 =	smov.u32 s22  }
0x2e: {  	v0 =	vld.idx.msk [tilespmem:v0+s13+$0x0], $0xffff  }
0x2f: {  	v1 =	vld.idx.msk [tilespmem:v1+s2+$0x0], $0xffff;
	_ =	sdelay $0x5  }
0x30: {  	v0 =	vadd.f32 v0, v1;
	_ =	sdelay $0x1  }
0x31: {  	v1 =	vmul.f32 $2.000000030e-01, v0;
	_ =	sdelay $0x1  }
0x32: {  	v0 =	vmax.f32 v0, v1  }
0x33: {  	v0 =	vmul.f32 $1.442695020e+00, v0  }
.Ltmp0:
0x34: {  	(pc) =	sbr.rel @p0 .LBB2_3-.Ltmp0, $3  }
0x35: {  	(erf) = vpow2.f32 v0;
	_ =	sdelay $0x1  }
0x36: {  	s22 =	sshra.s32 s21, $0x2  }
0x37: {  	s21 =	sadd.s32 $0x40, s21;
	v0 =	vld [tilespmem:s22+$0x19000]  }
0x38: {  	_ = 	snop  }
0x39: {  	v1 =	vld [tilespmem:s22+$0x18800];
	_ =	sdelay $0x4  }
0x3a: {  	v2 =	vpop (erf)  }
0x3b: {  	[tilespmem:s20+$0x19800] =	vst v2  }
0x3c: {  	v0 =	vld.idx.msk [tilespmem:v0+s13+$0x0], $0xffff  }
0x3d: {  	v1 =	vld.idx.msk [tilespmem:v1+s2+$0x0], $0xffff;
	_ =	sdelay $0x4  }
0x3e: {  	v0 =	vadd.f32 v0, v1;
	_ =	sdelay $0x1  }
0x3f: {  	v1 =	vmul.f32 $2.000000030e-01, v0;
	_ =	sdelay $0x1  }
0x40: {  	v0 =	vmax.f32 v0, v1  }
0x41: {  	v0 =	vmul.f32 $1.442695020e+00, v0;
	_ =	sdelay $0x1  }
0x42: {  	(erf) = vpow2.f32 v0;
	_ =	sdelay $0x7  }
0x43: {  	s18 =	sadd.s32 $0x1, s18  }
0x44: {  	p0 =	sne.s32 s18, $0xD;
	v0 =	vpop (erf)  }
.Ltmp1:
0x45: {  	s19 =	sadd.s32 s6, s19;
	[tilespmem:s22+$0x19800] =	vst v0;
	(pc) =	sbr.rel @p0 .LBB2_2-.Ltmp1, $4  }
0x46: {  	[hbm4b:s19+s2] =	stream.linear.scatter [tilespmem:s16], [sflag:$0x1], $0x800, $0x38;
	[tilespmem:$0x1A000] =	vst v63  }
0x47: {  	_ =	swait.ge [sflag:s12], $0x800  }
0x48: {  	[sflag:s12] =	ssyncset.done $0x0  }
0x49: {  	[sflag:s12] =	ssyncadd.s32 $0xFFFFF800  }
0x4a: {  	s17 =	sadd.s32 $0x1, s17  }
0x4b: {  	p0 =	sne.s32 s17, s9  }
.Ltmp2:
0x4c: {  	_ = 	snop;
	(pc) =	sbr.rel @p0 .LBB2_1-.Ltmp2, $1  }
0x4d: {  	_ =	sdelay $0x3  }
0x4e: {  	_ =	sfence.sel $0x180000  }
0x4f: {  	[bflag:$0x0] =	sbarrier.arrive $0xFFFF  }
0x50: {  	p0 =	sne.s32 s3, $0x0;
	_ =	strace $0x90000050  }
0x51: {  	s0 =	sadd.s32 @!p0 $0x100000, s0;
	[bflag:$0x2] =	sbarrier.arrive $0xFFFF  }
0x52: {  	[sflag:s0] =	ssyncadd.tile.s32 @!p0 $0x1;
	_ =	shalt  }
.Lfunc_end2:
_tile_overlayer_lowered:
.L_overlay_start_2:
0x53: {  	(tag) =	ssettag $0x2  }
0x54: {  	s0 =	rddreg [dreg:$0x0];
	s2 =	stileid.u32  }
0x55: {  	s1 =	rddreg [dreg:$0x1];
	p0 =	sne.s32 s2, $0x0  }
0x56: {  	s3 =	rddreg [dreg:$0x2];
	[bflag:$0x3] =	sbarrier.arrive $0xFFFF;
	s2 =	simm.s32 @!p0 $0x1C01  }
0x57: {  	[timem:s3], [sflag:s2] =	dma.local @!p0 [hbm:s0], s1  }
0x58: {  	s0 =	simm.s32 @!p0 $0x1  }
0x59: {  	_ =	swait.ge @!p0 [sflag:s0], s1  }
0x5a: {  	s1 =	ssub.s32 @!p0 $0x0, s1;
	[sflag:s0] =	ssyncset.done @!p0 $0x0  }
0x5b: {  	[sflag:s0] =	ssyncadd.s32 @!p0 s1  }
0x5c: {  	[bflag:$0x3] =	sbarrier.arrive $0xFFFF  }
0x5d: {  	_ =	shalt  }

// kernel: kernel.22.cloned.1.call-start
scs
__scs_entry_jumppad:
0x0: {  	(pc) =	sbr.rel $0x88, $3  }
0x1: {  	(tag) =	ssettag $0x0;
	lr =	simm.s32 $0x1  }
0x2: {  	[smem:$0x3F97] =	sst lr;
	_ =	strace $0xD0000000  }
0x3: {  	_ = 	snop  }
0x4: {  	_ = 	snop  }
0x5: {  	_ = 	snop  }
0x6: {  	_ = 	snop  }
0x7: {  	_ = 	snop  }
__scs_overlays_trampoline_lowered:
0x8: {  	[smem:$0x3FA6] =	sst s0  }
0x9: {  	[smem:$0x3FA7] =	sst s1  }
0xa: {  	[smem:$0x3FA8] =	sst s2  }
0xb: {  	[smem:$0x3FA9] =	sst s3  }
0xc: {  	[smem:$0x3FAA] =	sst s4  }
0xd: {  	[smem:$0x3FAB] =	sst s5  }
0xe: {  	[smem:$0x3FAC] =	sst s6  }
0xf: {  	[smem:$0x3FAD] =	sst s7  }
0x10: {  	[smem:$0x3FAE] =	sst s8  }
0x11: {  	[smem:$0x3FAF] =	sst s9;
	s0 =	simm.s32 @!p0 $0x0  }
0x12: {  	s1 =	sld [smem:$0x3F95];
	s0 =	simm.s32 @p0 $0x1  }
0x13: {  	[smem:$0x3FB0] =	sst s0;
	s0 =	simm.s32 @!p1 $0x0  }
0x14: {  	s2 =	sld [smem:$0x3F94];
	s0 =	simm.s32 @p1 $0x1  }
0x15: {  	[smem:$0x3FB1] =	sst s0;
	s0 =	simm.s32 @!p2 $0x0  }
0x16: {  	s3 =	sld [smem:$0x3FDB];
	s0 =	simm.s32 @p2 $0x1  }
0x17: {  	s4 =	simm.s32 $0x1BF5;
	[smem:$0x3FB3] =	sst s0  }
0x18: {  	s0 =	sld [smem:$0x3F96];
	_ =	swait.ge [sflag:s4], $0x0  }
0x19: {  	s7 =	sld [smem:$0x3F97]  }
0x1a: {  	s8 =	sadd.s32 $0xFFFFE003, lr  }
0x1b: {  	s9 =	sadd.s32 $0xFFFFFEF7, lr;
	s5 =	simm.s32 $0xFFFFFFFF;
	p2 =	slt.u32 s8, $0xFFFFF086  }
0x1c: {  	p1 =	slt.u32 s9, $0xF7A;
	s5 =	simm.s32 @!p2 $0x0  }
0x1d: {  	s5 =	simm.s32 @p1 $0x1;
	p0 =	seq.s32 s7, s2  }
0x1e: {  	s7 =	smul.u32 @!p0 $0xF7A, s2;
	p2 =	seq.s32 @!p0 s5, $0x0  }
0x1f: {  	s9 =	smul.u32 $0xF7A, s1;
	s8 =	simm.s32 @!p0 $0x1BF5;
	p2 =	por !p2, p0  }
0x20: {  	[sflag:s8] =	ssyncset.s32 @!p0 $0xFFFFF086;
	s6 =	sadd.s32 @!p0 s3, s7;
	s7 =	simm.s32 @!p0 $0x108  }
0x21: {  	s3 =	sadd.s32 s3, s9;
	s6 =	sadd.s32 @!p0 $0x88, s6;
	s7 =	simm.s32 @p2 $0x1082  }
0x22: {  	[simem:s7], [sflag:s8] =	dma.local @!p0 [hbm:s6], $0xF7A  }
0x23: {  	s9 =	sor.u32 $0xD0000000, s2;
	s6 =	simm.s32 $0x108;
	_ =	swait.ge @!p0 [sflag:s8], $0x0  }
0x24: {  	s3 =	sadd.s32 $0x88, s3;
	s6 =	simm.s32 @!p1 $0x1082;
	[sflag:s4] =	ssyncset.s32 $0xFFFFF086  }
0x25: {  	[simem:s6], [sflag:s4] =	dma.local [hbm:s3], $0xF7A  }
0x26: {  	[smem:$0x3F97] =	sst s1;
	(tag) =	ssettag s2;
	_ =	strace s9  }
0x27: {  	s1 =	sld [smem:$0x3FA7]  }
0x28: {  	s2 =	sld [smem:$0x3FA8]  }
0x29: {  	s4 =	sld [smem:$0x3FAA]  }
0x2a: {  	p0 =	seq.s32 s5, $0x0;
	s5 =	sld [smem:$0x3FAB]  }
0x2b: {  	s6 =	sld [smem:$0x3FAC]  }
0x2c: {  	s7 =	sld [smem:$0x3FAD]  }
0x2d: {  	s3 =	simm.s32 $0x108;
	s8 =	sld [smem:$0x3FAE]  }
0x2e: {  	s3 =	simm.s32 @!p0 $0x1082;
	s9 =	sld [smem:$0x3FAF]  }
0x2f: {  	lr =	sadd.s32 s0, s3;
	s0 =	sld [smem:$0x3FA6]  }
0x30: {  	s3 =	sld [smem:$0x3FA9]  }
0x31: {  	[smem:$0x3FB2] =	sst s10  }
0x32: {  	s10 =	sld [smem:$0x3FB0];
	_ =	sdelay $0x3  }
0x33: {  	p0 =	seq.s32 s10, $0x1;
	s10 =	sld [smem:$0x3FB2];
	_ =	sdelay $0x3  }
0x34: {  	[smem:$0x3FB2] =	sst s10  }
0x35: {  	s10 =	sld [smem:$0x3FB1];
	_ =	sdelay $0x3  }
0x36: {  	p1 =	seq.s32 s10, $0x1;
	s10 =	sld [smem:$0x3FB2];
	_ =	sdelay $0x3  }
0x37: {  	[smem:$0x3FB2] =	sst s10  }
0x38: {  	s10 =	sld [smem:$0x3FB3]  }
0x39: {  	_ = 	snop;
	(pc) =	sbr.ind lr, $3  }
0x3a: {  	_ = 	snop  }
0x3b: {  	_ = 	snop  }
0x3c: {  	p2 =	seq.s32 s10, $0x1;
	s10 =	sld [smem:$0x3FB2]  }
0x3d: {  	_ =	shalt  }
0x3e: {  	_ =	shalt  }
0x3f: {  	_ =	shalt  }
0x40: {  	_ =	shalt  }
0x41: {  	_ =	shalt  }
0x42: {  	_ =	shalt  }
0x43: {  	_ =	shalt  }
0x44: {  	_ =	shalt  }
0x45: {  	_ =	shalt  }
0x46: {  	_ =	shalt  }
0x47: {  	_ =	shalt  }
0x48: {  	_ =	shalt  }
0x49: {  	_ =	shalt  }
0x4a: {  	_ =	shalt  }
0x4b: {  	_ =	shalt  }
0x4c: {  	_ =	shalt  }
0x4d: {  	_ =	shalt  }
0x4e: {  	_ =	shalt  }
0x4f: {  	_ =	shalt  }
0x50: {  	_ =	shalt  }
0x51: {  	_ =	shalt  }
0x52: {  	_ =	shalt  }
0x53: {  	_ =	shalt  }
0x54: {  	_ =	shalt  }
0x55: {  	_ =	shalt  }
0x56: {  	_ =	shalt  }
0x57: {  	_ =	shalt  }
0x58: {  	_ =	shalt  }
0x59: {  	_ =	shalt  }
0x5a: {  	_ =	shalt  }
0x5b: {  	_ =	shalt  }
0x5c: {  	_ =	shalt  }
0x5d: {  	_ =	shalt  }
0x5e: {  	_ =	shalt  }
0x5f: {  	_ =	shalt  }
0x60: {  	_ =	shalt  }
0x61: {  	_ =	shalt  }
0x62: {  	_ =	shalt  }
0x63: {  	_ =	shalt  }
0x64: {  	_ =	shalt  }
0x65: {  	_ =	shalt  }
0x66: {  	_ =	shalt  }
0x67: {  	_ =	shalt  }
0x68: {  	_ =	shalt  }
0x69: {  	_ =	shalt  }
0x6a: {  	_ =	shalt  }
0x6b: {  	_ =	shalt  }
0x6c: {  	_ =	shalt  }
0x6d: {  	_ =	shalt  }
0x6e: {  	_ =	shalt  }
0x6f: {  	_ =	shalt  }
0x70: {  	_ =	shalt  }
0x71: {  	_ =	shalt  }
0x72: {  	_ =	shalt  }
0x73: {  	_ =	shalt  }
0x74: {  	_ =	shalt  }
0x75: {  	_ =	shalt  }
0x76: {  	_ =	shalt  }
0x77: {  	_ =	shalt  }
0x78: {  	_ =	shalt  }
0x79: {  	_ =	shalt  }
0x7a: {  	_ =	shalt  }
0x7b: {  	_ =	shalt  }
0x7c: {  	_ =	shalt  }
0x7d: {  	_ =	shalt  }
0x7e: {  	_ =	shalt  }
0x7f: {  	_ =	shalt  }
0x80: {  	_ =	shalt  }
0x81: {  	_ =	shalt  }
0x82: {  	_ =	shalt  }
0x83: {  	_ =	shalt  }
0x84: {  	_ =	shalt  }
0x85: {  	_ =	shalt  }
0x86: {  	_ =	shalt  }
0x87: {  	_ =	shalt  }
.Lfunc_end0:
.L_simem_size_0:
called_computation.4_lowered:
.L_overlay_start_0:
0x88: {  	s2 =	sld [smem:$0x3FD9]  }
0x89: {  	s3 =	sld [smem:$0x3FFE];
	_ =	sdelay $0x1  }
0x8a: {  	s1 =	srdreg.scid  }
0x8b: {  	s0 =	sand.u32 $0x1, s1  }
0x8c: {  	s16 =	sshll.u32 s0, $0xA;
	s2 =	sadd.s32 s3, s2  }
0x8d: {  	s2 =	sadd.s32 s2, s16  }
0x8e: {  	[smem:$0x3FBE] =	sst s2  }
0x8f: {  	_ = 	snop  }
0x90: {  	(tm) =	ssettm $0x1  }
0x91: {  	s17 =	sld [smem:$0x3FFB];
	_ =	sdelay $0x3  }
0x92: {  	_ =	strace s17  }
0x93: {  	s2 =	sld [smem:$0x3FFC];
	_ =	sdelay $0x3  }
0x94: {  	_ =	strace s2  }
0x95: {  	s2 =	sld [smem:$0x3FFD];
	_ =	sdelay $0x3  }
0x96: {  	_ =	strace s2  }
0x97: {  	_ =	strace $0x8FFFFFFF  }
0x98: {  	s18 =	sld [smem:$0x3FDB];
	_ =	sdelay $0x1  }
0x99: {  	s19 =	simm.s32 $_scs_section_size  }
0x9a: {  	s4 =	simm.s32 $_size__tile_overlayer_lowered;
	s5 =	simm.s32 $_tile_overlayer_lowered  }
0x9b: {  	s22 =	simm.s32 $0x1BFF;
	s21 =	sshll.u32 s5, $0x1;
	s2 =	sadd.s32 s19, s18  }
0x9c: {  	s6 =	simm.s32 $0x0;
	s20 =	sshll.u32 s4, $0x1;
	s4 =	sadd.s32 s21, s2  }
0x9d: {  	[timem:s6], [sflag:s22] =	dma.local [hbm:s4], s20  }
0x9e: {  	_ =	swait.ge [sflag:s22], s20  }
0x9f: {  	s3 =	ssub.s32 $0x0, s20;
	[sflag:s22] =	ssyncset.done $0x0  }
0xa0: {  	[sflag:s22] =	ssyncadd.s32 s3;
	_ =	sdelay $0x1  }
0xa1: {  	s23 =	simm.s32 $0x1B8B  }
0xa2: {  	_ =	swait.ge [sflag:s23], $0x1  }
0xa3: {  	[sflag:s23] =	ssyncset.done $0x0  }
0xa4: {  	s25 =	simm.s32 $0x1B8E;
	s24 =	sld [smem:$0x3FFE];
	[sflag:s23] =	ssyncadd.s32 $0xFFFFFFFF  }
0xa5: {  	s26 =	simm.s32 $execute0_lowered;
	[smem:$0x3FD2] =	sst s25  }
0xa6: {  	s4 =	sshll.u32 s26, $0x1;
	_ =	strace $0x80000052;
	[dreg:$0x1] =	wrdreg $0xFFFFFFFF  }
0xa7: {  	s28 =	simm.s32 $_size_execute0_lowered;
	s2 =	sadd.s32 s2, s4;
	[dreg:$0x0] =	wrdreg $0x0  }
0xa8: {  	s4 =	sshll.u32 s28, $0x1;
	[dreg:$0x2] =	wrdreg s2  }
0xa9: {  	[dreg:$0x3] =	wrdreg s4  }
0xaa: {  	[dreg:$0x4] =	wrdreg $0xC0  }
0xab: {  	_ =	task [dreg:s6], $0x5FFFF  }
0xac: {  	[dreg:$0x1] =	wrdreg $0xFFFFFFFF  }
0xad: {  	[dreg:$0x0] =	wrdreg $0x60  }
0xae: {  	[dreg:$0x2] =	wrdreg s24  }
0xaf: {  	[dreg:$0x3] =	wrdreg $0x9  }
0xb0: {  	_ =	task.clear_ibuf [dreg:s6], $0x4FFFF;
	_ =	strace $0x90000052  }
0xb1: {  	s29 =	simm.s32 $0x9;
	_ =	strace $0x80000054  }
0xb2: {  	_ =	swait.ge [sflag:s29], $0x1  }
0xb3: {  	[sflag:s29] =	ssyncadd.s32 $0xFFFFFFFF  }
0xb4: {  	_ =	strace $0x90000054  }
0xb5: {  	_ =	sfence  }
0xb6: {  	s30 =	sld [smem:$0x0];
	_ =	sdelay $0x2  }
0xb7: {  	s31 =	sshll.u32 s1, $0xD;
	s1 =	sshrl.u32 s1, $0x2  }
0xb8: {  	s3 =	sand.u32 $0x4000, s31;
	s1 =	sadd.s32 s1, s30  }
0xb9: {  	s0 =	sor.u32 s3, s0;
	s1 =	sshll.u32 s1, $0x11  }
0xba: {  	s0 =	sor.u32 s1, s0  }
0xbb: {  	s0 =	sadd.s32 $0x8F2B, s0  }
0xbc: {  	[sflag:s0] =	ssyncadd.remote.s32 $0x1  }
0xbd: {  	_ =	sfence.sel $0xFFFF  }
0xbe: {  	[dreg:$0x0] =	wrdreg $0xFFFFFFFF;
	(pc) =	sbr.abs _section_cstart, $3  }
0xbf: {  	[dreg:$0x1] =	wrdreg $0xFFFFFFFF  }
0xc0: {  	_ =	task.clear_ibuf [dreg:s6], $0x2FFFF;
	_ =	strace $0x9FFFFFFF  }
0xc1: {  	(tm) =	ssettm $0x7FFFFFFF  }
tec
execute0_lowered:
.L_overlay_start_1:
0x0: {  	(tag) =	ssettag $0x1  }
0x1: {  	s6 =	rddreg [dreg:$0x0]  }
0x2: {  	s0 =	rddreg [dreg:$0x1];
	s2 =	simm.s32 $0x0;
	s1 =	stileid.u32  }
0x3: {  	s3 =	srdreg.scid;
	s13 =	simm.s32 $0x19800;
	s14 =	simm.s32 $0xC400  }
0x4: {  	s15 =	simm.s32 $0x80;
	s16 =	simm.s32 $0x400;
	s17 =	simm.s32 $0x0  }
0x5: {  	s10 =	sshrl.u32 s1, $0x1;
	s5 =	sand.u32 $0x1, s3;
	s30 =	sshll.u32 s1, $0x1  }
0x6: {  	[smem:$0x7FF] =	sst s2;
	s3 =	sor.u32 s5, s30;
	s4 =	sshll.u32 s10, $0x2  }
0x7: {  	_ =	strace $0x80000053;
	s9 =	sshll.u32 s10, $0x4;
	s11 =	sshll.u32 s10, $0x7  }
0x8: {  	s31 =	ssub.s32 $0x2, s5;
	s5 =	sadd.s32 $0xF800, s6;
	s7 =	ssub.s32 s3, s4  }
0x9: {  	p0 =	seq.s32 s10, $0x7;
	s3 =	sadd.s32 $0x945400, s6;
	s8 =	smul.u32 $0x62000, s7  }
.Ltmp0:
0xa: {  	s10 =	simm.s32 $0x18800;
	s4 =	sadd.s32 $0x92B400, s6;
	(pc) =	sbr.rel .LBB2_1-.Ltmp0, $4  }
0xb: {  	s9 =	sadd.s32 s9, s6;
	s12 =	sshrl.u32 s31, $0x1;
	s8 =	sor.u32 s11, s8  }
0xc: {  	s7 =	smul.u32 $0x34000, s7;
	s11 =	ssub.s32 s31, s12;
	s8 =	sshrl.u32 s8, $0x3  }
0xd: {  	s12 =	simm.s32 $0x19000;
	s8 =	sadd.s32 s8, s6;
	s6 =	sadd.s32 $0x3400, s9  }
0xe: {  	v0 =	vimm.f32 $0.0e+00;
	s9 =	smax.u32 s11, $0x1;
	s11 =	simm.s32 $0x1;
	s8 =	sadd.s32 $0x29800, s8  }
.LBB2_10:
0xf: {  	s17 =	sadd.s32 $0x1, s17  }
0x10: {  	p1 =	sne.s32 s17, s9  }
.Ltmp1:
0x11: {  	_ = 	snop;
	(pc) =	sbr.rel @!p1 .LBB2_11-.Ltmp1, $4  }
0x12: {  	[hbm4b:s8+s15] =	stream.strided.scatter [tilespmem:s14], [sflag:$0x1], $0xC400, s16, s15, $0x38;
	[tilespmem:$0x1A000] =	vst v63  }
0x13: {  	_ =	swait.ge [sflag:s11], $0xC400  }
0x14: {  	[sflag:s11] =	ssyncset.done $0x0  }
0x15: {  	[sflag:s11] =	ssyncadd.s32 $0xFFFF3C00  }
.LBB2_1:
0x16: {  	s18 =	simm.s32 $0x40;
	s19 =	simm.s32 $0x0  }
.LBB2_2:
0x17: {  	p1 =	sne.s32 s18, $0x30FC0;
	[tilespmem:s19+$0xC400] =	vst v0;
	s19 =	smov.u32 s18;
	s18 =	sadd.s32 $0x40, s18  }
.Ltmp2:
0x18: {  	(pc) =	sbr.rel @p1 .LBB2_2-.Ltmp2, $2  }
0x19: {  	_ =	sdelay $0x2  }
0x1a: {  	s19 =	sshra.s32 s19, $0x2  }
0x1b: {  	[tilespmem:s19+$0xC400] =	vst v0;
	s18 =	simm.s32 @!p0 $0x80;
	s19 =	simm.s32 @!p0 $0x400;
	s20 =	simm.s32 @!p0 $0x0  }
0x1c: {  	[tilespmem:s20], [sflag:$0x1] =	stream.strided.gather @!p0 [hbm4b:s6+s18], $0xC400, s19, s18, $0x38;
	[tilespmem:$0x1A000] =	vst v63  }
.Ltmp3:
0x1d: {  	_ = 	snop;
	(pc) =	sbr.rel .LBB2_4-.Ltmp3, $4  }
0x1e: {  	s18 =	simm.s32 @!p0 $0x1  }
0x1f: {  	_ =	swait.ge @!p0 [sflag:s18], $0xC400  }
0x20: {  	[sflag:s18] =	ssyncset.done @!p0 $0x0  }
0x21: {  	s19 =	simm.s32 $0x0;
	[sflag:s18] =	ssyncadd.s32 @!p0 $0xFFFF3C00;
	s18 =	simm.s32 $0x0  }
.LBB2_6:
0x22: {  	v1 =	vld [tilespmem:s21+$0x18800];
	_ =	sdelay $0x5  }
0x23: {  	v2 =	vld [tilespmem:s21+$0x19000]  }
0x24: {  	v3 =	vld [tilespmem:s21+$0x19800]  }
0x25: {  	v1 =	vld.idx.msk [tilespmem:v1+s2+$0x0], $0xffff;
	_ =	sdelay $0x4  }
0x26: {  	v1 =	vmul.f32 v1, v3;
	_ =	sdelay $0x1  }
0x27: {  	[tilespmem:v2+s14+$0x0] =	vst.idx.add.f32.msk $0xffff, v1  }
.LBB2_9:
0x28: {  	s19 =	sadd.s32 $0x1, s19  }
0x29: {  	p1 =	sne.s32 s19, $0x68  }
.Ltmp4:
0x2a: {  	_ = 	snop;
	(pc) =	sbr.rel @!p1 .LBB2_10-.Ltmp4, $1  }
0x2b: {  	_ =	sdelay $0x3  }
.LBB2_4:
0x2c: {  	s20 =	sshll.u32 s19, $0xB  }
0x2d: {  	s20 =	sadd.s32 s7, s20  }
0x2e: {  	s20 =	sshrl.u32 s20, $0x3  }
0x2f: {  	s21 =	sadd.s32 s3, s20  }
0x30: {  	[tilespmem:s10], [sflag:$0x1] =	stream.linear.gather [hbm4b:s21+s18], $0x800, $0x38;
	[tilespmem:$0x1A000] =	vst v63  }
0x31: {  	_ =	swait.ge [sflag:s11], $0x800  }
0x32: {  	[sflag:s11] =	ssyncset.done $0x0  }
0x33: {  	s31 =	sadd.s32 s4, s20;
	[sflag:s11] =	ssyncadd.s32 $0xFFFFF800  }
0x34: {  	[tilespmem:s12], [sflag:$0x1] =	stream.linear.gather [hbm4b:s31+s18], $0x800, $0x38;
	[tilespmem:$0x1A000] =	vst v63  }
0x35: {  	_ =	swait.ge [sflag:s11], $0x800  }
0x36: {  	[sflag:s11] =	ssyncset.done $0x0  }
.Ltmp5:
0x37: {  	s20 =	sadd.s32 s5, s20;
	[sflag:s11] =	ssyncadd.s32 $0xFFFFF800;
	(pc) =	sbr.rel @!p0 .LBB2_5-.Ltmp5, $4  }
0x38: {  	[tilespmem:s13], [sflag:$0x1] =	stream.linear.gather [hbm4b:s20+s18], $0x800, $0x38;
	[tilespmem:$0x1A000] =	vst v63  }
0x39: {  	_ =	swait.ge [sflag:s11], $0x800  }
0x3a: {  	[sflag:s11] =	ssyncset.done $0x0  }
0x3b: {  	s21 =	sshra.s32 s18, $0x2;
	s20 =	sadd.s32 $0x40, s18;
	[sflag:s11] =	ssyncadd.s32 $0xFFFFF800  }
.LBB2_7:
0x3c: {  	p1 =	sne.s32 s20, $0x1FC0;
	v1 =	vld [tilespmem:s21+$0x19000];
	_ =	sdelay $0x2  }
0x3d: {  	v2 =	vld [tilespmem:s21+$0x19800]  }
.Ltmp6:
0x3e: {  	(pc) =	sbr.rel @p1 .LBB2_7-.Ltmp6, $2  }
0x3f: {  	_ =	sdelay $0x2  }
0x40: {  	s21 =	sshra.s32 s20, $0x2;
	s20 =	sadd.s32 $0x40, s20;
	[tilespmem:v1+s14+$0x0] =	vst.idx.add.f32.msk $0xffff, v2  }
0x41: {  	v1 =	vld [tilespmem:s21+$0x19000];
	_ =	sdelay $0x2  }
0x42: {  	v2 =	vld [tilespmem:s21+$0x19800]  }
.Ltmp7:
0x43: {  	_ = 	snop;
	(pc) =	sbr.rel .LBB2_9-.Ltmp7, $2  }
0x44: {  	_ =	sdelay $0x2  }
0x45: {  	[tilespmem:v1+s14+$0x0] =	vst.idx.add.f32.msk $0xffff, v2  }
.LBB2_5:
0x46: {  	p1 =	seq.s32 s20, $0x1FC0;
	v1 =	vld [tilespmem:s21+$0x18800];
	_ =	sdelay $0x6  }
0x47: {  	v2 =	vld [tilespmem:s21+$0x19000]  }
0x48: {  	v1 =	vld.idx.msk [tilespmem:v1+s2+$0x0], $0xffff  }
0x49: {  	v3 =	vld [tilespmem:s21+$0x19800];
	_ =	sdelay $0x2  }
.Ltmp8:
0x4a: {  	(pc) =	sbr.rel @!p1 .LBB2_5-.Ltmp8, $3  }
0x4b: {  	_ = 	snop  }
0x4c: {  	v1 =	vmul.f32 v1, v3;
	_ =	sdelay $0x1  }
0x4d: {  	s21 =	sshra.s32 s20, $0x2;
	s20 =	sadd.s32 $0x40, s20;
	[tilespmem:v2+s14+$0x0] =	vst.idx.add.f32.msk $0xffff, v1  }
.Ltmp9:
0x4e: {  	_ = 	snop;
	(pc) =	sbr.rel .LBB2_6-.Ltmp9, $1  }
0x4f: {  	_ =	sdelay $0x3  }
.LBB2_11:
0x50: {  	_ =	sfence.sel $0x180000  }
0x51: {  	[bflag:$0x0] =	sbarrier.arrive $0xFFFF  }
0x52: {  	p0 =	sne.s32 s1, $0x0;
	_ =	strace $0x90000053  }
0x53: {  	s0 =	sadd.s32 @!p0 $0x100000, s0;
	[bflag:$0x2] =	sbarrier.arrive $0xFFFF  }
0x54: {  	[sflag:s0] =	ssyncadd.tile.s32 @!p0 $0x1;
	_ =	shalt  }
.Lfunc_end2:
_tile_overlayer_lowered:
.L_overlay_start_2:
0x55: {  	(tag) =	ssettag $0x2  }
0x56: {  	s0 =	rddreg [dreg:$0x0];
	s2 =	stileid.u32  }
0x57: {  	s1 =	rddreg [dreg:$0x1];
	p0 =	sne.s32 s2, $0x0  }
0x58: {  	s3 =	rddreg [dreg:$0x2];
	[bflag:$0x3] =	sbarrier.arrive $0xFFFF;
	s2 =	simm.s32 @!p0 $0x1C01  }
0x59: {  	[timem:s3], [sflag:s2] =	dma.local @!p0 [hbm:s0], s1  }
0x5a: {  	s0 =	simm.s32 @!p0 $0x1  }
0x5b: {  	_ =	swait.ge @!p0 [sflag:s0], s1  }
0x5c: {  	s1 =	ssub.s32 @!p0 $0x0, s1;
	[sflag:s0] =	ssyncset.done @!p0 $0x0  }
0x5d: {  	[sflag:s0] =	ssyncadd.s32 @!p0 s1  }
0x5e: {  	[bflag:$0x3] =	sbarrier.arrive $0xFFFF  }
0x5f: {  	_ =	shalt  }

</sc_bundles>
